<compile_context>
chip_gen: v7x
topology: tpu7x:2x2x1
jax: 0.10.2.dev20260603
libtpu: 0.0.44.dev20260713+nightly
codegen_flags: <defaults>
</compile_context>

<pallas_src>
import functools

import jax
import jax.numpy as jnp
import numpy as np
from jax import lax
from jax.experimental import pallas as pl
from jax.experimental.pallas import tpu as pltpu
from jax.experimental.pallas import tpu_sc as plsc

N = 10000
E = 320000
DIM_IN = 128

NS = 16
NP = 10240
NPT = NP // NS
NP4 = NP * 4
EPW = E // (2 * NS)
C = 2000
L = 16
NR = NP4 // 128
GR = 80
RPT = NR // NS


def _raw_consts():
    nkey = jax.random.key(42)

    def logit_noise(key, shape):
        u = jax.random.uniform(key, shape, minval=1e-10, maxval=1.0 - 1e-10,
                               dtype=jnp.float32)
        return jnp.log(u) - jnp.log(1.0 - u)

    n0 = logit_noise(jax.random.fold_in(nkey, 0), (N, DIM_IN - 2))
    n1 = logit_noise(jax.random.fold_in(nkey, 1), (E, 1))
    perm = jax.random.permutation(jax.random.fold_in(nkey, 2), N)
    return n0, n1, perm


def _consts_np():
    cpu = jax.devices("cpu")[0]
    with jax.default_device(cpu):
        n0, n1, perm = _raw_consts()
        n0, n1, perm = np.asarray(n0), np.asarray(n1), np.asarray(perm)
    n0_pad = np.zeros((NP, DIM_IN - 2), dtype=np.float32)
    n0_pad[:N] = n0
    perm_pad = np.zeros((NP,), dtype=np.int32)
    perm_pad[:N] = perm.astype(np.int32)
    return n0_pad, n1.reshape(E).astype(np.float32), perm_pad


try:
    _CONSTS = _consts_np()
except Exception:
    _CONSTS = None


def _get_consts():
    if _CONSTS is not None:
        return _CONSTS
    n0, n1, perm = _raw_consts()
    n0_pad = jnp.zeros((NP, DIM_IN - 2), jnp.float32).at[:N].set(n0)
    perm_pad = jnp.zeros((NP,), jnp.int32).at[:N].set(perm.astype(jnp.int32))
    return n0_pad, n1.reshape(E), perm_pad

_BN = 2048


def _tc_body(x_ref, nz_ref, wf_ref, bf_ref, gw_ref, gb_ref, gow_ref,
             gob_ref, efw_ref, eb_ref, ivw_ref, ivb_ref, mxw_ref, mxb_ref,
             ei_ref,
             mask_ref, tab_ref, init_ref, src_ref, dst_ref):
    f32 = jnp.float32
    ei = ei_ref[...]
    src_ref[...] = ei[0]
    dst_ref[...] = ei[1]
    xb = x_ref[...]
    ml = jnp.dot(xb, wf_ref[...], preferred_element_type=f32)
    mask = jax.nn.sigmoid(ml + bf_ref[...] + nz_ref[...])
    mask_ref[...] = mask
    x126 = xb[:, : DIM_IN - 2]
    xl = xb[:, DIM_IN - 2:]
    y = jnp.concatenate([x126 * mask, xl], axis=1)

    ivw = ivw_ref[...]
    mxw = mxw_ref[...]
    a = jnp.dot(gw_ref[...], gow_ref[...], preferred_element_type=f32)
    wc = jnp.dot(a, ivw, preferred_element_type=f32)
    wp = jnp.dot(a, mxw, preferred_element_type=f32)
    row = lax.broadcasted_iota(jnp.int32, wp.shape, 0)
    wp_z = jnp.where(row < DIM_IN - 2, wp, 0.0)
    gba = jnp.dot(gb_ref[...], gow_ref[...], preferred_element_type=f32)
    bc = jnp.dot(gba, ivw, preferred_element_type=f32)
    bp = jnp.dot(gba, mxw, preferred_element_type=f32)
    efw = efw_ref[...]
    ews = efw[: DIM_IN]
    ewd = efw[DIM_IN:]

    uc = jnp.dot(y, wc, preferred_element_type=f32) + bc
    upb = jnp.dot(y, wp, preferred_element_type=f32) + bp
    v = jnp.dot(xb - y, wp_z, preferred_element_type=f32)
    es = jnp.dot(xb, ews, preferred_element_type=f32) + eb_ref[...]
    ed = jnp.dot(xb, ewd, preferred_element_type=f32)
    tab = jnp.concatenate([uc, upb, v, es, ed], axis=1)
    tab_ref[...] = tab.T

    gob = gob_ref[...]
    ccc = jnp.dot(gob, ivw, preferred_element_type=f32) + ivb_ref[...]
    ccp = jnp.dot(gob, mxw, preferred_element_type=f32) + mxb_ref[...]
    cv4 = jnp.concatenate([ccc, ccp], axis=1)
    init_ref[...] = jnp.tile(cv4, (NR, 32))


def _tc_dense(x, nz_pad, feature_fc_w, feature_fc_b, gat_w, gat_b,
              gat_out_w, gat_out_b, edge_fc_w, edge_fc_b,
              inv_w, inv_b, mix_w, mix_b, edge_index, interpret=False):
    grid = (NP // _BN,)
    eb_blk = 65536
    d2 = DIM_IN - 2
    full = lambda shape: pl.BlockSpec(shape, lambda i: tuple(0 for _ in shape))
    return pl.pallas_call(
        _tc_body,
        grid=grid,
        in_specs=[
            pl.BlockSpec((_BN, DIM_IN), lambda i: (i, 0)),
            pl.BlockSpec((_BN, d2), lambda i: (i, 0)),
            full((DIM_IN, d2)),
            full((1, d2)),
            full((DIM_IN, DIM_IN)),
            full((1, DIM_IN)),
            full((DIM_IN, 2)),
            full((1, 2)),
            full((2 * DIM_IN, 1)),
            full((1, 1)),
            full((2, 2)),
            full((1, 2)),
            full((2, 2)),
            full((1, 2)),
            pl.BlockSpec((2, eb_blk), lambda i: (0, i)),
        ],
        out_specs=[
            pl.BlockSpec((_BN, d2), lambda i: (i, 0)),
            pl.BlockSpec((8, _BN), lambda i: (0, i)),
            pl.BlockSpec((NR, 128), lambda i: (0, 0)),
            pl.BlockSpec((eb_blk,), lambda i: (i,)),
            pl.BlockSpec((eb_blk,), lambda i: (i,)),
        ],
        out_shape=[
            jax.ShapeDtypeStruct((N, d2), jnp.float32),
            jax.ShapeDtypeStruct((8, NP), jnp.float32),
            jax.ShapeDtypeStruct((NR, 128), jnp.float32),
            jax.ShapeDtypeStruct((E,), jnp.int32),
            jax.ShapeDtypeStruct((E,), jnp.int32),
        ],
        interpret=interpret,
    )(x, nz_pad, feature_fc_w, feature_fc_b.reshape(1, d2),
      gat_w, gat_b.reshape(1, DIM_IN), gat_out_w, gat_out_b.reshape(1, 2),
      edge_fc_w, edge_fc_b.reshape(1, 1), inv_w, inv_b.reshape(1, 2),
      mix_w, mix_b.reshape(1, 2), edge_index)


def _sc_body(tab_ref, perm_ref, src_ref, dst_ref, nzE_ref, init0_ref,
             acc_out, att_out,
             t0, t1, t2, t3, t4, t5, acc, srcb, dstb, nzb, attb,
             srcb1, dstb1, nzb1, attb1, permb,
             tmpacc, idxb, sem, sem2, sem3, sh_up0, sh_up1, sh_acc):
    cid = lax.axis_index("c")
    wid = lax.axis_index("s")
    ew = cid * NS + wid
    nbase = pl.multiple_of(wid * NPT, 8)

    cps = [
        pltpu.async_copy(tab_ref.at[pl.ds(2 * NP, NP)], t0, sem),
        pltpu.async_copy(tab_ref.at[pl.ds(3 * NP, NP)], t1, sem),
        pltpu.async_copy(tab_ref.at[pl.ds(4 * NP, NP)], t2, sem),
        pltpu.async_copy(tab_ref.at[pl.ds(5 * NP, NP)], t3, sem),
        pltpu.async_copy(tab_ref.at[pl.ds(6 * NP, NP)], t4, sem),
        pltpu.async_copy(tab_ref.at[pl.ds(7 * NP, NP)], t5, sem),
        pltpu.async_copy(perm_ref.at[pl.ds(nbase, NPT)], permb, sem),
    ]

    @pl.when(ew == 0)
    def _():
        pltpu.sync_copy(init0_ref, acc)

    @pl.when(ew != 0)
    def _():
        zv = jnp.zeros((L,), jnp.float32)

        @plsc.parallel_loop(0, NR, 1, unroll=2)
        def _(i):
            for jj in range(128 // L):
                acc[i, pl.ds(jj * L, L)] = zv

    iota16 = lax.iota(jnp.int32, L)
    for g in range(NR // L):
        idxb[pl.ds(g * L, L)] = iota16 + L * g

    for cp in cps:
        cp.wait()

    def _eb(ch):
        return pl.multiple_of(ew * EPW + ch * C, 8)

    def _issue_loads(ch, par):
        eb = _eb(ch)
        sb, db, nb, _ = bufs[par]
        return [
            pltpu.async_copy(src_ref.at[pl.ds(eb, C)], sb, sem3),
            pltpu.async_copy(dst_ref.at[pl.ds(eb, C)], db, sem3),
            pltpu.async_copy(nzE_ref.at[pl.ds(eb, C)], nb, sem3),
        ]

    bufs = [(srcb, dstb, nzb, attb), (srcb1, dstb1, nzb1, attb1)]
    pend = _issue_loads(0, 0)

    @plsc.parallel_loop(0, NPT // L, 1, unroll=2)
    def _(j):
        p = permb[pl.ds(j * L, L)]
        g0 = plsc.load_gather(t2, [p])
        g1 = plsc.load_gather(t3, [p])
        o = nbase + j * L
        t0[pl.ds(o, L)] = t0[pl.ds(o, L)] + g0
        t1[pl.ds(o, L)] = t1[pl.ds(o, L)] + g1
    pltpu.sync_copy(t0.at[pl.ds(nbase, NPT)], sh_up0.at[pl.ds(nbase, NPT)])
    pltpu.sync_copy(t1.at[pl.ds(nbase, NPT)], sh_up1.at[pl.ds(nbase, NPT)])
    pltpu.sync_copy(tab_ref.at[pl.ds(0, NP)], t2)
    pltpu.sync_copy(tab_ref.at[pl.ds(NP, NP)], t3)
    plsc.subcore_barrier()
    dl0 = pltpu.async_copy(sh_up0, t0, sem)
    dl1 = pltpu.async_copy(sh_up1, t1, sem)
    dl0.wait()
    dl1.wait()

    nch = EPW // C
    st = []
    for ch in range(nch):
        par = ch & 1
        for cp in pend:
            cp.wait()
        if ch + 1 < nch:
            pend = _issue_loads(ch + 1, 1 - par)
        for cp in st:
            cp.wait()
        st = []
        sb, db, nb, ab = bufs[par]

        @plsc.parallel_loop(0, C // L, 1, unroll=8)
        def _(j):
            s = sb[pl.ds(j * L, L)]
            d = db[pl.ds(j * L, L)]
            esv = plsc.load_gather(t4, [s])
            edv = plsc.load_gather(t5, [d])
            lg = esv + edv + nb[pl.ds(j * L, L)]
            att = 1.0 / (1.0 + jnp.exp(-lg))
            ab[pl.ds(j * L, L)] = att
            uc0 = plsc.load_gather(t2, [s])
            uc1 = plsc.load_gather(t3, [s])
            up0 = plsc.load_gather(t0, [s])
            up1 = plsc.load_gather(t1, [s])
            r = lax.shift_right_logical(d, 5)
            lb = lax.shift_left(d & 31, 2)
            plsc.addupdate_scatter(acc, [r, lb], att * uc0)
            plsc.addupdate_scatter(acc, [r, lb + 1], att * uc1)
            plsc.addupdate_scatter(acc, [r, lb + 2], att * up0)
            plsc.addupdate_scatter(acc, [r, lb + 3], att * up1)

        st = [pltpu.async_copy(ab, att_out.at[pl.ds(_eb(ch), C)], sem2)]
    for cp in st:
        cp.wait()

    @pl.when(wid == 0)
    def _():
        pltpu.sync_copy(acc, sh_acc)

    plsc.subcore_barrier()

    @pl.when(wid != 0)
    def _():
        pltpu.sync_copy(acc, sh_acc.at[idxb], add=True)

    plsc.subcore_barrier()

    @pl.when(wid < 8)
    def _():
        ob = pl.multiple_of(wid * 40, 8)
        pltpu.sync_copy(sh_acc.at[pl.ds(ob, 40)], tmpacc)
        pltpu.sync_copy(tmpacc, acc_out.at[cid, pl.ds(ob, 40)])


def _sc_edges(table_t, perm_pad, src, dst, nz, init0):
    mesh = plsc.VectorSubcoreMesh(core_axis_name="c", subcore_axis_name="s",
                                  num_cores=2)
    f32 = jnp.float32
    i32 = jnp.int32
    kfn = pl.kernel(
        _sc_body,
        compiler_params=pltpu.CompilerParams(needs_layout_passes=False),
        out_type=[
            jax.ShapeDtypeStruct((2, NR, 128), f32),
            jax.ShapeDtypeStruct((E,), f32),
        ],
        mesh=mesh,
        scratch_types=[
            pltpu.VMEM((NP,), f32),
            pltpu.VMEM((NP,), f32),
            pltpu.VMEM((NP,), f32),
            pltpu.VMEM((NP,), f32),
            pltpu.VMEM((NP,), f32),
            pltpu.VMEM((NP,), f32),
            pltpu.VMEM((NR, 128), f32),
            pltpu.VMEM((C,), i32),
            pltpu.VMEM((C,), i32),
            pltpu.VMEM((C,), f32),
            pltpu.VMEM((C,), f32),
            pltpu.VMEM((C,), i32),
            pltpu.VMEM((C,), i32),
            pltpu.VMEM((C,), f32),
            pltpu.VMEM((C,), f32),
            pltpu.VMEM((NPT,), i32),
            pltpu.VMEM((40, 128), f32),
            pltpu.VMEM((NR,), i32),
            pltpu.SemaphoreType.DMA,
            pltpu.SemaphoreType.DMA,
            pltpu.SemaphoreType.DMA,
            pltpu.VMEM_SHARED((NP,), f32),
            pltpu.VMEM_SHARED((NP,), f32),
            pltpu.VMEM_SHARED((NR, 128), f32),
        ],
    )
    return kfn(table_t, perm_pad, src, dst, nz, init0)


def _tc_merge_body(p_ref, out_ref):
    out_ref[...] = p_ref[0] + p_ref[1]


def _tc_merge(parts):
    return pl.pallas_call(
        _tc_merge_body,
        out_shape=jax.ShapeDtypeStruct((NR, 128), jnp.float32),
    )(parts)


def kernel(x, edge_index, tg_mask, batch, ptr,
           feature_fc_w, feature_fc_b, edge_fc_w, edge_fc_b,
           gat_w, gat_b, gat_out_w, gat_out_b,
           inv_w, inv_b, mix_w, mix_b):
    n0_pad, n1, perm_pad = _get_consts()
    f32 = jnp.float32

    feature_mask, tab_t, init0, e_src, e_dst = _tc_dense(
        x, jnp.asarray(n0_pad), feature_fc_w, feature_fc_b, gat_w, gat_b,
        gat_out_w, gat_out_b, edge_fc_w, edge_fc_b, inv_w, inv_b, mix_w, mix_b,
        edge_index)
    table_t = tab_t.reshape(-1)
    parts, att = _sc_edges(table_t, jnp.asarray(perm_pad),
                           e_src, e_dst, jnp.asarray(n1), init0)
    acc2d = _tc_merge(parts)
    accr = acc2d.reshape(NP, 4)[:N]
    perm_pred = accr[:, 2:4]
    xc_pred = accr[:, 0:2]
    edge_att = att.reshape(E, 1)
    return (perm_pred, xc_pred, feature_mask, edge_att)

# --- scband reference (transcript-rebuilt; emitter-appended) ---
"""Pipeline reference for scband-gilgeo-18983755448607 (READ-ONLY COPY).

The authoritative reference and input builder live on the scoring server;
editing this copy changes nothing except your own understanding.
"""

import jax, jax.numpy as jnp
import numpy as np

N = 10000
E = 320000
DIM_IN = 128


def setup_inputs(seed: int = 0):
    key = jax.random.key(seed)
    ks = jax.random.split(key, 16)
    s = 0.05
    x = jax.random.normal(ks[0], (N, DIM_IN), dtype=jnp.float32)
    edge_index = jax.random.randint(ks[1], (2, E), 0, N, dtype=jnp.int32)
    tg_mask = jnp.ones((N,), dtype=jnp.int32)
    batch = jnp.zeros((N,), dtype=jnp.int32)
    ptr = jnp.zeros((2,), dtype=jnp.int32)
    feature_fc_w = jax.random.normal(ks[2], (DIM_IN, DIM_IN - 2), dtype=jnp.float32) * s
    feature_fc_b = jax.random.normal(ks[3], (DIM_IN - 2,), dtype=jnp.float32) * s
    edge_fc_w = jax.random.normal(ks[4], (2 * DIM_IN, 1), dtype=jnp.float32) * s
    edge_fc_b = jax.random.normal(ks[5], (1,), dtype=jnp.float32) * s
    gat_w = jax.random.normal(ks[6], (DIM_IN, DIM_IN), dtype=jnp.float32) * s
    gat_b = jax.random.normal(ks[7], (DIM_IN,), dtype=jnp.float32) * s
    gat_out_w = jax.random.normal(ks[8], (DIM_IN, 2), dtype=jnp.float32) * s
    gat_out_b = jax.random.normal(ks[9], (2,), dtype=jnp.float32) * s
    inv_w = jax.random.normal(ks[10], (2, 2), dtype=jnp.float32) * s
    inv_b = jax.random.normal(ks[11], (2,), dtype=jnp.float32) * s
    mix_w = jax.random.normal(ks[12], (2, 2), dtype=jnp.float32) * s
    mix_b = jax.random.normal(ks[13], (2,), dtype=jnp.float32) * s
    return {"x": x, "edge_index": edge_index, "tg_mask": tg_mask, "batch": batch, "ptr": ptr,
            "feature_fc_w": feature_fc_w, "feature_fc_b": feature_fc_b,
            "edge_fc_w": edge_fc_w, "edge_fc_b": edge_fc_b,
            "gat_w": gat_w, "gat_b": gat_b, "gat_out_w": gat_out_w, "gat_out_b": gat_out_b,
            "inv_w": inv_w, "inv_b": inv_b, "mix_w": mix_w, "mix_b": mix_b}


def _logit_noise(key, shape):
    u = jax.random.uniform(key, shape, minval=1e-10, maxval=1.0 - 1e-10, dtype=jnp.float32)
    return jnp.log(u) - jnp.log(1.0 - u)


def reference(x, edge_index, tg_mask, batch, ptr,
              feature_fc_w, feature_fc_b, edge_fc_w, edge_fc_b,
              gat_w, gat_b, gat_out_w, gat_out_b,
              inv_w, inv_b, mix_w, mix_b):
    # training=True path (module default)
    nkey = jax.random.key(42)
    temp = 1.0
    n = x.shape[0]
    # feature mask via gumbel-ish bernoulli relaxation (sampling())
    feature_log_logits = x @ feature_fc_w + feature_fc_b
    feature_mask = jax.nn.sigmoid((feature_log_logits + _logit_noise(jax.random.fold_in(nkey, 0), feature_log_logits.shape)) / temp)
    # edge attention from concatenated endpoint features (gather-heavy)
    src = edge_index[0]
    dst = edge_index[1]
    edge_log_logits = jnp.concatenate([jnp.take(x, src, axis=0), jnp.take(x, dst, axis=0)], axis=-1) @ edge_fc_w + edge_fc_b
    edge_att = jax.nn.sigmoid((edge_log_logits + _logit_noise(jax.random.fold_in(nkey, 1), edge_log_logits.shape)) / temp)
    # causal / spurious split + random permutation mixing
    xc = x[:, :-2] * feature_mask
    xs = x[:, :-2] * (1.0 - feature_mask)
    perm = jax.random.permutation(jax.random.fold_in(nkey, 2), n)
    perm_x = xc + jnp.take(xs, perm, axis=0)
    xc_full = jnp.concatenate([xc, x[:, -2:]], axis=-1)
    perm_full = jnp.concatenate([perm_x, x[:, -2:]], axis=-1)

    def light_gat(h):
        # LightGAT(dim_in, dim_z): linear transform, edge-attention-weighted
        # scatter-add aggregation, then 2-d coordinate head.
        hh = h @ gat_w + gat_b
        msg = jnp.take(hh, src, axis=0) * edge_att
        agg = jax.ops.segment_sum(msg, dst, num_segments=n)
        return agg @ gat_out_w + gat_out_b

    zc = light_gat(xc_full)
    perm_z = light_gat(perm_full)
    # zc[tg_mask == 1] : jit-safe static-size nonzero (tg_mask is all ones)
    idx = jnp.nonzero(tg_mask == 1, size=tg_mask.shape[0], fill_value=0)[0]
    xc_pred = jnp.take(zc, idx, axis=0) @ inv_w + inv_b
    perm_pred = jnp.take(perm_z, idx, axis=0) @ mix_w + mix_b
    return (perm_pred, xc_pred, feature_mask, edge_att)

if __name__ == "__main__":
    import jax
    _d = setup_inputs()
    print(jax.jit(kernel)(*tuple(_d.values())))

</pallas_src>

<mosaic_0001>
#map = affine_map<(d0, d1) -> (0)>
#map1 = affine_map<(d0, d1) -> (0, 0)>
#map2 = affine_map<(d0, d1) -> (0, 0, 0)>
module attributes {stable_mosaic.version = 14 : i64} {
  func.func @_sc_body(%arg0: i32, %arg1: i32, %arg2: memref<81920xf32, #tpu.memory_space<hbm>>, %arg3: memref<10240xi32, #tpu.memory_space<hbm>>, %arg4: memref<320000xi32, #tpu.memory_space<hbm>>, %arg5: memref<320000xi32, #tpu.memory_space<hbm>>, %arg6: memref<320000xf32, #tpu.memory_space<hbm>>, %arg7: memref<320x128xf32, #tpu.memory_space<hbm>>, %arg8: memref<2x320x128xf32, #tpu.memory_space<hbm>>, %arg9: memref<320000xf32, #tpu.memory_space<hbm>>, %arg10: memref<10240xf32, #tpu.memory_space<vmem>>, %arg11: memref<10240xf32, #tpu.memory_space<vmem>>, %arg12: memref<10240xf32, #tpu.memory_space<vmem>>, %arg13: memref<10240xf32, #tpu.memory_space<vmem>>, %arg14: memref<10240xf32, #tpu.memory_space<vmem>>, %arg15: memref<10240xf32, #tpu.memory_space<vmem>>, %arg16: memref<320x128xf32, #tpu.memory_space<vmem>>, %arg17: memref<2000xi32, #tpu.memory_space<vmem>>, %arg18: memref<2000xi32, #tpu.memory_space<vmem>>, %arg19: memref<2000xf32, #tpu.memory_space<vmem>>, %arg20: memref<2000xf32, #tpu.memory_space<vmem>>, %arg21: memref<2000xi32, #tpu.memory_space<vmem>>, %arg22: memref<2000xi32, #tpu.memory_space<vmem>>, %arg23: memref<2000xf32, #tpu.memory_space<vmem>>, %arg24: memref<2000xf32, #tpu.memory_space<vmem>>, %arg25: memref<640xi32, #tpu.memory_space<vmem>>, %arg26: memref<40x128xf32, #tpu.memory_space<vmem>>, %arg27: memref<320xi32, #tpu.memory_space<vmem>>, %arg28: memref<!tpu.dma_semaphore, #tpu.memory_space<semaphore_mem>>, %arg29: memref<!tpu.dma_semaphore, #tpu.memory_space<semaphore_mem>>, %arg30: memref<!tpu.dma_semaphore, #tpu.memory_space<semaphore_mem>>, %arg31: memref<10240xf32, #tpu.memory_space<vmem_shared>>, %arg32: memref<10240xf32, #tpu.memory_space<vmem_shared>>, %arg33: memref<320x128xf32, #tpu.memory_space<vmem_shared>>) attributes {dimension_semantics = [#tpu.dimension_semantics<core_parallel>, #tpu.dimension_semantics<subcore_parallel>], iteration_bounds = array<i64: 2, 16>, scalar_prefetch = 0 : i64, scratch_operands = 24 : i64, tpu.core_type = #tpu.core_type<sc_vector_subcore>, window_params = [{transform_indices = #map}, {transform_indices = #map}, {transform_indices = #map}, {transform_indices = #map}, {transform_indices = #map}, {transform_indices = #map1}, {transform_indices = #map2}, {transform_indices = #map}]} {
    %mul3A = arith.constant 16 : i32
    %mul3A_0 = arith.muli %arg0, %mul3A : i32
    %add3A = arith.addi %mul3A_0, %arg1 : i32
    %mul3A_1 = arith.constant 640 : i32
    %mul3A_2 = arith.muli %arg1, %mul3A_1 : i32
    %multiple_of3A = tpu.assume_multiple %mul3A_2, 8 : i32
    %dma_start3A = arith.constant 20480 : i32
    %dma_start3A_3 = tpu.memref_slice %arg2[%dma_start3A] : memref<81920xf32, #tpu.memory_space<hbm>> -> memref<10240xf32, #tpu.memory_space<hbm>>
    %dma_start3A_4 = arith.constant 20480 : i32
    %dma_start3A_5 = tpu.memref_slice %arg2[%dma_start3A_4] : memref<81920xf32, #tpu.memory_space<hbm>> -> memref<10240xf32, #tpu.memory_space<hbm>>
    tpu.enqueue_dma source(%dma_start3A_5 : memref<10240xf32, #tpu.memory_space<hbm>>) target(%arg10 : memref<10240xf32, #tpu.memory_space<vmem>>) target_semaphore(%arg28 : memref<!tpu.dma_semaphore, #tpu.memory_space<semaphore_mem>>)
    %dma_start3A_6 = arith.constant 30720 : i32
    %dma_start3A_7 = tpu.memref_slice %arg2[%dma_start3A_6] : memref<81920xf32, #tpu.memory_space<hbm>> -> memref<10240xf32, #tpu.memory_space<hbm>>
    %dma_start3A_8 = arith.constant 30720 : i32
    %dma_start3A_9 = tpu.memref_slice %arg2[%dma_start3A_8] : memref<81920xf32, #tpu.memory_space<hbm>> -> memref<10240xf32, #tpu.memory_space<hbm>>
    tpu.enqueue_dma source(%dma_start3A_9 : memref<10240xf32, #tpu.memory_space<hbm>>) target(%arg11 : memref<10240xf32, #tpu.memory_space<vmem>>) target_semaphore(%arg28 : memref<!tpu.dma_semaphore, #tpu.memory_space<semaphore_mem>>)
    %dma_start3A_10 = arith.constant 40960 : i32
    %dma_start3A_11 = tpu.memref_slice %arg2[%dma_start3A_10] : memref<81920xf32, #tpu.memory_space<hbm>> -> memref<10240xf32, #tpu.memory_space<hbm>>
    %dma_start3A_12 = arith.constant 40960 : i32
    %dma_start3A_13 = tpu.memref_slice %arg2[%dma_start3A_12] : memref<81920xf32, #tpu.memory_space<hbm>> -> memref<10240xf32, #tpu.memory_space<hbm>>
    tpu.enqueue_dma source(%dma_start3A_13 : memref<10240xf32, #tpu.memory_space<hbm>>) target(%arg12 : memref<10240xf32, #tpu.memory_space<vmem>>) target_semaphore(%arg28 : memref<!tpu.dma_semaphore, #tpu.memory_space<semaphore_mem>>)
    %dma_start3A_14 = arith.constant 51200 : i32
    %dma_start3A_15 = tpu.memref_slice %arg2[%dma_start3A_14] : memref<81920xf32, #tpu.memory_space<hbm>> -> memref<10240xf32, #tpu.memory_space<hbm>>
    %dma_start3A_16 = arith.constant 51200 : i32
    %dma_start3A_17 = tpu.memref_slice %arg2[%dma_start3A_16] : memref<81920xf32, #tpu.memory_space<hbm>> -> memref<10240xf32, #tpu.memory_space<hbm>>
    tpu.enqueue_dma source(%dma_start3A_17 : memref<10240xf32, #tpu.memory_space<hbm>>) target(%arg13 : memref<10240xf32, #tpu.memory_space<vmem>>) target_semaphore(%arg28 : memref<!tpu.dma_semaphore, #tpu.memory_space<semaphore_mem>>)
    %dma_start3A_18 = arith.constant 61440 : i32
    %dma_start3A_19 = tpu.memref_slice %arg2[%dma_start3A_18] : memref<81920xf32, #tpu.memory_space<hbm>> -> memref<10240xf32, #tpu.memory_space<hbm>>
    %dma_start3A_20 = arith.constant 61440 : i32
    %dma_start3A_21 = tpu.memref_slice %arg2[%dma_start3A_20] : memref<81920xf32, #tpu.memory_space<hbm>> -> memref<10240xf32, #tpu.memory_space<hbm>>
    tpu.enqueue_dma source(%dma_start3A_21 : memref<10240xf32, #tpu.memory_space<hbm>>) target(%arg14 : memref<10240xf32, #tpu.memory_space<vmem>>) target_semaphore(%arg28 : memref<!tpu.dma_semaphore, #tpu.memory_space<semaphore_mem>>)
    %dma_start3A_22 = arith.constant 71680 : i32
    %dma_start3A_23 = tpu.memref_slice %arg2[%dma_start3A_22] : memref<81920xf32, #tpu.memory_space<hbm>> -> memref<10240xf32, #tpu.memory_space<hbm>>
    %dma_start3A_24 = arith.constant 71680 : i32
    %dma_start3A_25 = tpu.memref_slice %arg2[%dma_start3A_24] : memref<81920xf32, #tpu.memory_space<hbm>> -> memref<10240xf32, #tpu.memory_space<hbm>>
    tpu.enqueue_dma source(%dma_start3A_25 : memref<10240xf32, #tpu.memory_space<hbm>>) target(%arg15 : memref<10240xf32, #tpu.memory_space<vmem>>) target_semaphore(%arg28 : memref<!tpu.dma_semaphore, #tpu.memory_space<semaphore_mem>>)
    %dma_start3A_26 = tpu.memref_slice %arg3[%multiple_of3A] : memref<10240xi32, #tpu.memory_space<hbm>> -> memref<640xi32, #tpu.memory_space<hbm>>
    %dma_start3A_27 = tpu.memref_slice %arg3[%multiple_of3A] : memref<10240xi32, #tpu.memory_space<hbm>> -> memref<640xi32, #tpu.memory_space<hbm>>
    tpu.enqueue_dma source(%dma_start3A_27 : memref<640xi32, #tpu.memory_space<hbm>>) target(%arg25 : memref<640xi32, #tpu.memory_space<vmem>>) target_semaphore(%arg28 : memref<!tpu.dma_semaphore, #tpu.memory_space<semaphore_mem>>)
    %eq3A = arith.constant 0 : i32
    %eq3A_28 = arith.cmpi eq, %add3A, %eq3A : i32
    %convert_element_type3A = arith.extui %eq3A_28 : i1 to i32
    %cond3A = arith.constant 0 : i32
    %cond3A_29 = arith.cmpi ne, %convert_element_type3A, %cond3A : i32
    scf.if %cond3A_29 {
      "tpu.region"() ({
        %run_scoped3A = tpu.sem_alloc : memref<!tpu.dma_semaphore, #tpu.memory_space<semaphore_mem>>
        tpu.enqueue_dma source(%arg7 : memref<320x128xf32, #tpu.memory_space<hbm>>) target(%arg16 : memref<320x128xf32, #tpu.memory_space<vmem>>) target_semaphore(%run_scoped3A : memref<!tpu.dma_semaphore, #tpu.memory_space<semaphore_mem>>)
        tpu.wait_dma2 semaphore(%run_scoped3A : memref<!tpu.dma_semaphore, #tpu.memory_space<semaphore_mem>>) src(%arg7 : memref<320x128xf32, #tpu.memory_space<hbm>>) dst(%arg16 : memref<320x128xf32, #tpu.memory_space<vmem>>)
        tpu.yield
      }) : () -> ()
    } else {
    }
    %ne3A = arith.constant 0 : i32
    %ne3A_30 = arith.cmpi ne, %add3A, %ne3A : i32
    %convert_element_type3A_31 = arith.extui %ne3A_30 : i1 to i32
    %cond3A_32 = arith.constant 0 : i32
    %cond3A_33 = arith.cmpi ne, %convert_element_type3A_31, %cond3A_32 : i32
    scf.if %cond3A_33 {
      %broadcast_in_dim3A = arith.constant 0.000000e+00 : f32
      %broadcast_in_dim3A_321 = vector.broadcast %broadcast_in_dim3A : f32 to vector<16xf32>
      %parallel_loop3A_322 = arith.constant 0 : i32
      %parallel_loop3A_323 = arith.constant 320 : i32
      %parallel_loop3A_324 = arith.constant 1 : i32
      scf.for %parallel_loop3A_325 = %parallel_loop3A_322 to %parallel_loop3A_323 step %parallel_loop3A_324  : i32 {
        %parallel_loop3A_326 = arith.index_cast %parallel_loop3A_325 : i32 to index
        %parallel_loop3A_327 = arith.constant 0 : index
        %parallel_loop3A_328 = tpu.vector_load %arg16[%parallel_loop3A_326, %parallel_loop3A_327] {strides = array<i32>} : memref<320x128xf32, #tpu.memory_space<vmem>>, vector<16xf32>,
        tpu.vector_store %arg16[%parallel_loop3A_326, %parallel_loop3A_327], %broadcast_in_dim3A_321 {strides = array<i32>} : memref<320x128xf32, #tpu.memory_space<vmem>>, vector<16xf32>,
        %parallel_loop3A_329 = arith.index_cast %parallel_loop3A_325 : i32 to index
        %parallel_loop3A_330 = arith.constant 16 : index
        %parallel_loop3A_331 = tpu.vector_load %arg16[%parallel_loop3A_329, %parallel_loop3A_330] {strides = array<i32>} : memref<320x128xf32, #tpu.memory_space<vmem>>, vector<16xf32>,
        tpu.vector_store %arg16[%parallel_loop3A_329, %parallel_loop3A_330], %broadcast_in_dim3A_321 {strides = array<i32>} : memref<320x128xf32, #tpu.memory_space<vmem>>, vector<16xf32>,
        %parallel_loop3A_332 = arith.index_cast %parallel_loop3A_325 : i32 to index
        %parallel_loop3A_333 = arith.constant 32 : index
        %parallel_loop3A_334 = tpu.vector_load %arg16[%parallel_loop3A_332, %parallel_loop3A_333] {strides = array<i32>} : memref<320x128xf32, #tpu.memory_space<vmem>>, vector<16xf32>,
        tpu.vector_store %arg16[%parallel_loop3A_332, %parallel_loop3A_333], %broadcast_in_dim3A_321 {strides = array<i32>} : memref<320x128xf32, #tpu.memory_space<vmem>>, vector<16xf32>,
        %parallel_loop3A_335 = arith.index_cast %parallel_loop3A_325 : i32 to index
        %parallel_loop3A_336 = arith.constant 48 : index
        %parallel_loop3A_337 = tpu.vector_load %arg16[%parallel_loop3A_335, %parallel_loop3A_336] {strides = array<i32>} : memref<320x128xf32, #tpu.memory_space<vmem>>, vector<16xf32>,
        tpu.vector_store %arg16[%parallel_loop3A_335, %parallel_loop3A_336], %broadcast_in_dim3A_321 {strides = array<i32>} : memref<320x128xf32, #tpu.memory_space<vmem>>, vector<16xf32>,
        %parallel_loop3A_338 = arith.index_cast %parallel_loop3A_325 : i32 to index
        %parallel_loop3A_339 = arith.constant 64 : index
        %parallel_loop3A_340 = tpu.vector_load %arg16[%parallel_loop3A_338, %parallel_loop3A_339] {strides = array<i32>} : memref<320x128xf32, #tpu.memory_space<vmem>>, vector<16xf32>,
        tpu.vector_store %arg16[%parallel_loop3A_338, %parallel_loop3A_339], %broadcast_in_dim3A_321 {strides = array<i32>} : memref<320x128xf32, #tpu.memory_space<vmem>>, vector<16xf32>,
        %parallel_loop3A_341 = arith.index_cast %parallel_loop3A_325 : i32 to index
        %parallel_loop3A_342 = arith.constant 80 : index
        %parallel_loop3A_343 = tpu.vector_load %arg16[%parallel_loop3A_341, %parallel_loop3A_342] {strides = array<i32>} : memref<320x128xf32, #tpu.memory_space<vmem>>, vector<16xf32>,
        tpu.vector_store %arg16[%parallel_loop3A_341, %parallel_loop3A_342], %broadcast_in_dim3A_321 {strides = array<i32>} : memref<320x128xf32, #tpu.memory_space<vmem>>, vector<16xf32>,
        %parallel_loop3A_344 = arith.index_cast %parallel_loop3A_325 : i32 to index
        %parallel_loop3A_345 = arith.constant 96 : index
        %parallel_loop3A_346 = tpu.vector_load %arg16[%parallel_loop3A_344, %parallel_loop3A_345] {strides = array<i32>} : memref<320x128xf32, #tpu.memory_space<vmem>>, vector<16xf32>,
        tpu.vector_store %arg16[%parallel_loop3A_344, %parallel_loop3A_345], %broadcast_in_dim3A_321 {strides = array<i32>} : memref<320x128xf32, #tpu.memory_space<vmem>>, vector<16xf32>,
        %parallel_loop3A_347 = arith.index_cast %parallel_loop3A_325 : i32 to index
        %parallel_loop3A_348 = arith.constant 112 : index
        %parallel_loop3A_349 = tpu.vector_load %arg16[%parallel_loop3A_347, %parallel_loop3A_348] {strides = array<i32>} : memref<320x128xf32, #tpu.memory_space<vmem>>, vector<16xf32>,
        tpu.vector_store %arg16[%parallel_loop3A_347, %parallel_loop3A_348], %broadcast_in_dim3A_321 {strides = array<i32>} : memref<320x128xf32, #tpu.memory_space<vmem>>, vector<16xf32>,
      } {sc.loop_unroll_factor = 2 : i64, sc.parallel_access}
    } else {
    }
    %iota3A = tpu.iota {dimensions = array<i32: 0>} : vector<16xi32>
    %add3A_34 = arith.constant 0 : i32
    %add3A_35 = vector.broadcast %add3A_34 : i32 to vector<16xi32>
    %add3A_36 = arith.addi %iota3A, %add3A_35 : vector<16xi32>
    %swap3A = arith.constant 0 : index
    %swap3A_37 = tpu.vector_load %arg27[%swap3A] {strides = array<i32>} : memref<320xi32, #tpu.memory_space<vmem>>, vector<16xi32>,
    tpu.vector_store %arg27[%swap3A], %add3A_36 {strides = array<i32>} : memref<320xi32, #tpu.memory_space<vmem>>, vector<16xi32>,
    %add3A_38 = arith.constant 16 : i32
    %add3A_39 = vector.broadcast %add3A_38 : i32 to vector<16xi32>
    %add3A_40 = arith.addi %iota3A, %add3A_39 : vector<16xi32>
    %swap3A_41 = arith.constant 16 : index
    %swap3A_42 = tpu.vector_load %arg27[%swap3A_41] {strides = array<i32>} : memref<320xi32, #tpu.memory_space<vmem>>, vector<16xi32>,
    tpu.vector_store %arg27[%swap3A_41], %add3A_40 {strides = array<i32>} : memref<320xi32, #tpu.memory_space<vmem>>, vector<16xi32>,
    %add3A_43 = arith.constant 32 : i32
    %add3A_44 = vector.broadcast %add3A_43 : i32 to vector<16xi32>
    %add3A_45 = arith.addi %iota3A, %add3A_44 : vector<16xi32>
    %swap3A_46 = arith.constant 32 : index
    %swap3A_47 = tpu.vector_load %arg27[%swap3A_46] {strides = array<i32>} : memref<320xi32, #tpu.memory_space<vmem>>, vector<16xi32>,
    tpu.vector_store %arg27[%swap3A_46], %add3A_45 {strides = array<i32>} : memref<320xi32, #tpu.memory_space<vmem>>, vector<16xi32>,
    %add3A_48 = arith.constant 48 : i32
    %add3A_49 = vector.broadcast %add3A_48 : i32 to vector<16xi32>
    %add3A_50 = arith.addi %iota3A, %add3A_49 : vector<16xi32>
    %swap3A_51 = arith.constant 48 : index
    %swap3A_52 = tpu.vector_load %arg27[%swap3A_51] {strides = array<i32>} : memref<320xi32, #tpu.memory_space<vmem>>, vector<16xi32>,
    tpu.vector_store %arg27[%swap3A_51], %add3A_50 {strides = array<i32>} : memref<320xi32, #tpu.memory_space<vmem>>, vector<16xi32>,
    %add3A_53 = arith.constant 64 : i32
    %add3A_54 = vector.broadcast %add3A_53 : i32 to vector<16xi32>
    %add3A_55 = arith.addi %iota3A, %add3A_54 : vector<16xi32>
    %swap3A_56 = arith.constant 64 : index
    %swap3A_57 = tpu.vector_load %arg27[%swap3A_56] {strides = array<i32>} : memref<320xi32, #tpu.memory_space<vmem>>, vector<16xi32>,
    tpu.vector_store %arg27[%swap3A_56], %add3A_55 {strides = array<i32>} : memref<320xi32, #tpu.memory_space<vmem>>, vector<16xi32>,
    %add3A_58 = arith.constant 80 : i32
    %add3A_59 = vector.broadcast %add3A_58 : i32 to vector<16xi32>
    %add3A_60 = arith.addi %iota3A, %add3A_59 : vector<16xi32>
    %swap3A_61 = arith.constant 80 : index
    %swap3A_62 = tpu.vector_load %arg27[%swap3A_61] {strides = array<i32>} : memref<320xi32, #tpu.memory_space<vmem>>, vector<16xi32>,
    tpu.vector_store %arg27[%swap3A_61], %add3A_60 {strides = array<i32>} : memref<320xi32, #tpu.memory_space<vmem>>, vector<16xi32>,
    %add3A_63 = arith.constant 96 : i32
    %add3A_64 = vector.broadcast %add3A_63 : i32 to vector<16xi32>
    %add3A_65 = arith.addi %iota3A, %add3A_64 : vector<16xi32>
    %swap3A_66 = arith.constant 96 : index
    %swap3A_67 = tpu.vector_load %arg27[%swap3A_66] {strides = array<i32>} : memref<320xi32, #tpu.memory_space<vmem>>, vector<16xi32>,
    tpu.vector_store %arg27[%swap3A_66], %add3A_65 {strides = array<i32>} : memref<320xi32, #tpu.memory_space<vmem>>, vector<16xi32>,
    %add3A_68 = arith.constant 112 : i32
    %add3A_69 = vector.broadcast %add3A_68 : i32 to vector<16xi32>
    %add3A_70 = arith.addi %iota3A, %add3A_69 : vector<16xi32>
    %swap3A_71 = arith.constant 112 : index
    %swap3A_72 = tpu.vector_load %arg27[%swap3A_71] {strides = array<i32>} : memref<320xi32, #tpu.memory_space<vmem>>, vector<16xi32>,
    tpu.vector_store %arg27[%swap3A_71], %add3A_70 {strides = array<i32>} : memref<320xi32, #tpu.memory_space<vmem>>, vector<16xi32>,
    %add3A_73 = arith.constant 128 : i32
    %add3A_74 = vector.broadcast %add3A_73 : i32 to vector<16xi32>
    %add3A_75 = arith.addi %iota3A, %add3A_74 : vector<16xi32>
    %swap3A_76 = arith.constant 128 : index
    %swap3A_77 = tpu.vector_load %arg27[%swap3A_76] {strides = array<i32>} : memref<320xi32, #tpu.memory_space<vmem>>, vector<16xi32>,
    tpu.vector_store %arg27[%swap3A_76], %add3A_75 {strides = array<i32>} : memref<320xi32, #tpu.memory_space<vmem>>, vector<16xi32>,
    %add3A_78 = arith.constant 144 : i32
    %add3A_79 = vector.broadcast %add3A_78 : i32 to vector<16xi32>
    %add3A_80 = arith.addi %iota3A, %add3A_79 : vector<16xi32>
    %swap3A_81 = arith.constant 144 : index
    %swap3A_82 = tpu.vector_load %arg27[%swap3A_81] {strides = array<i32>} : memref<320xi32, #tpu.memory_space<vmem>>, vector<16xi32>,
    tpu.vector_store %arg27[%swap3A_81], %add3A_80 {strides = array<i32>} : memref<320xi32, #tpu.memory_space<vmem>>, vector<16xi32>,
    %add3A_83 = arith.constant 160 : i32
    %add3A_84 = vector.broadcast %add3A_83 : i32 to vector<16xi32>
    %add3A_85 = arith.addi %iota3A, %add3A_84 : vector<16xi32>
    %swap3A_86 = arith.constant 160 : index
    %swap3A_87 = tpu.vector_load %arg27[%swap3A_86] {strides = array<i32>} : memref<320xi32, #tpu.memory_space<vmem>>, vector<16xi32>,
    tpu.vector_store %arg27[%swap3A_86], %add3A_85 {strides = array<i32>} : memref<320xi32, #tpu.memory_space<vmem>>, vector<16xi32>,
    %add3A_88 = arith.constant 176 : i32
    %add3A_89 = vector.broadcast %add3A_88 : i32 to vector<16xi32>
    %add3A_90 = arith.addi %iota3A, %add3A_89 : vector<16xi32>
    %swap3A_91 = arith.constant 176 : index
    %swap3A_92 = tpu.vector_load %arg27[%swap3A_91] {strides = array<i32>} : memref<320xi32, #tpu.memory_space<vmem>>, vector<16xi32>,
    tpu.vector_store %arg27[%swap3A_91], %add3A_90 {strides = array<i32>} : memref<320xi32, #tpu.memory_space<vmem>>, vector<16xi32>,
    %add3A_93 = arith.constant 192 : i32
    %add3A_94 = vector.broadcast %add3A_93 : i32 to vector<16xi32>
    %add3A_95 = arith.addi %iota3A, %add3A_94 : vector<16xi32>
    %swap3A_96 = arith.constant 192 : index
    %swap3A_97 = tpu.vector_load %arg27[%swap3A_96] {strides = array<i32>} : memref<320xi32, #tpu.memory_space<vmem>>, vector<16xi32>,
    tpu.vector_store %arg27[%swap3A_96], %add3A_95 {strides = array<i32>} : memref<320xi32, #tpu.memory_space<vmem>>, vector<16xi32>,
    %add3A_98 = arith.constant 208 : i32
    %add3A_99 = vector.broadcast %add3A_98 : i32 to vector<16xi32>
    %add3A_100 = arith.addi %iota3A, %add3A_99 : vector<16xi32>
    %swap3A_101 = arith.constant 208 : index
    %swap3A_102 = tpu.vector_load %arg27[%swap3A_101] {strides = array<i32>} : memref<320xi32, #tpu.memory_space<vmem>>, vector<16xi32>,
    tpu.vector_store %arg27[%swap3A_101], %add3A_100 {strides = array<i32>} : memref<320xi32, #tpu.memory_space<vmem>>, vector<16xi32>,
    %add3A_103 = arith.constant 224 : i32
    %add3A_104 = vector.broadcast %add3A_103 : i32 to vector<16xi32>
    %add3A_105 = arith.addi %iota3A, %add3A_104 : vector<16xi32>
    %swap3A_106 = arith.constant 224 : index
    %swap3A_107 = tpu.vector_load %arg27[%swap3A_106] {strides = array<i32>} : memref<320xi32, #tpu.memory_space<vmem>>, vector<16xi32>,
    tpu.vector_store %arg27[%swap3A_106], %add3A_105 {strides = array<i32>} : memref<320xi32, #tpu.memory_space<vmem>>, vector<16xi32>,
    %add3A_108 = arith.constant 240 : i32
    %add3A_109 = vector.broadcast %add3A_108 : i32 to vector<16xi32>
    %add3A_110 = arith.addi %iota3A, %add3A_109 : vector<16xi32>
    %swap3A_111 = arith.constant 240 : index
    %swap3A_112 = tpu.vector_load %arg27[%swap3A_111] {strides = array<i32>} : memref<320xi32, #tpu.memory_space<vmem>>, vector<16xi32>,
    tpu.vector_store %arg27[%swap3A_111], %add3A_110 {strides = array<i32>} : memref<320xi32, #tpu.memory_space<vmem>>, vector<16xi32>,
    %add3A_113 = arith.constant 256 : i32
    %add3A_114 = vector.broadcast %add3A_113 : i32 to vector<16xi32>
    %add3A_115 = arith.addi %iota3A, %add3A_114 : vector<16xi32>
    %swap3A_116 = arith.constant 256 : index
    %swap3A_117 = tpu.vector_load %arg27[%swap3A_116] {strides = array<i32>} : memref<320xi32, #tpu.memory_space<vmem>>, vector<16xi32>,
    tpu.vector_store %arg27[%swap3A_116], %add3A_115 {strides = array<i32>} : memref<320xi32, #tpu.memory_space<vmem>>, vector<16xi32>,
    %add3A_118 = arith.constant 272 : i32
    %add3A_119 = vector.broadcast %add3A_118 : i32 to vector<16xi32>
    %add3A_120 = arith.addi %iota3A, %add3A_119 : vector<16xi32>
    %swap3A_121 = arith.constant 272 : index
    %swap3A_122 = tpu.vector_load %arg27[%swap3A_121] {strides = array<i32>} : memref<320xi32, #tpu.memory_space<vmem>>, vector<16xi32>,
    tpu.vector_store %arg27[%swap3A_121], %add3A_120 {strides = array<i32>} : memref<320xi32, #tpu.memory_space<vmem>>, vector<16xi32>,
    %add3A_123 = arith.constant 288 : i32
    %add3A_124 = vector.broadcast %add3A_123 : i32 to vector<16xi32>
    %add3A_125 = arith.addi %iota3A, %add3A_124 : vector<16xi32>
    %swap3A_126 = arith.constant 288 : index
    %swap3A_127 = tpu.vector_load %arg27[%swap3A_126] {strides = array<i32>} : memref<320xi32, #tpu.memory_space<vmem>>, vector<16xi32>,
    tpu.vector_store %arg27[%swap3A_126], %add3A_125 {strides = array<i32>} : memref<320xi32, #tpu.memory_space<vmem>>, vector<16xi32>,
    %add3A_128 = arith.constant 304 : i32
    %add3A_129 = vector.broadcast %add3A_128 : i32 to vector<16xi32>
    %add3A_130 = arith.addi %iota3A, %add3A_129 : vector<16xi32>
    %swap3A_131 = arith.constant 304 : index
    %swap3A_132 = tpu.vector_load %arg27[%swap3A_131] {strides = array<i32>} : memref<320xi32, #tpu.memory_space<vmem>>, vector<16xi32>,
    tpu.vector_store %arg27[%swap3A_131], %add3A_130 {strides = array<i32>} : memref<320xi32, #tpu.memory_space<vmem>>, vector<16xi32>,
    %dma_wait3A = arith.constant 20480 : i32
    %dma_wait3A_133 = tpu.memref_slice %arg2[%dma_wait3A] : memref<81920xf32, #tpu.memory_space<hbm>> -> memref<10240xf32, #tpu.memory_space<hbm>>
    %dma_wait3A_134 = arith.constant 20480 : i32
    %dma_wait3A_135 = tpu.memref_slice %arg2[%dma_wait3A_134] : memref<81920xf32, #tpu.memory_space<hbm>> -> memref<10240xf32, #tpu.memory_space<hbm>>
    tpu.wait_dma2 semaphore(%arg28 : memref<!tpu.dma_semaphore, #tpu.memory_space<semaphore_mem>>) src(%dma_wait3A_135 : memref<10240xf32, #tpu.memory_space<hbm>>) dst(%arg10 : memref<10240xf32, #tpu.memory_space<vmem>>)
    %dma_wait3A_136 = arith.constant 30720 : i32
    %dma_wait3A_137 = tpu.memref_slice %arg2[%dma_wait3A_136] : memref<81920xf32, #tpu.memory_space<hbm>> -> memref<10240xf32, #tpu.memory_space<hbm>>
    %dma_wait3A_138 = arith.constant 30720 : i32
    %dma_wait3A_139 = tpu.memref_slice %arg2[%dma_wait3A_138] : memref<81920xf32, #tpu.memory_space<hbm>> -> memref<10240xf32, #tpu.memory_space<hbm>>
    tpu.wait_dma2 semaphore(%arg28 : memref<!tpu.dma_semaphore, #tpu.memory_space<semaphore_mem>>) src(%dma_wait3A_139 : memref<10240xf32, #tpu.memory_space<hbm>>) dst(%arg11 : memref<10240xf32, #tpu.memory_space<vmem>>)
    %dma_wait3A_140 = arith.constant 40960 : i32
    %dma_wait3A_141 = tpu.memref_slice %arg2[%dma_wait3A_140] : memref<81920xf32, #tpu.memory_space<hbm>> -> memref<10240xf32, #tpu.memory_space<hbm>>
    %dma_wait3A_142 = arith.constant 40960 : i32
    %dma_wait3A_143 = tpu.memref_slice %arg2[%dma_wait3A_142] : memref<81920xf32, #tpu.memory_space<hbm>> -> memref<10240xf32, #tpu.memory_space<hbm>>
    tpu.wait_dma2 semaphore(%arg28 : memref<!tpu.dma_semaphore, #tpu.memory_space<semaphore_mem>>) src(%dma_wait3A_143 : memref<10240xf32, #tpu.memory_space<hbm>>) dst(%arg12 : memref<10240xf32, #tpu.memory_space<vmem>>)
    %dma_wait3A_144 = arith.constant 51200 : i32
    %dma_wait3A_145 = tpu.memref_slice %arg2[%dma_wait3A_144] : memref<81920xf32, #tpu.memory_space<hbm>> -> memref<10240xf32, #tpu.memory_space<hbm>>
    %dma_wait3A_146 = arith.constant 51200 : i32
    %dma_wait3A_147 = tpu.memref_slice %arg2[%dma_wait3A_146] : memref<81920xf32, #tpu.memory_space<hbm>> -> memref<10240xf32, #tpu.memory_space<hbm>>
    tpu.wait_dma2 semaphore(%arg28 : memref<!tpu.dma_semaphore, #tpu.memory_space<semaphore_mem>>) src(%dma_wait3A_147 : memref<10240xf32, #tpu.memory_space<hbm>>) dst(%arg13 : memref<10240xf32, #tpu.memory_space<vmem>>)
    %dma_wait3A_148 = arith.constant 61440 : i32
    %dma_wait3A_149 = tpu.memref_slice %arg2[%dma_wait3A_148] : memref<81920xf32, #tpu.memory_space<hbm>> -> memref<10240xf32, #tpu.memory_space<hbm>>
    %dma_wait3A_150 = arith.constant 61440 : i32
    %dma_wait3A_151 = tpu.memref_slice %arg2[%dma_wait3A_150] : memref<81920xf32, #tpu.memory_space<hbm>> -> memref<10240xf32, #tpu.memory_space<hbm>>
    tpu.wait_dma2 semaphore(%arg28 : memref<!tpu.dma_semaphore, #tpu.memory_space<semaphore_mem>>) src(%dma_wait3A_151 : memref<10240xf32, #tpu.memory_space<hbm>>) dst(%arg14 : memref<10240xf32, #tpu.memory_space<vmem>>)
    %dma_wait3A_152 = arith.constant 71680 : i32
    %dma_wait3A_153 = tpu.memref_slice %arg2[%dma_wait3A_152] : memref<81920xf32, #tpu.memory_space<hbm>> -> memref<10240xf32, #tpu.memory_space<hbm>>
    %dma_wait3A_154 = arith.constant 71680 : i32
    %dma_wait3A_155 = tpu.memref_slice %arg2[%dma_wait3A_154] : memref<81920xf32, #tpu.memory_space<hbm>> -> memref<10240xf32, #tpu.memory_space<hbm>>
    tpu.wait_dma2 semaphore(%arg28 : memref<!tpu.dma_semaphore, #tpu.memory_space<semaphore_mem>>) src(%dma_wait3A_155 : memref<10240xf32, #tpu.memory_space<hbm>>) dst(%arg15 : memref<10240xf32, #tpu.memory_space<vmem>>)
    %dma_wait3A_156 = tpu.memref_slice %arg3[%multiple_of3A] : memref<10240xi32, #tpu.memory_space<hbm>> -> memref<640xi32, #tpu.memory_space<hbm>>
    %dma_wait3A_157 = tpu.memref_slice %arg3[%multiple_of3A] : memref<10240xi32, #tpu.memory_space<hbm>> -> memref<640xi32, #tpu.memory_space<hbm>>
    tpu.wait_dma2 semaphore(%arg28 : memref<!tpu.dma_semaphore, #tpu.memory_space<semaphore_mem>>) src(%dma_wait3A_157 : memref<640xi32, #tpu.memory_space<hbm>>) dst(%arg25 : memref<640xi32, #tpu.memory_space<vmem>>)
    %mul3A_158 = arith.constant 10000 : i32
    %mul3A_159 = arith.muli %add3A, %mul3A_158 : i32
    %add3A_160 = arith.constant 0 : i32
    %add3A_161 = arith.addi %mul3A_159, %add3A_160 : i32
    %multiple_of3A_162 = tpu.assume_multiple %add3A_161, 8 : i32
    %dma_start3A_163 = tpu.memref_slice %arg4[%multiple_of3A_162] : memref<320000xi32, #tpu.memory_space<hbm>> -> memref<2000xi32, #tpu.memory_space<hbm>>
    %dma_start3A_164 = tpu.memref_slice %arg4[%multiple_of3A_162] : memref<320000xi32, #tpu.memory_space<hbm>> -> memref<2000xi32, #tpu.memory_space<hbm>>
    tpu.enqueue_dma source(%dma_start3A_164 : memref<2000xi32, #tpu.memory_space<hbm>>) target(%arg17 : memref<2000xi32, #tpu.memory_space<vmem>>) target_semaphore(%arg30 : memref<!tpu.dma_semaphore, #tpu.memory_space<semaphore_mem>>)
    %dma_start3A_165 = tpu.memref_slice %arg5[%multiple_of3A_162] : memref<320000xi32, #tpu.memory_space<hbm>> -> memref<2000xi32, #tpu.memory_space<hbm>>
    %dma_start3A_166 = tpu.memref_slice %arg5[%multiple_of3A_162] : memref<320000xi32, #tpu.memory_space<hbm>> -> memref<2000xi32, #tpu.memory_space<hbm>>
    tpu.enqueue_dma source(%dma_start3A_166 : memref<2000xi32, #tpu.memory_space<hbm>>) target(%arg18 : memref<2000xi32, #tpu.memory_space<vmem>>) target_semaphore(%arg30 : memref<!tpu.dma_semaphore, #tpu.memory_space<semaphore_mem>>)
    %dma_start3A_167 = tpu.memref_slice %arg6[%multiple_of3A_162] : memref<320000xf32, #tpu.memory_space<hbm>> -> memref<2000xf32, #tpu.memory_space<hbm>>
    %dma_start3A_168 = tpu.memref_slice %arg6[%multiple_of3A_162] : memref<320000xf32, #tpu.memory_space<hbm>> -> memref<2000xf32, #tpu.memory_space<hbm>>
    tpu.enqueue_dma source(%dma_start3A_168 : memref<2000xf32, #tpu.memory_space<hbm>>) target(%arg19 : memref<2000xf32, #tpu.memory_space<vmem>>) target_semaphore(%arg30 : memref<!tpu.dma_semaphore, #tpu.memory_space<semaphore_mem>>)
    %parallel_loop3A = arith.constant 0 : i32
    %parallel_loop3A_169 = arith.constant 40 : i32
    %parallel_loop3A_170 = arith.constant 1 : i32
    scf.for %parallel_loop3A_321 = %parallel_loop3A to %parallel_loop3A_169 step %parallel_loop3A_170  : i32 {
      %parallel_loop3A_322 = arith.constant 16 : i32
      %parallel_loop3A_323 = arith.muli %parallel_loop3A_321, %parallel_loop3A_322 : i32
      %parallel_loop3A_324 = arith.index_cast %parallel_loop3A_323 : i32 to index
      %parallel_loop3A_325 = tpu.vector_load %arg25[%parallel_loop3A_324] {strides = array<i32>} : memref<640xi32, #tpu.memory_space<vmem>>, vector<16xi32>,
      %parallel_loop3A_326 = tpu.vector_load_idx %arg12[%parallel_loop3A_325] : memref<10240xf32, #tpu.memory_space<vmem>>[vector<16xi32>], vector<16xf32>,
      %parallel_loop3A_327 = tpu.vector_load_idx %arg13[%parallel_loop3A_325] : memref<10240xf32, #tpu.memory_space<vmem>>[vector<16xi32>], vector<16xf32>,
      %parallel_loop3A_328 = arith.constant 16 : i32
      %parallel_loop3A_329 = arith.muli %parallel_loop3A_321, %parallel_loop3A_328 : i32
      %parallel_loop3A_330 = arith.addi %multiple_of3A, %parallel_loop3A_329 : i32
      %parallel_loop3A_331 = arith.index_cast %parallel_loop3A_330 : i32 to index
      %parallel_loop3A_332 = tpu.vector_load %arg10[%parallel_loop3A_331] {strides = array<i32>} : memref<10240xf32, #tpu.memory_space<vmem>>, vector<16xf32>,
      %parallel_loop3A_333 = arith.addf %parallel_loop3A_332, %parallel_loop3A_326 : vector<16xf32>
      %parallel_loop3A_334 = arith.index_cast %parallel_loop3A_330 : i32 to index
      %parallel_loop3A_335 = tpu.vector_load %arg10[%parallel_loop3A_334] {strides = array<i32>} : memref<10240xf32, #tpu.memory_space<vmem>>, vector<16xf32>,
      tpu.vector_store %arg10[%parallel_loop3A_334], %parallel_loop3A_333 {strides = array<i32>} : memref<10240xf32, #tpu.memory_space<vmem>>, vector<16xf32>,
      %parallel_loop3A_336 = arith.index_cast %parallel_loop3A_330 : i32 to index
      %parallel_loop3A_337 = tpu.vector_load %arg11[%parallel_loop3A_336] {strides = array<i32>} : memref<10240xf32, #tpu.memory_space<vmem>>, vector<16xf32>,
      %parallel_loop3A_338 = arith.addf %parallel_loop3A_337, %parallel_loop3A_327 : vector<16xf32>
      %parallel_loop3A_339 = arith.index_cast %parallel_loop3A_330 : i32 to index
      %parallel_loop3A_340 = tpu.vector_load %arg11[%parallel_loop3A_339] {strides = array<i32>} : memref<10240xf32, #tpu.memory_space<vmem>>, vector<16xf32>,
      tpu.vector_store %arg11[%parallel_loop3A_339], %parallel_loop3A_338 {strides = array<i32>} : memref<10240xf32, #tpu.memory_space<vmem>>, vector<16xf32>,
    } {sc.loop_unroll_factor = 2 : i64, sc.parallel_access}
    "tpu.region"() ({
      %run_scoped3A = tpu.sem_alloc : memref<!tpu.dma_semaphore, #tpu.memory_space<semaphore_mem>>
      %dma_start3A_321 = tpu.memref_slice %arg10[%multiple_of3A] : memref<10240xf32, #tpu.memory_space<vmem>> -> memref<640xf32, #tpu.memory_space<vmem>>
      %dma_start3A_322 = tpu.memref_slice %arg31[%multiple_of3A] : memref<10240xf32, #tpu.memory_space<vmem_shared>> -> memref<640xf32, #tpu.memory_space<vmem_shared>>
      %dma_start3A_323 = tpu.memref_slice %arg31[%multiple_of3A] : memref<10240xf32, #tpu.memory_space<vmem_shared>> -> memref<640xf32, #tpu.memory_space<vmem_shared>>
      %dma_start3A_324 = tpu.memref_slice %arg10[%multiple_of3A] : memref<10240xf32, #tpu.memory_space<vmem>> -> memref<640xf32, #tpu.memory_space<vmem>>
      tpu.enqueue_dma source(%dma_start3A_324 : memref<640xf32, #tpu.memory_space<vmem>>) target(%dma_start3A_323 : memref<640xf32, #tpu.memory_space<vmem_shared>>) target_semaphore(%run_scoped3A : memref<!tpu.dma_semaphore, #tpu.memory_space<semaphore_mem>>)
      %dma_wait3A_325 = tpu.memref_slice %arg10[%multiple_of3A] : memref<10240xf32, #tpu.memory_space<vmem>> -> memref<640xf32, #tpu.memory_space<vmem>>
      %dma_wait3A_326 = tpu.memref_slice %arg31[%multiple_of3A] : memref<10240xf32, #tpu.memory_space<vmem_shared>> -> memref<640xf32, #tpu.memory_space<vmem_shared>>
      %dma_wait3A_327 = tpu.memref_slice %arg31[%multiple_of3A] : memref<10240xf32, #tpu.memory_space<vmem_shared>> -> memref<640xf32, #tpu.memory_space<vmem_shared>>
      %dma_wait3A_328 = tpu.memref_slice %arg10[%multiple_of3A] : memref<10240xf32, #tpu.memory_space<vmem>> -> memref<640xf32, #tpu.memory_space<vmem>>
      tpu.wait_dma2 semaphore(%run_scoped3A : memref<!tpu.dma_semaphore, #tpu.memory_space<semaphore_mem>>) src(%dma_wait3A_328 : memref<640xf32, #tpu.memory_space<vmem>>) dst(%dma_wait3A_327 : memref<640xf32, #tpu.memory_space<vmem_shared>>)
      tpu.yield
    }) : () -> ()
    "tpu.region"() ({
      %run_scoped3A = tpu.sem_alloc : memref<!tpu.dma_semaphore, #tpu.memory_space<semaphore_mem>>
      %dma_start3A_321 = tpu.memref_slice %arg11[%multiple_of3A] : memref<10240xf32, #tpu.memory_space<vmem>> -> memref<640xf32, #tpu.memory_space<vmem>>
      %dma_start3A_322 = tpu.memref_slice %arg32[%multiple_of3A] : memref<10240xf32, #tpu.memory_space<vmem_shared>> -> memref<640xf32, #tpu.memory_space<vmem_shared>>
      %dma_start3A_323 = tpu.memref_slice %arg32[%multiple_of3A] : memref<10240xf32, #tpu.memory_space<vmem_shared>> -> memref<640xf32, #tpu.memory_space<vmem_shared>>
      %dma_start3A_324 = tpu.memref_slice %arg11[%multiple_of3A] : memref<10240xf32, #tpu.memory_space<vmem>> -> memref<640xf32, #tpu.memory_space<vmem>>
      tpu.enqueue_dma source(%dma_start3A_324 : memref<640xf32, #tpu.memory_space<vmem>>) target(%dma_start3A_323 : memref<640xf32, #tpu.memory_space<vmem_shared>>) target_semaphore(%run_scoped3A : memref<!tpu.dma_semaphore, #tpu.memory_space<semaphore_mem>>)
      %dma_wait3A_325 = tpu.memref_slice %arg11[%multiple_of3A] : memref<10240xf32, #tpu.memory_space<vmem>> -> memref<640xf32, #tpu.memory_space<vmem>>
      %dma_wait3A_326 = tpu.memref_slice %arg32[%multiple_of3A] : memref<10240xf32, #tpu.memory_space<vmem_shared>> -> memref<640xf32, #tpu.memory_space<vmem_shared>>
      %dma_wait3A_327 = tpu.memref_slice %arg32[%multiple_of3A] : memref<10240xf32, #tpu.memory_space<vmem_shared>> -> memref<640xf32, #tpu.memory_space<vmem_shared>>
      %dma_wait3A_328 = tpu.memref_slice %arg11[%multiple_of3A] : memref<10240xf32, #tpu.memory_space<vmem>> -> memref<640xf32, #tpu.memory_space<vmem>>
      tpu.wait_dma2 semaphore(%run_scoped3A : memref<!tpu.dma_semaphore, #tpu.memory_space<semaphore_mem>>) src(%dma_wait3A_328 : memref<640xf32, #tpu.memory_space<vmem>>) dst(%dma_wait3A_327 : memref<640xf32, #tpu.memory_space<vmem_shared>>)
      tpu.yield
    }) : () -> ()
    "tpu.region"() ({
      %run_scoped3A = tpu.sem_alloc : memref<!tpu.dma_semaphore, #tpu.memory_space<semaphore_mem>>
      %dma_start3A_321 = arith.constant 0 : i32
      %dma_start3A_322 = tpu.memref_slice %arg2[%dma_start3A_321] : memref<81920xf32, #tpu.memory_space<hbm>> -> memref<10240xf32, #tpu.memory_space<hbm>>
      %dma_start3A_323 = arith.constant 0 : i32
      %dma_start3A_324 = tpu.memref_slice %arg2[%dma_start3A_323] : memref<81920xf32, #tpu.memory_space<hbm>> -> memref<10240xf32, #tpu.memory_space<hbm>>
      tpu.enqueue_dma source(%dma_start3A_324 : memref<10240xf32, #tpu.memory_space<hbm>>) target(%arg12 : memref<10240xf32, #tpu.memory_space<vmem>>) target_semaphore(%run_scoped3A : memref<!tpu.dma_semaphore, #tpu.memory_space<semaphore_mem>>)
      %dma_wait3A_325 = arith.constant 0 : i32
      %dma_wait3A_326 = tpu.memref_slice %arg2[%dma_wait3A_325] : memref<81920xf32, #tpu.memory_space<hbm>> -> memref<10240xf32, #tpu.memory_space<hbm>>
      %dma_wait3A_327 = arith.constant 0 : i32
      %dma_wait3A_328 = tpu.memref_slice %arg2[%dma_wait3A_327] : memref<81920xf32, #tpu.memory_space<hbm>> -> memref<10240xf32, #tpu.memory_space<hbm>>
      tpu.wait_dma2 semaphore(%run_scoped3A : memref<!tpu.dma_semaphore, #tpu.memory_space<semaphore_mem>>) src(%dma_wait3A_328 : memref<10240xf32, #tpu.memory_space<hbm>>) dst(%arg12 : memref<10240xf32, #tpu.memory_space<vmem>>)
      tpu.yield
    }) : () -> ()
    "tpu.region"() ({
      %run_scoped3A = tpu.sem_alloc : memref<!tpu.dma_semaphore, #tpu.memory_space<semaphore_mem>>
      %dma_start3A_321 = arith.constant 10240 : i32
      %dma_start3A_322 = tpu.memref_slice %arg2[%dma_start3A_321] : memref<81920xf32, #tpu.memory_space<hbm>> -> memref<10240xf32, #tpu.memory_space<hbm>>
      %dma_start3A_323 = arith.constant 10240 : i32
      %dma_start3A_324 = tpu.memref_slice %arg2[%dma_start3A_323] : memref<81920xf32, #tpu.memory_space<hbm>> -> memref<10240xf32, #tpu.memory_space<hbm>>
      tpu.enqueue_dma source(%dma_start3A_324 : memref<10240xf32, #tpu.memory_space<hbm>>) target(%arg13 : memref<10240xf32, #tpu.memory_space<vmem>>) target_semaphore(%run_scoped3A : memref<!tpu.dma_semaphore, #tpu.memory_space<semaphore_mem>>)
      %dma_wait3A_325 = arith.constant 10240 : i32
      %dma_wait3A_326 = tpu.memref_slice %arg2[%dma_wait3A_325] : memref<81920xf32, #tpu.memory_space<hbm>> -> memref<10240xf32, #tpu.memory_space<hbm>>
      %dma_wait3A_327 = arith.constant 10240 : i32
      %dma_wait3A_328 = tpu.memref_slice %arg2[%dma_wait3A_327] : memref<81920xf32, #tpu.memory_space<hbm>> -> memref<10240xf32, #tpu.memory_space<hbm>>
      tpu.wait_dma2 semaphore(%run_scoped3A : memref<!tpu.dma_semaphore, #tpu.memory_space<semaphore_mem>>) src(%dma_wait3A_328 : memref<10240xf32, #tpu.memory_space<hbm>>) dst(%arg13 : memref<10240xf32, #tpu.memory_space<vmem>>)
      tpu.yield
    }) : () -> ()
    %barrier3A = arith.constant 0 : index
    tpu.barrier barrier_id(%barrier3A)
    tpu.enqueue_dma source(%arg31 : memref<10240xf32, #tpu.memory_space<vmem_shared>>) target(%arg10 : memref<10240xf32, #tpu.memory_space<vmem>>) target_semaphore(%arg28 : memref<!tpu.dma_semaphore, #tpu.memory_space<semaphore_mem>>)
    tpu.enqueue_dma source(%arg32 : memref<10240xf32, #tpu.memory_space<vmem_shared>>) target(%arg11 : memref<10240xf32, #tpu.memory_space<vmem>>) target_semaphore(%arg28 : memref<!tpu.dma_semaphore, #tpu.memory_space<semaphore_mem>>)
    tpu.wait_dma2 semaphore(%arg28 : memref<!tpu.dma_semaphore, #tpu.memory_space<semaphore_mem>>) src(%arg31 : memref<10240xf32, #tpu.memory_space<vmem_shared>>) dst(%arg10 : memref<10240xf32, #tpu.memory_space<vmem>>)
    tpu.wait_dma2 semaphore(%arg28 : memref<!tpu.dma_semaphore, #tpu.memory_space<semaphore_mem>>) src(%arg32 : memref<10240xf32, #tpu.memory_space<vmem_shared>>) dst(%arg11 : memref<10240xf32, #tpu.memory_space<vmem>>)
    %dma_wait3A_171 = tpu.memref_slice %arg4[%multiple_of3A_162] : memref<320000xi32, #tpu.memory_space<hbm>> -> memref<2000xi32, #tpu.memory_space<hbm>>
    %dma_wait3A_172 = tpu.memref_slice %arg4[%multiple_of3A_162] : memref<320000xi32, #tpu.memory_space<hbm>> -> memref<2000xi32, #tpu.memory_space<hbm>>
    tpu.wait_dma2 semaphore(%arg30 : memref<!tpu.dma_semaphore, #tpu.memory_space<semaphore_mem>>) src(%dma_wait3A_172 : memref<2000xi32, #tpu.memory_space<hbm>>) dst(%arg17 : memref<2000xi32, #tpu.memory_space<vmem>>)
    %dma_wait3A_173 = tpu.memref_slice %arg5[%multiple_of3A_162] : memref<320000xi32, #tpu.memory_space<hbm>> -> memref<2000xi32, #tpu.memory_space<hbm>>
    %dma_wait3A_174 = tpu.memref_slice %arg5[%multiple_of3A_162] : memref<320000xi32, #tpu.memory_space<hbm>> -> memref<2000xi32, #tpu.memory_space<hbm>>
    tpu.wait_dma2 semaphore(%arg30 : memref<!tpu.dma_semaphore, #tpu.memory_space<semaphore_mem>>) src(%dma_wait3A_174 : memref<2000xi32, #tpu.memory_space<hbm>>) dst(%arg18 : memref<2000xi32, #tpu.memory_space<vmem>>)
    %dma_wait3A_175 = tpu.memref_slice %arg6[%multiple_of3A_162] : memref<320000xf32, #tpu.memory_space<hbm>> -> memref<2000xf32, #tpu.memory_space<hbm>>
    %dma_wait3A_176 = tpu.memref_slice %arg6[%multiple_of3A_162] : memref<320000xf32, #tpu.memory_space<hbm>> -> memref<2000xf32, #tpu.memory_space<hbm>>
    tpu.wait_dma2 semaphore(%arg30 : memref<!tpu.dma_semaphore, #tpu.memory_space<semaphore_mem>>) src(%dma_wait3A_176 : memref<2000xf32, #tpu.memory_space<hbm>>) dst(%arg19 : memref<2000xf32, #tpu.memory_space<vmem>>)
    %mul3A_177 = arith.constant 10000 : i32
    %mul3A_178 = arith.muli %add3A, %mul3A_177 : i32
    %add3A_179 = arith.constant 2000 : i32
    %add3A_180 = arith.addi %mul3A_178, %add3A_179 : i32
    %multiple_of3A_181 = tpu.assume_multiple %add3A_180, 8 : i32
    %dma_start3A_182 = tpu.memref_slice %arg4[%multiple_of3A_181] : memref<320000xi32, #tpu.memory_space<hbm>> -> memref<2000xi32, #tpu.memory_space<hbm>>
    %dma_start3A_183 = tpu.memref_slice %arg4[%multiple_of3A_181] : memref<320000xi32, #tpu.memory_space<hbm>> -> memref<2000xi32, #tpu.memory_space<hbm>>
    tpu.enqueue_dma source(%dma_start3A_183 : memref<2000xi32, #tpu.memory_space<hbm>>) target(%arg21 : memref<2000xi32, #tpu.memory_space<vmem>>) target_semaphore(%arg30 : memref<!tpu.dma_semaphore, #tpu.memory_space<semaphore_mem>>)
    %dma_start3A_184 = tpu.memref_slice %arg5[%multiple_of3A_181] : memref<320000xi32, #tpu.memory_space<hbm>> -> memref<2000xi32, #tpu.memory_space<hbm>>
    %dma_start3A_185 = tpu.memref_slice %arg5[%multiple_of3A_181] : memref<320000xi32, #tpu.memory_space<hbm>> -> memref<2000xi32, #tpu.memory_space<hbm>>
    tpu.enqueue_dma source(%dma_start3A_185 : memref<2000xi32, #tpu.memory_space<hbm>>) target(%arg22 : memref<2000xi32, #tpu.memory_space<vmem>>) target_semaphore(%arg30 : memref<!tpu.dma_semaphore, #tpu.memory_space<semaphore_mem>>)
    %dma_start3A_186 = tpu.memref_slice %arg6[%multiple_of3A_181] : memref<320000xf32, #tpu.memory_space<hbm>> -> memref<2000xf32, #tpu.memory_space<hbm>>
    %dma_start3A_187 = tpu.memref_slice %arg6[%multiple_of3A_181] : memref<320000xf32, #tpu.memory_space<hbm>> -> memref<2000xf32, #tpu.memory_space<hbm>>
    tpu.enqueue_dma source(%dma_start3A_187 : memref<2000xf32, #tpu.memory_space<hbm>>) target(%arg23 : memref<2000xf32, #tpu.memory_space<vmem>>) target_semaphore(%arg30 : memref<!tpu.dma_semaphore, #tpu.memory_space<semaphore_mem>>)
    %parallel_loop3A_188 = arith.constant 0 : i32
    %parallel_loop3A_189 = arith.constant 125 : i32
    %parallel_loop3A_190 = arith.constant 1 : i32
    scf.for %parallel_loop3A_321 = %parallel_loop3A_188 to %parallel_loop3A_189 step %parallel_loop3A_190  : i32 {
      %parallel_loop3A_322 = arith.constant 16 : i32
      %parallel_loop3A_323 = arith.muli %parallel_loop3A_321, %parallel_loop3A_322 : i32
      %parallel_loop3A_324 = arith.index_cast %parallel_loop3A_323 : i32 to index
      %parallel_loop3A_325 = tpu.vector_load %arg17[%parallel_loop3A_324] {strides = array<i32>} : memref<2000xi32, #tpu.memory_space<vmem>>, vector<16xi32>,
      %parallel_loop3A_326 = arith.constant 16 : i32
      %parallel_loop3A_327 = arith.muli %parallel_loop3A_321, %parallel_loop3A_326 : i32
      %parallel_loop3A_328 = arith.index_cast %parallel_loop3A_327 : i32 to index
      %parallel_loop3A_329 = tpu.vector_load %arg18[%parallel_loop3A_328] {strides = array<i32>} : memref<2000xi32, #tpu.memory_space<vmem>>, vector<16xi32>,
      %parallel_loop3A_330 = tpu.vector_load_idx %arg14[%parallel_loop3A_325] : memref<10240xf32, #tpu.memory_space<vmem>>[vector<16xi32>], vector<16xf32>,
      %parallel_loop3A_331 = tpu.vector_load_idx %arg15[%parallel_loop3A_329] : memref<10240xf32, #tpu.memory_space<vmem>>[vector<16xi32>], vector<16xf32>,
      %parallel_loop3A_332 = arith.addf %parallel_loop3A_330, %parallel_loop3A_331 : vector<16xf32>
      %parallel_loop3A_333 = arith.constant 16 : i32
      %parallel_loop3A_334 = arith.muli %parallel_loop3A_321, %parallel_loop3A_333 : i32
      %parallel_loop3A_335 = arith.index_cast %parallel_loop3A_334 : i32 to index
      %parallel_loop3A_336 = tpu.vector_load %arg19[%parallel_loop3A_335] {strides = array<i32>} : memref<2000xf32, #tpu.memory_space<vmem>>, vector<16xf32>,
      %parallel_loop3A_337 = arith.addf %parallel_loop3A_332, %parallel_loop3A_336 : vector<16xf32>
      %parallel_loop3A_338 = arith.constant 0.000000e+00 : f32
      %parallel_loop3A_339 = vector.broadcast %parallel_loop3A_338 : f32 to vector<16xf32>
      %parallel_loop3A_340 = arith.subf %parallel_loop3A_339, %parallel_loop3A_337 : vector<16xf32>
      %parallel_loop3A_341 = math.exp %parallel_loop3A_340 : vector<16xf32>
      %parallel_loop3A_342 = arith.constant 1.000000e+00 : f32
      %parallel_loop3A_343 = vector.broadcast %parallel_loop3A_342 : f32 to vector<16xf32>
      %parallel_loop3A_344 = arith.addf %parallel_loop3A_343, %parallel_loop3A_341 : vector<16xf32>
      %parallel_loop3A_345 = arith.constant 1.000000e+00 : f32
      %parallel_loop3A_346 = vector.broadcast %parallel_loop3A_345 : f32 to vector<16xf32>
      %parallel_loop3A_347 = arith.divf %parallel_loop3A_346, %parallel_loop3A_344 : vector<16xf32>
      %parallel_loop3A_348 = arith.constant 16 : i32
      %parallel_loop3A_349 = arith.muli %parallel_loop3A_321, %parallel_loop3A_348 : i32
      %parallel_loop3A_350 = arith.index_cast %parallel_loop3A_349 : i32 to index
      %parallel_loop3A_351 = tpu.vector_load %arg20[%parallel_loop3A_350] {strides = array<i32>} : memref<2000xf32, #tpu.memory_space<vmem>>, vector<16xf32>,
      tpu.vector_store %arg20[%parallel_loop3A_350], %parallel_loop3A_347 {strides = array<i32>} : memref<2000xf32, #tpu.memory_space<vmem>>, vector<16xf32>,
      %parallel_loop3A_352 = tpu.vector_load_idx %arg12[%parallel_loop3A_325] : memref<10240xf32, #tpu.memory_space<vmem>>[vector<16xi32>], vector<16xf32>,
      %parallel_loop3A_353 = tpu.vector_load_idx %arg13[%parallel_loop3A_325] : memref<10240xf32, #tpu.memory_space<vmem>>[vector<16xi32>], vector<16xf32>,
      %parallel_loop3A_354 = tpu.vector_load_idx %arg10[%parallel_loop3A_325] : memref<10240xf32, #tpu.memory_space<vmem>>[vector<16xi32>], vector<16xf32>,
      %parallel_loop3A_355 = tpu.vector_load_idx %arg11[%parallel_loop3A_325] : memref<10240xf32, #tpu.memory_space<vmem>>[vector<16xi32>], vector<16xf32>,
      %parallel_loop3A_356 = arith.constant 5 : i32
      %parallel_loop3A_357 = vector.broadcast %parallel_loop3A_356 : i32 to vector<16xi32>
      %parallel_loop3A_358 = arith.shrui %parallel_loop3A_329, %parallel_loop3A_357 : vector<16xi32>
      %parallel_loop3A_359 = arith.constant 31 : i32
      %parallel_loop3A_360 = vector.broadcast %parallel_loop3A_359 : i32 to vector<16xi32>
      %parallel_loop3A_361 = arith.andi %parallel_loop3A_329, %parallel_loop3A_360 : vector<16xi32>
      %parallel_loop3A_362 = arith.constant 2 : i32
      %parallel_loop3A_363 = vector.broadcast %parallel_loop3A_362 : i32 to vector<16xi32>
      %parallel_loop3A_364 = arith.shli %parallel_loop3A_361, %parallel_loop3A_363 : vector<16xi32>
      %parallel_loop3A_365 = arith.mulf %parallel_loop3A_347, %parallel_loop3A_352 : vector<16xf32>
      tpu.vector_store_idx %arg16[%parallel_loop3A_358, %parallel_loop3A_364], %parallel_loop3A_365 {add = true} : memref<320x128xf32, #tpu.memory_space<vmem>>[vector<16xi32>, vector<16xi32>], vector<16xf32>,
      %parallel_loop3A_366 = arith.constant 1 : i32
      %parallel_loop3A_367 = vector.broadcast %parallel_loop3A_366 : i32 to vector<16xi32>
      %parallel_loop3A_368 = arith.addi %parallel_loop3A_364, %parallel_loop3A_367 : vector<16xi32>
      %parallel_loop3A_369 = arith.mulf %parallel_loop3A_347, %parallel_loop3A_353 : vector<16xf32>
      tpu.vector_store_idx %arg16[%parallel_loop3A_358, %parallel_loop3A_368], %parallel_loop3A_369 {add = true} : memref<320x128xf32, #tpu.memory_space<vmem>>[vector<16xi32>, vector<16xi32>], vector<16xf32>,
      %parallel_loop3A_370 = arith.constant 2 : i32
      %parallel_loop3A_371 = vector.broadcast %parallel_loop3A_370 : i32 to vector<16xi32>
      %parallel_loop3A_372 = arith.addi %parallel_loop3A_364, %parallel_loop3A_371 : vector<16xi32>
      %parallel_loop3A_373 = arith.mulf %parallel_loop3A_347, %parallel_loop3A_354 : vector<16xf32>
      tpu.vector_store_idx %arg16[%parallel_loop3A_358, %parallel_loop3A_372], %parallel_loop3A_373 {add = true} : memref<320x128xf32, #tpu.memory_space<vmem>>[vector<16xi32>, vector<16xi32>], vector<16xf32>,
      %parallel_loop3A_374 = arith.constant 3 : i32
      %parallel_loop3A_375 = vector.broadcast %parallel_loop3A_374 : i32 to vector<16xi32>
      %parallel_loop3A_376 = arith.addi %parallel_loop3A_364, %parallel_loop3A_375 : vector<16xi32>
      %parallel_loop3A_377 = arith.mulf %parallel_loop3A_347, %parallel_loop3A_355 : vector<16xf32>
      tpu.vector_store_idx %arg16[%parallel_loop3A_358, %parallel_loop3A_376], %parallel_loop3A_377 {add = true} : memref<320x128xf32, #tpu.memory_space<vmem>>[vector<16xi32>, vector<16xi32>], vector<16xf32>,
    } {sc.loop_unroll_factor = 8 : i64, sc.parallel_access}
    %mul3A_191 = arith.constant 10000 : i32
    %mul3A_192 = arith.muli %add3A, %mul3A_191 : i32
    %add3A_193 = arith.constant 0 : i32
    %add3A_194 = arith.addi %mul3A_192, %add3A_193 : i32
    %multiple_of3A_195 = tpu.assume_multiple %add3A_194, 8 : i32
    %dma_start3A_196 = tpu.memref_slice %arg9[%multiple_of3A_195] : memref<320000xf32, #tpu.memory_space<hbm>> -> memref<2000xf32, #tpu.memory_space<hbm>>
    %dma_start3A_197 = tpu.memref_slice %arg9[%multiple_of3A_195] : memref<320000xf32, #tpu.memory_space<hbm>> -> memref<2000xf32, #tpu.memory_space<hbm>>
    tpu.enqueue_dma source(%arg20 : memref<2000xf32, #tpu.memory_space<vmem>>) target(%dma_start3A_197 : memref<2000xf32, #tpu.memory_space<hbm>>) target_semaphore(%arg29 : memref<!tpu.dma_semaphore, #tpu.memory_space<semaphore_mem>>)
    %dma_wait3A_198 = tpu.memref_slice %arg4[%multiple_of3A_181] : memref<320000xi32, #tpu.memory_space<hbm>> -> memref<2000xi32, #tpu.memory_space<hbm>>
    %dma_wait3A_199 = tpu.memref_slice %arg4[%multiple_of3A_181] : memref<320000xi32, #tpu.memory_space<hbm>> -> memref<2000xi32, #tpu.memory_space<hbm>>
    tpu.wait_dma2 semaphore(%arg30 : memref<!tpu.dma_semaphore, #tpu.memory_space<semaphore_mem>>) src(%dma_wait3A_199 : memref<2000xi32, #tpu.memory_space<hbm>>) dst(%arg21 : memref<2000xi32, #tpu.memory_space<vmem>>)
    %dma_wait3A_200 = tpu.memref_slice %arg5[%multiple_of3A_181] : memref<320000xi32, #tpu.memory_space<hbm>> -> memref<2000xi32, #tpu.memory_space<hbm>>
    %dma_wait3A_201 = tpu.memref_slice %arg5[%multiple_of3A_181] : memref<320000xi32, #tpu.memory_space<hbm>> -> memref<2000xi32, #tpu.memory_space<hbm>>
    tpu.wait_dma2 semaphore(%arg30 : memref<!tpu.dma_semaphore, #tpu.memory_space<semaphore_mem>>) src(%dma_wait3A_201 : memref<2000xi32, #tpu.memory_space<hbm>>) dst(%arg22 : memref<2000xi32, #tpu.memory_space<vmem>>)
    %dma_wait3A_202 = tpu.memref_slice %arg6[%multiple_of3A_181] : memref<320000xf32, #tpu.memory_space<hbm>> -> memref<2000xf32, #tpu.memory_space<hbm>>
    %dma_wait3A_203 = tpu.memref_slice %arg6[%multiple_of3A_181] : memref<320000xf32, #tpu.memory_space<hbm>> -> memref<2000xf32, #tpu.memory_space<hbm>>
    tpu.wait_dma2 semaphore(%arg30 : memref<!tpu.dma_semaphore, #tpu.memory_space<semaphore_mem>>) src(%dma_wait3A_203 : memref<2000xf32, #tpu.memory_space<hbm>>) dst(%arg23 : memref<2000xf32, #tpu.memory_space<vmem>>)
    %mul3A_204 = arith.constant 10000 : i32
    %mul3A_205 = arith.muli %add3A, %mul3A_204 : i32
    %add3A_206 = arith.constant 4000 : i32
    %add3A_207 = arith.addi %mul3A_205, %add3A_206 : i32
    %multiple_of3A_208 = tpu.assume_multiple %add3A_207, 8 : i32
    %dma_start3A_209 = tpu.memref_slice %arg4[%multiple_of3A_208] : memref<320000xi32, #tpu.memory_space<hbm>> -> memref<2000xi32, #tpu.memory_space<hbm>>
    %dma_start3A_210 = tpu.memref_slice %arg4[%multiple_of3A_208] : memref<320000xi32, #tpu.memory_space<hbm>> -> memref<2000xi32, #tpu.memory_space<hbm>>
    tpu.enqueue_dma source(%dma_start3A_210 : memref<2000xi32, #tpu.memory_space<hbm>>) target(%arg17 : memref<2000xi32, #tpu.memory_space<vmem>>) target_semaphore(%arg30 : memref<!tpu.dma_semaphore, #tpu.memory_space<semaphore_mem>>)
    %dma_start3A_211 = tpu.memref_slice %arg5[%multiple_of3A_208] : memref<320000xi32, #tpu.memory_space<hbm>> -> memref<2000xi32, #tpu.memory_space<hbm>>
    %dma_start3A_212 = tpu.memref_slice %arg5[%multiple_of3A_208] : memref<320000xi32, #tpu.memory_space<hbm>> -> memref<2000xi32, #tpu.memory_space<hbm>>
    tpu.enqueue_dma source(%dma_start3A_212 : memref<2000xi32, #tpu.memory_space<hbm>>) target(%arg18 : memref<2000xi32, #tpu.memory_space<vmem>>) target_semaphore(%arg30 : memref<!tpu.dma_semaphore, #tpu.memory_space<semaphore_mem>>)
    %dma_start3A_213 = tpu.memref_slice %arg6[%multiple_of3A_208] : memref<320000xf32, #tpu.memory_space<hbm>> -> memref<2000xf32, #tpu.memory_space<hbm>>
    %dma_start3A_214 = tpu.memref_slice %arg6[%multiple_of3A_208] : memref<320000xf32, #tpu.memory_space<hbm>> -> memref<2000xf32, #tpu.memory_space<hbm>>
    tpu.enqueue_dma source(%dma_start3A_214 : memref<2000xf32, #tpu.memory_space<hbm>>) target(%arg19 : memref<2000xf32, #tpu.memory_space<vmem>>) target_semaphore(%arg30 : memref<!tpu.dma_semaphore, #tpu.memory_space<semaphore_mem>>)
    %dma_wait3A_215 = tpu.memref_slice %arg9[%multiple_of3A_195] : memref<320000xf32, #tpu.memory_space<hbm>> -> memref<2000xf32, #tpu.memory_space<hbm>>
    %dma_wait3A_216 = tpu.memref_slice %arg9[%multiple_of3A_195] : memref<320000xf32, #tpu.memory_space<hbm>> -> memref<2000xf32, #tpu.memory_space<hbm>>
    tpu.wait_dma2 semaphore(%arg29 : memref<!tpu.dma_semaphore, #tpu.memory_space<semaphore_mem>>) src(%arg20 : memref<2000xf32, #tpu.memory_space<vmem>>) dst(%dma_wait3A_216 : memref<2000xf32, #tpu.memory_space<hbm>>)
    %parallel_loop3A_217 = arith.constant 0 : i32
    %parallel_loop3A_218 = arith.constant 125 : i32
    %parallel_loop3A_219 = arith.constant 1 : i32
    scf.for %parallel_loop3A_321 = %parallel_loop3A_217 to %parallel_loop3A_218 step %parallel_loop3A_219  : i32 {
      %parallel_loop3A_322 = arith.constant 16 : i32
      %parallel_loop3A_323 = arith.muli %parallel_loop3A_321, %parallel_loop3A_322 : i32
      %parallel_loop3A_324 = arith.index_cast %parallel_loop3A_323 : i32 to index
      %parallel_loop3A_325 = tpu.vector_load %arg21[%parallel_loop3A_324] {strides = array<i32>} : memref<2000xi32, #tpu.memory_space<vmem>>, vector<16xi32>,
      %parallel_loop3A_326 = arith.constant 16 : i32
      %parallel_loop3A_327 = arith.muli %parallel_loop3A_321, %parallel_loop3A_326 : i32
      %parallel_loop3A_328 = arith.index_cast %parallel_loop3A_327 : i32 to index
      %parallel_loop3A_329 = tpu.vector_load %arg22[%parallel_loop3A_328] {strides = array<i32>} : memref<2000xi32, #tpu.memory_space<vmem>>, vector<16xi32>,
      %parallel_loop3A_330 = tpu.vector_load_idx %arg14[%parallel_loop3A_325] : memref<10240xf32, #tpu.memory_space<vmem>>[vector<16xi32>], vector<16xf32>,
      %parallel_loop3A_331 = tpu.vector_load_idx %arg15[%parallel_loop3A_329] : memref<10240xf32, #tpu.memory_space<vmem>>[vector<16xi32>], vector<16xf32>,
      %parallel_loop3A_332 = arith.addf %parallel_loop3A_330, %parallel_loop3A_331 : vector<16xf32>
      %parallel_loop3A_333 = arith.constant 16 : i32
      %parallel_loop3A_334 = arith.muli %parallel_loop3A_321, %parallel_loop3A_333 : i32
      %parallel_loop3A_335 = arith.index_cast %parallel_loop3A_334 : i32 to index
      %parallel_loop3A_336 = tpu.vector_load %arg23[%parallel_loop3A_335] {strides = array<i32>} : memref<2000xf32, #tpu.memory_space<vmem>>, vector<16xf32>,
      %parallel_loop3A_337 = arith.addf %parallel_loop3A_332, %parallel_loop3A_336 : vector<16xf32>
      %parallel_loop3A_338 = arith.constant 0.000000e+00 : f32
      %parallel_loop3A_339 = vector.broadcast %parallel_loop3A_338 : f32 to vector<16xf32>
      %parallel_loop3A_340 = arith.subf %parallel_loop3A_339, %parallel_loop3A_337 : vector<16xf32>
      %parallel_loop3A_341 = math.exp %parallel_loop3A_340 : vector<16xf32>
      %parallel_loop3A_342 = arith.constant 1.000000e+00 : f32
      %parallel_loop3A_343 = vector.broadcast %parallel_loop3A_342 : f32 to vector<16xf32>
      %parallel_loop3A_344 = arith.addf %parallel_loop3A_343, %parallel_loop3A_341 : vector<16xf32>
      %parallel_loop3A_345 = arith.constant 1.000000e+00 : f32
      %parallel_loop3A_346 = vector.broadcast %parallel_loop3A_345 : f32 to vector<16xf32>
      %parallel_loop3A_347 = arith.divf %parallel_loop3A_346, %parallel_loop3A_344 : vector<16xf32>
      %parallel_loop3A_348 = arith.constant 16 : i32
      %parallel_loop3A_349 = arith.muli %parallel_loop3A_321, %parallel_loop3A_348 : i32
      %parallel_loop3A_350 = arith.index_cast %parallel_loop3A_349 : i32 to index
      %parallel_loop3A_351 = tpu.vector_load %arg24[%parallel_loop3A_350] {strides = array<i32>} : memref<2000xf32, #tpu.memory_space<vmem>>, vector<16xf32>,
      tpu.vector_store %arg24[%parallel_loop3A_350], %parallel_loop3A_347 {strides = array<i32>} : memref<2000xf32, #tpu.memory_space<vmem>>, vector<16xf32>,
      %parallel_loop3A_352 = tpu.vector_load_idx %arg12[%parallel_loop3A_325] : memref<10240xf32, #tpu.memory_space<vmem>>[vector<16xi32>], vector<16xf32>,
      %parallel_loop3A_353 = tpu.vector_load_idx %arg13[%parallel_loop3A_325] : memref<10240xf32, #tpu.memory_space<vmem>>[vector<16xi32>], vector<16xf32>,
      %parallel_loop3A_354 = tpu.vector_load_idx %arg10[%parallel_loop3A_325] : memref<10240xf32, #tpu.memory_space<vmem>>[vector<16xi32>], vector<16xf32>,
      %parallel_loop3A_355 = tpu.vector_load_idx %arg11[%parallel_loop3A_325] : memref<10240xf32, #tpu.memory_space<vmem>>[vector<16xi32>], vector<16xf32>,
      %parallel_loop3A_356 = arith.constant 5 : i32
      %parallel_loop3A_357 = vector.broadcast %parallel_loop3A_356 : i32 to vector<16xi32>
      %parallel_loop3A_358 = arith.shrui %parallel_loop3A_329, %parallel_loop3A_357 : vector<16xi32>
      %parallel_loop3A_359 = arith.constant 31 : i32
      %parallel_loop3A_360 = vector.broadcast %parallel_loop3A_359 : i32 to vector<16xi32>
      %parallel_loop3A_361 = arith.andi %parallel_loop3A_329, %parallel_loop3A_360 : vector<16xi32>
      %parallel_loop3A_362 = arith.constant 2 : i32
      %parallel_loop3A_363 = vector.broadcast %parallel_loop3A_362 : i32 to vector<16xi32>
      %parallel_loop3A_364 = arith.shli %parallel_loop3A_361, %parallel_loop3A_363 : vector<16xi32>
      %parallel_loop3A_365 = arith.mulf %parallel_loop3A_347, %parallel_loop3A_352 : vector<16xf32>
      tpu.vector_store_idx %arg16[%parallel_loop3A_358, %parallel_loop3A_364], %parallel_loop3A_365 {add = true} : memref<320x128xf32, #tpu.memory_space<vmem>>[vector<16xi32>, vector<16xi32>], vector<16xf32>,
      %parallel_loop3A_366 = arith.constant 1 : i32
      %parallel_loop3A_367 = vector.broadcast %parallel_loop3A_366 : i32 to vector<16xi32>
      %parallel_loop3A_368 = arith.addi %parallel_loop3A_364, %parallel_loop3A_367 : vector<16xi32>
      %parallel_loop3A_369 = arith.mulf %parallel_loop3A_347, %parallel_loop3A_353 : vector<16xf32>
      tpu.vector_store_idx %arg16[%parallel_loop3A_358, %parallel_loop3A_368], %parallel_loop3A_369 {add = true} : memref<320x128xf32, #tpu.memory_space<vmem>>[vector<16xi32>, vector<16xi32>], vector<16xf32>,
      %parallel_loop3A_370 = arith.constant 2 : i32
      %parallel_loop3A_371 = vector.broadcast %parallel_loop3A_370 : i32 to vector<16xi32>
      %parallel_loop3A_372 = arith.addi %parallel_loop3A_364, %parallel_loop3A_371 : vector<16xi32>
      %parallel_loop3A_373 = arith.mulf %parallel_loop3A_347, %parallel_loop3A_354 : vector<16xf32>
      tpu.vector_store_idx %arg16[%parallel_loop3A_358, %parallel_loop3A_372], %parallel_loop3A_373 {add = true} : memref<320x128xf32, #tpu.memory_space<vmem>>[vector<16xi32>, vector<16xi32>], vector<16xf32>,
      %parallel_loop3A_374 = arith.constant 3 : i32
      %parallel_loop3A_375 = vector.broadcast %parallel_loop3A_374 : i32 to vector<16xi32>
      %parallel_loop3A_376 = arith.addi %parallel_loop3A_364, %parallel_loop3A_375 : vector<16xi32>
      %parallel_loop3A_377 = arith.mulf %parallel_loop3A_347, %parallel_loop3A_355 : vector<16xf32>
      tpu.vector_store_idx %arg16[%parallel_loop3A_358, %parallel_loop3A_376], %parallel_loop3A_377 {add = true} : memref<320x128xf32, #tpu.memory_space<vmem>>[vector<16xi32>, vector<16xi32>], vector<16xf32>,
    } {sc.loop_unroll_factor = 8 : i64, sc.parallel_access}
    %mul3A_220 = arith.constant 10000 : i32
    %mul3A_221 = arith.muli %add3A, %mul3A_220 : i32
    %add3A_222 = arith.constant 2000 : i32
    %add3A_223 = arith.addi %mul3A_221, %add3A_222 : i32
    %multiple_of3A_224 = tpu.assume_multiple %add3A_223, 8 : i32
    %dma_start3A_225 = tpu.memref_slice %arg9[%multiple_of3A_224] : memref<320000xf32, #tpu.memory_space<hbm>> -> memref<2000xf32, #tpu.memory_space<hbm>>
    %dma_start3A_226 = tpu.memref_slice %arg9[%multiple_of3A_224] : memref<320000xf32, #tpu.memory_space<hbm>> -> memref<2000xf32, #tpu.memory_space<hbm>>
    tpu.enqueue_dma source(%arg24 : memref<2000xf32, #tpu.memory_space<vmem>>) target(%dma_start3A_226 : memref<2000xf32, #tpu.memory_space<hbm>>) target_semaphore(%arg29 : memref<!tpu.dma_semaphore, #tpu.memory_space<semaphore_mem>>)
    %dma_wait3A_227 = tpu.memref_slice %arg4[%multiple_of3A_208] : memref<320000xi32, #tpu.memory_space<hbm>> -> memref<2000xi32, #tpu.memory_space<hbm>>
    %dma_wait3A_228 = tpu.memref_slice %arg4[%multiple_of3A_208] : memref<320000xi32, #tpu.memory_space<hbm>> -> memref<2000xi32, #tpu.memory_space<hbm>>
    tpu.wait_dma2 semaphore(%arg30 : memref<!tpu.dma_semaphore, #tpu.memory_space<semaphore_mem>>) src(%dma_wait3A_228 : memref<2000xi32, #tpu.memory_space<hbm>>) dst(%arg17 : memref<2000xi32, #tpu.memory_space<vmem>>)
    %dma_wait3A_229 = tpu.memref_slice %arg5[%multiple_of3A_208] : memref<320000xi32, #tpu.memory_space<hbm>> -> memref<2000xi32, #tpu.memory_space<hbm>>
    %dma_wait3A_230 = tpu.memref_slice %arg5[%multiple_of3A_208] : memref<320000xi32, #tpu.memory_space<hbm>> -> memref<2000xi32, #tpu.memory_space<hbm>>
    tpu.wait_dma2 semaphore(%arg30 : memref<!tpu.dma_semaphore, #tpu.memory_space<semaphore_mem>>) src(%dma_wait3A_230 : memref<2000xi32, #tpu.memory_space<hbm>>) dst(%arg18 : memref<2000xi32, #tpu.memory_space<vmem>>)
    %dma_wait3A_231 = tpu.memref_slice %arg6[%multiple_of3A_208] : memref<320000xf32, #tpu.memory_space<hbm>> -> memref<2000xf32, #tpu.memory_space<hbm>>
    %dma_wait3A_232 = tpu.memref_slice %arg6[%multiple_of3A_208] : memref<320000xf32, #tpu.memory_space<hbm>> -> memref<2000xf32, #tpu.memory_space<hbm>>
    tpu.wait_dma2 semaphore(%arg30 : memref<!tpu.dma_semaphore, #tpu.memory_space<semaphore_mem>>) src(%dma_wait3A_232 : memref<2000xf32, #tpu.memory_space<hbm>>) dst(%arg19 : memref<2000xf32, #tpu.memory_space<vmem>>)
    %mul3A_233 = arith.constant 10000 : i32
    %mul3A_234 = arith.muli %add3A, %mul3A_233 : i32
    %add3A_235 = arith.constant 6000 : i32
    %add3A_236 = arith.addi %mul3A_234, %add3A_235 : i32
    %multiple_of3A_237 = tpu.assume_multiple %add3A_236, 8 : i32
    %dma_start3A_238 = tpu.memref_slice %arg4[%multiple_of3A_237] : memref<320000xi32, #tpu.memory_space<hbm>> -> memref<2000xi32, #tpu.memory_space<hbm>>
    %dma_start3A_239 = tpu.memref_slice %arg4[%multiple_of3A_237] : memref<320000xi32, #tpu.memory_space<hbm>> -> memref<2000xi32, #tpu.memory_space<hbm>>
    tpu.enqueue_dma source(%dma_start3A_239 : memref<2000xi32, #tpu.memory_space<hbm>>) target(%arg21 : memref<2000xi32, #tpu.memory_space<vmem>>) target_semaphore(%arg30 : memref<!tpu.dma_semaphore, #tpu.memory_space<semaphore_mem>>)
    %dma_start3A_240 = tpu.memref_slice %arg5[%multiple_of3A_237] : memref<320000xi32, #tpu.memory_space<hbm>> -> memref<2000xi32, #tpu.memory_space<hbm>>
    %dma_start3A_241 = tpu.memref_slice %arg5[%multiple_of3A_237] : memref<320000xi32, #tpu.memory_space<hbm>> -> memref<2000xi32, #tpu.memory_space<hbm>>
    tpu.enqueue_dma source(%dma_start3A_241 : memref<2000xi32, #tpu.memory_space<hbm>>) target(%arg22 : memref<2000xi32, #tpu.memory_space<vmem>>) target_semaphore(%arg30 : memref<!tpu.dma_semaphore, #tpu.memory_space<semaphore_mem>>)
    %dma_start3A_242 = tpu.memref_slice %arg6[%multiple_of3A_237] : memref<320000xf32, #tpu.memory_space<hbm>> -> memref<2000xf32, #tpu.memory_space<hbm>>
    %dma_start3A_243 = tpu.memref_slice %arg6[%multiple_of3A_237] : memref<320000xf32, #tpu.memory_space<hbm>> -> memref<2000xf32, #tpu.memory_space<hbm>>
    tpu.enqueue_dma source(%dma_start3A_243 : memref<2000xf32, #tpu.memory_space<hbm>>) target(%arg23 : memref<2000xf32, #tpu.memory_space<vmem>>) target_semaphore(%arg30 : memref<!tpu.dma_semaphore, #tpu.memory_space<semaphore_mem>>)
    %dma_wait3A_244 = tpu.memref_slice %arg9[%multiple_of3A_224] : memref<320000xf32, #tpu.memory_space<hbm>> -> memref<2000xf32, #tpu.memory_space<hbm>>
    %dma_wait3A_245 = tpu.memref_slice %arg9[%multiple_of3A_224] : memref<320000xf32, #tpu.memory_space<hbm>> -> memref<2000xf32, #tpu.memory_space<hbm>>
    tpu.wait_dma2 semaphore(%arg29 : memref<!tpu.dma_semaphore, #tpu.memory_space<semaphore_mem>>) src(%arg24 : memref<2000xf32, #tpu.memory_space<vmem>>) dst(%dma_wait3A_245 : memref<2000xf32, #tpu.memory_space<hbm>>)
    %parallel_loop3A_246 = arith.constant 0 : i32
    %parallel_loop3A_247 = arith.constant 125 : i32
    %parallel_loop3A_248 = arith.constant 1 : i32
    scf.for %parallel_loop3A_321 = %parallel_loop3A_246 to %parallel_loop3A_247 step %parallel_loop3A_248  : i32 {
      %parallel_loop3A_322 = arith.constant 16 : i32
      %parallel_loop3A_323 = arith.muli %parallel_loop3A_321, %parallel_loop3A_322 : i32
      %parallel_loop3A_324 = arith.index_cast %parallel_loop3A_323 : i32 to index
      %parallel_loop3A_325 = tpu.vector_load %arg17[%parallel_loop3A_324] {strides = array<i32>} : memref<2000xi32, #tpu.memory_space<vmem>>, vector<16xi32>,
      %parallel_loop3A_326 = arith.constant 16 : i32
      %parallel_loop3A_327 = arith.muli %parallel_loop3A_321, %parallel_loop3A_326 : i32
      %parallel_loop3A_328 = arith.index_cast %parallel_loop3A_327 : i32 to index
      %parallel_loop3A_329 = tpu.vector_load %arg18[%parallel_loop3A_328] {strides = array<i32>} : memref<2000xi32, #tpu.memory_space<vmem>>, vector<16xi32>,
      %parallel_loop3A_330 = tpu.vector_load_idx %arg14[%parallel_loop3A_325] : memref<10240xf32, #tpu.memory_space<vmem>>[vector<16xi32>], vector<16xf32>,
      %parallel_loop3A_331 = tpu.vector_load_idx %arg15[%parallel_loop3A_329] : memref<10240xf32, #tpu.memory_space<vmem>>[vector<16xi32>], vector<16xf32>,
      %parallel_loop3A_332 = arith.addf %parallel_loop3A_330, %parallel_loop3A_331 : vector<16xf32>
      %parallel_loop3A_333 = arith.constant 16 : i32
      %parallel_loop3A_334 = arith.muli %parallel_loop3A_321, %parallel_loop3A_333 : i32
      %parallel_loop3A_335 = arith.index_cast %parallel_loop3A_334 : i32 to index
      %parallel_loop3A_336 = tpu.vector_load %arg19[%parallel_loop3A_335] {strides = array<i32>} : memref<2000xf32, #tpu.memory_space<vmem>>, vector<16xf32>,
      %parallel_loop3A_337 = arith.addf %parallel_loop3A_332, %parallel_loop3A_336 : vector<16xf32>
      %parallel_loop3A_338 = arith.constant 0.000000e+00 : f32
      %parallel_loop3A_339 = vector.broadcast %parallel_loop3A_338 : f32 to vector<16xf32>
      %parallel_loop3A_340 = arith.subf %parallel_loop3A_339, %parallel_loop3A_337 : vector<16xf32>
      %parallel_loop3A_341 = math.exp %parallel_loop3A_340 : vector<16xf32>
      %parallel_loop3A_342 = arith.constant 1.000000e+00 : f32
      %parallel_loop3A_343 = vector.broadcast %parallel_loop3A_342 : f32 to vector<16xf32>
      %parallel_loop3A_344 = arith.addf %parallel_loop3A_343, %parallel_loop3A_341 : vector<16xf32>
      %parallel_loop3A_345 = arith.constant 1.000000e+00 : f32
      %parallel_loop3A_346 = vector.broadcast %parallel_loop3A_345 : f32 to vector<16xf32>
      %parallel_loop3A_347 = arith.divf %parallel_loop3A_346, %parallel_loop3A_344 : vector<16xf32>
      %parallel_loop3A_348 = arith.constant 16 : i32
      %parallel_loop3A_349 = arith.muli %parallel_loop3A_321, %parallel_loop3A_348 : i32
      %parallel_loop3A_350 = arith.index_cast %parallel_loop3A_349 : i32 to index
      %parallel_loop3A_351 = tpu.vector_load %arg20[%parallel_loop3A_350] {strides = array<i32>} : memref<2000xf32, #tpu.memory_space<vmem>>, vector<16xf32>,
      tpu.vector_store %arg20[%parallel_loop3A_350], %parallel_loop3A_347 {strides = array<i32>} : memref<2000xf32, #tpu.memory_space<vmem>>, vector<16xf32>,
      %parallel_loop3A_352 = tpu.vector_load_idx %arg12[%parallel_loop3A_325] : memref<10240xf32, #tpu.memory_space<vmem>>[vector<16xi32>], vector<16xf32>,
      %parallel_loop3A_353 = tpu.vector_load_idx %arg13[%parallel_loop3A_325] : memref<10240xf32, #tpu.memory_space<vmem>>[vector<16xi32>], vector<16xf32>,
      %parallel_loop3A_354 = tpu.vector_load_idx %arg10[%parallel_loop3A_325] : memref<10240xf32, #tpu.memory_space<vmem>>[vector<16xi32>], vector<16xf32>,
      %parallel_loop3A_355 = tpu.vector_load_idx %arg11[%parallel_loop3A_325] : memref<10240xf32, #tpu.memory_space<vmem>>[vector<16xi32>], vector<16xf32>,
      %parallel_loop3A_356 = arith.constant 5 : i32
      %parallel_loop3A_357 = vector.broadcast %parallel_loop3A_356 : i32 to vector<16xi32>
      %parallel_loop3A_358 = arith.shrui %parallel_loop3A_329, %parallel_loop3A_357 : vector<16xi32>
      %parallel_loop3A_359 = arith.constant 31 : i32
      %parallel_loop3A_360 = vector.broadcast %parallel_loop3A_359 : i32 to vector<16xi32>
      %parallel_loop3A_361 = arith.andi %parallel_loop3A_329, %parallel_loop3A_360 : vector<16xi32>
      %parallel_loop3A_362 = arith.constant 2 : i32
      %parallel_loop3A_363 = vector.broadcast %parallel_loop3A_362 : i32 to vector<16xi32>
      %parallel_loop3A_364 = arith.shli %parallel_loop3A_361, %parallel_loop3A_363 : vector<16xi32>
      %parallel_loop3A_365 = arith.mulf %parallel_loop3A_347, %parallel_loop3A_352 : vector<16xf32>
      tpu.vector_store_idx %arg16[%parallel_loop3A_358, %parallel_loop3A_364], %parallel_loop3A_365 {add = true} : memref<320x128xf32, #tpu.memory_space<vmem>>[vector<16xi32>, vector<16xi32>], vector<16xf32>,
      %parallel_loop3A_366 = arith.constant 1 : i32
      %parallel_loop3A_367 = vector.broadcast %parallel_loop3A_366 : i32 to vector<16xi32>
      %parallel_loop3A_368 = arith.addi %parallel_loop3A_364, %parallel_loop3A_367 : vector<16xi32>
      %parallel_loop3A_369 = arith.mulf %parallel_loop3A_347, %parallel_loop3A_353 : vector<16xf32>
      tpu.vector_store_idx %arg16[%parallel_loop3A_358, %parallel_loop3A_368], %parallel_loop3A_369 {add = true} : memref<320x128xf32, #tpu.memory_space<vmem>>[vector<16xi32>, vector<16xi32>], vector<16xf32>,
      %parallel_loop3A_370 = arith.constant 2 : i32
      %parallel_loop3A_371 = vector.broadcast %parallel_loop3A_370 : i32 to vector<16xi32>
      %parallel_loop3A_372 = arith.addi %parallel_loop3A_364, %parallel_loop3A_371 : vector<16xi32>
      %parallel_loop3A_373 = arith.mulf %parallel_loop3A_347, %parallel_loop3A_354 : vector<16xf32>
      tpu.vector_store_idx %arg16[%parallel_loop3A_358, %parallel_loop3A_372], %parallel_loop3A_373 {add = true} : memref<320x128xf32, #tpu.memory_space<vmem>>[vector<16xi32>, vector<16xi32>], vector<16xf32>,
      %parallel_loop3A_374 = arith.constant 3 : i32
      %parallel_loop3A_375 = vector.broadcast %parallel_loop3A_374 : i32 to vector<16xi32>
      %parallel_loop3A_376 = arith.addi %parallel_loop3A_364, %parallel_loop3A_375 : vector<16xi32>
      %parallel_loop3A_377 = arith.mulf %parallel_loop3A_347, %parallel_loop3A_355 : vector<16xf32>
      tpu.vector_store_idx %arg16[%parallel_loop3A_358, %parallel_loop3A_376], %parallel_loop3A_377 {add = true} : memref<320x128xf32, #tpu.memory_space<vmem>>[vector<16xi32>, vector<16xi32>], vector<16xf32>,
    } {sc.loop_unroll_factor = 8 : i64, sc.parallel_access}
    %mul3A_249 = arith.constant 10000 : i32
    %mul3A_250 = arith.muli %add3A, %mul3A_249 : i32
    %add3A_251 = arith.constant 4000 : i32
    %add3A_252 = arith.addi %mul3A_250, %add3A_251 : i32
    %multiple_of3A_253 = tpu.assume_multiple %add3A_252, 8 : i32
    %dma_start3A_254 = tpu.memref_slice %arg9[%multiple_of3A_253] : memref<320000xf32, #tpu.memory_space<hbm>> -> memref<2000xf32, #tpu.memory_space<hbm>>
    %dma_start3A_255 = tpu.memref_slice %arg9[%multiple_of3A_253] : memref<320000xf32, #tpu.memory_space<hbm>> -> memref<2000xf32, #tpu.memory_space<hbm>>
    tpu.enqueue_dma source(%arg20 : memref<2000xf32, #tpu.memory_space<vmem>>) target(%dma_start3A_255 : memref<2000xf32, #tpu.memory_space<hbm>>) target_semaphore(%arg29 : memref<!tpu.dma_semaphore, #tpu.memory_space<semaphore_mem>>)
    %dma_wait3A_256 = tpu.memref_slice %arg4[%multiple_of3A_237] : memref<320000xi32, #tpu.memory_space<hbm>> -> memref<2000xi32, #tpu.memory_space<hbm>>
    %dma_wait3A_257 = tpu.memref_slice %arg4[%multiple_of3A_237] : memref<320000xi32, #tpu.memory_space<hbm>> -> memref<2000xi32, #tpu.memory_space<hbm>>
    tpu.wait_dma2 semaphore(%arg30 : memref<!tpu.dma_semaphore, #tpu.memory_space<semaphore_mem>>) src(%dma_wait3A_257 : memref<2000xi32, #tpu.memory_space<hbm>>) dst(%arg21 : memref<2000xi32, #tpu.memory_space<vmem>>)
    %dma_wait3A_258 = tpu.memref_slice %arg5[%multiple_of3A_237] : memref<320000xi32, #tpu.memory_space<hbm>> -> memref<2000xi32, #tpu.memory_space<hbm>>
    %dma_wait3A_259 = tpu.memref_slice %arg5[%multiple_of3A_237] : memref<320000xi32, #tpu.memory_space<hbm>> -> memref<2000xi32, #tpu.memory_space<hbm>>
    tpu.wait_dma2 semaphore(%arg30 : memref<!tpu.dma_semaphore, #tpu.memory_space<semaphore_mem>>) src(%dma_wait3A_259 : memref<2000xi32, #tpu.memory_space<hbm>>) dst(%arg22 : memref<2000xi32, #tpu.memory_space<vmem>>)
    %dma_wait3A_260 = tpu.memref_slice %arg6[%multiple_of3A_237] : memref<320000xf32, #tpu.memory_space<hbm>> -> memref<2000xf32, #tpu.memory_space<hbm>>
    %dma_wait3A_261 = tpu.memref_slice %arg6[%multiple_of3A_237] : memref<320000xf32, #tpu.memory_space<hbm>> -> memref<2000xf32, #tpu.memory_space<hbm>>
    tpu.wait_dma2 semaphore(%arg30 : memref<!tpu.dma_semaphore, #tpu.memory_space<semaphore_mem>>) src(%dma_wait3A_261 : memref<2000xf32, #tpu.memory_space<hbm>>) dst(%arg23 : memref<2000xf32, #tpu.memory_space<vmem>>)
    %mul3A_262 = arith.constant 10000 : i32
    %mul3A_263 = arith.muli %add3A, %mul3A_262 : i32
    %add3A_264 = arith.constant 8000 : i32
    %add3A_265 = arith.addi %mul3A_263, %add3A_264 : i32
    %multiple_of3A_266 = tpu.assume_multiple %add3A_265, 8 : i32
    %dma_start3A_267 = tpu.memref_slice %arg4[%multiple_of3A_266] : memref<320000xi32, #tpu.memory_space<hbm>> -> memref<2000xi32, #tpu.memory_space<hbm>>
    %dma_start3A_268 = tpu.memref_slice %arg4[%multiple_of3A_266] : memref<320000xi32, #tpu.memory_space<hbm>> -> memref<2000xi32, #tpu.memory_space<hbm>>
    tpu.enqueue_dma source(%dma_start3A_268 : memref<2000xi32, #tpu.memory_space<hbm>>) target(%arg17 : memref<2000xi32, #tpu.memory_space<vmem>>) target_semaphore(%arg30 : memref<!tpu.dma_semaphore, #tpu.memory_space<semaphore_mem>>)
    %dma_start3A_269 = tpu.memref_slice %arg5[%multiple_of3A_266] : memref<320000xi32, #tpu.memory_space<hbm>> -> memref<2000xi32, #tpu.memory_space<hbm>>
    %dma_start3A_270 = tpu.memref_slice %arg5[%multiple_of3A_266] : memref<320000xi32, #tpu.memory_space<hbm>> -> memref<2000xi32, #tpu.memory_space<hbm>>
    tpu.enqueue_dma source(%dma_start3A_270 : memref<2000xi32, #tpu.memory_space<hbm>>) target(%arg18 : memref<2000xi32, #tpu.memory_space<vmem>>) target_semaphore(%arg30 : memref<!tpu.dma_semaphore, #tpu.memory_space<semaphore_mem>>)
    %dma_start3A_271 = tpu.memref_slice %arg6[%multiple_of3A_266] : memref<320000xf32, #tpu.memory_space<hbm>> -> memref<2000xf32, #tpu.memory_space<hbm>>
    %dma_start3A_272 = tpu.memref_slice %arg6[%multiple_of3A_266] : memref<320000xf32, #tpu.memory_space<hbm>> -> memref<2000xf32, #tpu.memory_space<hbm>>
    tpu.enqueue_dma source(%dma_start3A_272 : memref<2000xf32, #tpu.memory_space<hbm>>) target(%arg19 : memref<2000xf32, #tpu.memory_space<vmem>>) target_semaphore(%arg30 : memref<!tpu.dma_semaphore, #tpu.memory_space<semaphore_mem>>)
    %dma_wait3A_273 = tpu.memref_slice %arg9[%multiple_of3A_253] : memref<320000xf32, #tpu.memory_space<hbm>> -> memref<2000xf32, #tpu.memory_space<hbm>>
    %dma_wait3A_274 = tpu.memref_slice %arg9[%multiple_of3A_253] : memref<320000xf32, #tpu.memory_space<hbm>> -> memref<2000xf32, #tpu.memory_space<hbm>>
    tpu.wait_dma2 semaphore(%arg29 : memref<!tpu.dma_semaphore, #tpu.memory_space<semaphore_mem>>) src(%arg20 : memref<2000xf32, #tpu.memory_space<vmem>>) dst(%dma_wait3A_274 : memref<2000xf32, #tpu.memory_space<hbm>>)
    %parallel_loop3A_275 = arith.constant 0 : i32
    %parallel_loop3A_276 = arith.constant 125 : i32
    %parallel_loop3A_277 = arith.constant 1 : i32
    scf.for %parallel_loop3A_321 = %parallel_loop3A_275 to %parallel_loop3A_276 step %parallel_loop3A_277  : i32 {
      %parallel_loop3A_322 = arith.constant 16 : i32
      %parallel_loop3A_323 = arith.muli %parallel_loop3A_321, %parallel_loop3A_322 : i32
      %parallel_loop3A_324 = arith.index_cast %parallel_loop3A_323 : i32 to index
      %parallel_loop3A_325 = tpu.vector_load %arg21[%parallel_loop3A_324] {strides = array<i32>} : memref<2000xi32, #tpu.memory_space<vmem>>, vector<16xi32>,
      %parallel_loop3A_326 = arith.constant 16 : i32
      %parallel_loop3A_327 = arith.muli %parallel_loop3A_321, %parallel_loop3A_326 : i32
      %parallel_loop3A_328 = arith.index_cast %parallel_loop3A_327 : i32 to index
      %parallel_loop3A_329 = tpu.vector_load %arg22[%parallel_loop3A_328] {strides = array<i32>} : memref<2000xi32, #tpu.memory_space<vmem>>, vector<16xi32>,
      %parallel_loop3A_330 = tpu.vector_load_idx %arg14[%parallel_loop3A_325] : memref<10240xf32, #tpu.memory_space<vmem>>[vector<16xi32>], vector<16xf32>,
      %parallel_loop3A_331 = tpu.vector_load_idx %arg15[%parallel_loop3A_329] : memref<10240xf32, #tpu.memory_space<vmem>>[vector<16xi32>], vector<16xf32>,
      %parallel_loop3A_332 = arith.addf %parallel_loop3A_330, %parallel_loop3A_331 : vector<16xf32>
      %parallel_loop3A_333 = arith.constant 16 : i32
      %parallel_loop3A_334 = arith.muli %parallel_loop3A_321, %parallel_loop3A_333 : i32
      %parallel_loop3A_335 = arith.index_cast %parallel_loop3A_334 : i32 to index
      %parallel_loop3A_336 = tpu.vector_load %arg23[%parallel_loop3A_335] {strides = array<i32>} : memref<2000xf32, #tpu.memory_space<vmem>>, vector<16xf32>,
      %parallel_loop3A_337 = arith.addf %parallel_loop3A_332, %parallel_loop3A_336 : vector<16xf32>
      %parallel_loop3A_338 = arith.constant 0.000000e+00 : f32
      %parallel_loop3A_339 = vector.broadcast %parallel_loop3A_338 : f32 to vector<16xf32>
      %parallel_loop3A_340 = arith.subf %parallel_loop3A_339, %parallel_loop3A_337 : vector<16xf32>
      %parallel_loop3A_341 = math.exp %parallel_loop3A_340 : vector<16xf32>
      %parallel_loop3A_342 = arith.constant 1.000000e+00 : f32
      %parallel_loop3A_343 = vector.broadcast %parallel_loop3A_342 : f32 to vector<16xf32>
      %parallel_loop3A_344 = arith.addf %parallel_loop3A_343, %parallel_loop3A_341 : vector<16xf32>
      %parallel_loop3A_345 = arith.constant 1.000000e+00 : f32
      %parallel_loop3A_346 = vector.broadcast %parallel_loop3A_345 : f32 to vector<16xf32>
      %parallel_loop3A_347 = arith.divf %parallel_loop3A_346, %parallel_loop3A_344 : vector<16xf32>
      %parallel_loop3A_348 = arith.constant 16 : i32
      %parallel_loop3A_349 = arith.muli %parallel_loop3A_321, %parallel_loop3A_348 : i32
      %parallel_loop3A_350 = arith.index_cast %parallel_loop3A_349 : i32 to index
      %parallel_loop3A_351 = tpu.vector_load %arg24[%parallel_loop3A_350] {strides = array<i32>} : memref<2000xf32, #tpu.memory_space<vmem>>, vector<16xf32>,
      tpu.vector_store %arg24[%parallel_loop3A_350], %parallel_loop3A_347 {strides = array<i32>} : memref<2000xf32, #tpu.memory_space<vmem>>, vector<16xf32>,
      %parallel_loop3A_352 = tpu.vector_load_idx %arg12[%parallel_loop3A_325] : memref<10240xf32, #tpu.memory_space<vmem>>[vector<16xi32>], vector<16xf32>,
      %parallel_loop3A_353 = tpu.vector_load_idx %arg13[%parallel_loop3A_325] : memref<10240xf32, #tpu.memory_space<vmem>>[vector<16xi32>], vector<16xf32>,
      %parallel_loop3A_354 = tpu.vector_load_idx %arg10[%parallel_loop3A_325] : memref<10240xf32, #tpu.memory_space<vmem>>[vector<16xi32>], vector<16xf32>,
      %parallel_loop3A_355 = tpu.vector_load_idx %arg11[%parallel_loop3A_325] : memref<10240xf32, #tpu.memory_space<vmem>>[vector<16xi32>], vector<16xf32>,
      %parallel_loop3A_356 = arith.constant 5 : i32
      %parallel_loop3A_357 = vector.broadcast %parallel_loop3A_356 : i32 to vector<16xi32>
      %parallel_loop3A_358 = arith.shrui %parallel_loop3A_329, %parallel_loop3A_357 : vector<16xi32>
      %parallel_loop3A_359 = arith.constant 31 : i32
      %parallel_loop3A_360 = vector.broadcast %parallel_loop3A_359 : i32 to vector<16xi32>
      %parallel_loop3A_361 = arith.andi %parallel_loop3A_329, %parallel_loop3A_360 : vector<16xi32>
      %parallel_loop3A_362 = arith.constant 2 : i32
      %parallel_loop3A_363 = vector.broadcast %parallel_loop3A_362 : i32 to vector<16xi32>
      %parallel_loop3A_364 = arith.shli %parallel_loop3A_361, %parallel_loop3A_363 : vector<16xi32>
      %parallel_loop3A_365 = arith.mulf %parallel_loop3A_347, %parallel_loop3A_352 : vector<16xf32>
      tpu.vector_store_idx %arg16[%parallel_loop3A_358, %parallel_loop3A_364], %parallel_loop3A_365 {add = true} : memref<320x128xf32, #tpu.memory_space<vmem>>[vector<16xi32>, vector<16xi32>], vector<16xf32>,
      %parallel_loop3A_366 = arith.constant 1 : i32
      %parallel_loop3A_367 = vector.broadcast %parallel_loop3A_366 : i32 to vector<16xi32>
      %parallel_loop3A_368 = arith.addi %parallel_loop3A_364, %parallel_loop3A_367 : vector<16xi32>
      %parallel_loop3A_369 = arith.mulf %parallel_loop3A_347, %parallel_loop3A_353 : vector<16xf32>
      tpu.vector_store_idx %arg16[%parallel_loop3A_358, %parallel_loop3A_368], %parallel_loop3A_369 {add = true} : memref<320x128xf32, #tpu.memory_space<vmem>>[vector<16xi32>, vector<16xi32>], vector<16xf32>,
      %parallel_loop3A_370 = arith.constant 2 : i32
      %parallel_loop3A_371 = vector.broadcast %parallel_loop3A_370 : i32 to vector<16xi32>
      %parallel_loop3A_372 = arith.addi %parallel_loop3A_364, %parallel_loop3A_371 : vector<16xi32>
      %parallel_loop3A_373 = arith.mulf %parallel_loop3A_347, %parallel_loop3A_354 : vector<16xf32>
      tpu.vector_store_idx %arg16[%parallel_loop3A_358, %parallel_loop3A_372], %parallel_loop3A_373 {add = true} : memref<320x128xf32, #tpu.memory_space<vmem>>[vector<16xi32>, vector<16xi32>], vector<16xf32>,
      %parallel_loop3A_374 = arith.constant 3 : i32
      %parallel_loop3A_375 = vector.broadcast %parallel_loop3A_374 : i32 to vector<16xi32>
      %parallel_loop3A_376 = arith.addi %parallel_loop3A_364, %parallel_loop3A_375 : vector<16xi32>
      %parallel_loop3A_377 = arith.mulf %parallel_loop3A_347, %parallel_loop3A_355 : vector<16xf32>
      tpu.vector_store_idx %arg16[%parallel_loop3A_358, %parallel_loop3A_376], %parallel_loop3A_377 {add = true} : memref<320x128xf32, #tpu.memory_space<vmem>>[vector<16xi32>, vector<16xi32>], vector<16xf32>,
    } {sc.loop_unroll_factor = 8 : i64, sc.parallel_access}
    %mul3A_278 = arith.constant 10000 : i32
    %mul3A_279 = arith.muli %add3A, %mul3A_278 : i32
    %add3A_280 = arith.constant 6000 : i32
    %add3A_281 = arith.addi %mul3A_279, %add3A_280 : i32
    %multiple_of3A_282 = tpu.assume_multiple %add3A_281, 8 : i32
    %dma_start3A_283 = tpu.memref_slice %arg9[%multiple_of3A_282] : memref<320000xf32, #tpu.memory_space<hbm>> -> memref<2000xf32, #tpu.memory_space<hbm>>
    %dma_start3A_284 = tpu.memref_slice %arg9[%multiple_of3A_282] : memref<320000xf32, #tpu.memory_space<hbm>> -> memref<2000xf32, #tpu.memory_space<hbm>>
    tpu.enqueue_dma source(%arg24 : memref<2000xf32, #tpu.memory_space<vmem>>) target(%dma_start3A_284 : memref<2000xf32, #tpu.memory_space<hbm>>) target_semaphore(%arg29 : memref<!tpu.dma_semaphore, #tpu.memory_space<semaphore_mem>>)
    %dma_wait3A_285 = tpu.memref_slice %arg4[%multiple_of3A_266] : memref<320000xi32, #tpu.memory_space<hbm>> -> memref<2000xi32, #tpu.memory_space<hbm>>
    %dma_wait3A_286 = tpu.memref_slice %arg4[%multiple_of3A_266] : memref<320000xi32, #tpu.memory_space<hbm>> -> memref<2000xi32, #tpu.memory_space<hbm>>
    tpu.wait_dma2 semaphore(%arg30 : memref<!tpu.dma_semaphore, #tpu.memory_space<semaphore_mem>>) src(%dma_wait3A_286 : memref<2000xi32, #tpu.memory_space<hbm>>) dst(%arg17 : memref<2000xi32, #tpu.memory_space<vmem>>)
    %dma_wait3A_287 = tpu.memref_slice %arg5[%multiple_of3A_266] : memref<320000xi32, #tpu.memory_space<hbm>> -> memref<2000xi32, #tpu.memory_space<hbm>>
    %dma_wait3A_288 = tpu.memref_slice %arg5[%multiple_of3A_266] : memref<320000xi32, #tpu.memory_space<hbm>> -> memref<2000xi32, #tpu.memory_space<hbm>>
    tpu.wait_dma2 semaphore(%arg30 : memref<!tpu.dma_semaphore, #tpu.memory_space<semaphore_mem>>) src(%dma_wait3A_288 : memref<2000xi32, #tpu.memory_space<hbm>>) dst(%arg18 : memref<2000xi32, #tpu.memory_space<vmem>>)
    %dma_wait3A_289 = tpu.memref_slice %arg6[%multiple_of3A_266] : memref<320000xf32, #tpu.memory_space<hbm>> -> memref<2000xf32, #tpu.memory_space<hbm>>
    %dma_wait3A_290 = tpu.memref_slice %arg6[%multiple_of3A_266] : memref<320000xf32, #tpu.memory_space<hbm>> -> memref<2000xf32, #tpu.memory_space<hbm>>
    tpu.wait_dma2 semaphore(%arg30 : memref<!tpu.dma_semaphore, #tpu.memory_space<semaphore_mem>>) src(%dma_wait3A_290 : memref<2000xf32, #tpu.memory_space<hbm>>) dst(%arg19 : memref<2000xf32, #tpu.memory_space<vmem>>)
    %dma_wait3A_291 = tpu.memref_slice %arg9[%multiple_of3A_282] : memref<320000xf32, #tpu.memory_space<hbm>> -> memref<2000xf32, #tpu.memory_space<hbm>>
    %dma_wait3A_292 = tpu.memref_slice %arg9[%multiple_of3A_282] : memref<320000xf32, #tpu.memory_space<hbm>> -> memref<2000xf32, #tpu.memory_space<hbm>>
    tpu.wait_dma2 semaphore(%arg29 : memref<!tpu.dma_semaphore, #tpu.memory_space<semaphore_mem>>) src(%arg24 : memref<2000xf32, #tpu.memory_space<vmem>>) dst(%dma_wait3A_292 : memref<2000xf32, #tpu.memory_space<hbm>>)
    %parallel_loop3A_293 = arith.constant 0 : i32
    %parallel_loop3A_294 = arith.constant 125 : i32
    %parallel_loop3A_295 = arith.constant 1 : i32
    scf.for %parallel_loop3A_321 = %parallel_loop3A_293 to %parallel_loop3A_294 step %parallel_loop3A_295  : i32 {
      %parallel_loop3A_322 = arith.constant 16 : i32
      %parallel_loop3A_323 = arith.muli %parallel_loop3A_321, %parallel_loop3A_322 : i32
      %parallel_loop3A_324 = arith.index_cast %parallel_loop3A_323 : i32 to index
      %parallel_loop3A_325 = tpu.vector_load %arg17[%parallel_loop3A_324] {strides = array<i32>} : memref<2000xi32, #tpu.memory_space<vmem>>, vector<16xi32>,
      %parallel_loop3A_326 = arith.constant 16 : i32
      %parallel_loop3A_327 = arith.muli %parallel_loop3A_321, %parallel_loop3A_326 : i32
      %parallel_loop3A_328 = arith.index_cast %parallel_loop3A_327 : i32 to index
      %parallel_loop3A_329 = tpu.vector_load %arg18[%parallel_loop3A_328] {strides = array<i32>} : memref<2000xi32, #tpu.memory_space<vmem>>, vector<16xi32>,
      %parallel_loop3A_330 = tpu.vector_load_idx %arg14[%parallel_loop3A_325] : memref<10240xf32, #tpu.memory_space<vmem>>[vector<16xi32>], vector<16xf32>,
      %parallel_loop3A_331 = tpu.vector_load_idx %arg15[%parallel_loop3A_329] : memref<10240xf32, #tpu.memory_space<vmem>>[vector<16xi32>], vector<16xf32>,
      %parallel_loop3A_332 = arith.addf %parallel_loop3A_330, %parallel_loop3A_331 : vector<16xf32>
      %parallel_loop3A_333 = arith.constant 16 : i32
      %parallel_loop3A_334 = arith.muli %parallel_loop3A_321, %parallel_loop3A_333 : i32
      %parallel_loop3A_335 = arith.index_cast %parallel_loop3A_334 : i32 to index
      %parallel_loop3A_336 = tpu.vector_load %arg19[%parallel_loop3A_335] {strides = array<i32>} : memref<2000xf32, #tpu.memory_space<vmem>>, vector<16xf32>,
      %parallel_loop3A_337 = arith.addf %parallel_loop3A_332, %parallel_loop3A_336 : vector<16xf32>
      %parallel_loop3A_338 = arith.constant 0.000000e+00 : f32
      %parallel_loop3A_339 = vector.broadcast %parallel_loop3A_338 : f32 to vector<16xf32>
      %parallel_loop3A_340 = arith.subf %parallel_loop3A_339, %parallel_loop3A_337 : vector<16xf32>
      %parallel_loop3A_341 = math.exp %parallel_loop3A_340 : vector<16xf32>
      %parallel_loop3A_342 = arith.constant 1.000000e+00 : f32
      %parallel_loop3A_343 = vector.broadcast %parallel_loop3A_342 : f32 to vector<16xf32>
      %parallel_loop3A_344 = arith.addf %parallel_loop3A_343, %parallel_loop3A_341 : vector<16xf32>
      %parallel_loop3A_345 = arith.constant 1.000000e+00 : f32
      %parallel_loop3A_346 = vector.broadcast %parallel_loop3A_345 : f32 to vector<16xf32>
      %parallel_loop3A_347 = arith.divf %parallel_loop3A_346, %parallel_loop3A_344 : vector<16xf32>
      %parallel_loop3A_348 = arith.constant 16 : i32
      %parallel_loop3A_349 = arith.muli %parallel_loop3A_321, %parallel_loop3A_348 : i32
      %parallel_loop3A_350 = arith.index_cast %parallel_loop3A_349 : i32 to index
      %parallel_loop3A_351 = tpu.vector_load %arg20[%parallel_loop3A_350] {strides = array<i32>} : memref<2000xf32, #tpu.memory_space<vmem>>, vector<16xf32>,
      tpu.vector_store %arg20[%parallel_loop3A_350], %parallel_loop3A_347 {strides = array<i32>} : memref<2000xf32, #tpu.memory_space<vmem>>, vector<16xf32>,
      %parallel_loop3A_352 = tpu.vector_load_idx %arg12[%parallel_loop3A_325] : memref<10240xf32, #tpu.memory_space<vmem>>[vector<16xi32>], vector<16xf32>,
      %parallel_loop3A_353 = tpu.vector_load_idx %arg13[%parallel_loop3A_325] : memref<10240xf32, #tpu.memory_space<vmem>>[vector<16xi32>], vector<16xf32>,
      %parallel_loop3A_354 = tpu.vector_load_idx %arg10[%parallel_loop3A_325] : memref<10240xf32, #tpu.memory_space<vmem>>[vector<16xi32>], vector<16xf32>,
      %parallel_loop3A_355 = tpu.vector_load_idx %arg11[%parallel_loop3A_325] : memref<10240xf32, #tpu.memory_space<vmem>>[vector<16xi32>], vector<16xf32>,
      %parallel_loop3A_356 = arith.constant 5 : i32
      %parallel_loop3A_357 = vector.broadcast %parallel_loop3A_356 : i32 to vector<16xi32>
      %parallel_loop3A_358 = arith.shrui %parallel_loop3A_329, %parallel_loop3A_357 : vector<16xi32>
      %parallel_loop3A_359 = arith.constant 31 : i32
      %parallel_loop3A_360 = vector.broadcast %parallel_loop3A_359 : i32 to vector<16xi32>
      %parallel_loop3A_361 = arith.andi %parallel_loop3A_329, %parallel_loop3A_360 : vector<16xi32>
      %parallel_loop3A_362 = arith.constant 2 : i32
      %parallel_loop3A_363 = vector.broadcast %parallel_loop3A_362 : i32 to vector<16xi32>
      %parallel_loop3A_364 = arith.shli %parallel_loop3A_361, %parallel_loop3A_363 : vector<16xi32>
      %parallel_loop3A_365 = arith.mulf %parallel_loop3A_347, %parallel_loop3A_352 : vector<16xf32>
      tpu.vector_store_idx %arg16[%parallel_loop3A_358, %parallel_loop3A_364], %parallel_loop3A_365 {add = true} : memref<320x128xf32, #tpu.memory_space<vmem>>[vector<16xi32>, vector<16xi32>], vector<16xf32>,
      %parallel_loop3A_366 = arith.constant 1 : i32
      %parallel_loop3A_367 = vector.broadcast %parallel_loop3A_366 : i32 to vector<16xi32>
      %parallel_loop3A_368 = arith.addi %parallel_loop3A_364, %parallel_loop3A_367 : vector<16xi32>
      %parallel_loop3A_369 = arith.mulf %parallel_loop3A_347, %parallel_loop3A_353 : vector<16xf32>
      tpu.vector_store_idx %arg16[%parallel_loop3A_358, %parallel_loop3A_368], %parallel_loop3A_369 {add = true} : memref<320x128xf32, #tpu.memory_space<vmem>>[vector<16xi32>, vector<16xi32>], vector<16xf32>,
      %parallel_loop3A_370 = arith.constant 2 : i32
      %parallel_loop3A_371 = vector.broadcast %parallel_loop3A_370 : i32 to vector<16xi32>
      %parallel_loop3A_372 = arith.addi %parallel_loop3A_364, %parallel_loop3A_371 : vector<16xi32>
      %parallel_loop3A_373 = arith.mulf %parallel_loop3A_347, %parallel_loop3A_354 : vector<16xf32>
      tpu.vector_store_idx %arg16[%parallel_loop3A_358, %parallel_loop3A_372], %parallel_loop3A_373 {add = true} : memref<320x128xf32, #tpu.memory_space<vmem>>[vector<16xi32>, vector<16xi32>], vector<16xf32>,
      %parallel_loop3A_374 = arith.constant 3 : i32
      %parallel_loop3A_375 = vector.broadcast %parallel_loop3A_374 : i32 to vector<16xi32>
      %parallel_loop3A_376 = arith.addi %parallel_loop3A_364, %parallel_loop3A_375 : vector<16xi32>
      %parallel_loop3A_377 = arith.mulf %parallel_loop3A_347, %parallel_loop3A_355 : vector<16xf32>
      tpu.vector_store_idx %arg16[%parallel_loop3A_358, %parallel_loop3A_376], %parallel_loop3A_377 {add = true} : memref<320x128xf32, #tpu.memory_space<vmem>>[vector<16xi32>, vector<16xi32>], vector<16xf32>,
    } {sc.loop_unroll_factor = 8 : i64, sc.parallel_access}
    %mul3A_296 = arith.constant 10000 : i32
    %mul3A_297 = arith.muli %add3A, %mul3A_296 : i32
    %add3A_298 = arith.constant 8000 : i32
    %add3A_299 = arith.addi %mul3A_297, %add3A_298 : i32
    %multiple_of3A_300 = tpu.assume_multiple %add3A_299, 8 : i32
    %dma_start3A_301 = tpu.memref_slice %arg9[%multiple_of3A_300] : memref<320000xf32, #tpu.memory_space<hbm>> -> memref<2000xf32, #tpu.memory_space<hbm>>
    %dma_start3A_302 = tpu.memref_slice %arg9[%multiple_of3A_300] : memref<320000xf32, #tpu.memory_space<hbm>> -> memref<2000xf32, #tpu.memory_space<hbm>>
    tpu.enqueue_dma source(%arg20 : memref<2000xf32, #tpu.memory_space<vmem>>) target(%dma_start3A_302 : memref<2000xf32, #tpu.memory_space<hbm>>) target_semaphore(%arg29 : memref<!tpu.dma_semaphore, #tpu.memory_space<semaphore_mem>>)
    %dma_wait3A_303 = tpu.memref_slice %arg9[%multiple_of3A_300] : memref<320000xf32, #tpu.memory_space<hbm>> -> memref<2000xf32, #tpu.memory_space<hbm>>
    %dma_wait3A_304 = tpu.memref_slice %arg9[%multiple_of3A_300] : memref<320000xf32, #tpu.memory_space<hbm>> -> memref<2000xf32, #tpu.memory_space<hbm>>
    tpu.wait_dma2 semaphore(%arg29 : memref<!tpu.dma_semaphore, #tpu.memory_space<semaphore_mem>>) src(%arg20 : memref<2000xf32, #tpu.memory_space<vmem>>) dst(%dma_wait3A_304 : memref<2000xf32, #tpu.memory_space<hbm>>)
    %eq3A_305 = arith.constant 0 : i32
    %eq3A_306 = arith.cmpi eq, %arg1, %eq3A_305 : i32
    %convert_element_type3A_307 = arith.extui %eq3A_306 : i1 to i32
    %cond3A_308 = arith.constant 0 : i32
    %cond3A_309 = arith.cmpi ne, %convert_element_type3A_307, %cond3A_308 : i32
    scf.if %cond3A_309 {
      "tpu.region"() ({
        %run_scoped3A = tpu.sem_alloc : memref<!tpu.dma_semaphore, #tpu.memory_space<semaphore_mem>>
        tpu.enqueue_dma source(%arg16 : memref<320x128xf32, #tpu.memory_space<vmem>>) target(%arg33 : memref<320x128xf32, #tpu.memory_space<vmem_shared>>) target_semaphore(%run_scoped3A : memref<!tpu.dma_semaphore, #tpu.memory_space<semaphore_mem>>)
        tpu.wait_dma2 semaphore(%run_scoped3A : memref<!tpu.dma_semaphore, #tpu.memory_space<semaphore_mem>>) src(%arg16 : memref<320x128xf32, #tpu.memory_space<vmem>>) dst(%arg33 : memref<320x128xf32, #tpu.memory_space<vmem_shared>>)
        tpu.yield
      }) : () -> ()
    } else {
    }
    %barrier3A_310 = arith.constant 0 : index
    tpu.barrier barrier_id(%barrier3A_310)
    %ne3A_311 = arith.constant 0 : i32
    %ne3A_312 = arith.cmpi ne, %arg1, %ne3A_311 : i32
    %convert_element_type3A_313 = arith.extui %ne3A_312 : i1 to i32
    %cond3A_314 = arith.constant 0 : i32
    %cond3A_315 = arith.cmpi ne, %convert_element_type3A_313, %cond3A_314 : i32
    scf.if %cond3A_315 {
      "tpu.region"() ({
        %run_scoped3A = tpu.sem_alloc : memref<!tpu.dma_semaphore, #tpu.memory_space<semaphore_mem>>
        %dma_start3A_321 = arith.constant 0 : i32
        %dma_start3A_322 = arith.constant 0 : i32
        %dma_start3A_323 = tpu.memref_slice %arg33[%dma_start3A_321, %dma_start3A_322] : memref<320x128xf32, #tpu.memory_space<vmem_shared>> -> memref<320x128xf32, #tpu.memory_space<vmem_shared>>
        tpu.enqueue_indirect_dma source(%arg16 : memref<320x128xf32, #tpu.memory_space<vmem>>) target(%dma_start3A_323 : memref<320x128xf32, #tpu.memory_space<vmem_shared>>) offsets(%arg27 : memref<320xi32, #tpu.memory_space<vmem>>) semaphore(%run_scoped3A : memref<!tpu.dma_semaphore, #tpu.memory_space<semaphore_mem>>) {add = true}
        %dma_wait3A_324 = arith.constant 0 : i32
        %dma_wait3A_325 = arith.constant 0 : i32
        %dma_wait3A_326 = tpu.memref_slice %arg33[%dma_wait3A_324, %dma_wait3A_325] : memref<320x128xf32, #tpu.memory_space<vmem_shared>> -> memref<320x128xf32, #tpu.memory_space<vmem_shared>>
        tpu.wait_indirect_dma semaphore(%run_scoped3A : memref<!tpu.dma_semaphore, #tpu.memory_space<semaphore_mem>>) src(%arg16 : memref<320x128xf32, #tpu.memory_space<vmem>>) dst(%dma_wait3A_326 : memref<320x128xf32, #tpu.memory_space<vmem_shared>>)
        tpu.yield
      }) : () -> ()
    } else {
    }
    %barrier3A_316 = arith.constant 0 : index
    tpu.barrier barrier_id(%barrier3A_316)
    %lt3A = arith.constant 8 : i32
    %lt3A_317 = arith.cmpi slt, %arg1, %lt3A : i32
    %convert_element_type3A_318 = arith.extui %lt3A_317 : i1 to i32
    %cond3A_319 = arith.constant 0 : i32
    %cond3A_320 = arith.cmpi ne, %convert_element_type3A_318, %cond3A_319 : i32
    scf.if %cond3A_320 {
      %mul3A_321 = arith.constant 40 : i32
      %mul3A_322 = arith.muli %arg1, %mul3A_321 : i32
      %multiple_of3A_323 = tpu.assume_multiple %mul3A_322, 8 : i32
      "tpu.region"() ({
        %run_scoped3A = tpu.sem_alloc : memref<!tpu.dma_semaphore, #tpu.memory_space<semaphore_mem>>
        %dma_start3A_324 = arith.constant 0 : i32
        %dma_start3A_325 = tpu.memref_slice %arg33[%multiple_of3A_323, %dma_start3A_324] : memref<320x128xf32, #tpu.memory_space<vmem_shared>> -> memref<40x128xf32, #tpu.memory_space<vmem_shared>>
        %dma_start3A_326 = arith.constant 0 : i32
        %dma_start3A_327 = tpu.memref_slice %arg33[%multiple_of3A_323, %dma_start3A_326] : memref<320x128xf32, #tpu.memory_space<vmem_shared>> -> memref<40x128xf32, #tpu.memory_space<vmem_shared>>
        tpu.enqueue_dma source(%dma_start3A_327 : memref<40x128xf32, #tpu.memory_space<vmem_shared>>) target(%arg26 : memref<40x128xf32, #tpu.memory_space<vmem>>) target_semaphore(%run_scoped3A : memref<!tpu.dma_semaphore, #tpu.memory_space<semaphore_mem>>)
        %dma_wait3A_328 = arith.constant 0 : i32
        %dma_wait3A_329 = tpu.memref_slice %arg33[%multiple_of3A_323, %dma_wait3A_328] : memref<320x128xf32, #tpu.memory_space<vmem_shared>> -> memref<40x128xf32, #tpu.memory_space<vmem_shared>>
        %dma_wait3A_330 = arith.constant 0 : i32
        %dma_wait3A_331 = tpu.memref_slice %arg33[%multiple_of3A_323, %dma_wait3A_330] : memref<320x128xf32, #tpu.memory_space<vmem_shared>> -> memref<40x128xf32, #tpu.memory_space<vmem_shared>>
        tpu.wait_dma2 semaphore(%run_scoped3A : memref<!tpu.dma_semaphore, #tpu.memory_space<semaphore_mem>>) src(%dma_wait3A_331 : memref<40x128xf32, #tpu.memory_space<vmem_shared>>) dst(%arg26 : memref<40x128xf32, #tpu.memory_space<vmem>>)
        tpu.yield
      }) : () -> ()
      "tpu.region"() ({
        %run_scoped3A = tpu.sem_alloc : memref<!tpu.dma_semaphore, #tpu.memory_space<semaphore_mem>>
        %dma_start3A_324 = arith.constant 0 : i32
        %dma_start3A_325 = tpu.memref_slice %arg8[%arg0, %multiple_of3A_323, %dma_start3A_324] : memref<2x320x128xf32, #tpu.memory_space<hbm>> -> memref<1x40x128xf32, #tpu.memory_space<hbm>>
        %dma_start3A_326 = tpu.memref_squeeze %dma_start3A_325 : memref<1x40x128xf32, #tpu.memory_space<hbm>> -> memref<40x128xf32, #tpu.memory_space<hbm>>
        %dma_start3A_327 = arith.constant 0 : i32
        %dma_start3A_328 = tpu.memref_slice %arg8[%arg0, %multiple_of3A_323, %dma_start3A_327] : memref<2x320x128xf32, #tpu.memory_space<hbm>> -> memref<1x40x128xf32, #tpu.memory_space<hbm>>
        %dma_start3A_329 = tpu.memref_squeeze %dma_start3A_328 : memref<1x40x128xf32, #tpu.memory_space<hbm>> -> memref<40x128xf32, #tpu.memory_space<hbm>>
        tpu.enqueue_dma source(%arg26 : memref<40x128xf32, #tpu.memory_space<vmem>>) target(%dma_start3A_329 : memref<40x128xf32, #tpu.memory_space<hbm>>) target_semaphore(%run_scoped3A : memref<!tpu.dma_semaphore, #tpu.memory_space<semaphore_mem>>)
        %dma_wait3A_330 = arith.constant 0 : i32
        %dma_wait3A_331 = tpu.memref_slice %arg8[%arg0, %multiple_of3A_323, %dma_wait3A_330] : memref<2x320x128xf32, #tpu.memory_space<hbm>> -> memref<1x40x128xf32, #tpu.memory_space<hbm>>
        %dma_wait3A_332 = tpu.memref_squeeze %dma_wait3A_331 : memref<1x40x128xf32, #tpu.memory_space<hbm>> -> memref<40x128xf32, #tpu.memory_space<hbm>>
        %dma_wait3A_333 = arith.constant 0 : i32
        %dma_wait3A_334 = tpu.memref_slice %arg8[%arg0, %multiple_of3A_323, %dma_wait3A_333] : memref<2x320x128xf32, #tpu.memory_space<hbm>> -> memref<1x40x128xf32, #tpu.memory_space<hbm>>
        %dma_wait3A_335 = tpu.memref_squeeze %dma_wait3A_334 : memref<1x40x128xf32, #tpu.memory_space<hbm>> -> memref<40x128xf32, #tpu.memory_space<hbm>>
        tpu.wait_dma2 semaphore(%run_scoped3A : memref<!tpu.dma_semaphore, #tpu.memory_space<semaphore_mem>>) src(%arg26 : memref<40x128xf32, #tpu.memory_space<vmem>>) dst(%dma_wait3A_335 : memref<40x128xf32, #tpu.memory_space<hbm>>)
        tpu.yield
      }) : () -> ()
    } else {
    }
    return
  }
}

module attributes {stable_mosaic.version = 14 : i64} {
  func.func @_tc_body(%arg0: i32, %arg1: memref<2048x128xf32, #tpu.memory_space<vmem>>, %arg2: memref<2048x126xf32, #tpu.memory_space<vmem>>, %arg3: memref<128x126xf32, #tpu.memory_space<vmem>>, %arg4: memref<1x126xf32, #tpu.memory_space<vmem>>, %arg5: memref<128x128xf32, #tpu.memory_space<vmem>>, %arg6: memref<1x128xf32, #tpu.memory_space<vmem>>, %arg7: memref<128x2xf32, #tpu.memory_space<vmem>>, %arg8: memref<1x2xf32, #tpu.memory_space<vmem>>, %arg9: memref<256x1xf32, #tpu.memory_space<vmem>>, %arg10: memref<1x1xf32, #tpu.memory_space<vmem>>, %arg11: memref<2x2xf32, #tpu.memory_space<vmem>>, %arg12: memref<1x2xf32, #tpu.memory_space<vmem>>, %arg13: memref<2x2xf32, #tpu.memory_space<vmem>>, %arg14: memref<1x2xf32, #tpu.memory_space<vmem>>, %arg15: memref<2x65536xi32, #tpu.memory_space<vmem>>, %arg16: memref<2048x126xf32, #tpu.memory_space<vmem>>, %arg17: memref<8x2048xf32, #tpu.memory_space<vmem>>, %arg18: memref<320x128xf32, #tpu.memory_space<vmem>>, %arg19: memref<65536xi32, #tpu.memory_space<vmem>>, %arg20: memref<65536xi32, #tpu.memory_space<vmem>>) attributes {dimension_semantics = [#tpu.dimension_semantics<arbitrary>], iteration_bounds = array<i64: 5>, scalar_prefetch = 0 : i64, scratch_operands = 0 : i64, tpu.core_type = #tpu.core_type<tc>, window_params = [{transform_indices = @transform_0, window_bounds = array<i64: 2048, 128>}, {transform_indices = @transform_1, window_bounds = array<i64: 2048, 126>}, {pipeline_mode = #tpu.pipeline_mode<synchronous>, transform_indices = @transform_2, window_bounds = array<i64: 128, 126>}, {pipeline_mode = #tpu.pipeline_mode<synchronous>, transform_indices = @transform_3, window_bounds = array<i64: 1, 126>}, {pipeline_mode = #tpu.pipeline_mode<synchronous>, transform_indices = @transform_4, window_bounds = array<i64: 128, 128>}, {pipeline_mode = #tpu.pipeline_mode<synchronous>, transform_indices = @transform_5, window_bounds = array<i64: 1, 128>}, {pipeline_mode = #tpu.pipeline_mode<synchronous>, transform_indices = @transform_6, window_bounds = array<i64: 128, 2>}, {pipeline_mode = #tpu.pipeline_mode<synchronous>, transform_indices = @transform_7, window_bounds = array<i64: 1, 2>}, {pipeline_mode = #tpu.pipeline_mode<synchronous>, transform_indices = @transform_8, window_bounds = array<i64: 256, 1>}, {pipeline_mode = #tpu.pipeline_mode<synchronous>, transform_indices = @transform_9, window_bounds = array<i64: 1, 1>}, {pipeline_mode = #tpu.pipeline_mode<synchronous>, transform_indices = @transform_10, window_bounds = array<i64: 2, 2>}, {pipeline_mode = #tpu.pipeline_mode<synchronous>, transform_indices = @transform_11, window_bounds = array<i64: 1, 2>}, {pipeline_mode = #tpu.pipeline_mode<synchronous>, transform_indices = @transform_12, window_bounds = array<i64: 2, 2>}, {pipeline_mode = #tpu.pipeline_mode<synchronous>, transform_indices = @transform_13, window_bounds = array<i64: 1, 2>}, {transform_indices = @transform_14, window_bounds = array<i64: 2, 65536>}, {transform_indices = @transform_15, window_bounds = array<i64: 2048, 126>}, {transform_indices = @transform_16, window_bounds = array<i64: 8, 2048>}, {pipeline_mode = #tpu.pipeline_mode<synchronous>, transform_indices = @transform_17, window_bounds = array<i64: 320, 128>}, {transform_indices = @transform_18, window_bounds = array<i64: 65536>}, {transform_indices = @transform_19, window_bounds = array<i64: 65536>}]} {
    %get3A = arith.constant 0 : index
    %get3A_0 = arith.constant 0 : index
    %get3A_1 = vector.load %arg15[%get3A, %get3A_0] : memref<2x65536xi32, #tpu.memory_space<vmem>>, vector<2x65536xi32>
    %slice3A = vector.extract_strided_slice %get3A_1 {offsets = [0, 0], sizes = [1, 65536], strides = [1, 1]} : vector<2x65536xi32> to vector<1x65536xi32>
    %squeeze3A = vector.shape_cast %slice3A : vector<1x65536xi32> to vector<65536xi32>
    %swap3A = arith.constant 0 : index
    %swap3A_2 = vector.load %arg19[%swap3A] : memref<65536xi32, #tpu.memory_space<vmem>>, vector<65536xi32>
    tpu.vector_store %arg19[%swap3A], %squeeze3A {strides = array<i32>} : memref<65536xi32, #tpu.memory_space<vmem>>, vector<65536xi32>,
    %slice3A_3 = vector.extract_strided_slice %get3A_1 {offsets = [1, 0], sizes = [1, 65536], strides = [1, 1]} : vector<2x65536xi32> to vector<1x65536xi32>
    %squeeze3A_4 = vector.shape_cast %slice3A_3 : vector<1x65536xi32> to vector<65536xi32>
    %swap3A_5 = arith.constant 0 : index
    %swap3A_6 = vector.load %arg20[%swap3A_5] : memref<65536xi32, #tpu.memory_space<vmem>>, vector<65536xi32>
    tpu.vector_store %arg20[%swap3A_5], %squeeze3A_4 {strides = array<i32>} : memref<65536xi32, #tpu.memory_space<vmem>>, vector<65536xi32>,
    %get3A_7 = arith.constant 0 : index
    %get3A_8 = arith.constant 0 : index
    %get3A_9 = vector.load %arg1[%get3A_7, %get3A_8] : memref<2048x128xf32, #tpu.memory_space<vmem>>, vector<2048x128xf32>
    %get3A_10 = arith.constant 0 : index
    %get3A_11 = arith.constant 0 : index
    %get3A_12 = vector.load %arg3[%get3A_10, %get3A_11] : memref<128x126xf32, #tpu.memory_space<vmem>>, vector<128x126xf32>
    %dot_general3A = arith.constant dense<0.000000e+00> : vector<2048x126xf32>
    %dot_general3A_13 = tpu.matmul %get3A_9, %get3A_12, %dot_general3A {dimension_numbers = #tpu.dot_dimension_numbers<[1], [0], [0], [1], [0, 0, 1, 1], [], []>, transpose_lhs_hint = false} : vector<2048x128xf32>, vector<128x126xf32>, vector<2048x126xf32> -> vector<2048x126xf32>
    %get3A_14 = arith.constant 0 : index
    %get3A_15 = arith.constant 0 : index
    %get3A_16 = vector.load %arg4[%get3A_14, %get3A_15] : memref<1x126xf32, #tpu.memory_space<vmem>>, vector<1x126xf32>
    %add3A = vector.broadcast %get3A_16 : vector<1x126xf32> to vector<2048x126xf32>
    %add3A_17 = arith.addf %dot_general3A_13, %add3A : vector<2048x126xf32>
    %get3A_18 = arith.constant 0 : index
    %get3A_19 = arith.constant 0 : index
    %get3A_20 = vector.load %arg2[%get3A_18, %get3A_19] : memref<2048x126xf32, #tpu.memory_space<vmem>>, vector<2048x126xf32>
    %add3A_21 = arith.addf %add3A_17, %get3A_20 : vector<2048x126xf32>
    %logistic3A = arith.negf %add3A_21 : vector<2048x126xf32>
    %logistic3A_22 = math.exp %logistic3A : vector<2048x126xf32>
    %logistic3A_23 = arith.constant 1.000000e+00 : f32
    %logistic3A_24 = vector.broadcast %logistic3A_23 : f32 to vector<2048x126xf32>
    %logistic3A_25 = arith.addf %logistic3A_24, %logistic3A_22 : vector<2048x126xf32>
    %logistic3A_26 = arith.divf %logistic3A_24, %logistic3A_25 : vector<2048x126xf32>
    %swap3A_27 = arith.constant 0 : index
    %swap3A_28 = arith.constant 0 : index
    %swap3A_29 = vector.load %arg16[%swap3A_27, %swap3A_28] : memref<2048x126xf32, #tpu.memory_space<vmem>>, vector<2048x126xf32>
    tpu.vector_store %arg16[%swap3A_27, %swap3A_28], %logistic3A_26 {strides = array<i32>} : memref<2048x126xf32, #tpu.memory_space<vmem>>, vector<2048x126xf32>,
    %slice3A_30 = vector.extract_strided_slice %get3A_9 {offsets = [0, 0], sizes = [2048, 126], strides = [1, 1]} : vector<2048x128xf32> to vector<2048x126xf32>
    %slice3A_31 = vector.extract_strided_slice %get3A_9 {offsets = [0, 126], sizes = [2048, 2], strides = [1, 1]} : vector<2048x128xf32> to vector<2048x2xf32>
    %mul3A = arith.mulf %slice3A_30, %logistic3A_26 : vector<2048x126xf32>
    %concatenate3A = tpu.concatenate %mul3A, %slice3A_31 in 1 : vector<2048x126xf32>, vector<2048x2xf32> -> vector<2048x128xf32>
    %get3A_32 = arith.constant 0 : index
    %get3A_33 = arith.constant 0 : index
    %get3A_34 = vector.load %arg11[%get3A_32, %get3A_33] : memref<2x2xf32, #tpu.memory_space<vmem>>, vector<2x2xf32>
    %get3A_35 = arith.constant 0 : index
    %get3A_36 = arith.constant 0 : index
    %get3A_37 = vector.load %arg13[%get3A_35, %get3A_36] : memref<2x2xf32, #tpu.memory_space<vmem>>, vector<2x2xf32>
    %get3A_38 = arith.constant 0 : index
    %get3A_39 = arith.constant 0 : index
    %get3A_40 = vector.load %arg5[%get3A_38, %get3A_39] : memref<128x128xf32, #tpu.memory_space<vmem>>, vector<128x128xf32>
    %get3A_41 = arith.constant 0 : index
    %get3A_42 = arith.constant 0 : index
    %get3A_43 = vector.load %arg7[%get3A_41, %get3A_42] : memref<128x2xf32, #tpu.memory_space<vmem>>, vector<128x2xf32>
    %dot_general3A_44 = arith.constant dense<0.000000e+00> : vector<128x2xf32>
    %dot_general3A_45 = tpu.matmul %get3A_40, %get3A_43, %dot_general3A_44 {dimension_numbers = #tpu.dot_dimension_numbers<[1], [0], [0], [1], [0, 0, 1, 1], [], []>, transpose_lhs_hint = false} : vector<128x128xf32>, vector<128x2xf32>, vector<128x2xf32> -> vector<128x2xf32>
    %dot_general3A_46 = arith.constant dense<0.000000e+00> : vector<128x2xf32>
    %dot_general3A_47 = tpu.matmul %dot_general3A_45, %get3A_34, %dot_general3A_46 {dimension_numbers = #tpu.dot_dimension_numbers<[1], [0], [0], [1], [0, 0, 1, 1], [], []>, transpose_lhs_hint = false} : vector<128x2xf32>, vector<2x2xf32>, vector<128x2xf32> -> vector<128x2xf32>
    %dot_general3A_48 = arith.constant dense<0.000000e+00> : vector<128x2xf32>
    %dot_general3A_49 = tpu.matmul %dot_general3A_45, %get3A_37, %dot_general3A_48 {dimension_numbers = #tpu.dot_dimension_numbers<[1], [0], [0], [1], [0, 0, 1, 1], [], []>, transpose_lhs_hint = false} : vector<128x2xf32>, vector<2x2xf32>, vector<128x2xf32> -> vector<128x2xf32>
    %iota3A = tpu.iota {dimensions = array<i32: 0>} : vector<128x2xi32>
    %lt3A = arith.constant 126 : i32
    %lt3A_50 = vector.broadcast %lt3A : i32 to vector<128x2xi32>
    %lt3A_51 = arith.cmpi slt, %iota3A, %lt3A_50 : vector<128x2xi32>
    %jit3A = arith.constant 0.000000e+00 : f32
    %broadcast_in_dim3A = vector.broadcast %jit3A : f32 to vector<128x2xf32>
    %select_n3A = arith.select %lt3A_51, %dot_general3A_49, %broadcast_in_dim3A : vector<128x2xi1>, vector<128x2xf32>
    %get3A_52 = arith.constant 0 : index
    %get3A_53 = arith.constant 0 : index
    %get3A_54 = vector.load %arg6[%get3A_52, %get3A_53] : memref<1x128xf32, #tpu.memory_space<vmem>>, vector<1x128xf32>
    %get3A_55 = arith.constant 0 : index
    %get3A_56 = arith.constant 0 : index
    %get3A_57 = vector.load %arg7[%get3A_55, %get3A_56] : memref<128x2xf32, #tpu.memory_space<vmem>>, vector<128x2xf32>
    %dot_general3A_58 = arith.constant dense<0.000000e+00> : vector<1x2xf32>
    %dot_general3A_59 = tpu.matmul %get3A_54, %get3A_57, %dot_general3A_58 {dimension_numbers = #tpu.dot_dimension_numbers<[1], [0], [0], [1], [0, 0, 1, 1], [], []>, transpose_lhs_hint = false} : vector<1x128xf32>, vector<128x2xf32>, vector<1x2xf32> -> vector<1x2xf32>
    %dot_general3A_60 = arith.constant dense<0.000000e+00> : vector<1x2xf32>
    %dot_general3A_61 = tpu.matmul %dot_general3A_59, %get3A_34, %dot_general3A_60 {dimension_numbers = #tpu.dot_dimension_numbers<[1], [0], [0], [1], [0, 0, 1, 1], [], []>, transpose_lhs_hint = false} : vector<1x2xf32>, vector<2x2xf32>, vector<1x2xf32> -> vector<1x2xf32>
    %dot_general3A_62 = arith.constant dense<0.000000e+00> : vector<1x2xf32>
    %dot_general3A_63 = tpu.matmul %dot_general3A_59, %get3A_37, %dot_general3A_62 {dimension_numbers = #tpu.dot_dimension_numbers<[1], [0], [0], [1], [0, 0, 1, 1], [], []>, transpose_lhs_hint = false} : vector<1x2xf32>, vector<2x2xf32>, vector<1x2xf32> -> vector<1x2xf32>
    %get3A_64 = arith.constant 0 : index
    %get3A_65 = arith.constant 0 : index
    %get3A_66 = vector.load %arg9[%get3A_64, %get3A_65] : memref<256x1xf32, #tpu.memory_space<vmem>>, vector<256x1xf32>
    %slice3A_67 = vector.extract_strided_slice %get3A_66 {offsets = [0, 0], sizes = [128, 1], strides = [1, 1]} : vector<256x1xf32> to vector<128x1xf32>
    %slice3A_68 = vector.extract_strided_slice %get3A_66 {offsets = [128, 0], sizes = [128, 1], strides = [1, 1]} : vector<256x1xf32> to vector<128x1xf32>
    %dot_general3A_69 = arith.constant dense<0.000000e+00> : vector<2048x2xf32>
    %dot_general3A_70 = tpu.matmul %concatenate3A, %dot_general3A_47, %dot_general3A_69 {dimension_numbers = #tpu.dot_dimension_numbers<[1], [0], [0], [1], [0, 0, 1, 1], [], []>, transpose_lhs_hint = false} : vector<2048x128xf32>, vector<128x2xf32>, vector<2048x2xf32> -> vector<2048x2xf32>
    %add3A_71 = vector.broadcast %dot_general3A_61 : vector<1x2xf32> to vector<2048x2xf32>
    %add3A_72 = arith.addf %dot_general3A_70, %add3A_71 : vector<2048x2xf32>
    %dot_general3A_73 = arith.constant dense<0.000000e+00> : vector<2048x2xf32>
    %dot_general3A_74 = tpu.matmul %concatenate3A, %dot_general3A_49, %dot_general3A_73 {dimension_numbers = #tpu.dot_dimension_numbers<[1], [0], [0], [1], [0, 0, 1, 1], [], []>, transpose_lhs_hint = false} : vector<2048x128xf32>, vector<128x2xf32>, vector<2048x2xf32> -> vector<2048x2xf32>
    %add3A_75 = vector.broadcast %dot_general3A_63 : vector<1x2xf32> to vector<2048x2xf32>
    %add3A_76 = arith.addf %dot_general3A_74, %add3A_75 : vector<2048x2xf32>
    %sub3A = arith.subf %get3A_9, %concatenate3A : vector<2048x128xf32>
    %dot_general3A_77 = arith.constant dense<0.000000e+00> : vector<2048x2xf32>
    %dot_general3A_78 = tpu.matmul %sub3A, %select_n3A, %dot_general3A_77 {dimension_numbers = #tpu.dot_dimension_numbers<[1], [0], [0], [1], [0, 0, 1, 1], [], []>, transpose_lhs_hint = false} : vector<2048x128xf32>, vector<128x2xf32>, vector<2048x2xf32> -> vector<2048x2xf32>
    %dot_general3A_79 = arith.constant dense<0.000000e+00> : vector<2048x1xf32>
    %dot_general3A_80 = tpu.matmul %get3A_9, %slice3A_67, %dot_general3A_79 {dimension_numbers = #tpu.dot_dimension_numbers<[1], [0], [0], [1], [0, 0, 1, 1], [], []>, transpose_lhs_hint = false} : vector<2048x128xf32>, vector<128x1xf32>, vector<2048x1xf32> -> vector<2048x1xf32>
    %get3A_81 = arith.constant 0 : index
    %get3A_82 = arith.constant 0 : index
    %get3A_83 = vector.load %arg10[%get3A_81, %get3A_82] : memref<1x1xf32, #tpu.memory_space<vmem>>, vector<1x1xf32>
    %add3A_84 = vector.broadcast %get3A_83 : vector<1x1xf32> to vector<2048x1xf32>
    %add3A_85 = arith.addf %dot_general3A_80, %add3A_84 : vector<2048x1xf32>
    %dot_general3A_86 = arith.constant dense<0.000000e+00> : vector<2048x1xf32>
    %dot_general3A_87 = tpu.matmul %get3A_9, %slice3A_68, %dot_general3A_86 {dimension_numbers = #tpu.dot_dimension_numbers<[1], [0], [0], [1], [0, 0, 1, 1], [], []>, transpose_lhs_hint = false} : vector<2048x128xf32>, vector<128x1xf32>, vector<2048x1xf32> -> vector<2048x1xf32>
    %concatenate3A_88 = tpu.concatenate %add3A_72, %add3A_76, %dot_general3A_78, %add3A_85, %dot_general3A_87 in 1 : vector<2048x2xf32>, vector<2048x2xf32>, vector<2048x2xf32>, vector<2048x1xf32>, vector<2048x1xf32> -> vector<2048x8xf32>
    %transpose3A = tpu.transpose %concatenate3A_88, [1, 0] : vector<2048x8xf32> -> vector<8x2048xf32>
    %swap3A_89 = arith.constant 0 : index
    %swap3A_90 = arith.constant 0 : index
    %swap3A_91 = vector.load %arg17[%swap3A_89, %swap3A_90] : memref<8x2048xf32, #tpu.memory_space<vmem>>, vector<8x2048xf32>
    tpu.vector_store %arg17[%swap3A_89, %swap3A_90], %transpose3A {strides = array<i32>} : memref<8x2048xf32, #tpu.memory_space<vmem>>, vector<8x2048xf32>,
    %get3A_92 = arith.constant 0 : index
    %get3A_93 = arith.constant 0 : index
    %get3A_94 = vector.load %arg8[%get3A_92, %get3A_93] : memref<1x2xf32, #tpu.memory_space<vmem>>, vector<1x2xf32>
    %dot_general3A_95 = arith.constant dense<0.000000e+00> : vector<1x2xf32>
    %dot_general3A_96 = tpu.matmul %get3A_94, %get3A_34, %dot_general3A_95 {dimension_numbers = #tpu.dot_dimension_numbers<[1], [0], [0], [1], [0, 0, 1, 1], [], []>, transpose_lhs_hint = false} : vector<1x2xf32>, vector<2x2xf32>, vector<1x2xf32> -> vector<1x2xf32>
    %get3A_97 = arith.constant 0 : index
    %get3A_98 = arith.constant 0 : index
    %get3A_99 = vector.load %arg12[%get3A_97, %get3A_98] : memref<1x2xf32, #tpu.memory_space<vmem>>, vector<1x2xf32>
    %add3A_100 = arith.addf %dot_general3A_96, %get3A_99 : vector<1x2xf32>
    %dot_general3A_101 = arith.constant dense<0.000000e+00> : vector<1x2xf32>
    %dot_general3A_102 = tpu.matmul %get3A_94, %get3A_37, %dot_general3A_101 {dimension_numbers = #tpu.dot_dimension_numbers<[1], [0], [0], [1], [0, 0, 1, 1], [], []>, transpose_lhs_hint = false} : vector<1x2xf32>, vector<2x2xf32>, vector<1x2xf32> -> vector<1x2xf32>
    %get3A_103 = arith.constant 0 : index
    %get3A_104 = arith.constant 0 : index
    %get3A_105 = vector.load %arg14[%get3A_103, %get3A_104] : memref<1x2xf32, #tpu.memory_space<vmem>>, vector<1x2xf32>
    %add3A_106 = arith.addf %dot_general3A_102, %get3A_105 : vector<1x2xf32>
    %concatenate3A_107 = tpu.concatenate %add3A_100, %add3A_106 in 1 : vector<1x2xf32>, vector<1x2xf32> -> vector<1x4xf32>
    %tile3A = tpu.concatenate %concatenate3A_107, %concatenate3A_107, %concatenate3A_107, %concatenate3A_107, %concatenate3A_107, %concatenate3A_107, %concatenate3A_107, %concatenate3A_107, %concatenate3A_107, %concatenate3A_107, %concatenate3A_107, %concatenate3A_107, %concatenate3A_107, %concatenate3A_107, %concatenate3A_107, %concatenate3A_107, %concatenate3A_107, %concatenate3A_107, %concatenate3A_107, %concatenate3A_107, %concatenate3A_107, %concatenate3A_107, %concatenate3A_107, %concatenate3A_107, %concatenate3A_107, %concatenate3A_107, %concatenate3A_107, %concatenate3A_107, %concatenate3A_107, %concatenate3A_107, %concatenate3A_107, %concatenate3A_107, %concatenate3A_107, %concatenate3A_107, %concatenate3A_107, %concatenate3A_107, %concatenate3A_107, %concatenate3A_107, %concatenate3A_107, %concatenate3A_107, %concatenate3A_107, %concatenate3A_107, %concatenate3A_107, %concatenate3A_107, %concatenate3A_107, %concatenate3A_107, %concatenate3A_107, %concatenate3A_107, %concatenate3A_107, %concatenate3A_107, %concatenate3A_107, %concatenate3A_107, %concatenate3A_107, %concatenate3A_107, %concatenate3A_107, %concatenate3A_107, %concatenate3A_107, %concatenate3A_107, %concatenate3A_107, %concatenate3A_107, %concatenate3A_107, %concatenate3A_107, %concatenate3A_107, %concatenate3A_107, %concatenate3A_107, %concatenate3A_107, %concatenate3A_107, %concatenate3A_107, %concatenate3A_107, %concatenate3A_107, %concatenate3A_107, %concatenate3A_107, %concatenate3A_107, %concatenate3A_107, %concatenate3A_107, %concatenate3A_107, %concatenate3A_107, %concatenate3A_107, %concatenate3A_107, %concatenate3A_107, %concatenate3A_107, %concatenate3A_107, %concatenate3A_107, %concatenate3A_107, %concatenate3A_107, %concatenate3A_107, %concatenate3A_107, %concatenate3A_107, %concatenate3A_107, %concatenate3A_107, %concatenate3A_107, %concatenate3A_107, %concatenate3A_107, %concatenate3A_107, %concatenate3A_107, %concatenate3A_107, %concatenate3A_107, %concatenate3A_107, %concatenate3A_107, %concatenate3A_107, %concatenate3A_107, %concatenate3A_107, %concatenate3A_107, %concatenate3A_107, %concatenate3A_107, %concatenate3A_107, %concatenate3A_107, %concatenate3A_107, %concatenate3A_107, %concatenate3A_107, %concatenate3A_107, %concatenate3A_107, %concatenate3A_107, %concatenate3A_107, %concatenate3A_107, %concatenate3A_107, %concatenate3A_107, %concatenate3A_107, %concatenate3A_107, %concatenate3A_107, %concatenate3A_107, %concatenate3A_107, %concatenate3A_107, %concatenate3A_107, %concatenate3A_107, %concatenate3A_107, %concatenate3A_107, %concatenate3A_107, %concatenate3A_107, %concatenate3A_107, %concatenate3A_107, %concatenate3A_107, %concatenate3A_107, %concatenate3A_107, %concatenate3A_107, %concatenate3A_107, %concatenate3A_107, %concatenate3A_107, %concatenate3A_107, %concatenate3A_107, %concatenate3A_107, %concatenate3A_107, %concatenate3A_107, %concatenate3A_107, %concatenate3A_107, %concatenate3A_107, %concatenate3A_107, %concatenate3A_107, %concatenate3A_107, %concatenate3A_107, %concatenate3A_107, %concatenate3A_107, %concatenate3A_107, %concatenate3A_107, %concatenate3A_107, %concatenate3A_107, %concatenate3A_107, %concatenate3A_107, %concatenate3A_107, %concatenate3A_107, %concatenate3A_107, %concatenate3A_107, %concatenate3A_107, %concatenate3A_107, %concatenate3A_107, %concatenate3A_107, %concatenate3A_107, %concatenate3A_107, %concatenate3A_107, %concatenate3A_107, %concatenate3A_107, %concatenate3A_107, %concatenate3A_107, %concatenate3A_107, %concatenate3A_107, %concatenate3A_107, %concatenate3A_107, %concatenate3A_107, %concatenate3A_107, %concatenate3A_107, %concatenate3A_107, %concatenate3A_107, %concatenate3A_107, %concatenate3A_107, %concatenate3A_107, %concatenate3A_107, %concatenate3A_107, %concatenate3A_107, %concatenate3A_107, %concatenate3A_107, %concatenate3A_107, %concatenate3A_107, %concatenate3A_107, %concatenate3A_107, %concatenate3A_107, %concatenate3A_107, %concatenate3A_107, %concatenate3A_107, %concatenate3A_107, %concatenate3A_107, %concatenate3A_107, %concatenate3A_107, %concatenate3A_107, %concatenate3A_107, %concatenate3A_107, %concatenate3A_107, %concatenate3A_107, %concatenate3A_107, %concatenate3A_107, %concatenate3A_107, %concatenate3A_107, %concatenate3A_107, %concatenate3A_107, %concatenate3A_107, %concatenate3A_107, %concatenate3A_107, %concatenate3A_107, %concatenate3A_107, %concatenate3A_107, %concatenate3A_107, %concatenate3A_107, %concatenate3A_107, %concatenate3A_107, %concatenate3A_107, %concatenate3A_107, %concatenate3A_107, %concatenate3A_107, %concatenate3A_107, %concatenate3A_107, %concatenate3A_107, %concatenate3A_107, %concatenate3A_107, %concatenate3A_107, %concatenate3A_107, %concatenate3A_107, %concatenate3A_107, %concatenate3A_107, %concatenate3A_107, %concatenate3A_107, %concatenate3A_107, %concatenate3A_107, %concatenate3A_107, %concatenate3A_107, %concatenate3A_107, %concatenate3A_107, %concatenate3A_107, %concatenate3A_107, %concatenate3A_107, %concatenate3A_107, %concatenate3A_107, %concatenate3A_107, %concatenate3A_107, %concatenate3A_107, %concatenate3A_107, %concatenate3A_107, %concatenate3A_107, %concatenate3A_107, %concatenate3A_107, %concatenate3A_107, %concatenate3A_107, %concatenate3A_107, %concatenate3A_107, %concatenate3A_107, %concatenate3A_107, %concatenate3A_107, %concatenate3A_107, %concatenate3A_107, %concatenate3A_107, %concatenate3A_107, %concatenate3A_107, %concatenate3A_107, %concatenate3A_107, %concatenate3A_107, %concatenate3A_107, %concatenate3A_107, %concatenate3A_107, %concatenate3A_107, %concatenate3A_107, %concatenate3A_107, %concatenate3A_107, %concatenate3A_107, %concatenate3A_107, %concatenate3A_107, %concatenate3A_107, %concatenate3A_107, %concatenate3A_107, %concatenate3A_107, %concatenate3A_107, %concatenate3A_107, %concatenate3A_107, %concatenate3A_107, %concatenate3A_107, %concatenate3A_107, %concatenate3A_107, %concatenate3A_107, %concatenate3A_107, %concatenate3A_107, %concatenate3A_107, %concatenate3A_107, %concatenate3A_107, %concatenate3A_107, %concatenate3A_107, %concatenate3A_107, %concatenate3A_107, %concatenate3A_107, %concatenate3A_107, %concatenate3A_107, %concatenate3A_107, %concatenate3A_107, %concatenate3A_107, %concatenate3A_107, %concatenate3A_107, %concatenate3A_107, %concatenate3A_107, %concatenate3A_107, %concatenate3A_107, %concatenate3A_107, %concatenate3A_107, %concatenate3A_107, %concatenate3A_107 in 0 : vector<1x4xf32>, vector<1x4xf32>, vector<1x4xf32>, vector<1x4xf32>, vector<1x4xf32>, vector<1x4xf32>, vector<1x4xf32>, vector<1x4xf32>, vector<1x4xf32>, vector<1x4xf32>, vector<1x4xf32>, vector<1x4xf32>, vector<1x4xf32>, vector<1x4xf32>, vector<1x4xf32>, vector<1x4xf32>, vector<1x4xf32>, vector<1x4xf32>, vector<1x4xf32>, vector<1x4xf32>, vector<1x4xf32>, vector<1x4xf32>, vector<1x4xf32>, vector<1x4xf32>, vector<1x4xf32>, vector<1x4xf32>, vector<1x4xf32>, vector<1x4xf32>, vector<1x4xf32>, vector<1x4xf32>, vector<1x4xf32>, vector<1x4xf32>, vector<1x4xf32>, vector<1x4xf32>, vector<1x4xf32>, vector<1x4xf32>, vector<1x4xf32>, vector<1x4xf32>, vector<1x4xf32>, vector<1x4xf32>, vector<1x4xf32>, vector<1x4xf32>, vector<1x4xf32>, vector<1x4xf32>, vector<1x4xf32>, vector<1x4xf32>, vector<1x4xf32>, vector<1x4xf32>, vector<1x4xf32>, vector<1x4xf32>, vector<1x4xf32>, vector<1x4xf32>, vector<1x4xf32>, vector<1x4xf32>, vector<1x4xf32>, vector<1x4xf32>, vector<1x4xf32>, vector<1x4xf32>, vector<1x4xf32>, vector<1x4xf32>, vector<1x4xf32>, vector<1x4xf32>, vector<1x4xf32>, vector<1x4xf32>, vector<1x4xf32>, vector<1x4xf32>, vector<1x4xf32>, vector<1x4xf32>, vector<1x4xf32>, vector<1x4xf32>, vector<1x4xf32>, vector<1x4xf32>, vector<1x4xf32>, vector<1x4xf32>, vector<1x4xf32>, vector<1x4xf32>, vector<1x4xf32>, vector<1x4xf32>, vector<1x4xf32>, vector<1x4xf32>, vector<1x4xf32>, vector<1x4xf32>, vector<1x4xf32>, vector<1x4xf32>, vector<1x4xf32>, vector<1x4xf32>, vector<1x4xf32>, vector<1x4xf32>, vector<1x4xf32>, vector<1x4xf32>, vector<1x4xf32>, vector<1x4xf32>, vector<1x4xf32>, vector<1x4xf32>, vector<1x4xf32>, vector<1x4xf32>, vector<1x4xf32>, vector<1x4xf32>, vector<1x4xf32>, vector<1x4xf32>, vector<1x4xf32>, vector<1x4xf32>, vector<1x4xf32>, vector<1x4xf32>, vector<1x4xf32>, vector<1x4xf32>, vector<1x4xf32>, vector<1x4xf32>, vector<1x4xf32>, vector<1x4xf32>, vector<1x4xf32>, vector<1x4xf32>, vector<1x4xf32>, vector<1x4xf32>, vector<1x4xf32>, vector<1x4xf32>, vector<1x4xf32>, vector<1x4xf32>, vector<1x4xf32>, vector<1x4xf32>, vector<1x4xf32>, vector<1x4xf32>, vector<1x4xf32>, vector<1x4xf32>, vector<1x4xf32>, vector<1x4xf32>, vector<1x4xf32>, vector<1x4xf32>, vector<1x4xf32>, vector<1x4xf32>, vector<1x4xf32>, vector<1x4xf32>, vector<1x4xf32>, vector<1x4xf32>, vector<1x4xf32>, vector<1x4xf32>, vector<1x4xf32>, vector<1x4xf32>, vector<1x4xf32>, vector<1x4xf32>, vector<1x4xf32>, vector<1x4xf32>, vector<1x4xf32>, vector<1x4xf32>, vector<1x4xf32>, vector<1x4xf32>, vector<1x4xf32>, vector<1x4xf32>, vector<1x4xf32>, vector<1x4xf32>, vector<1x4xf32>, vector<1x4xf32>, vector<1x4xf32>, vector<1x4xf32>, vector<1x4xf32>, vector<1x4xf32>, vector<1x4xf32>, vector<1x4xf32>, vector<1x4xf32>, vector<1x4xf32>, vector<1x4xf32>, vector<1x4xf32>, vector<1x4xf32>, vector<1x4xf32>, vector<1x4xf32>, vector<1x4xf32>, vector<1x4xf32>, vector<1x4xf32>, vector<1x4xf32>, vector<1x4xf32>, vector<1x4xf32>, vector<1x4xf32>, vector<1x4xf32>, vector<1x4xf32>, vector<1x4xf32>, vector<1x4xf32>, vector<1x4xf32>, vector<1x4xf32>, vector<1x4xf32>, vector<1x4xf32>, vector<1x4xf32>, vector<1x4xf32>, vector<1x4xf32>, vector<1x4xf32>, vector<1x4xf32>, vector<1x4xf32>, vector<1x4xf32>, vector<1x4xf32>, vector<1x4xf32>, vector<1x4xf32>, vector<1x4xf32>, vector<1x4xf32>, vector<1x4xf32>, vector<1x4xf32>, vector<1x4xf32>, vector<1x4xf32>, vector<1x4xf32>, vector<1x4xf32>, vector<1x4xf32>, vector<1x4xf32>, vector<1x4xf32>, vector<1x4xf32>, vector<1x4xf32>, vector<1x4xf32>, vector<1x4xf32>, vector<1x4xf32>, vector<1x4xf32>, vector<1x4xf32>, vector<1x4xf32>, vector<1x4xf32>, vector<1x4xf32>, vector<1x4xf32>, vector<1x4xf32>, vector<1x4xf32>, vector<1x4xf32>, vector<1x4xf32>, vector<1x4xf32>, vector<1x4xf32>, vector<1x4xf32>, vector<1x4xf32>, vector<1x4xf32>, vector<1x4xf32>, vector<1x4xf32>, vector<1x4xf32>, vector<1x4xf32>, vector<1x4xf32>, vector<1x4xf32>, vector<1x4xf32>, vector<1x4xf32>, vector<1x4xf32>, vector<1x4xf32>, vector<1x4xf32>, vector<1x4xf32>, vector<1x4xf32>, vector<1x4xf32>, vector<1x4xf32>, vector<1x4xf32>, vector<1x4xf32>, vector<1x4xf32>, vector<1x4xf32>, vector<1x4xf32>, vector<1x4xf32>, vector<1x4xf32>, vector<1x4xf32>, vector<1x4xf32>, vector<1x4xf32>, vector<1x4xf32>, vector<1x4xf32>, vector<1x4xf32>, vector<1x4xf32>, vector<1x4xf32>, vector<1x4xf32>, vector<1x4xf32>, vector<1x4xf32>, vector<1x4xf32>, vector<1x4xf32>, vector<1x4xf32>, vector<1x4xf32>, vector<1x4xf32>, vector<1x4xf32>, vector<1x4xf32>, vector<1x4xf32>, vector<1x4xf32>, vector<1x4xf32>, vector<1x4xf32>, vector<1x4xf32>, vector<1x4xf32>, vector<1x4xf32>, vector<1x4xf32>, vector<1x4xf32>, vector<1x4xf32>, vector<1x4xf32>, vector<1x4xf32>, vector<1x4xf32>, vector<1x4xf32>, vector<1x4xf32>, vector<1x4xf32>, vector<1x4xf32>, vector<1x4xf32>, vector<1x4xf32>, vector<1x4xf32>, vector<1x4xf32>, vector<1x4xf32>, vector<1x4xf32>, vector<1x4xf32>, vector<1x4xf32>, vector<1x4xf32>, vector<1x4xf32>, vector<1x4xf32>, vector<1x4xf32>, vector<1x4xf32>, vector<1x4xf32>, vector<1x4xf32>, vector<1x4xf32>, vector<1x4xf32>, vector<1x4xf32>, vector<1x4xf32>, vector<1x4xf32>, vector<1x4xf32>, vector<1x4xf32>, vector<1x4xf32>, vector<1x4xf32>, vector<1x4xf32>, vector<1x4xf32>, vector<1x4xf32>, vector<1x4xf32>, vector<1x4xf32>, vector<1x4xf32>, vector<1x4xf32>, vector<1x4xf32>, vector<1x4xf32>, vector<1x4xf32>, vector<1x4xf32>, vector<1x4xf32>, vector<1x4xf32>, vector<1x4xf32>, vector<1x4xf32>, vector<1x4xf32>, vector<1x4xf32>, vector<1x4xf32> -> vector<320x4xf32>
    %tile3A_108 = tpu.concatenate %tile3A, %tile3A, %tile3A, %tile3A, %tile3A, %tile3A, %tile3A, %tile3A, %tile3A, %tile3A, %tile3A, %tile3A, %tile3A, %tile3A, %tile3A, %tile3A, %tile3A, %tile3A, %tile3A, %tile3A, %tile3A, %tile3A, %tile3A, %tile3A, %tile3A, %tile3A, %tile3A, %tile3A, %tile3A, %tile3A, %tile3A, %tile3A in 1 : vector<320x4xf32>, vector<320x4xf32>, vector<320x4xf32>, vector<320x4xf32>, vector<320x4xf32>, vector<320x4xf32>, vector<320x4xf32>, vector<320x4xf32>, vector<320x4xf32>, vector<320x4xf32>, vector<320x4xf32>, vector<320x4xf32>, vector<320x4xf32>, vector<320x4xf32>, vector<320x4xf32>, vector<320x4xf32>, vector<320x4xf32>, vector<320x4xf32>, vector<320x4xf32>, vector<320x4xf32>, vector<320x4xf32>, vector<320x4xf32>, vector<320x4xf32>, vector<320x4xf32>, vector<320x4xf32>, vector<320x4xf32>, vector<320x4xf32>, vector<320x4xf32>, vector<320x4xf32>, vector<320x4xf32>, vector<320x4xf32>, vector<320x4xf32> -> vector<320x128xf32>
    %swap3A_109 = arith.constant 0 : index
    %swap3A_110 = arith.constant 0 : index
    %swap3A_111 = vector.load %arg18[%swap3A_109, %swap3A_110] : memref<320x128xf32, #tpu.memory_space<vmem>>, vector<320x128xf32>
    tpu.vector_store %arg18[%swap3A_109, %swap3A_110], %tile3A_108 {strides = array<i32>} : memref<320x128xf32, #tpu.memory_space<vmem>>, vector<320x128xf32>,
    return
  }
  func.func @transform_0(%arg0: i32) -> (i32, i32) {
    %c0_i32 = arith.constant 0 : i32
    %c0_i32_0 = arith.constant 0 : i32
    return %arg0, %c0_i32 : i32, i32
  }
  func.func @transform_1(%arg0: i32) -> (i32, i32) {
    %c0_i32 = arith.constant 0 : i32
    %c0_i32_0 = arith.constant 0 : i32
    return %arg0, %c0_i32 : i32, i32
  }
  func.func @transform_2(%arg0: i32) -> (i32, i32) {
    %c0_i32 = arith.constant 0 : i32
    %c0_i32_0 = arith.constant 0 : i32
    %c0_i32_1 = arith.constant 0 : i32
    return %c0_i32, %c0_i32_0 : i32, i32
  }
  func.func @transform_3(%arg0: i32) -> (i32, i32) {
    %c0_i32 = arith.constant 0 : i32
    %c0_i32_0 = arith.constant 0 : i32
    %c0_i32_1 = arith.constant 0 : i32
    return %c0_i32, %c0_i32_0 : i32, i32
  }
  func.func @transform_4(%arg0: i32) -> (i32, i32) {
    %c0_i32 = arith.constant 0 : i32
    %c0_i32_0 = arith.constant 0 : i32
    %c0_i32_1 = arith.constant 0 : i32
    return %c0_i32, %c0_i32_0 : i32, i32
  }
  func.func @transform_5(%arg0: i32) -> (i32, i32) {
    %c0_i32 = arith.constant 0 : i32
    %c0_i32_0 = arith.constant 0 : i32
    %c0_i32_1 = arith.constant 0 : i32
    return %c0_i32, %c0_i32_0 : i32, i32
  }
  func.func @transform_6(%arg0: i32) -> (i32, i32) {
    %c0_i32 = arith.constant 0 : i32
    %c0_i32_0 = arith.constant 0 : i32
    %c0_i32_1 = arith.constant 0 : i32
    return %c0_i32, %c0_i32_0 : i32, i32
  }
  func.func @transform_7(%arg0: i32) -> (i32, i32) {
    %c0_i32 = arith.constant 0 : i32
    %c0_i32_0 = arith.constant 0 : i32
    %c0_i32_1 = arith.constant 0 : i32
    return %c0_i32, %c0_i32_0 : i32, i32
  }
  func.func @transform_8(%arg0: i32) -> (i32, i32) {
    %c0_i32 = arith.constant 0 : i32
    %c0_i32_0 = arith.constant 0 : i32
    %c0_i32_1 = arith.constant 0 : i32
    return %c0_i32, %c0_i32_0 : i32, i32
  }
  func.func @transform_9(%arg0: i32) -> (i32, i32) {
    %c0_i32 = arith.constant 0 : i32
    %c0_i32_0 = arith.constant 0 : i32
    %c0_i32_1 = arith.constant 0 : i32
    return %c0_i32, %c0_i32_0 : i32, i32
  }
  func.func @transform_10(%arg0: i32) -> (i32, i32) {
    %c0_i32 = arith.constant 0 : i32
    %c0_i32_0 = arith.constant 0 : i32
    %c0_i32_1 = arith.constant 0 : i32
    return %c0_i32, %c0_i32_0 : i32, i32
  }
  func.func @transform_11(%arg0: i32) -> (i32, i32) {
    %c0_i32 = arith.constant 0 : i32
    %c0_i32_0 = arith.constant 0 : i32
    %c0_i32_1 = arith.constant 0 : i32
    return %c0_i32, %c0_i32_0 : i32, i32
  }
  func.func @transform_12(%arg0: i32) -> (i32, i32) {
    %c0_i32 = arith.constant 0 : i32
    %c0_i32_0 = arith.constant 0 : i32
    %c0_i32_1 = arith.constant 0 : i32
    return %c0_i32, %c0_i32_0 : i32, i32
  }
  func.func @transform_13(%arg0: i32) -> (i32, i32) {
    %c0_i32 = arith.constant 0 : i32
    %c0_i32_0 = arith.constant 0 : i32
    %c0_i32_1 = arith.constant 0 : i32
    return %c0_i32, %c0_i32_0 : i32, i32
  }
  func.func @transform_14(%arg0: i32) -> (i32, i32) {
    %c0_i32 = arith.constant 0 : i32
    %c0_i32_0 = arith.constant 0 : i32
    return %c0_i32, %arg0 : i32, i32
  }
  func.func @transform_15(%arg0: i32) -> (i32, i32) {
    %c0_i32 = arith.constant 0 : i32
    %c0_i32_0 = arith.constant 0 : i32
    return %arg0, %c0_i32 : i32, i32
  }
  func.func @transform_16(%arg0: i32) -> (i32, i32) {
    %c0_i32 = arith.constant 0 : i32
    %c0_i32_0 = arith.constant 0 : i32
    return %c0_i32, %arg0 : i32, i32
  }
  func.func @transform_17(%arg0: i32) -> (i32, i32) {
    %c0_i32 = arith.constant 0 : i32
    %c0_i32_0 = arith.constant 0 : i32
    %c0_i32_1 = arith.constant 0 : i32
    return %c0_i32, %c0_i32_0 : i32, i32
  }
  func.func @transform_18(%arg0: i32) -> i32 {
    %c0_i32 = arith.constant 0 : i32
    return %arg0 : i32
  }
  func.func @transform_19(%arg0: i32) -> i32 {
    %c0_i32 = arith.constant 0 : i32
    return %arg0 : i32
  }
}

module attributes {stable_mosaic.version = 14 : i64} {
  func.func @_tc_merge_body(%arg0: memref<2x320x128xf32, #tpu.memory_space<vmem>>, %arg1: memref<320x128xf32, #tpu.memory_space<vmem>>) attributes {dimension_semantics = [], scalar_prefetch = 0 : i64, scratch_operands = 0 : i64, tpu.core_type = #tpu.core_type<tc>} {
    %get3A = arith.constant 0 : index
    %get3A_0 = arith.constant 0 : index
    %get3A_1 = arith.constant 0 : index
    %get3A_2 = vector.load %arg0[%get3A, %get3A_0, %get3A_1] : memref<2x320x128xf32, #tpu.memory_space<vmem>>, vector<1x320x128xf32>
    %get3A_3 = vector.shape_cast %get3A_2 : vector<1x320x128xf32> to vector<320x128xf32>
    %get3A_4 = arith.constant 1 : index
    %get3A_5 = arith.constant 0 : index
    %get3A_6 = arith.constant 0 : index
    %get3A_7 = vector.load %arg0[%get3A_4, %get3A_5, %get3A_6] : memref<2x320x128xf32, #tpu.memory_space<vmem>>, vector<1x320x128xf32>
    %get3A_8 = vector.shape_cast %get3A_7 : vector<1x320x128xf32> to vector<320x128xf32>
    %add3A = arith.addf %get3A_3, %get3A_8 : vector<320x128xf32>
    %swap3A = arith.constant 0 : index
    %swap3A_9 = arith.constant 0 : index
    %swap3A_10 = vector.load %arg1[%swap3A, %swap3A_9] : memref<320x128xf32, #tpu.memory_space<vmem>>, vector<320x128xf32>
    tpu.vector_store %arg1[%swap3A, %swap3A_9], %add3A {strides = array<i32>} : memref<320x128xf32, #tpu.memory_space<vmem>>, vector<320x128xf32>,
    return
  }
}

</mosaic_0001>

<sc_bundles>
// kernel: kernel.5.cloned.1.call-start
scs
__scs_entry_jumppad:
0x0: {  	(pc) =	sbr.rel $0x88, $3  }
0x1: {  	(tag) =	ssettag $0x0;
	lr =	simm.s32 $0x1  }
0x2: {  	[smem:$0x3F93] =	sst lr;
	_ =	strace $0xD0000000  }
0x3: {  	_ = 	snop  }
0x4: {  	_ = 	snop  }
0x5: {  	_ = 	snop  }
0x6: {  	_ = 	snop  }
0x7: {  	_ = 	snop  }
__scs_overlays_trampoline_lowered:
0x8: {  	[smem:$0x3FA2] =	sst s0  }
0x9: {  	[smem:$0x3FA3] =	sst s1  }
0xa: {  	[smem:$0x3FA4] =	sst s2  }
0xb: {  	[smem:$0x3FA5] =	sst s3  }
0xc: {  	[smem:$0x3FA6] =	sst s4  }
0xd: {  	[smem:$0x3FA7] =	sst s5  }
0xe: {  	[smem:$0x3FA8] =	sst s6  }
0xf: {  	[smem:$0x3FA9] =	sst s7  }
0x10: {  	[smem:$0x3FAA] =	sst s8  }
0x11: {  	[smem:$0x3FAB] =	sst s9;
	s0 =	simm.s32 @!p0 $0x0  }
0x12: {  	s1 =	sld [smem:$0x3F91];
	s0 =	simm.s32 @p0 $0x1  }
0x13: {  	[smem:$0x3FAC] =	sst s0;
	s0 =	simm.s32 @!p1 $0x0  }
0x14: {  	s2 =	sld [smem:$0x3F90];
	s0 =	simm.s32 @p1 $0x1  }
0x15: {  	[smem:$0x3FAD] =	sst s0;
	s0 =	simm.s32 @!p2 $0x0  }
0x16: {  	s3 =	sld [smem:$0x3FDB];
	s0 =	simm.s32 @p2 $0x1  }
0x17: {  	s4 =	simm.s32 $0x1BF5;
	[smem:$0x3FAF] =	sst s0  }
0x18: {  	s0 =	sld [smem:$0x3F92];
	_ =	swait.ge [sflag:s4], $0x0  }
0x19: {  	s7 =	sld [smem:$0x3F93]  }
0x1a: {  	s8 =	sadd.s32 $0xFFFFE003, lr  }
0x1b: {  	s9 =	sadd.s32 $0xFFFFFEF7, lr;
	s5 =	simm.s32 $0xFFFFFFFF;
	p2 =	slt.u32 s8, $0xFFFFF086  }
0x1c: {  	p1 =	slt.u32 s9, $0xF7A;
	s5 =	simm.s32 @!p2 $0x0  }
0x1d: {  	s5 =	simm.s32 @p1 $0x1;
	p0 =	seq.s32 s7, s2  }
0x1e: {  	s7 =	smul.u32 @!p0 $0xF7A, s2;
	p2 =	seq.s32 @!p0 s5, $0x0  }
0x1f: {  	s9 =	smul.u32 $0xF7A, s1;
	s8 =	simm.s32 @!p0 $0x1BF5;
	p2 =	por !p2, p0  }
0x20: {  	[sflag:s8] =	ssyncset.s32 @!p0 $0xFFFFF086;
	s6 =	sadd.s32 @!p0 s3, s7;
	s7 =	simm.s32 @!p0 $0x108  }
0x21: {  	s3 =	sadd.s32 s3, s9;
	s6 =	sadd.s32 @!p0 $0x88, s6;
	s7 =	simm.s32 @p2 $0x1082  }
0x22: {  	[simem:s7], [sflag:s8] =	dma.local @!p0 [hbm:s6], $0xF7A  }
0x23: {  	s9 =	sor.u32 $0xD0000000, s2;
	s6 =	simm.s32 $0x108;
	_ =	swait.ge @!p0 [sflag:s8], $0x0  }
0x24: {  	s3 =	sadd.s32 $0x88, s3;
	s6 =	simm.s32 @!p1 $0x1082;
	[sflag:s4] =	ssyncset.s32 $0xFFFFF086  }
0x25: {  	[simem:s6], [sflag:s4] =	dma.local [hbm:s3], $0xF7A  }
0x26: {  	[smem:$0x3F93] =	sst s1;
	(tag) =	ssettag s2;
	_ =	strace s9  }
0x27: {  	s1 =	sld [smem:$0x3FA3]  }
0x28: {  	s2 =	sld [smem:$0x3FA4]  }
0x29: {  	s4 =	sld [smem:$0x3FA6]  }
0x2a: {  	p0 =	seq.s32 s5, $0x0;
	s5 =	sld [smem:$0x3FA7]  }
0x2b: {  	s6 =	sld [smem:$0x3FA8]  }
0x2c: {  	s7 =	sld [smem:$0x3FA9]  }
0x2d: {  	s3 =	simm.s32 $0x108;
	s8 =	sld [smem:$0x3FAA]  }
0x2e: {  	s3 =	simm.s32 @!p0 $0x1082;
	s9 =	sld [smem:$0x3FAB]  }
0x2f: {  	lr =	sadd.s32 s0, s3;
	s0 =	sld [smem:$0x3FA2]  }
0x30: {  	s3 =	sld [smem:$0x3FA5]  }
0x31: {  	[smem:$0x3FAE] =	sst s10  }
0x32: {  	s10 =	sld [smem:$0x3FAC];
	_ =	sdelay $0x3  }
0x33: {  	p0 =	seq.s32 s10, $0x1;
	s10 =	sld [smem:$0x3FAE];
	_ =	sdelay $0x3  }
0x34: {  	[smem:$0x3FAE] =	sst s10  }
0x35: {  	s10 =	sld [smem:$0x3FAD];
	_ =	sdelay $0x3  }
0x36: {  	p1 =	seq.s32 s10, $0x1;
	s10 =	sld [smem:$0x3FAE];
	_ =	sdelay $0x3  }
0x37: {  	[smem:$0x3FAE] =	sst s10  }
0x38: {  	s10 =	sld [smem:$0x3FAF]  }
0x39: {  	_ = 	snop;
	(pc) =	sbr.ind lr, $3  }
0x3a: {  	_ = 	snop  }
0x3b: {  	_ = 	snop  }
0x3c: {  	p2 =	seq.s32 s10, $0x1;
	s10 =	sld [smem:$0x3FAE]  }
0x3d: {  	_ =	shalt  }
0x3e: {  	_ =	shalt  }
0x3f: {  	_ =	shalt  }
0x40: {  	_ =	shalt  }
0x41: {  	_ =	shalt  }
0x42: {  	_ =	shalt  }
0x43: {  	_ =	shalt  }
0x44: {  	_ =	shalt  }
0x45: {  	_ =	shalt  }
0x46: {  	_ =	shalt  }
0x47: {  	_ =	shalt  }
0x48: {  	_ =	shalt  }
0x49: {  	_ =	shalt  }
0x4a: {  	_ =	shalt  }
0x4b: {  	_ =	shalt  }
0x4c: {  	_ =	shalt  }
0x4d: {  	_ =	shalt  }
0x4e: {  	_ =	shalt  }
0x4f: {  	_ =	shalt  }
0x50: {  	_ =	shalt  }
0x51: {  	_ =	shalt  }
0x52: {  	_ =	shalt  }
0x53: {  	_ =	shalt  }
0x54: {  	_ =	shalt  }
0x55: {  	_ =	shalt  }
0x56: {  	_ =	shalt  }
0x57: {  	_ =	shalt  }
0x58: {  	_ =	shalt  }
0x59: {  	_ =	shalt  }
0x5a: {  	_ =	shalt  }
0x5b: {  	_ =	shalt  }
0x5c: {  	_ =	shalt  }
0x5d: {  	_ =	shalt  }
0x5e: {  	_ =	shalt  }
0x5f: {  	_ =	shalt  }
0x60: {  	_ =	shalt  }
0x61: {  	_ =	shalt  }
0x62: {  	_ =	shalt  }
0x63: {  	_ =	shalt  }
0x64: {  	_ =	shalt  }
0x65: {  	_ =	shalt  }
0x66: {  	_ =	shalt  }
0x67: {  	_ =	shalt  }
0x68: {  	_ =	shalt  }
0x69: {  	_ =	shalt  }
0x6a: {  	_ =	shalt  }
0x6b: {  	_ =	shalt  }
0x6c: {  	_ =	shalt  }
0x6d: {  	_ =	shalt  }
0x6e: {  	_ =	shalt  }
0x6f: {  	_ =	shalt  }
0x70: {  	_ =	shalt  }
0x71: {  	_ =	shalt  }
0x72: {  	_ =	shalt  }
0x73: {  	_ =	shalt  }
0x74: {  	_ =	shalt  }
0x75: {  	_ =	shalt  }
0x76: {  	_ =	shalt  }
0x77: {  	_ =	shalt  }
0x78: {  	_ =	shalt  }
0x79: {  	_ =	shalt  }
0x7a: {  	_ =	shalt  }
0x7b: {  	_ =	shalt  }
0x7c: {  	_ =	shalt  }
0x7d: {  	_ =	shalt  }
0x7e: {  	_ =	shalt  }
0x7f: {  	_ =	shalt  }
0x80: {  	_ =	shalt  }
0x81: {  	_ =	shalt  }
0x82: {  	_ =	shalt  }
0x83: {  	_ =	shalt  }
0x84: {  	_ =	shalt  }
0x85: {  	_ =	shalt  }
0x86: {  	_ =	shalt  }
0x87: {  	_ =	shalt  }
.Lfunc_end0:
.L_simem_size_0:
called_computation_lowered:
.L_overlay_start_0:
0x88: {  	s2 =	sld [smem:$0x3FD9]  }
0x89: {  	s3 =	sld [smem:$0x3FFE];
	_ =	sdelay $0x1  }
0x8a: {  	s1 =	srdreg.scid  }
0x8b: {  	s0 =	sand.u32 $0x1, s1  }
0x8c: {  	s14 =	sshll.u32 s0, $0xA;
	s2 =	sadd.s32 s3, s2  }
0x8d: {  	s2 =	sadd.s32 s2, s14  }
0x8e: {  	[smem:$0x3FBA] =	sst s2  }
0x8f: {  	_ = 	snop  }
0x90: {  	s2 =	sld [smem:$0x3FD0];
	_ =	sdelay $0x2  }
0x91: {  	s15 =	simm.s32 $0xA;
	s4 =	simm.s32 $0x10  }
0x92: {  	[smem:s4], [sflag:s15] =	dma.local [hbm:s2], $0x1  }
0x93: {  	_ =	swait.eq [sflag:s15], $0x1  }
0x94: {  	[sflag:s15] =	ssyncset.done $0x0  }
0x95: {  	s16 =	sld [smem:$0x11];
	[sflag:s15] =	ssyncadd.s32 $0xFFFFFFFF  }
0x96: {  	s17 =	sld [smem:$0x13];
	(tm) =	ssettm $0x1  }
0x97: {  	s18 =	sld [smem:$0x3FFB];
	_ =	sdelay $0x3  }
0x98: {  	_ =	strace s18  }
0x99: {  	s4 =	sld [smem:$0x3FFC];
	_ =	sdelay $0x3  }
0x9a: {  	_ =	strace s4  }
0x9b: {  	s4 =	sld [smem:$0x3FFD];
	_ =	sdelay $0x3  }
0x9c: {  	_ =	strace s4  }
0x9d: {  	_ =	strace $0x8FFFFFFF  }
0x9e: {  	s19 =	sld [smem:$0x3FDB];
	_ =	sdelay $0x1  }
0x9f: {  	s5 =	simm.s32 $_scs_section_size  }
0xa0: {  	s6 =	simm.s32 $_size__tile_overlayer_lowered;
	s7 =	simm.s32 $_tile_overlayer_lowered  }
0xa1: {  	s22 =	simm.s32 $0x1BFF;
	s21 =	sshll.u32 s7, $0x1;
	s4 =	sadd.s32 s5, s19  }
0xa2: {  	s8 =	simm.s32 $0x0;
	s20 =	sshll.u32 s6, $0x1;
	s6 =	sadd.s32 s21, s4  }
0xa3: {  	[timem:s8], [sflag:s22] =	dma.local [hbm:s6], s20  }
0xa4: {  	_ =	swait.ge [sflag:s22], s20  }
0xa5: {  	s5 =	ssub.s32 $0x0, s20;
	[sflag:s22] =	ssyncset.done $0x0  }
0xa6: {  	[sflag:s22] =	ssyncadd.s32 s5;
	_ =	sdelay $0x1  }
0xa7: {  	s23 =	simm.s32 $0x1B8B  }
0xa8: {  	_ =	swait.ge [sflag:s23], $0x1  }
0xa9: {  	[sflag:s23] =	ssyncset.done $0x0  }
0xaa: {  	s25 =	simm.s32 $0x1B8E;
	s24 =	sld [smem:$0x3FFE];
	[sflag:s23] =	ssyncadd.s32 $0xFFFFFFFF  }
0xab: {  	s26 =	simm.s32 $execute0_lowered;
	[smem:$0x3FD2] =	sst s25  }
0xac: {  	s6 =	sshll.u32 s26, $0x1;
	_ =	strace $0x80000046;
	[dreg:$0x1] =	wrdreg $0xFFFFFFFF  }
0xad: {  	s28 =	simm.s32 $_size_execute0_lowered;
	s4 =	sadd.s32 s4, s6;
	[dreg:$0x0] =	wrdreg $0x0  }
0xae: {  	s6 =	sshll.u32 s28, $0x1;
	[dreg:$0x2] =	wrdreg s4  }
0xaf: {  	[dreg:$0x3] =	wrdreg s6  }
0xb0: {  	[dreg:$0x4] =	wrdreg $0xC0  }
0xb1: {  	_ =	task [dreg:s8], $0x5FFFF  }
0xb2: {  	[dreg:$0x1] =	wrdreg $0xFFFFFFFF  }
0xb3: {  	[dreg:$0x0] =	wrdreg $0x60  }
0xb4: {  	[dreg:$0x2] =	wrdreg s17  }
0xb5: {  	[dreg:$0x3] =	wrdreg s16  }
0xb6: {  	[dreg:$0x4] =	wrdreg s24  }
0xb7: {  	[dreg:$0x5] =	wrdreg $0x1ED000  }
0xb8: {  	[dreg:$0x6] =	wrdreg $0x1E8000  }
0xb9: {  	[dreg:$0x7] =	wrdreg $0x1EA800  }
0xba: {  	[dreg:$0x8] =	wrdreg $0x9  }
0xbb: {  	_ =	task.clear_ibuf [dreg:s8], $0x9FFFF;
	_ =	strace $0x90000046  }
0xbc: {  	s29 =	simm.s32 $0x9;
	_ =	strace $0x80000048  }
0xbd: {  	_ =	swait.ge [sflag:s29], $0x1  }
0xbe: {  	[sflag:s29] =	ssyncadd.s32 $0xFFFFFFFF  }
0xbf: {  	_ =	strace $0x90000048  }
0xc0: {  	_ =	sfence  }
0xc1: {  	s30 =	sld [smem:$0x0];
	_ =	sdelay $0x2  }
0xc2: {  	s31 =	sshll.u32 s1, $0xD;
	s1 =	sshrl.u32 s1, $0x2  }
0xc3: {  	s3 =	sand.u32 $0x4000, s31;
	s1 =	sadd.s32 s1, s30  }
0xc4: {  	s0 =	sor.u32 s3, s0;
	s1 =	sshll.u32 s1, $0x11  }
0xc5: {  	s0 =	sor.u32 s1, s0  }
0xc6: {  	s0 =	sadd.s32 $0x8F2B, s0  }
0xc7: {  	[sflag:s0] =	ssyncadd.remote.s32 $0x1  }
0xc8: {  	_ =	sfence.sel $0xFFFF  }
0xc9: {  	[dreg:$0x0] =	wrdreg $0xFFFFFFFF;
	(pc) =	sbr.abs _section_cstart, $3  }
0xca: {  	[dreg:$0x1] =	wrdreg $0xFFFFFFFF  }
0xcb: {  	_ =	task.clear_ibuf [dreg:s8], $0x2FFFF;
	_ =	strace $0x9FFFFFFF  }
0xcc: {  	(tm) =	ssettm $0x7FFFFFFF  }
0xcd: {  	_ =	shalt  }
tec
execute0_lowered:
.L_overlay_start_1:
0x0: {  	(tag) =	ssettag $0x1  }
0x1: {  	s1 =	srdreg.scid  }
0x2: {  	s2 =	rddreg [dreg:$0x1];
	s4 =	sand.u32 $0x1, s1  }
0x3: {  	s3 =	rddreg [dreg:$0x2];
	s5 =	stileid.u32;
	s1 =	sshll.u32 s4, $0x4  }
0x4: {  	s0 =	simm.s32 $0x0;
	s10 =	sor.u32 s5, s1;
	s1 =	smul.u32 $0x280, s5  }
0x5: {  	[smem:$0x7FF] =	sst s0;
	s7 =	sadd.s32 $0x3000, s3;
	s12 =	smul.u32 $0x2710, s10  }
0x6: {  	s8 =	smul.u32 $0x1400, s5;
	s9 =	sadd.s32 $0xCE00, s3;
	s15 =	sshrl.u32 s1, $0x3  }
0x7: {  	s6 =	smul.u32 $0xA000, s4;
	s12 =	sshrl.u32 s12, $0x3;
	s2 =	sadd.s32 s2, s15  }
0x8: {  	s11 =	sadd.s32 $0x18000, s3;
	[dreg:$0x7] =	wrdreg s2;
	s16 =	sadd.s32 s7, s12  }
0x9: {  	s6 =	sadd.s32 s8, s6;
	s18 =	sadd.s32 s9, s12;
	[dreg:$0x8] =	wrdreg s16  }
0xa: {  	s8 =	sadd.s32 $0x24600, s3;
	s19 =	sadd.s32 s11, s12;
	[dreg:$0x9] =	wrdreg s18  }
0xb: {  	s14 =	sadd.s32 s8, s12;
	[dreg:$0xa] =	wrdreg s19  }
0xc: {  	[dreg:$0xe] =	wrdreg s14  }
0xd: {  	s14 =	rddreg [dreg:$0x0]  }
0xe: {  	s17 =	sadd.s32 $0xFA, s12;
	s16 =	rddreg [dreg:$0x3]  }
0xf: {  	s20 =	sadd.s32 s7, s17;
	s18 =	rddreg [dreg:$0x4]  }
0x10: {  	s21 =	sadd.s32 s9, s17;
	[dreg:$0xb] =	wrdreg s20  }
0x11: {  	s23 =	sadd.s32 $0x1F4, s12;
	s22 =	sadd.s32 s11, s17;
	[dreg:$0xc] =	wrdreg s21  }
0x12: {  	s24 =	sadd.s32 s7, s23;
	[dreg:$0xd] =	wrdreg s22  }
0x13: {  	s4 =	ssub.s32 $0x2, s4;
	s25 =	sadd.s32 s9, s23;
	[dreg:$0xf] =	wrdreg s24  }
0x14: {  	s13 =	sshrl.u32 s4, $0x1;
	s26 =	sadd.s32 s11, s23;
	[dreg:$0x10] =	wrdreg s25  }
0x15: {  	s4 =	ssub.s32 s4, s13;
	s2 =	sadd.s32 s8, s17;
	[dreg:$0x11] =	wrdreg s26  }
0x16: {  	s28 =	sadd.s32 $0x2EE, s12;
	s13 =	sadd.s32 s8, s23;
	[dreg:$0x12] =	wrdreg s2  }
0x17: {  	s12 =	sadd.s32 $0x3E8, s12;
	s29 =	sadd.s32 s7, s28;
	[dreg:$0x13] =	wrdreg s13  }
0x18: {  	s7 =	sadd.s32 s7, s12;
	[dreg:$0x14] =	wrdreg s29  }
0x19: {  	s15 =	sadd.s32 s9, s28;
	[dreg:$0x15] =	wrdreg s7  }
0x1a: {  	s9 =	sadd.s32 s9, s12;
	[dreg:$0x16] =	wrdreg s15  }
0x1b: {  	s17 =	sadd.s32 s11, s28;
	[dreg:$0x17] =	wrdreg s9  }
0x1c: {  	s11 =	sadd.s32 s11, s12;
	[dreg:$0x18] =	wrdreg s17  }
0x1d: {  	s19 =	sadd.s32 s8, s12;
	[dreg:$0x19] =	wrdreg s11  }
0x1e: {  	v0 =	vlaneseq.u32;
	s2 =	sadd.s32 s8, s28;
	[dreg:$0x1b] =	wrdreg s19  }
0x1f: {  	v1 =	vor.u32 $0x10, v0;
	[dreg:$0x1a] =	wrdreg s2  }
0x20: {  	s20 =	rddreg [dreg:$0x5];
	_ =	strace $0x80000047;
	[tilespmem:$0x1FED0] =	vst v1;
	v1 =	vor.u32 $0x20, v0  }
0x21: {  	[tilespmem:$0x1FEE0] =	vst v1;
	v1 =	vor.u32 $0x30, v0  }
0x22: {  	[tilespmem:$0x1FEF0] =	vst v1;
	v1 =	vor.u32 $0x40, v0  }
0x23: {  	[tilespmem:$0x1FF00] =	vst v1;
	v1 =	vor.u32 $0x50, v0  }
0x24: {  	p0 =	sne.s32 s5, $0x0;
	p2 =	sgt.u32 s5, $0x7;
	p1 =	sne.s32 s10, $0x0;
	[tilespmem:$0x1FF10] =	vst v1;
	v1 =	vor.u32 $0x60, v0  }
0x25: {  	s10 =	simm.s32 $0xF000;
	s12 =	simm.s32 $0x1;
	s21 =	smul.u32 $0x5000, s5;
	[tilespmem:$0x1FF20] =	vst v1;
	v1 =	vor.u32 $0x70, v0  }
0x26: {  	s22 =	sshrl.u32 s6, $0x3;
	s24 =	smax.u32 s4, $0x1;
	s25 =	sadd.s32 $0xA00, s14;
	[tilespmem:$0x1FF30] =	vst v1;
	v1 =	vor.u32 $0x80, v0  }
0x27: {  	s26 =	sadd.s32 $0xF00, s14;
	s28 =	sadd.s32 $0x1400, s14;
	s29 =	sadd.s32 $0x1900, s14;
	[tilespmem:$0x1FF40] =	vst v1;
	v1 =	vor.u32 $0x90, v0  }
0x28: {  	s17 =	sadd.s32 $0x1E00, s14;
	s30 =	sadd.s32 $0x2300, s14;
	s31 =	sadd.s32 s1, s18;
	[tilespmem:$0x1FF50] =	vst v1;
	v1 =	vor.u32 $0xA0, v0  }
0x29: {  	s4 =	sadd.s32 $0x500, s14;
	s6 =	simm.s32 $0x5000;
	s7 =	simm.s32 $0x7800;
	[tilespmem:$0x1FF60] =	vst v1;
	v1 =	vor.u32 $0xB0, v0  }
0x2a: {  	s8 =	simm.s32 $0xA000;
	s5 =	sadd.s32 s22, s3;
	s3 =	sadd.s32 $0x16C00, s3;
	[tilespmem:$0x1FF70] =	vst v1;
	v1 =	vor.u32 $0xC0, v0  }
0x2b: {  	s9 =	simm.s32 $0xC800;
	s11 =	simm.s32 $0x4;
	[dreg:$0x1c] =	wrdreg s3;
	[tilespmem:$0x1FF80] =	vst v1;
	v1 =	vor.u32 $0xD0, v0  }
0x2c: {  	s13 =	simm.s32 $0x19000;
	s14 =	simm.s32 $0x19800;
	[dreg:$0x1f] =	wrdreg s24;
	[tilespmem:$0x1FF90] =	vst v1;
	v1 =	vor.u32 $0xE0, v0  }
0x2d: {  	s15 =	simm.s32 $0x1A000;
	s18 =	simm.s32 $0x1A800;
	[smem:$0x7FA] =	sst s25;
	[tilespmem:$0x1FFA0] =	vst v1;
	v1 =	vor.u32 $0xF0, v0  }
.Ltmp0:
0x2e: {  	s22 =	simm.s32 $0x0;
	[smem:$0x7FB] =	sst s26;
	[tilespmem:$0x1FFB0] =	vst v1;
	v1 =	vor.u32 $0x100, v0;
	(pc) =	sbr.rel .LBB2_1-.Ltmp0, $4  }
0x2f: {  	s2 =	sshrl.u32 s21, $0x2;
	s23 =	sadd.s32 $0x21E00, s5;
	[smem:$0x7FC] =	sst s28;
	[tilespmem:$0x1FFC0] =	vst v1;
	v1 =	vor.u32 $0x110, v0  }
0x30: {  	[smem:$0x7FD] =	sst s29;
	s3 =	sadd.s32 $0x2800, s1;
	s5 =	simm.s32 $0x2800;
	[tilespmem:$0x1FFD0] =	vst v1;
	v1 =	vor.u32 $0x120, v0  }
0x31: {  	s21 =	simm.s32 $0x2;
	s2 =	sadd.s32 s2, s16;
	[dreg:$0x1e] =	wrdreg s23;
	v0 =	vor.u32 $0x130, v0;
	[tilespmem:$0x1FFE0] =	vst v1  }
0x32: {  	s16 =	simm.s32 $0x3;
	[dreg:$0x1d] =	wrdreg s2;
	s2 =	sadd.s32 s1, s20;
	[tilespmem:$0x1FFF0] =	vst v0;
	v0 =	vimm.f32 $0.0e+00  }
.LBB2_28:
0x33: {  	s19 =	rddreg [dreg:$0x3]  }
0x34: {  	[spmem:s19] =	stream.linear.scatter [tilespmem:s10], [sflag:$0x4], $0xA000, $0x38;
	[tilespmem:$0x1F700] =	vst v63  }
0x35: {  	_ =	swait.ge [sflag:s11], $0xA000  }
0x36: {  	[sflag:s11] =	ssyncset.done $0x0  }
0x37: {  	[sflag:s11] =	ssyncadd.s32 $0xFFFF6000  }
0x38: {  	[bflag:$0x0] =	sbarrier.arrive $0xFFFF  }
0x39: {  	v0 =	vimm.f32 $0.0e+00;
	[bflag:$0x0] =	sbarrier.arrive $0xFFFF  }
.LBB2_30:
0x3a: {  	s19 =	rddreg [dreg:$0x1d];
	s20 =	simm.s32 $0x1D280  }
0x3b: {  	[tilespmem:s20], [sflag:$0x4] =	stream.linear.gather [spmem:s19], $0x1400, $0x38;
	[tilespmem:$0x1F700] =	vst v63  }
0x3c: {  	_ =	swait.ge [sflag:s11], $0x1400  }
0x3d: {  	[sflag:s11] =	ssyncset.done $0x0  }
0x3e: {  	s29 =	rddreg [dreg:$0x1e];
	[sflag:s11] =	ssyncadd.s32 $0xFFFFEC00  }
0x3f: {  	[hbm4b:s29+s0] =	stream.linear.scatter [tilespmem:s20], [sflag:$0x4], $0x1400, $0x38;
	[tilespmem:$0x1F700] =	vst v63  }
0x40: {  	_ =	swait.ge [sflag:s11], $0x1400  }
0x41: {  	[sflag:s11] =	ssyncset.done $0x0  }
0x42: {  	[sflag:s11] =	ssyncadd.s32 $0xFFFFEC00  }
.LBB2_31:
0x43: {  	s22 =	sadd.s32 $0x1, s22;
	s19 =	rddreg [dreg:$0x1f]  }
0x44: {  	p3 =	sne.s32 s22, s19  }
.Ltmp1:
0x45: {  	_ = 	snop;
	(pc) =	sbr.rel @!p3 .LBB2_32-.Ltmp1, $1  }
0x46: {  	_ =	sdelay $0x3  }
.LBB2_1:
0x47: {  	s19 =	sld [smem:$0x7FA];
	_ =	sdelay $0x1  }
0x48: {  	s25 =	sld [smem:$0x7FB]  }
0x49: {  	[tilespmem:s0], [sflag:$0x1] =	stream.linear.gather [hbm4b:s19+s0], $0x2800, $0x38;
	[tilespmem:$0x1F700] =	vst v63  }
0x4a: {  	s26 =	sld [smem:$0x7FC]  }
0x4b: {  	[tilespmem:s5], [sflag:$0x1] =	stream.linear.gather [hbm4b:s25+s0], $0x2800, $0x38;
	[tilespmem:$0x1F700] =	vst v63  }
0x4c: {  	s28 =	sld [smem:$0x7FD]  }
0x4d: {  	[tilespmem:s6], [sflag:$0x1] =	stream.linear.gather [hbm4b:s26+s0], $0x2800, $0x38;
	[tilespmem:$0x1F700] =	vst v63  }
0x4e: {  	_ = 	snop  }
0x4f: {  	[tilespmem:s7], [sflag:$0x1] =	stream.linear.gather [hbm4b:s28+s0], $0x2800, $0x38;
	[tilespmem:$0x1F700] =	vst v63  }
0x50: {  	_ = 	snop  }
0x51: {  	[tilespmem:s8], [sflag:$0x1] =	stream.linear.gather [hbm4b:s17+s0], $0x2800, $0x38;
	[tilespmem:$0x1F700] =	vst v63  }
.Ltmp2:
0x52: {  	_ = 	snop;
	(pc) =	sbr.rel @!p1 .LBB2_33-.Ltmp2, $4  }
0x53: {  	_ = 	snop  }
0x54: {  	[tilespmem:s9], [sflag:$0x1] =	stream.linear.gather [hbm4b:s30+s0], $0x2800, $0x38;
	[tilespmem:$0x1F700] =	vst v63  }
0x55: {  	s29 =	rddreg [dreg:$0x7];
	s20 =	simm.s32 $0x1D000  }
0x56: {  	[tilespmem:s20], [sflag:$0x1] =	stream.linear.gather [hbm4b:s29+s0], $0x280, $0x38;
	[tilespmem:$0x1F700] =	vst v63  }
0x57: {  	s19 =	simm.s32 $0xF080  }
0x58: {  	[tilespmem:s19+$0xFFFFFF80] =	vst v0  }
0x59: {  	[tilespmem:s19+$0x70] =	vst v0  }
0x5a: {  	[tilespmem:s19+$0x60] =	vst v0  }
0x5b: {  	[tilespmem:s19+$0x50] =	vst v0  }
0x5c: {  	[tilespmem:s19+$0x40] =	vst v0  }
0x5d: {  	[tilespmem:s19+$0x30] =	vst v0  }
0x5e: {  	[tilespmem:s19+$0x20] =	vst v0  }
0x5f: {  	[tilespmem:s19+$0x10] =	vst v0  }
0x60: {  	[tilespmem:s19+$0x0] =	vst v0  }
0x61: {  	[tilespmem:s19+$0xFFFFFFF0] =	vst v0  }
0x62: {  	[tilespmem:s19+$0xFFFFFFE0] =	vst v0  }
0x63: {  	[tilespmem:s19+$0xFFFFFFD0] =	vst v0  }
0x64: {  	[tilespmem:s19+$0xFFFFFFC0] =	vst v0  }
0x65: {  	[tilespmem:s19+$0xFFFFFFB0] =	vst v0  }
0x66: {  	s20 =	simm.s32 $0x0;
	[tilespmem:s19+$0xFFFFFFA0] =	vst v0  }
.LBB2_3:
0x67: {  	s20 =	sadd.s32 $0x2, s20;
	[tilespmem:s19+$0xFFFFFF90] =	vst v0;
	s19 =	sadd.s32 $0x100, s19  }
0x68: {  	[tilespmem:s19+$0xFFFFFF80] =	vst v0;
	p3 =	slt.u32 s20, $0x13E  }
0x69: {  	[tilespmem:s19+$0x70] =	vst v0  }
0x6a: {  	[tilespmem:s19+$0x60] =	vst v0  }
0x6b: {  	[tilespmem:s19+$0x50] =	vst v0  }
0x6c: {  	[tilespmem:s19+$0x40] =	vst v0  }
0x6d: {  	[tilespmem:s19+$0x30] =	vst v0  }
0x6e: {  	[tilespmem:s19+$0x20] =	vst v0  }
0x6f: {  	[tilespmem:s19+$0x10] =	vst v0  }
0x70: {  	[tilespmem:s19+$0x0] =	vst v0  }
0x71: {  	[tilespmem:s19+$0xFFFFFFF0] =	vst v0  }
.Ltmp3:
0x72: {  	[tilespmem:s19+$0xFFFFFFE0] =	vst v0;
	(pc) =	sbr.rel @p3 .LBB2_3-.Ltmp3, $4  }
0x73: {  	[tilespmem:s19+$0xFFFFFFD0] =	vst v0  }
0x74: {  	[tilespmem:s19+$0xFFFFFFC0] =	vst v0  }
0x75: {  	[tilespmem:s19+$0xFFFFFFB0] =	vst v0  }
0x76: {  	[tilespmem:s19+$0xFFFFFFA0] =	vst v0  }
.Ltmp4:
0x77: {  	(pc) =	sbr.rel .LBB2_5-.Ltmp4, $2  }
0x78: {  	_ =	sdelay $0x2  }
0x79: {  	[tilespmem:s19+$0xFFFFFF90] =	vst v0  }
.LBB2_33:
0x7a: {  	s19 =	rddreg [dreg:$0x1c]  }
0x7b: {  	[tilespmem:s10], [sflag:$0x4] =	stream.linear.gather [hbm4b:s19+s0], $0xA000, $0x38;
	[tilespmem:$0x1F700] =	vst v63  }
0x7c: {  	_ =	swait.ge [sflag:s11], $0xA000  }
0x7d: {  	[sflag:s11] =	ssyncset.done $0x0  }
0x7e: {  	[sflag:s11] =	ssyncadd.s32 $0xFFFF6000  }
.LBB2_5:
0x7f: {  	v0 =	vlaneseq.u32  }
0x80: {  	[tilespmem:$0x1E680] =	vst v0;
	v0 =	vld [tilespmem:$0x1FED0];
	_ =	sdelay $0x4  }
0x81: {  	[tilespmem:$0x1E690] =	vst v0;
	v0 =	vld [tilespmem:$0x1FEE0];
	_ =	sdelay $0x4  }
0x82: {  	[tilespmem:$0x1E6A0] =	vst v0;
	v0 =	vld [tilespmem:$0x1FEF0];
	_ =	sdelay $0x4  }
0x83: {  	[tilespmem:$0x1E6B0] =	vst v0;
	v0 =	vld [tilespmem:$0x1FF00];
	_ =	sdelay $0x4  }
0x84: {  	[tilespmem:$0x1E6C0] =	vst v0;
	v0 =	vld [tilespmem:$0x1FF10];
	_ =	sdelay $0x4  }
0x85: {  	[tilespmem:$0x1E6D0] =	vst v0;
	v0 =	vld [tilespmem:$0x1FF20];
	_ =	sdelay $0x4  }
0x86: {  	[tilespmem:$0x1E6E0] =	vst v0;
	v0 =	vld [tilespmem:$0x1FF30];
	_ =	sdelay $0x4  }
0x87: {  	[tilespmem:$0x1E6F0] =	vst v0;
	v0 =	vld [tilespmem:$0x1FF40];
	_ =	sdelay $0x4  }
0x88: {  	[tilespmem:$0x1E700] =	vst v0;
	v0 =	vld [tilespmem:$0x1FF50];
	_ =	sdelay $0x4  }
0x89: {  	[tilespmem:$0x1E710] =	vst v0;
	v0 =	vld [tilespmem:$0x1FF60];
	_ =	sdelay $0x4  }
0x8a: {  	[tilespmem:$0x1E720] =	vst v0;
	v0 =	vld [tilespmem:$0x1FF70];
	_ =	sdelay $0x4  }
0x8b: {  	[tilespmem:$0x1E730] =	vst v0;
	v0 =	vld [tilespmem:$0x1FF80];
	_ =	sdelay $0x4  }
0x8c: {  	[tilespmem:$0x1E740] =	vst v0;
	v0 =	vld [tilespmem:$0x1FF90];
	_ =	sdelay $0x4  }
0x8d: {  	[tilespmem:$0x1E750] =	vst v0;
	v0 =	vld [tilespmem:$0x1FFA0];
	_ =	sdelay $0x4  }
0x8e: {  	[tilespmem:$0x1E760] =	vst v0;
	v0 =	vld [tilespmem:$0x1FFB0];
	_ =	sdelay $0x4  }
0x8f: {  	[tilespmem:$0x1E770] =	vst v0;
	v0 =	vld [tilespmem:$0x1FFC0];
	_ =	sdelay $0x4  }
0x90: {  	[tilespmem:$0x1E780] =	vst v0;
	v0 =	vld [tilespmem:$0x1FFD0];
	_ =	sdelay $0x4  }
0x91: {  	[tilespmem:$0x1E790] =	vst v0;
	v0 =	vld [tilespmem:$0x1FFE0];
	_ =	sdelay $0x4  }
0x92: {  	[tilespmem:$0x1E7A0] =	vst v0;
	v0 =	vld [tilespmem:$0x1FFF0];
	_ =	sdelay $0x4  }
0x93: {  	[tilespmem:$0x1E7B0] =	vst v0  }
0x94: {  	_ =	swait.ge [sflag:s12], $0x2800  }
0x95: {  	[sflag:s12] =	ssyncset.done $0x0  }
0x96: {  	[sflag:s12] =	ssyncadd.s32 $0xFFFFD800  }
0x97: {  	_ =	swait.ge [sflag:s12], $0x2800  }
0x98: {  	[sflag:s12] =	ssyncset.done $0x0  }
0x99: {  	[sflag:s12] =	ssyncadd.s32 $0xFFFFD800  }
0x9a: {  	_ =	swait.ge [sflag:s12], $0x2800  }
0x9b: {  	[sflag:s12] =	ssyncset.done $0x0  }
0x9c: {  	[sflag:s12] =	ssyncadd.s32 $0xFFFFD800  }
0x9d: {  	_ =	swait.ge [sflag:s12], $0x2800  }
0x9e: {  	[sflag:s12] =	ssyncset.done $0x0  }
0x9f: {  	[sflag:s12] =	ssyncadd.s32 $0xFFFFD800  }
0xa0: {  	_ =	swait.ge [sflag:s12], $0x2800  }
0xa1: {  	[sflag:s12] =	ssyncset.done $0x0  }
0xa2: {  	[sflag:s12] =	ssyncadd.s32 $0xFFFFD800  }
0xa3: {  	_ =	swait.ge [sflag:s12], $0x2800  }
0xa4: {  	[sflag:s12] =	ssyncset.done $0x0  }
0xa5: {  	[sflag:s12] =	ssyncadd.s32 $0xFFFFD800  }
0xa6: {  	_ =	swait.ge [sflag:s12], $0x280  }
0xa7: {  	[sflag:s12] =	ssyncset.done $0x0  }
0xa8: {  	s20 =	simm.s32 $0x0;
	s19 =	rddreg [dreg:$0x8];
	[sflag:s12] =	ssyncadd.s32 $0xFFFFFD80  }
0xa9: {  	[tilespmem:s13], [sflag:$0x3] =	stream.linear.gather [hbm4b:s19+s20], $0x7D0, $0x38;
	[tilespmem:$0x1F700] =	vst v63  }
0xaa: {  	s26 =	rddreg [dreg:$0x9]  }
0xab: {  	[tilespmem:s14], [sflag:$0x3] =	stream.linear.gather [hbm4b:s26+s20], $0x7D0, $0x38;
	[tilespmem:$0x1F700] =	vst v63  }
0xac: {  	s23 =	simm.s32 $0x1D010;
	s28 =	rddreg [dreg:$0xa]  }
0xad: {  	[tilespmem:s15], [sflag:$0x3] =	stream.linear.gather [hbm4b:s28+s20], $0x7D0, $0x38;
	[tilespmem:$0x1F700] =	vst v63  }
0xae: {  	v2 =	vld [tilespmem:s23+$0x0];
	_ =	sdelay $0x2  }
0xaf: {  	v1 =	vld [tilespmem:s23+$0xFFFFFFF0]  }
0xb0: {  	s24 =	sadd.s32 $0x0, s1;
	s23 =	simm.s32 $0x10  }
0xb1: {  	s24 =	sand.u32 $0x7F80, s24;
	s26 =	simm.s32 $0x1D030;
	s25 =	sand.u32 $0x70, s23  }
0xb2: {  	v0 =	vld [tilespmem:s26+$0x0];
	s19 =	sor.u32 s25, s24  }
0xb3: {  	v5 =	vld [tilespmem:s19+$0x2800]  }
0xb4: {  	s20 =	sand.u32 $0x60, s20;
	v4 =	vld.idx.msk [tilespmem:v2+s7+$0x0], $0xffff  }
0xb5: {  	v3 =	vld [tilespmem:s26+$0xFFFFFFF0];
	s20 =	sor.u32 s20, s24  }
0xb6: {  	v9 =	vld [tilespmem:s20+$0x0]  }
0xb7: {  	v8 =	vld.idx.msk [tilespmem:v1+s6+$0x0], $0xffff  }
0xb8: {  	v1 =	vld.idx.msk [tilespmem:v1+s7+$0x0], $0xffff  }
0xb9: {  	s28 =	sadd.s32 $0x20, s1;
	s25 =	simm.s32 $0x30;
	v5 =	vadd.f32 v5, v4;
	v4 =	vld [tilespmem:s20+$0x2800]  }
0xba: {  	s29 =	sand.u32 $0x7F80, s28;
	s26 =	sand.u32 $0x70, s25;
	v2 =	vld.idx.msk [tilespmem:v2+s6+$0x0], $0xffff  }
0xbb: {  	s23 =	simm.s32 $0x20;
	s24 =	sor.u32 s26, s29;
	[tilespmem:s19+$0x2800] =	vst v5;
	v5 =	vld [tilespmem:s19+$0x0]  }
0xbc: {  	s28 =	sand.u32 $0x60, s23;
	v7 =	vld [tilespmem:s24+$0x2800]  }
0xbd: {  	s25 =	sor.u32 s28, s29;
	s26 =	simm.s32 $0x2;
	s29 =	simm.s32 $0x1D050;
	v6 =	vld.idx.msk [tilespmem:v0+s7+$0x0], $0xffff;
	v8 =	vadd.f32 v9, v8  }
.LBB2_6:
0xbe: {  	v9 =	vld [tilespmem:s29+$0x0];
	s26 =	sadd.s32 $0x2, s26;
	v1 =	vadd.f32 v4, v1  }
0xbf: {  	v10 =	vld [tilespmem:s29+$0xFFFFFFF0];
	p3 =	slt.u32 s26, $0x26;
	[tilespmem:s20+$0x0] =	vst v8  }
0xc0: {  	v8 =	vld.idx.msk [tilespmem:v3+s6+$0x0], $0xffff;
	[tilespmem:s20+$0x2800] =	vst v1;
	v2 =	vadd.f32 v5, v2;
	s20 =	smov.u32 s25  }
0xc1: {  	v1 =	vld.idx.msk [tilespmem:v3+s7+$0x0], $0xffff  }
0xc2: {  	v11 =	vld [tilespmem:s20+$0x0];
	v5 =	vadd.f32 v7, v6;
	[tilespmem:s19+$0x0] =	vst v2;
	s19 =	smov.u32 s24  }
.Ltmp5:
0xc3: {  	s23 =	sadd.s32 $0x20, s23;
	v4 =	vld [tilespmem:s20+$0x2800];
	(pc) =	sbr.rel @p3 .LBB2_6-.Ltmp5, $4  }
0xc4: {  	s28 =	sadd.s32 $0x10, s23;
	s25 =	sand.u32 $0x60, s23;
	s24 =	sadd.s32 s23, s1;
	v2 =	vld.idx.msk [tilespmem:v0+s6+$0x0], $0xffff;
	[tilespmem:s19+$0x2800] =	vst v5;
	v0 =	vmov v9;
	v3 =	vmov v10  }
0xc5: {  	s28 =	sand.u32 $0x70, s28;
	s24 =	sand.u32 $0x7F80, s24;
	v5 =	vld [tilespmem:s19+$0x0]  }
0xc6: {  	s25 =	sor.u32 s25, s24;
	s24 =	sor.u32 s28, s24;
	v6 =	vld.idx.msk [tilespmem:v9+s7+$0x0], $0xffff  }
0xc7: {  	s29 =	sadd.s32 $0x20, s29;
	v7 =	vld [tilespmem:s24+$0x2800];
	v8 =	vadd.f32 v11, v8  }
0xc8: {  	_ =	sdelay $0x3  }
0xc9: {  	v9 =	vld.idx.msk [tilespmem:v3+s6+$0x0], $0xffff  }
0xca: {  	v3 =	vld.idx.msk [tilespmem:v3+s7+$0x0], $0xffff  }
0xcb: {  	v10 =	vld [tilespmem:s25+$0x0]  }
0xcc: {  	v0 =	vld.idx.msk [tilespmem:v0+s6+$0x0], $0xffff;
	v6 =	vadd.f32 v7, v6  }
0xcd: {  	v7 =	vld [tilespmem:s25+$0x2800]  }
0xce: {  	[tilespmem:s24+$0x2800] =	vst v6;
	v6 =	vld [tilespmem:s24+$0x0]  }
0xcf: {  	v1 =	vadd.f32 v4, v1  }
0xd0: {  	[tilespmem:s20+$0x0] =	vst v8;
	v2 =	vadd.f32 v5, v2  }
0xd1: {  	[tilespmem:s20+$0x2800] =	vst v1;
	v1 =	vadd.f32 v10, v9  }
0xd2: {  	[tilespmem:s19+$0x0] =	vst v2;
	v2 =	vadd.f32 v7, v3  }
0xd3: {  	[tilespmem:s25+$0x0] =	vst v1;
	v0 =	vadd.f32 v6, v0  }
0xd4: {  	[tilespmem:s25+$0x2800] =	vst v2  }
0xd5: {  	[tilespmem:s24+$0x0] =	vst v0  }
0xd6: {  	[spmem:s31] =	stream.linear.scatter [tilespmem:s1], [sflag:$0x4], $0x280, $0x38;
	[tilespmem:$0x1F700] =	vst v63  }
0xd7: {  	_ =	swait.ge [sflag:s11], $0x280  }
0xd8: {  	[sflag:s11] =	ssyncset.done $0x0  }
0xd9: {  	[sflag:s11] =	ssyncadd.s32 $0xFFFFFD80  }
0xda: {  	[spmem:s2] =	stream.linear.scatter [tilespmem:s3], [sflag:$0x4], $0x280, $0x38;
	[tilespmem:$0x1F700] =	vst v63  }
0xdb: {  	_ =	swait.ge [sflag:s11], $0x280  }
0xdc: {  	[sflag:s11] =	ssyncset.done $0x0  }
0xdd: {  	[sflag:s11] =	ssyncadd.s32 $0xFFFFFD80  }
0xde: {  	s26 =	rddreg [dreg:$0x0]  }
0xdf: {  	[tilespmem:s6], [sflag:$0x4] =	stream.linear.gather [hbm4b:s26+s0], $0x2800, $0x38;
	[tilespmem:$0x1F700] =	vst v63  }
0xe0: {  	_ =	swait.ge [sflag:s11], $0x2800  }
0xe1: {  	[sflag:s11] =	ssyncset.done $0x0  }
0xe2: {  	[sflag:s11] =	ssyncadd.s32 $0xFFFFD800  }
0xe3: {  	[tilespmem:s7], [sflag:$0x4] =	stream.linear.gather [hbm4b:s4+s0], $0x2800, $0x38;
	[tilespmem:$0x1F700] =	vst v63  }
0xe4: {  	_ =	swait.ge [sflag:s11], $0x2800  }
0xe5: {  	[sflag:s11] =	ssyncset.done $0x0  }
0xe6: {  	[sflag:s11] =	ssyncadd.s32 $0xFFFFD800  }
0xe7: {  	[bflag:$0x0] =	sbarrier.arrive $0xFFFF  }
0xe8: {  	s20 =	rddreg [dreg:$0x4]  }
0xe9: {  	[tilespmem:s0], [sflag:$0x1] =	stream.linear.gather [spmem:s20], $0x2800, $0x38;
	[tilespmem:$0x1F700] =	vst v63  }
0xea: {  	s23 =	rddreg [dreg:$0x5]  }
0xeb: {  	[tilespmem:s5], [sflag:$0x1] =	stream.linear.gather [spmem:s23], $0x2800, $0x38;
	[tilespmem:$0x1F700] =	vst v63  }
0xec: {  	_ =	swait.ge [sflag:s12], $0x2800  }
0xed: {  	[sflag:s12] =	ssyncset.done $0x0  }
0xee: {  	[sflag:s12] =	ssyncadd.s32 $0xFFFFD800  }
0xef: {  	_ =	swait.ge [sflag:s12], $0x2800  }
0xf0: {  	[sflag:s12] =	ssyncset.done $0x0  }
0xf1: {  	[sflag:s12] =	ssyncadd.s32 $0xFFFFD800  }
0xf2: {  	_ =	swait.ge [sflag:s16], $0x7D0  }
0xf3: {  	[sflag:s16] =	ssyncset.done $0x0  }
0xf4: {  	[sflag:s16] =	ssyncadd.s32 $0xFFFFF830  }
0xf5: {  	_ =	swait.ge [sflag:s16], $0x7D0  }
0xf6: {  	[sflag:s16] =	ssyncset.done $0x0  }
0xf7: {  	[sflag:s16] =	ssyncadd.s32 $0xFFFFF830  }
0xf8: {  	_ =	swait.ge [sflag:s16], $0x7D0  }
0xf9: {  	[sflag:s16] =	ssyncset.done $0x0  }
0xfa: {  	s25 =	simm.s32 $0x1B000;
	s24 =	rddreg [dreg:$0xb];
	[sflag:s16] =	ssyncadd.s32 $0xFFFFF830  }
0xfb: {  	[tilespmem:s25], [sflag:$0x3] =	stream.linear.gather [hbm4b:s24+s0], $0x7D0, $0x38;
	[tilespmem:$0x1F700] =	vst v63  }
0xfc: {  	s28 =	simm.s32 $0x1B800;
	s26 =	rddreg [dreg:$0xc]  }
0xfd: {  	[tilespmem:s28], [sflag:$0x3] =	stream.linear.gather [hbm4b:s26+s0], $0x7D0, $0x38;
	[tilespmem:$0x1F700] =	vst v63  }
0xfe: {  	s23 =	simm.s32 $0x1C000;
	s20 =	rddreg [dreg:$0xd];
	s24 =	simm.s32 $0x19040  }
0xff: {  	[tilespmem:s23], [sflag:$0x3] =	stream.linear.gather [hbm4b:s20+s0], $0x7D0, $0x38;
	[tilespmem:$0x1F700] =	vst v63  }
0x100: {  	s23 =	simm.s32 $0x19840;
	v13 =	vld [tilespmem:s24+$0x30]  }
0x101: {  	v14 =	vld [tilespmem:s23+$0x30]  }
0x102: {  	v7 =	vld [tilespmem:s23+$0xFFFFFFC0]  }
0x103: {  	v12 =	vld [tilespmem:s24+$0xFFFFFFD0]  }
0x104: {  	v6 =	vld [tilespmem:s23+$0xFFFFFFD0]  }
0x105: {  	v11 =	vld [tilespmem:s24+$0xFFFFFFE0]  }
0x106: {  	v4 =	vld [tilespmem:s23+$0xFFFFFFE0]  }
0x107: {  	v10 =	vld [tilespmem:s24+$0xFFFFFFF0]  }
0x108: {  	v5 =	vld [tilespmem:s23+$0xFFFFFFF0]  }
0x109: {  	s26 =	simm.s32 $0x1A040;
	v8 =	vld [tilespmem:s24+$0x0]  }
0x10a: {  	v17 =	vld [tilespmem:s26+$0x30]  }
0x10b: {  	v2 =	vld [tilespmem:s23+$0x0]  }
0x10c: {  	v15 =	vld.idx.msk [tilespmem:v13+s8+$0x0], $0xffff  }
0x10d: {  	v16 =	vld.idx.msk [tilespmem:v14+s9+$0x0], $0xffff  }
0x10e: {  	v3 =	vld [tilespmem:s24+$0x10]  }
0x10f: {  	v0 =	vld [tilespmem:s23+$0x10]  }
0x110: {  	v1 =	vld [tilespmem:s24+$0x20]  }
0x111: {  	v9 =	vld [tilespmem:s23+$0x20]  }
0x112: {  	v15 =	vadd.f32 v16, v15;
	v16 =	vld [tilespmem:s24+$0xFFFFFFC0]  }
0x113: {  	v25 =	vld [tilespmem:s26+$0xFFFFFFC0]  }
0x114: {  	v62 =	vld [tilespmem:s26+$0xFFFFFFD0];
	v15 =	vadd.f32 v17, v15  }
0x115: {  	v30 =	vld [tilespmem:s26+$0xFFFFFFE0]  }
0x116: {  	v31 =	vld [tilespmem:s26+$0xFFFFFFF0];
	v15 =	vsub.f32 $0.0e+00, v15  }
0x117: {  	v18 =	vld.idx.msk [tilespmem:v7+s9+$0x0], $0xffff  }
0x118: {  	v60 =	vld.idx.msk [tilespmem:v12+s8+$0x0], $0xffff;
	v15 =	vmul.f32 $1.442695020e+00, v15  }
0x119: {  	v19 =	vld.idx.msk [tilespmem:v6+s9+$0x0], $0xffff  }
0x11a: {  	(erf) = vpow2.f32 v15;
	v61 =	vld.idx.msk [tilespmem:v16+s8+$0x0], $0xffff  }
0x11b: {  	v20 =	vld.idx.msk [tilespmem:v11+s8+$0x0], $0xffff  }
0x11c: {  	v21 =	vld.idx.msk [tilespmem:v4+s9+$0x0], $0xffff  }
0x11d: {  	v22 =	vld.idx.msk [tilespmem:v10+s8+$0x0], $0xffff  }
0x11e: {  	v23 =	vld.idx.msk [tilespmem:v5+s9+$0x0], $0xffff  }
0x11f: {  	v24 =	vld.idx.msk [tilespmem:v8+s8+$0x0], $0xffff;
	v15 =	vadd.f32 v18, v61  }
0x120: {  	v26 =	vld.idx.msk [tilespmem:v2+s9+$0x0], $0xffff  }
0x121: {  	v27 =	vld.idx.msk [tilespmem:v3+s8+$0x0], $0xffff;
	v15 =	vadd.f32 v25, v15  }
0x122: {  	v28 =	vld.idx.msk [tilespmem:v0+s9+$0x0], $0xffff  }
0x123: {  	v29 =	vld.idx.msk [tilespmem:v1+s8+$0x0], $0xffff;
	v17 =	vadd.f32 v19, v60;
	v33 =	vpop (erf);
	v15 =	vsub.f32 $0.0e+00, v15  }
0x124: {  	v63 =	vld.idx.msk [tilespmem:v9+s9+$0x0], $0xffff;
	v19 =	vadd.f32 $1.000000000e+00, v33  }
0x125: {  	v32 =	vld [tilespmem:s26+$0x0];
	v17 =	vadd.f32 v62, v17;
	v15 =	vmul.f32 $1.442695020e+00, v15  }
0x126: {  	v36 =	vld [tilespmem:s26+$0x10];
	v34 =	vadd.f32 v21, v20;
	v35 =	vadd.f32 v23, v22;
	(erf) = vrcp.f32 v19  }
0x127: {  	v38 =	vld [tilespmem:s26+$0x20];
	v37 =	vadd.f32 v26, v24;
	v17 =	vsub.f32 $0.0e+00, v17;
	(erf) = vpow2.f32 v15  }
0x128: {  	v39 =	vadd.f32 v28, v27;
	v18 =	vadd.f32 v30, v34  }
0x129: {  	v40 =	vadd.f32 v63, v29;
	v20 =	vadd.f32 v31, v35;
	v17 =	vmul.f32 $1.442695020e+00, v17  }
0x12a: {  	v21 =	vadd.f32 v32, v37;
	v18 =	vsub.f32 $0.0e+00, v18  }
0x12b: {  	v20 =	vsub.f32 $0.0e+00, v20;
	v15 =	vadd.f32 v36, v39;
	(erf) = vpow2.f32 v17  }
0x12c: {  	v43 =	vadd.f32 v38, v40;
	v42 =	vsub.f32 $0.0e+00, v21;
	v41 =	vmul.f32 $1.442695020e+00, v18  }
0x12d: {  	v20 =	vmul.f32 $1.442695020e+00, v20;
	v15 =	vsub.f32 $0.0e+00, v15  }
0x12e: {  	v18 =	vmul.f32 $1.442695020e+00, v42;
	v19 =	vsub.f32 $0.0e+00, v43;
	(erf) = vpow2.f32 v41  }
0x12f: {  	(erf) = vpow2.f32 v20;
	v15 =	vmul.f32 $1.442695020e+00, v15;
	v44 =	vpop (erf)  }
0x130: {  	s24 =	simm.s32 $0x1A840;
	v19 =	vmul.f32 $1.442695020e+00, v19;
	(erf) = vpow2.f32 v18;
	v45 =	vpop (erf)  }
0x131: {  	[tilespmem:s24+$0x30] =	vst v44;
	(erf) = vpow2.f32 v15;
	v46 =	vadd.f32 $1.000000000e+00, v45  }
0x132: {  	v47 =	vld.idx.msk [tilespmem:v13+s6+$0x0], $0xffff;
	(erf) = vpow2.f32 v19  }
0x133: {  	s19 =	simm.s32 $0x0;
	v48 =	vld.idx.msk [tilespmem:v13+s7+$0x0], $0xffff;
	(erf) = vrcp.f32 v46  }
0x134: {  	v14 =	vshll.u32 v14, $0x2;
	v49 =	vld.idx.msk [tilespmem:v13+s19+$0x0], $0xffff;
	v50 =	vpop (erf)  }
0x135: {  	v51 =	vor.u32 $0x1, v14;
	v13 =	vld.idx.msk [tilespmem:v13+s5+$0x0], $0xffff;
	v20 =	vadd.f32 $1.000000000e+00, v50  }
0x136: {  	v52 =	vor.u32 $0x2, v14  }
0x137: {  	v53 =	vor.u32 $0x3, v14;
	v54 =	vpop (erf);
	(erf) = vrcp.f32 v20;
	v18 =	vmul.f32 v44, v47  }
0x138: {  	v55 =	vpop (erf);
	v19 =	vmul.f32 v44, v48  }
0x139: {  	v57 =	vadd.f32 $1.000000000e+00, v54;
	v58 =	vpop (erf);
	v56 =	vmul.f32 v44, v49;
	[tilespmem:v14+s10+$0x0] =	vst.idx.add.f32.msk $0xffff, v18  }
0x13a: {  	v13 =	vmul.f32 v44, v13;
	[tilespmem:v51+s10+$0x0] =	vst.idx.add.f32.msk $0xffff, v19;
	v59 =	vpop (erf)  }
0x13b: {  	(erf) = vrcp.f32 v57;
	[tilespmem:v52+s10+$0x0] =	vst.idx.add.f32.msk $0xffff, v56;
	v60 =	vpop (erf)  }
0x13c: {  	[tilespmem:v53+s10+$0x0] =	vst.idx.add.f32.msk $0xffff, v13;
	v61 =	vpop (erf)  }
0x13d: {  	v62 =	vadd.f32 $1.000000000e+00, v55;
	[tilespmem:s24+$0xFFFFFFC0] =	vst v61  }
0x13e: {  	v63 =	vld.idx.msk [tilespmem:v16+s6+$0x0], $0xffff  }
0x13f: {  	(erf) = vrcp.f32 v62;
	v24 =	vld.idx.msk [tilespmem:v16+s7+$0x0], $0xffff  }
0x140: {  	v20 =	vpop (erf);
	v25 =	vld.idx.msk [tilespmem:v16+s19+$0x0], $0xffff  }
0x141: {  	v18 =	vadd.f32 $1.000000000e+00, v58;
	[tilespmem:s24+$0xFFFFFFD0] =	vst v20;
	v16 =	vld.idx.msk [tilespmem:v16+s5+$0x0], $0xffff  }
0x142: {  	v28 =	vld.idx.msk [tilespmem:v12+s6+$0x0], $0xffff  }
0x143: {  	(erf) = vrcp.f32 v18;
	v26 =	vld.idx.msk [tilespmem:v12+s7+$0x0], $0xffff  }
0x144: {  	v31 =	vpop (erf);
	v29 =	vld.idx.msk [tilespmem:v12+s19+$0x0], $0xffff  }
0x145: {  	v17 =	vadd.f32 $1.000000000e+00, v59;
	[tilespmem:s24+$0xFFFFFFE0] =	vst v31;
	v12 =	vld.idx.msk [tilespmem:v12+s5+$0x0], $0xffff  }
0x146: {  	v30 =	vld.idx.msk [tilespmem:v11+s6+$0x0], $0xffff  }
0x147: {  	(erf) = vrcp.f32 v17;
	v17 =	vld.idx.msk [tilespmem:v11+s7+$0x0], $0xffff  }
0x148: {  	v32 =	vld.idx.msk [tilespmem:v11+s19+$0x0], $0xffff;
	v33 =	vpop (erf)  }
0x149: {  	v14 =	vadd.f32 $1.000000000e+00, v60;
	v11 =	vld.idx.msk [tilespmem:v11+s5+$0x0], $0xffff;
	[tilespmem:s24+$0xFFFFFFF0] =	vst v33  }
0x14a: {  	v34 =	vld.idx.msk [tilespmem:v10+s6+$0x0], $0xffff  }
0x14b: {  	(erf) = vrcp.f32 v14;
	v14 =	vld.idx.msk [tilespmem:v10+s7+$0x0], $0xffff  }
0x14c: {  	v36 =	vld.idx.msk [tilespmem:v10+s19+$0x0], $0xffff;
	v35 =	vpop (erf)  }
0x14d: {  	v10 =	vld.idx.msk [tilespmem:v10+s5+$0x0], $0xffff;
	[tilespmem:s24+$0x0] =	vst v35  }
0x14e: {  	v37 =	vld.idx.msk [tilespmem:v8+s6+$0x0], $0xffff  }
0x14f: {  	v38 =	vld.idx.msk [tilespmem:v8+s7+$0x0], $0xffff  }
0x150: {  	v39 =	vpop (erf);
	v40 =	vld.idx.msk [tilespmem:v8+s19+$0x0], $0xffff  }
0x151: {  	[tilespmem:s24+$0x10] =	vst v39;
	v42 =	vld.idx.msk [tilespmem:v8+s5+$0x0], $0xffff  }
0x152: {  	v50 =	vshll.u32 v4, $0x2;
	v47 =	vld.idx.msk [tilespmem:v3+s6+$0x0], $0xffff  }
0x153: {  	v4 =	vor.u32 $0x2, v50;
	v51 =	vld.idx.msk [tilespmem:v3+s7+$0x0], $0xffff  }
0x154: {  	v48 =	vshll.u32 v5, $0x2;
	v52 =	vld.idx.msk [tilespmem:v3+s19+$0x0], $0xffff;
	[tilespmem:$0x1FE70] =	vst v4;
	v4 =	vor.u32 $0x3, v50  }
0x155: {  	v7 =	vshll.u32 v7, $0x2;
	[tilespmem:$0x1FE80] =	vst v4;
	v4 =	vor.u32 $0x1, v48  }
0x156: {  	v2 =	vshll.u32 v2, $0x2;
	v43 =	vor.u32 $0x2, v7;
	v59 =	vpop (erf);
	[tilespmem:$0x1FE90] =	vst v4  }
0x157: {  	v41 =	vor.u32 $0x1, v7;
	v45 =	vshll.u32 v6, $0x2;
	[tilespmem:s24+$0x20] =	vst v59;
	v55 =	vld.idx.msk [tilespmem:v3+s5+$0x0], $0xffff;
	v3 =	vor.u32 $0x2, v48  }
0x158: {  	v5 =	vor.u32 $0x3, v48;
	v58 =	vmul.f32 v61, v25;
	v13 =	vmul.f32 v61, v16;
	[tilespmem:$0x1FEA0] =	vst v3  }
0x159: {  	v46 =	vor.u32 $0x1, v45;
	v25 =	vmul.f32 v20, v28;
	v18 =	vmul.f32 v20, v26;
	v15 =	vld.idx.msk [tilespmem:v1+s6+$0x0], $0xffff;
	[tilespmem:$0x1FEB0] =	vst v5  }
0x15a: {  	v28 =	vmovc v2;
	v2 =	vor.u32 $0x1, v2;
	v54 =	vmul.f32 v20, v29;
	v4 =	vmul.f32 v61, v24;
	v24 =	vld.idx.msk [tilespmem:v1+s7+$0x0], $0xffff  }
0x15b: {  	v57 =	vor.u32 $0x1, v50;
	v12 =	vmul.f32 v20, v12;
	v3 =	vmul.f32 v61, v63;
	v61 =	vld.idx.msk [tilespmem:v1+s19+$0x0], $0xffff;
	[tilespmem:$0x1FEC0] =	vst v2  }
0x15c: {  	v44 =	vor.u32 $0x3, v7;
	v62 =	vmul.f32 v31, v30;
	v17 =	vmul.f32 v31, v17;
	v26 =	vld.idx.msk [tilespmem:v1+s5+$0x0], $0xffff  }
0x15d: {  	v49 =	vor.u32 $0x2, v45;
	v8 =	vmul.f32 v31, v32;
	v6 =	vmul.f32 v33, v34;
	[tilespmem:v7+s10+$0x0] =	vst.idx.add.f32.msk $0xffff, v3  }
0x15e: {  	v53 =	vor.u32 $0x3, v45;
	v60 =	vmul.f32 v35, v42;
	v5 =	vmul.f32 v33, v14;
	[tilespmem:v45+s10+$0x0] =	vst.idx.add.f32.msk $0xffff, v25  }
0x15f: {  	v29 =	vor.u32 $0x2, v28;
	v51 =	vmul.f32 v39, v51;
	v2 =	vmul.f32 v33, v10;
	[tilespmem:v50+s10+$0x0] =	vst.idx.add.f32.msk $0xffff, v62  }
0x160: {  	v30 =	vor.u32 $0x3, v28;
	v7 =	vmul.f32 v31, v11;
	v3 =	vmul.f32 v35, v37;
	[tilespmem:v41+s10+$0x0] =	vst.idx.add.f32.msk $0xffff, v4  }
0x161: {  	v31 =	vshll.u32 v0, $0x2;
	v0 =	vmul.f32 v35, v38;
	v1 =	vmul.f32 v35, v40;
	[tilespmem:v46+s10+$0x0] =	vst.idx.add.f32.msk $0xffff, v18  }
0x162: {  	v35 =	vshll.u32 v9, $0x2;
	v32 =	vor.u32 $0x1, v31;
	v4 =	vmul.f32 v33, v36;
	[tilespmem:v57+s10+$0x0] =	vst.idx.add.f32.msk $0xffff, v17  }
0x163: {  	v33 =	vor.u32 $0x2, v31;
	v34 =	vor.u32 $0x3, v31;
	[tilespmem:v43+s10+$0x0] =	vst.idx.add.f32.msk $0xffff, v58;
	v58 =	vmul.f32 v39, v47  }
0x164: {  	v36 =	vor.u32 $0x1, v35;
	[tilespmem:v49+s10+$0x0] =	vst.idx.add.f32.msk $0xffff, v54;
	v54 =	vmul.f32 v39, v52;
	v52 =	vmul.f32 v39, v55  }
0x165: {  	v37 =	vor.u32 $0x2, v35;
	[tilespmem:v44+s10+$0x0] =	vst.idx.add.f32.msk $0xffff, v13;
	v55 =	vmul.f32 v59, v15;
	v56 =	vmul.f32 v59, v24  }
0x166: {  	s29 =	simm.s32 $0x0;
	s20 =	simm.s32 $0x190C0;
	v38 =	vor.u32 $0x3, v35;
	[tilespmem:v53+s10+$0x0] =	vst.idx.add.f32.msk $0xffff, v12;
	v61 =	vmul.f32 v59, v61;
	v59 =	vmul.f32 v59, v26  }
.LBB2_8:
0x167: {  	s23 =	sadd.s32 $0x80, s23  }
0x168: {  	v11 =	vld [tilespmem:s23+$0x30]  }
0x169: {  	v12 =	vld [tilespmem:s23+$0xFFFFFFC0]  }
0x16a: {  	v10 =	vld [tilespmem:s20+$0x30];
	_ =	sdelay $0x1  }
0x16b: {  	v63 =	vld [tilespmem:s20+$0xFFFFFFD0]  }
0x16c: {  	v13 =	vld [tilespmem:s23+$0xFFFFFFD0]  }
0x16d: {  	v62 =	vld [tilespmem:s20+$0xFFFFFFE0];
	v47 =	vshll.u32 v12, $0x2  }
0x16e: {  	[tilespmem:$0x1FDE0] =	vst v38;
	v57 =	vld [tilespmem:s20+$0x0];
	s26 =	sadd.s32 $0x80, s26;
	v9 =	vor.u32 $0x1, v47  }
0x16f: {  	v42 =	vld [tilespmem:s26+$0x30];
	[tilespmem:$0x1FE00] =	vst v9;
	v9 =	vor.u32 $0x2, v47  }
0x170: {  	[tilespmem:$0x1FE10] =	vst v9;
	v9 =	vor.u32 $0x3, v47;
	v14 =	vld.idx.msk [tilespmem:v11+s9+$0x0], $0xffff  }
0x171: {  	v43 =	vshll.u32 v13, $0x2;
	[tilespmem:$0x1FE20] =	vst v9;
	v9 =	vld.idx.msk [tilespmem:v10+s8+$0x0], $0xffff  }
0x172: {  	[tilespmem:$0x1FDA0] =	vst v36;
	v36 =	vmov v48;
	v48 =	vld [tilespmem:s23+$0x0];
	v38 =	vor.u32 $0x2, v43  }
0x173: {  	v23 =	vld [tilespmem:s23+$0x10]  }
0x174: {  	[tilespmem:$0x1FDC0] =	vst v37;
	v37 =	vmov v28;
	v28 =	vld.idx.msk [tilespmem:v63+s8+$0x0], $0xffff  }
0x175: {  	[tilespmem:$0x1FE40] =	vst v38;
	v38 =	vmov v29;
	v29 =	vld.idx.msk [tilespmem:v13+s9+$0x0], $0xffff  }
0x176: {  	v15 =	vld [tilespmem:s23+$0xFFFFFFE0];
	v9 =	vadd.f32 v14, v9  }
0x177: {  	v50 =	vld [tilespmem:s20+$0xFFFFFFF0]  }
0x178: {  	v44 =	vld [tilespmem:s23+$0xFFFFFFF0];
	v14 =	vadd.f32 v42, v9  }
0x179: {  	v27 =	vld.idx.msk [tilespmem:v12+s9+$0x0], $0xffff  }
0x17a: {  	v19 =	vshll.u32 v23, $0x2;
	v28 =	vadd.f32 v29, v28;
	v29 =	vld.idx.msk [tilespmem:v57+s8+$0x0], $0xffff;
	v12 =	vsub.f32 $0.0e+00, v14  }
0x17b: {  	v16 =	vor.u32 $0x1, v43;
	v17 =	vor.u32 $0x3, v19;
	v9 =	vld [tilespmem:s20+$0xFFFFFFC0]  }
0x17c: {  	[tilespmem:$0x1FE30] =	vst v16;
	v16 =	vor.u32 $0x2, v19;
	v42 =	vshll.u32 v48, $0x2;
	v48 =	vld.idx.msk [tilespmem:v48+s9+$0x0], $0xffff;
	v13 =	vmul.f32 $1.442695020e+00, v12  }
0x17d: {  	v26 =	vld [tilespmem:s23+$0x20]  }
0x17e: {  	[tilespmem:$0x1FD90] =	vst v17;
	v17 =	vmov v31;
	v31 =	vld.idx.msk [tilespmem:v15+s9+$0x0], $0xffff;
	(erf) = vpow2.f32 v13  }
0x17f: {  	[tilespmem:$0x1FD80] =	vst v16;
	v16 =	vmov v30;
	v30 =	vld.idx.msk [tilespmem:v62+s8+$0x0], $0xffff;
	_ =	sdelay $0x1  }
0x180: {  	v29 =	vadd.f32 v48, v29;
	v48 =	vld [tilespmem:s26+$0xFFFFFFE0]  }
0x181: {  	v53 =	vld [tilespmem:s20+$0x10];
	v18 =	vor.u32 $0x1, v19;
	v14 =	vshll.u32 v26, $0x2  }
0x182: {  	[tilespmem:$0x1FD70] =	vst v18;
	v18 =	vor.u32 $0x1, v14;
	v13 =	vld.idx.msk [tilespmem:v9+s8+$0x0], $0xffff  }
0x183: {  	v49 =	vld [tilespmem:s20+$0x20];
	v30 =	vadd.f32 v31, v30;
	[tilespmem:$0x1FDB0] =	vst v18;
	v18 =	vor.u32 $0x2, v14  }
0x184: {  	v22 =	vshll.u32 v44, $0x2;
	v44 =	vld.idx.msk [tilespmem:v44+s9+$0x0], $0xffff  }
0x185: {  	v30 =	vadd.f32 v48, v30;
	v48 =	vld [tilespmem:$0x1FE70]  }
0x186: {  	v41 =	vshll.u32 v15, $0x2;
	v15 =	vmov v33;
	[tilespmem:$0x1FDD0] =	vst v18;
	v18 =	vmov v32;
	v32 =	vld.idx.msk [tilespmem:v50+s8+$0x0], $0xffff;
	v33 =	vpop (erf)  }
0x187: {  	v27 =	vadd.f32 v27, v13;
	v13 =	vmov v35;
	v35 =	vld [tilespmem:s26+$0xFFFFFFD0];
	v33 =	vadd.f32 $1.000000000e+00, v33  }
0x188: {  	v23 =	vld.idx.msk [tilespmem:v23+s9+$0x0], $0xffff  }
0x189: {  	v12 =	vor.u32 $0x3, v14;
	(erf) = vrcp.f32 v33;
	v33 =	vld [tilespmem:s26+$0xFFFFFFF0]  }
0x18a: {  	v31 =	vld.idx.msk [tilespmem:v53+s8+$0x0], $0xffff  }
0x18b: {  	v26 =	vld.idx.msk [tilespmem:v26+s9+$0x0], $0xffff  }
0x18c: {  	v45 =	vor.u32 $0x2, v41;
	[tilespmem:$0x1FDF0] =	vst v12;
	v12 =	vmovc v34;
	v34 =	vld [tilespmem:s26+$0xFFFFFFC0];
	v32 =	vadd.f32 v44, v32;
	v28 =	vadd.f32 v35, v28  }
0x18d: {  	[tilespmem:v48+s10+$0x0] =	vst.idx.add.f32.msk $0xffff, v8;
	v8 =	vmov v45  }
0x18e: {  	[tilespmem:$0x1FE70] =	vst v8;
	v8 =	vsub.f32 $0.0e+00, v28;
	v28 =	vadd.f32 v33, v32;
	v33 =	vld [tilespmem:$0x1FE90]  }
0x18f: {  	v44 =	vld.idx.msk [tilespmem:v49+s8+$0x0], $0xffff;
	_ =	sdelay $0x1  }
0x190: {  	v27 =	vadd.f32 v34, v27;
	_ =	sdelay $0x1  }
0x191: {  	v23 =	vadd.f32 v23, v31;
	v31 =	vld [tilespmem:s26+$0x0];
	v27 =	vsub.f32 $0.0e+00, v27  }
0x192: {  	v26 =	vadd.f32 v26, v44;
	v44 =	vld [tilespmem:$0x1FE80]  }
0x193: {  	v24 =	vor.u32 $0x1, v22;
	[tilespmem:v36+s10+$0x0] =	vst.idx.add.f32.msk $0xffff, v6;
	v45 =	vmul.f32 $1.442695020e+00, v27;
	v27 =	vsub.f32 $0.0e+00, v30  }
0x194: {  	[tilespmem:v33+s10+$0x0] =	vst.idx.add.f32.msk $0xffff, v5;
	v5 =	vmov v24  }
0x195: {  	[tilespmem:$0x1FE90] =	vst v5;
	v5 =	vmul.f32 $1.442695020e+00, v27;
	v27 =	vld [tilespmem:$0x1FEA0]  }
0x196: {  	v34 =	vld [tilespmem:s26+$0x10];
	_ =	sdelay $0x2  }
0x197: {  	v46 =	vor.u32 $0x3, v41  }
0x198: {  	v29 =	vadd.f32 v31, v29;
	[tilespmem:v44+s10+$0x0] =	vst.idx.add.f32.msk $0xffff, v7;
	v7 =	vmov v46  }
0x199: {  	v6 =	vmul.f32 $1.442695020e+00, v8;
	v8 =	vsub.f32 $0.0e+00, v28;
	v46 =	vadd.f32 v34, v23  }
0x19a: {  	v25 =	vor.u32 $0x2, v22;
	v34 =	vsub.f32 $0.0e+00, v29;
	[tilespmem:$0x1FE80] =	vst v7;
	v36 =	vpop (erf);
	(erf) = vpow2.f32 v45  }
0x19b: {  	v7 =	vmovc v25;
	(erf) = vpow2.f32 v6;
	[tilespmem:v27+s10+$0x0] =	vst.idx.add.f32.msk $0xffff, v4;
	v4 =	vmul.f32 $1.442695020e+00, v8;
	v8 =	vsub.f32 $0.0e+00, v46  }
0x19c: {  	[tilespmem:$0x1FEA0] =	vst v7;
	v7 =	vmul.f32 $1.442695020e+00, v34;
	(erf) = vpow2.f32 v5  }
0x19d: {  	v6 =	vmul.f32 $1.442695020e+00, v8;
	(erf) = vpow2.f32 v4  }
0x19e: {  	(erf) = vpow2.f32 v7  }
0x19f: {  	(erf) = vpow2.f32 v6;
	v6 =	vld [tilespmem:$0x1FEB0];
	_ =	sdelay $0x4  }
0x1a0: {  	v35 =	vld [tilespmem:s26+$0x20];
	_ =	sdelay $0x2  }
0x1a1: {  	[tilespmem:v6+s10+$0x0] =	vst.idx.add.f32.msk $0xffff, v2  }
0x1a2: {  	s24 =	sadd.s32 $0x80, s24;
	v6 =	vld [tilespmem:$0x1FEC0]  }
0x1a3: {  	v35 =	vadd.f32 v35, v26;
	[tilespmem:s24+$0x30] =	vst v36  }
0x1a4: {  	v45 =	vld.idx.msk [tilespmem:v10+s6+$0x0], $0xffff  }
0x1a5: {  	v39 =	vor.u32 $0x3, v43;
	v44 =	vsub.f32 $0.0e+00, v35;
	v46 =	vld.idx.msk [tilespmem:v10+s19+$0x0], $0xffff  }
0x1a6: {  	v40 =	vor.u32 $0x1, v41;
	[tilespmem:$0x1FE50] =	vst v39;
	v8 =	vld.idx.msk [tilespmem:v10+s7+$0x0], $0xffff  }
0x1a7: {  	[tilespmem:$0x1FE60] =	vst v40;
	v39 =	vor.u32 $0x3, v22;
	v5 =	vmul.f32 $1.442695020e+00, v44;
	v4 =	vld.idx.msk [tilespmem:v10+s5+$0x0], $0xffff;
	v10 =	vshll.u32 v11, $0x2  }
0x1a8: {  	[tilespmem:v37+s10+$0x0] =	vst.idx.add.f32.msk $0xffff, v3;
	v7 =	vor.u32 $0x1, v10;
	v2 =	vmov v39  }
0x1a9: {  	v40 =	vor.u32 $0x1, v42;
	(erf) = vpow2.f32 v5;
	[tilespmem:$0x1FEB0] =	vst v2  }
0x1aa: {  	v11 =	vmul.f32 v36, v45;
	v2 =	vor.u32 $0x2, v10;
	[tilespmem:v6+s10+$0x0] =	vst.idx.add.f32.msk $0xffff, v0;
	v0 =	vmov v40  }
0x1ab: {  	[tilespmem:$0x1FEC0] =	vst v0;
	v0 =	vmul.f32 v36, v8  }
0x1ac: {  	v3 =	vpop (erf);
	[tilespmem:v10+s10+$0x0] =	vst.idx.add.f32.msk $0xffff, v11  }
0x1ad: {  	v3 =	vadd.f32 $1.000000000e+00, v3;
	v6 =	vmul.f32 v36, v46;
	[tilespmem:v7+s10+$0x0] =	vst.idx.add.f32.msk $0xffff, v0;
	v7 =	vmul.f32 v36, v4;
	v4 =	vpop (erf)  }
0x1ae: {  	[tilespmem:v38+s10+$0x0] =	vst.idx.add.f32.msk $0xffff, v1;
	v4 =	vadd.f32 $1.000000000e+00, v4;
	v1 =	vpop (erf)  }
0x1af: {  	[tilespmem:v2+s10+$0x0] =	vst.idx.add.f32.msk $0xffff, v6;
	(erf) = vrcp.f32 v3;
	v6 =	vadd.f32 $1.000000000e+00, v1;
	v0 =	vpop (erf)  }
0x1b0: {  	v3 =	vadd.f32 $1.000000000e+00, v0;
	(erf) = vrcp.f32 v4;
	v2 =	vpop (erf)  }
0x1b1: {  	v2 =	vadd.f32 $1.000000000e+00, v2;
	(erf) = vrcp.f32 v6;
	v1 =	vpop (erf)  }
0x1b2: {  	v1 =	vadd.f32 $1.000000000e+00, v1;
	(erf) = vrcp.f32 v3;
	v0 =	vpop (erf)  }
0x1b3: {  	v0 =	vadd.f32 $1.000000000e+00, v0;
	(erf) = vrcp.f32 v2  }
0x1b4: {  	(erf) = vrcp.f32 v1  }
0x1b5: {  	(erf) = vrcp.f32 v0;
	v0 =	vld [tilespmem:$0x1FDA0];
	_ =	sdelay $0x6  }
0x1b6: {  	[tilespmem:v13+s10+$0x0] =	vst.idx.add.f32.msk $0xffff, v55  }
0x1b7: {  	[tilespmem:v0+s10+$0x0] =	vst.idx.add.f32.msk $0xffff, v56  }
0x1b8: {  	v0 =	vld [tilespmem:$0x1FDB0];
	_ =	sdelay $0x3  }
0x1b9: {  	v1 =	vld [tilespmem:$0x1FD90]  }
0x1ba: {  	v36 =	vmov v0;
	v0 =	vld [tilespmem:$0x1FDC0];
	_ =	sdelay $0x2  }
0x1bb: {  	[tilespmem:v17+s10+$0x0] =	vst.idx.add.f32.msk $0xffff, v58  }
0x1bc: {  	v34 =	vmov v1;
	v1 =	vld [tilespmem:$0x1FDE0]  }
0x1bd: {  	[tilespmem:v18+s10+$0x0] =	vst.idx.add.f32.msk $0xffff, v51  }
0x1be: {  	[tilespmem:v15+s10+$0x0] =	vst.idx.add.f32.msk $0xffff, v54  }
0x1bf: {  	[tilespmem:v12+s10+$0x0] =	vst.idx.add.f32.msk $0xffff, v52  }
0x1c0: {  	[tilespmem:v0+s10+$0x0] =	vst.idx.add.f32.msk $0xffff, v61  }
0x1c1: {  	v5 =	vor.u32 $0x3, v10;
	v0 =	vld [tilespmem:$0x1FDD0]  }
0x1c2: {  	[tilespmem:v16+s10+$0x0] =	vst.idx.add.f32.msk $0xffff, v60  }
0x1c3: {  	v2 =	vld [tilespmem:$0x1FD80]  }
0x1c4: {  	[tilespmem:v1+s10+$0x0] =	vst.idx.add.f32.msk $0xffff, v59  }
0x1c5: {  	v1 =	vld [tilespmem:$0x1FDF0]  }
0x1c6: {  	[tilespmem:v5+s10+$0x0] =	vst.idx.add.f32.msk $0xffff, v7;
	v37 =	vmov v0;
	v0 =	vpop (erf)  }
0x1c7: {  	v3 =	vld [tilespmem:$0x1FD70];
	[tilespmem:s24+$0xFFFFFFC0] =	vst v0  }
0x1c8: {  	v33 =	vmov v2;
	v2 =	vld.idx.msk [tilespmem:v9+s6+$0x0], $0xffff  }
0x1c9: {  	v4 =	vld.idx.msk [tilespmem:v9+s7+$0x0], $0xffff  }
0x1ca: {  	v38 =	vmov v1;
	v1 =	vpop (erf);
	v5 =	vld.idx.msk [tilespmem:v9+s19+$0x0], $0xffff  }
0x1cb: {  	[tilespmem:s24+$0xFFFFFFD0] =	vst v1;
	v6 =	vld.idx.msk [tilespmem:v9+s5+$0x0], $0xffff  }
0x1cc: {  	v7 =	vld.idx.msk [tilespmem:v63+s6+$0x0], $0xffff  }
0x1cd: {  	v8 =	vld.idx.msk [tilespmem:v63+s7+$0x0], $0xffff  }
0x1ce: {  	v32 =	vmov v3;
	v3 =	vpop (erf);
	v55 =	vmul.f32 v0, v2;
	v2 =	vld.idx.msk [tilespmem:v63+s19+$0x0], $0xffff  }
0x1cf: {  	v35 =	vmov v14;
	[tilespmem:s24+$0xFFFFFFE0] =	vst v3;
	v14 =	vmul.f32 v0, v4;
	v4 =	vld.idx.msk [tilespmem:v63+s5+$0x0], $0xffff  }
0x1d0: {  	v10 =	vpop (erf);
	v15 =	vmul.f32 v0, v5;
	v5 =	vld.idx.msk [tilespmem:v62+s6+$0x0], $0xffff  }
0x1d1: {  	v11 =	vpop (erf);
	v16 =	vmul.f32 v0, v6;
	v0 =	vld.idx.msk [tilespmem:v62+s7+$0x0], $0xffff  }
0x1d2: {  	[tilespmem:s24+$0x0] =	vst v11;
	v6 =	vld.idx.msk [tilespmem:v62+s19+$0x0], $0xffff  }
0x1d3: {  	[tilespmem:s24+$0xFFFFFFF0] =	vst v10;
	v63 =	vld.idx.msk [tilespmem:v57+s6+$0x0], $0xffff  }
0x1d4: {  	v20 =	vor.u32 $0x3, v42;
	v31 =	vmovc v19;
	v17 =	vmul.f32 v1, v7;
	v19 =	vmul.f32 v1, v2;
	v2 =	vld.idx.msk [tilespmem:v50+s6+$0x0], $0xffff  }
0x1d5: {  	v30 =	vmov v20;
	v18 =	vmul.f32 v1, v8;
	v20 =	vmul.f32 v1, v4;
	v1 =	vld.idx.msk [tilespmem:v50+s7+$0x0], $0xffff  }
0x1d6: {  	v9 =	vpop (erf);
	v4 =	vld.idx.msk [tilespmem:v50+s19+$0x0], $0xffff  }
0x1d7: {  	v48 =	vmov v22;
	[tilespmem:s24+$0x10] =	vst v9;
	v22 =	vmul.f32 v3, v0;
	v0 =	vld.idx.msk [tilespmem:v50+s5+$0x0], $0xffff  }
0x1d8: {  	v27 =	vld.idx.msk [tilespmem:v53+s6+$0x0], $0xffff  }
0x1d9: {  	v21 =	vor.u32 $0x2, v42;
	v44 =	vld.idx.msk [tilespmem:v53+s19+$0x0], $0xffff  }
0x1da: {  	v29 =	vmov v21;
	v45 =	vld.idx.msk [tilespmem:v53+s5+$0x0], $0xffff;
	v21 =	vmul.f32 v3, v5;
	v8 =	vmul.f32 v3, v6  }
0x1db: {  	v7 =	vld.idx.msk [tilespmem:v62+s5+$0x0], $0xffff;
	v6 =	vmul.f32 v10, v2;
	v5 =	vmul.f32 v10, v1  }
0x1dc: {  	v4 =	vmul.f32 v10, v4;
	v2 =	vmul.f32 v10, v0;
	v10 =	vld.idx.msk [tilespmem:v53+s7+$0x0], $0xffff;
	_ =	sdelay $0x2  }
0x1dd: {  	v58 =	vmul.f32 v9, v27;
	v54 =	vmul.f32 v9, v44  }
0x1de: {  	v7 =	vmul.f32 v3, v7;
	v3 =	vmul.f32 v11, v63;
	v63 =	vld [tilespmem:$0x1FE00]  }
0x1df: {  	v52 =	vmul.f32 v9, v45;
	v51 =	vmul.f32 v9, v10;
	v9 =	vld [tilespmem:$0x1FE10];
	_ =	sdelay $0x5  }
0x1e0: {  	[tilespmem:v47+s10+$0x0] =	vst.idx.add.f32.msk $0xffff, v55  }
0x1e1: {  	[tilespmem:v63+s10+$0x0] =	vst.idx.add.f32.msk $0xffff, v14  }
0x1e2: {  	[tilespmem:v9+s10+$0x0] =	vst.idx.add.f32.msk $0xffff, v15  }
0x1e3: {  	v9 =	vld [tilespmem:$0x1FE20];
	_ =	sdelay $0x7  }
0x1e4: {  	[tilespmem:v9+s10+$0x0] =	vst.idx.add.f32.msk $0xffff, v16  }
0x1e5: {  	v9 =	vld [tilespmem:$0x1FE30];
	_ =	sdelay $0x6  }
0x1e6: {  	[tilespmem:v43+s10+$0x0] =	vst.idx.add.f32.msk $0xffff, v17  }
0x1e7: {  	[tilespmem:v9+s10+$0x0] =	vst.idx.add.f32.msk $0xffff, v18  }
0x1e8: {  	v9 =	vld [tilespmem:$0x1FE40];
	_ =	sdelay $0x7  }
0x1e9: {  	[tilespmem:v9+s10+$0x0] =	vst.idx.add.f32.msk $0xffff, v19  }
0x1ea: {  	v9 =	vld [tilespmem:$0x1FE50];
	_ =	sdelay $0x3  }
0x1eb: {  	v39 =	vld.idx.msk [tilespmem:v57+s7+$0x0], $0xffff  }
0x1ec: {  	v28 =	vmov v42;
	v12 =	vpop (erf);
	v42 =	vld.idx.msk [tilespmem:v57+s5+$0x0], $0xffff  }
0x1ed: {  	v40 =	vld.idx.msk [tilespmem:v57+s19+$0x0], $0xffff;
	[tilespmem:s24+$0x20] =	vst v12  }
0x1ee: {  	v46 =	vld.idx.msk [tilespmem:v49+s6+$0x0], $0xffff  }
0x1ef: {  	[tilespmem:v9+s10+$0x0] =	vst.idx.add.f32.msk $0xffff, v20  }
0x1f0: {  	v9 =	vld [tilespmem:$0x1FE60]  }
0x1f1: {  	v62 =	vld.idx.msk [tilespmem:v49+s19+$0x0], $0xffff;
	v60 =	vmul.f32 v11, v42  }
0x1f2: {  	s29 =	sadd.s32 $0x8, s29;
	v0 =	vmul.f32 v11, v39;
	v1 =	vmul.f32 v11, v40;
	v11 =	vld.idx.msk [tilespmem:v49+s7+$0x0], $0xffff  }
0x1f3: {  	p3 =	slt.u32 s29, $0x70;
	v10 =	vld.idx.msk [tilespmem:v49+s5+$0x0], $0xffff  }
.Ltmp6:
0x1f4: {  	_ = 	snop;
	(pc) =	sbr.rel @p3 .LBB2_8-.Ltmp6, $3  }
0x1f5: {  	_ =	sdelay $0x1  }
0x1f6: {  	v55 =	vmul.f32 v12, v46;
	v61 =	vmul.f32 v12, v62;
	[tilespmem:v41+s10+$0x0] =	vst.idx.add.f32.msk $0xffff, v21  }
0x1f7: {  	s20 =	sadd.s32 $0x80, s20;
	v56 =	vmul.f32 v12, v11;
	v59 =	vmul.f32 v12, v10;
	[tilespmem:v9+s10+$0x0] =	vst.idx.add.f32.msk $0xffff, v22  }
0x1f8: {  	v9 =	vld [tilespmem:$0x1FE70];
	_ =	sdelay $0x7  }
0x1f9: {  	[tilespmem:v9+s10+$0x0] =	vst.idx.add.f32.msk $0xffff, v8  }
0x1fa: {  	v8 =	vld [tilespmem:$0x1FE80];
	_ =	sdelay $0x6  }
0x1fb: {  	[tilespmem:v48+s10+$0x0] =	vst.idx.add.f32.msk $0xffff, v6  }
0x1fc: {  	[tilespmem:v8+s10+$0x0] =	vst.idx.add.f32.msk $0xffff, v7  }
0x1fd: {  	v6 =	vld [tilespmem:$0x1FE90];
	_ =	sdelay $0x7  }
0x1fe: {  	[tilespmem:v6+s10+$0x0] =	vst.idx.add.f32.msk $0xffff, v5  }
0x1ff: {  	v5 =	vld [tilespmem:$0x1FEA0];
	_ =	sdelay $0x7  }
0x200: {  	[tilespmem:v5+s10+$0x0] =	vst.idx.add.f32.msk $0xffff, v4  }
0x201: {  	v4 =	vld [tilespmem:$0x1FEB0];
	_ =	sdelay $0x6  }
0x202: {  	[tilespmem:v28+s10+$0x0] =	vst.idx.add.f32.msk $0xffff, v3  }
0x203: {  	[tilespmem:v4+s10+$0x0] =	vst.idx.add.f32.msk $0xffff, v2  }
0x204: {  	v2 =	vld [tilespmem:$0x1FEC0]  }
0x205: {  	[tilespmem:v31+s10+$0x0] =	vst.idx.add.f32.msk $0xffff, v58  }
0x206: {  	[tilespmem:v35+s10+$0x0] =	vst.idx.add.f32.msk $0xffff, v55  }
0x207: {  	[tilespmem:v32+s10+$0x0] =	vst.idx.add.f32.msk $0xffff, v51  }
0x208: {  	[tilespmem:v36+s10+$0x0] =	vst.idx.add.f32.msk $0xffff, v56  }
0x209: {  	[tilespmem:v33+s10+$0x0] =	vst.idx.add.f32.msk $0xffff, v54  }
0x20a: {  	[tilespmem:v37+s10+$0x0] =	vst.idx.add.f32.msk $0xffff, v61  }
0x20b: {  	[tilespmem:v34+s10+$0x0] =	vst.idx.add.f32.msk $0xffff, v52  }
0x20c: {  	[tilespmem:v38+s10+$0x0] =	vst.idx.add.f32.msk $0xffff, v59  }
0x20d: {  	[tilespmem:v2+s10+$0x0] =	vst.idx.add.f32.msk $0xffff, v0  }
0x20e: {  	[tilespmem:v29+s10+$0x0] =	vst.idx.add.f32.msk $0xffff, v1  }
0x20f: {  	[tilespmem:v30+s10+$0x0] =	vst.idx.add.f32.msk $0xffff, v60  }
.LBB2_10:
0x210: {  	s20 =	sshra.s32 s19, $0x2  }
0x211: {  	v0 =	vld [tilespmem:s20+$0x19780]  }
0x212: {  	v1 =	vld [tilespmem:s20+$0x19F80];
	_ =	sdelay $0x6  }
0x213: {  	v2 =	vld.idx.msk [tilespmem:v0+s8+$0x0], $0xffff  }
0x214: {  	v3 =	vld.idx.msk [tilespmem:v1+s9+$0x0], $0xffff;
	_ =	sdelay $0x1  }
0x215: {  	v4 =	vld [tilespmem:s20+$0x1A780];
	_ =	sdelay $0x2  }
0x216: {  	v2 =	vadd.f32 v3, v2;
	_ =	sdelay $0x1  }
0x217: {  	v2 =	vadd.f32 v4, v2;
	_ =	sdelay $0x1  }
0x218: {  	v2 =	vsub.f32 $0.0e+00, v2;
	_ =	sdelay $0x1  }
0x219: {  	v2 =	vmul.f32 $1.442695020e+00, v2;
	_ =	sdelay $0x1  }
0x21a: {  	(erf) = vpow2.f32 v2;
	_ =	sdelay $0x8  }
0x21b: {  	v2 =	vpop (erf)  }
0x21c: {  	v2 =	vadd.f32 $1.000000000e+00, v2;
	_ =	sdelay $0x1  }
0x21d: {  	(erf) = vrcp.f32 v2;
	_ =	sdelay $0x8  }
0x21e: {  	v2 =	vpop (erf)  }
0x21f: {  	[tilespmem:s20+$0x1AF80] =	vst v2  }
0x220: {  	v61 =	vld.idx.msk [tilespmem:v0+s6+$0x0], $0xffff  }
0x221: {  	v62 =	vld.idx.msk [tilespmem:v0+s7+$0x0], $0xffff  }
0x222: {  	v1 =	vshll.u32 v1, $0x2;
	v5 =	vld.idx.msk [tilespmem:v0+s0+$0x0], $0xffff  }
0x223: {  	v6 =	vor.u32 $0x1, v1;
	v0 =	vld.idx.msk [tilespmem:v0+s5+$0x0], $0xffff  }
0x224: {  	v7 =	vor.u32 $0x2, v1  }
0x225: {  	p3 =	sne.s32 s19, $0x100;
	v8 =	vor.u32 $0x3, v1;
	v3 =	vmul.f32 v2, v61  }
.Ltmp7:
0x226: {  	v4 =	vmul.f32 v2, v62;
	(pc) =	sbr.rel @p3 .LBB2_10-.Ltmp7, $4  }
0x227: {  	v63 =	vmul.f32 v2, v5;
	[tilespmem:v1+s10+$0x0] =	vst.idx.add.f32.msk $0xffff, v3  }
0x228: {  	v0 =	vmul.f32 v2, v0;
	[tilespmem:v6+s10+$0x0] =	vst.idx.add.f32.msk $0xffff, v4  }
0x229: {  	[tilespmem:v7+s10+$0x0] =	vst.idx.add.f32.msk $0xffff, v63  }
0x22a: {  	s19 =	sadd.s32 $0x40, s19;
	[tilespmem:v8+s10+$0x0] =	vst.idx.add.f32.msk $0xffff, v0  }
0x22b: {  	s19 =	rddreg [dreg:$0xe]  }
0x22c: {  	[hbm4b:s19+s0] =	stream.linear.scatter [tilespmem:s18], [sflag:$0x2], $0x7D0, $0x38;
	[tilespmem:$0x1F700] =	vst v63  }
0x22d: {  	_ =	swait.ge [sflag:s16], $0x7D0  }
0x22e: {  	[sflag:s16] =	ssyncset.done $0x0  }
0x22f: {  	[sflag:s16] =	ssyncadd.s32 $0xFFFFF830  }
0x230: {  	_ =	swait.ge [sflag:s16], $0x7D0  }
0x231: {  	[sflag:s16] =	ssyncset.done $0x0  }
0x232: {  	[sflag:s16] =	ssyncadd.s32 $0xFFFFF830  }
0x233: {  	_ =	swait.ge [sflag:s16], $0x7D0  }
0x234: {  	[sflag:s16] =	ssyncset.done $0x0  }
0x235: {  	s26 =	rddreg [dreg:$0xf];
	[sflag:s16] =	ssyncadd.s32 $0xFFFFF830  }
0x236: {  	[tilespmem:s13], [sflag:$0x3] =	stream.linear.gather [hbm4b:s26+s0], $0x7D0, $0x38;
	[tilespmem:$0x1F700] =	vst v63  }
0x237: {  	s20 =	rddreg [dreg:$0x10]  }
0x238: {  	[tilespmem:s14], [sflag:$0x3] =	stream.linear.gather [hbm4b:s20+s0], $0x7D0, $0x38;
	[tilespmem:$0x1F700] =	vst v63  }
0x239: {  	s23 =	rddreg [dreg:$0x11]  }
0x23a: {  	[tilespmem:s15], [sflag:$0x3] =	stream.linear.gather [hbm4b:s23+s0], $0x7D0, $0x38;
	[tilespmem:$0x1F700] =	vst v63  }
0x23b: {  	_ =	swait.ge [sflag:s21], $0x7D0  }
0x23c: {  	[sflag:s21] =	ssyncset.done $0x0  }
0x23d: {  	s24 =	simm.s32 $0x1B040;
	[sflag:s21] =	ssyncadd.s32 $0xFFFFF830  }
0x23e: {  	s23 =	simm.s32 $0x1B840;
	v13 =	vld [tilespmem:s24+$0x30]  }
0x23f: {  	v14 =	vld [tilespmem:s23+$0x30]  }
0x240: {  	v7 =	vld [tilespmem:s23+$0xFFFFFFC0]  }
0x241: {  	v12 =	vld [tilespmem:s24+$0xFFFFFFD0]  }
0x242: {  	v6 =	vld [tilespmem:s23+$0xFFFFFFD0]  }
0x243: {  	v11 =	vld [tilespmem:s24+$0xFFFFFFE0]  }
0x244: {  	v4 =	vld [tilespmem:s23+$0xFFFFFFE0]  }
0x245: {  	v10 =	vld [tilespmem:s24+$0xFFFFFFF0]  }
0x246: {  	v5 =	vld [tilespmem:s23+$0xFFFFFFF0]  }
0x247: {  	s26 =	simm.s32 $0x1C040;
	v8 =	vld [tilespmem:s24+$0x0]  }
0x248: {  	v17 =	vld [tilespmem:s26+$0x30]  }
0x249: {  	v2 =	vld [tilespmem:s23+$0x0]  }
0x24a: {  	v15 =	vld.idx.msk [tilespmem:v13+s8+$0x0], $0xffff  }
0x24b: {  	v16 =	vld.idx.msk [tilespmem:v14+s9+$0x0], $0xffff  }
0x24c: {  	v3 =	vld [tilespmem:s24+$0x10]  }
0x24d: {  	v0 =	vld [tilespmem:s23+$0x10]  }
0x24e: {  	v1 =	vld [tilespmem:s24+$0x20]  }
0x24f: {  	v9 =	vld [tilespmem:s23+$0x20]  }
0x250: {  	v15 =	vadd.f32 v16, v15;
	v16 =	vld [tilespmem:s24+$0xFFFFFFC0]  }
0x251: {  	v25 =	vld [tilespmem:s26+$0xFFFFFFC0]  }
0x252: {  	v62 =	vld [tilespmem:s26+$0xFFFFFFD0];
	v15 =	vadd.f32 v17, v15  }
0x253: {  	v30 =	vld [tilespmem:s26+$0xFFFFFFE0]  }
0x254: {  	v31 =	vld [tilespmem:s26+$0xFFFFFFF0];
	v15 =	vsub.f32 $0.0e+00, v15  }
0x255: {  	v18 =	vld.idx.msk [tilespmem:v7+s9+$0x0], $0xffff  }
0x256: {  	v60 =	vld.idx.msk [tilespmem:v12+s8+$0x0], $0xffff;
	v15 =	vmul.f32 $1.442695020e+00, v15  }
0x257: {  	v19 =	vld.idx.msk [tilespmem:v6+s9+$0x0], $0xffff  }
0x258: {  	(erf) = vpow2.f32 v15;
	v61 =	vld.idx.msk [tilespmem:v16+s8+$0x0], $0xffff  }
0x259: {  	v20 =	vld.idx.msk [tilespmem:v11+s8+$0x0], $0xffff  }
0x25a: {  	v21 =	vld.idx.msk [tilespmem:v4+s9+$0x0], $0xffff  }
0x25b: {  	v22 =	vld.idx.msk [tilespmem:v10+s8+$0x0], $0xffff  }
0x25c: {  	v23 =	vld.idx.msk [tilespmem:v5+s9+$0x0], $0xffff  }
0x25d: {  	v24 =	vld.idx.msk [tilespmem:v8+s8+$0x0], $0xffff;
	v15 =	vadd.f32 v18, v61  }
0x25e: {  	v26 =	vld.idx.msk [tilespmem:v2+s9+$0x0], $0xffff  }
0x25f: {  	v27 =	vld.idx.msk [tilespmem:v3+s8+$0x0], $0xffff;
	v15 =	vadd.f32 v25, v15  }
0x260: {  	v28 =	vld.idx.msk [tilespmem:v0+s9+$0x0], $0xffff  }
0x261: {  	v29 =	vld.idx.msk [tilespmem:v1+s8+$0x0], $0xffff;
	v17 =	vadd.f32 v19, v60;
	v33 =	vpop (erf);
	v15 =	vsub.f32 $0.0e+00, v15  }
0x262: {  	v63 =	vld.idx.msk [tilespmem:v9+s9+$0x0], $0xffff;
	v19 =	vadd.f32 $1.000000000e+00, v33  }
0x263: {  	v32 =	vld [tilespmem:s26+$0x0];
	v17 =	vadd.f32 v62, v17;
	v15 =	vmul.f32 $1.442695020e+00, v15  }
0x264: {  	v36 =	vld [tilespmem:s26+$0x10];
	v34 =	vadd.f32 v21, v20;
	v35 =	vadd.f32 v23, v22;
	(erf) = vrcp.f32 v19  }
0x265: {  	v38 =	vld [tilespmem:s26+$0x20];
	v37 =	vadd.f32 v26, v24;
	v17 =	vsub.f32 $0.0e+00, v17;
	(erf) = vpow2.f32 v15  }
0x266: {  	v39 =	vadd.f32 v28, v27;
	v18 =	vadd.f32 v30, v34  }
0x267: {  	v40 =	vadd.f32 v63, v29;
	v20 =	vadd.f32 v31, v35;
	v17 =	vmul.f32 $1.442695020e+00, v17  }
0x268: {  	v21 =	vadd.f32 v32, v37;
	v18 =	vsub.f32 $0.0e+00, v18  }
0x269: {  	v20 =	vsub.f32 $0.0e+00, v20;
	v15 =	vadd.f32 v36, v39;
	(erf) = vpow2.f32 v17  }
0x26a: {  	v43 =	vadd.f32 v38, v40;
	v42 =	vsub.f32 $0.0e+00, v21;
	v41 =	vmul.f32 $1.442695020e+00, v18  }
0x26b: {  	v20 =	vmul.f32 $1.442695020e+00, v20;
	v15 =	vsub.f32 $0.0e+00, v15  }
0x26c: {  	v18 =	vmul.f32 $1.442695020e+00, v42;
	v19 =	vsub.f32 $0.0e+00, v43;
	(erf) = vpow2.f32 v41  }
0x26d: {  	(erf) = vpow2.f32 v20;
	v15 =	vmul.f32 $1.442695020e+00, v15;
	v44 =	vpop (erf)  }
0x26e: {  	s24 =	simm.s32 $0x1C840;
	v19 =	vmul.f32 $1.442695020e+00, v19;
	(erf) = vpow2.f32 v18;
	v45 =	vpop (erf)  }
0x26f: {  	[tilespmem:s24+$0x30] =	vst v44;
	(erf) = vpow2.f32 v15;
	v46 =	vadd.f32 $1.000000000e+00, v45  }
0x270: {  	v47 =	vld.idx.msk [tilespmem:v13+s6+$0x0], $0xffff;
	(erf) = vpow2.f32 v19  }
0x271: {  	s19 =	simm.s32 $0x0;
	v48 =	vld.idx.msk [tilespmem:v13+s7+$0x0], $0xffff;
	(erf) = vrcp.f32 v46  }
0x272: {  	v14 =	vshll.u32 v14, $0x2;
	v49 =	vld.idx.msk [tilespmem:v13+s19+$0x0], $0xffff;
	v50 =	vpop (erf)  }
0x273: {  	v51 =	vor.u32 $0x1, v14;
	v13 =	vld.idx.msk [tilespmem:v13+s5+$0x0], $0xffff;
	v20 =	vadd.f32 $1.000000000e+00, v50  }
0x274: {  	v52 =	vor.u32 $0x2, v14  }
0x275: {  	v53 =	vor.u32 $0x3, v14;
	v54 =	vpop (erf);
	(erf) = vrcp.f32 v20;
	v18 =	vmul.f32 v44, v47  }
0x276: {  	v55 =	vpop (erf);
	v19 =	vmul.f32 v44, v48  }
0x277: {  	v57 =	vadd.f32 $1.000000000e+00, v54;
	v58 =	vpop (erf);
	v56 =	vmul.f32 v44, v49;
	[tilespmem:v14+s10+$0x0] =	vst.idx.add.f32.msk $0xffff, v18  }
0x278: {  	v13 =	vmul.f32 v44, v13;
	[tilespmem:v51+s10+$0x0] =	vst.idx.add.f32.msk $0xffff, v19;
	v59 =	vpop (erf)  }
0x279: {  	(erf) = vrcp.f32 v57;
	[tilespmem:v52+s10+$0x0] =	vst.idx.add.f32.msk $0xffff, v56;
	v60 =	vpop (erf)  }
0x27a: {  	[tilespmem:v53+s10+$0x0] =	vst.idx.add.f32.msk $0xffff, v13;
	v61 =	vpop (erf)  }
0x27b: {  	v62 =	vadd.f32 $1.000000000e+00, v55;
	[tilespmem:s24+$0xFFFFFFC0] =	vst v61  }
0x27c: {  	v63 =	vld.idx.msk [tilespmem:v16+s6+$0x0], $0xffff  }
0x27d: {  	(erf) = vrcp.f32 v62;
	v24 =	vld.idx.msk [tilespmem:v16+s7+$0x0], $0xffff  }
0x27e: {  	v20 =	vpop (erf);
	v25 =	vld.idx.msk [tilespmem:v16+s19+$0x0], $0xffff  }
0x27f: {  	v18 =	vadd.f32 $1.000000000e+00, v58;
	[tilespmem:s24+$0xFFFFFFD0] =	vst v20;
	v16 =	vld.idx.msk [tilespmem:v16+s5+$0x0], $0xffff  }
0x280: {  	v28 =	vld.idx.msk [tilespmem:v12+s6+$0x0], $0xffff  }
0x281: {  	(erf) = vrcp.f32 v18;
	v26 =	vld.idx.msk [tilespmem:v12+s7+$0x0], $0xffff  }
0x282: {  	v31 =	vpop (erf);
	v29 =	vld.idx.msk [tilespmem:v12+s19+$0x0], $0xffff  }
0x283: {  	v17 =	vadd.f32 $1.000000000e+00, v59;
	[tilespmem:s24+$0xFFFFFFE0] =	vst v31;
	v12 =	vld.idx.msk [tilespmem:v12+s5+$0x0], $0xffff  }
0x284: {  	v30 =	vld.idx.msk [tilespmem:v11+s6+$0x0], $0xffff  }
0x285: {  	(erf) = vrcp.f32 v17;
	v17 =	vld.idx.msk [tilespmem:v11+s7+$0x0], $0xffff  }
0x286: {  	v32 =	vld.idx.msk [tilespmem:v11+s19+$0x0], $0xffff;
	v33 =	vpop (erf)  }
0x287: {  	v14 =	vadd.f32 $1.000000000e+00, v60;
	v11 =	vld.idx.msk [tilespmem:v11+s5+$0x0], $0xffff;
	[tilespmem:s24+$0xFFFFFFF0] =	vst v33  }
0x288: {  	v34 =	vld.idx.msk [tilespmem:v10+s6+$0x0], $0xffff  }
0x289: {  	(erf) = vrcp.f32 v14;
	v14 =	vld.idx.msk [tilespmem:v10+s7+$0x0], $0xffff  }
0x28a: {  	v36 =	vld.idx.msk [tilespmem:v10+s19+$0x0], $0xffff;
	v35 =	vpop (erf)  }
0x28b: {  	v10 =	vld.idx.msk [tilespmem:v10+s5+$0x0], $0xffff;
	[tilespmem:s24+$0x0] =	vst v35  }
0x28c: {  	v37 =	vld.idx.msk [tilespmem:v8+s6+$0x0], $0xffff  }
0x28d: {  	v38 =	vld.idx.msk [tilespmem:v8+s7+$0x0], $0xffff  }
0x28e: {  	v39 =	vpop (erf);
	v40 =	vld.idx.msk [tilespmem:v8+s19+$0x0], $0xffff  }
0x28f: {  	[tilespmem:s24+$0x10] =	vst v39;
	v42 =	vld.idx.msk [tilespmem:v8+s5+$0x0], $0xffff  }
0x290: {  	v50 =	vshll.u32 v4, $0x2;
	v47 =	vld.idx.msk [tilespmem:v3+s6+$0x0], $0xffff  }
0x291: {  	v4 =	vor.u32 $0x2, v50;
	v51 =	vld.idx.msk [tilespmem:v3+s7+$0x0], $0xffff  }
0x292: {  	v48 =	vshll.u32 v5, $0x2;
	v52 =	vld.idx.msk [tilespmem:v3+s19+$0x0], $0xffff;
	[tilespmem:$0x1FD10] =	vst v4;
	v4 =	vor.u32 $0x3, v50  }
0x293: {  	v7 =	vshll.u32 v7, $0x2;
	[tilespmem:$0x1FD20] =	vst v4;
	v4 =	vor.u32 $0x1, v48  }
0x294: {  	v2 =	vshll.u32 v2, $0x2;
	v43 =	vor.u32 $0x2, v7;
	v59 =	vpop (erf);
	[tilespmem:$0x1FD30] =	vst v4  }
0x295: {  	v41 =	vor.u32 $0x1, v7;
	v45 =	vshll.u32 v6, $0x2;
	[tilespmem:s24+$0x20] =	vst v59;
	v55 =	vld.idx.msk [tilespmem:v3+s5+$0x0], $0xffff;
	v3 =	vor.u32 $0x2, v48  }
0x296: {  	v5 =	vor.u32 $0x3, v48;
	v58 =	vmul.f32 v61, v25;
	v13 =	vmul.f32 v61, v16;
	[tilespmem:$0x1FD40] =	vst v3  }
0x297: {  	v46 =	vor.u32 $0x1, v45;
	v25 =	vmul.f32 v20, v28;
	v18 =	vmul.f32 v20, v26;
	v15 =	vld.idx.msk [tilespmem:v1+s6+$0x0], $0xffff;
	[tilespmem:$0x1FD50] =	vst v5  }
0x298: {  	v28 =	vmovc v2;
	v2 =	vor.u32 $0x1, v2;
	v54 =	vmul.f32 v20, v29;
	v4 =	vmul.f32 v61, v24;
	v24 =	vld.idx.msk [tilespmem:v1+s7+$0x0], $0xffff  }
0x299: {  	v57 =	vor.u32 $0x1, v50;
	v12 =	vmul.f32 v20, v12;
	v3 =	vmul.f32 v61, v63;
	v61 =	vld.idx.msk [tilespmem:v1+s19+$0x0], $0xffff;
	[tilespmem:$0x1FD60] =	vst v2  }
0x29a: {  	v44 =	vor.u32 $0x3, v7;
	v62 =	vmul.f32 v31, v30;
	v17 =	vmul.f32 v31, v17;
	v26 =	vld.idx.msk [tilespmem:v1+s5+$0x0], $0xffff  }
0x29b: {  	v49 =	vor.u32 $0x2, v45;
	v8 =	vmul.f32 v31, v32;
	v6 =	vmul.f32 v33, v34;
	[tilespmem:v7+s10+$0x0] =	vst.idx.add.f32.msk $0xffff, v3  }
0x29c: {  	v53 =	vor.u32 $0x3, v45;
	v60 =	vmul.f32 v35, v42;
	v5 =	vmul.f32 v33, v14;
	[tilespmem:v45+s10+$0x0] =	vst.idx.add.f32.msk $0xffff, v25  }
0x29d: {  	v29 =	vor.u32 $0x2, v28;
	v51 =	vmul.f32 v39, v51;
	v2 =	vmul.f32 v33, v10;
	[tilespmem:v50+s10+$0x0] =	vst.idx.add.f32.msk $0xffff, v62  }
0x29e: {  	v30 =	vor.u32 $0x3, v28;
	v7 =	vmul.f32 v31, v11;
	v3 =	vmul.f32 v35, v37;
	[tilespmem:v41+s10+$0x0] =	vst.idx.add.f32.msk $0xffff, v4  }
0x29f: {  	v31 =	vshll.u32 v0, $0x2;
	v0 =	vmul.f32 v35, v38;
	v1 =	vmul.f32 v35, v40;
	[tilespmem:v46+s10+$0x0] =	vst.idx.add.f32.msk $0xffff, v18  }
0x2a0: {  	v35 =	vshll.u32 v9, $0x2;
	v32 =	vor.u32 $0x1, v31;
	v4 =	vmul.f32 v33, v36;
	[tilespmem:v57+s10+$0x0] =	vst.idx.add.f32.msk $0xffff, v17  }
0x2a1: {  	v33 =	vor.u32 $0x2, v31;
	v34 =	vor.u32 $0x3, v31;
	[tilespmem:v43+s10+$0x0] =	vst.idx.add.f32.msk $0xffff, v58;
	v58 =	vmul.f32 v39, v47  }
0x2a2: {  	v36 =	vor.u32 $0x1, v35;
	[tilespmem:v49+s10+$0x0] =	vst.idx.add.f32.msk $0xffff, v54;
	v54 =	vmul.f32 v39, v52;
	v52 =	vmul.f32 v39, v55  }
0x2a3: {  	v37 =	vor.u32 $0x2, v35;
	[tilespmem:v44+s10+$0x0] =	vst.idx.add.f32.msk $0xffff, v13;
	v55 =	vmul.f32 v59, v15;
	v56 =	vmul.f32 v59, v24  }
0x2a4: {  	s29 =	simm.s32 $0x0;
	s20 =	simm.s32 $0x1B0C0;
	v38 =	vor.u32 $0x3, v35;
	[tilespmem:v53+s10+$0x0] =	vst.idx.add.f32.msk $0xffff, v12;
	v61 =	vmul.f32 v59, v61;
	v59 =	vmul.f32 v59, v26  }
.LBB2_12:
0x2a5: {  	s23 =	sadd.s32 $0x80, s23  }
0x2a6: {  	v11 =	vld [tilespmem:s23+$0x30]  }
0x2a7: {  	v12 =	vld [tilespmem:s23+$0xFFFFFFC0]  }
0x2a8: {  	v10 =	vld [tilespmem:s20+$0x30];
	_ =	sdelay $0x1  }
0x2a9: {  	v63 =	vld [tilespmem:s20+$0xFFFFFFD0]  }
0x2aa: {  	v13 =	vld [tilespmem:s23+$0xFFFFFFD0]  }
0x2ab: {  	v62 =	vld [tilespmem:s20+$0xFFFFFFE0];
	v47 =	vshll.u32 v12, $0x2  }
0x2ac: {  	[tilespmem:$0x1FC80] =	vst v38;
	v57 =	vld [tilespmem:s20+$0x0];
	s26 =	sadd.s32 $0x80, s26;
	v9 =	vor.u32 $0x1, v47  }
0x2ad: {  	v42 =	vld [tilespmem:s26+$0x30];
	[tilespmem:$0x1FCA0] =	vst v9;
	v9 =	vor.u32 $0x2, v47  }
0x2ae: {  	[tilespmem:$0x1FCB0] =	vst v9;
	v9 =	vor.u32 $0x3, v47;
	v14 =	vld.idx.msk [tilespmem:v11+s9+$0x0], $0xffff  }
0x2af: {  	v43 =	vshll.u32 v13, $0x2;
	[tilespmem:$0x1FCC0] =	vst v9;
	v9 =	vld.idx.msk [tilespmem:v10+s8+$0x0], $0xffff  }
0x2b0: {  	[tilespmem:$0x1FC40] =	vst v36;
	v36 =	vmov v48;
	v48 =	vld [tilespmem:s23+$0x0];
	v38 =	vor.u32 $0x2, v43  }
0x2b1: {  	v23 =	vld [tilespmem:s23+$0x10]  }
0x2b2: {  	[tilespmem:$0x1FC60] =	vst v37;
	v37 =	vmov v28;
	v28 =	vld.idx.msk [tilespmem:v63+s8+$0x0], $0xffff  }
0x2b3: {  	[tilespmem:$0x1FCE0] =	vst v38;
	v38 =	vmov v29;
	v29 =	vld.idx.msk [tilespmem:v13+s9+$0x0], $0xffff  }
0x2b4: {  	v15 =	vld [tilespmem:s23+$0xFFFFFFE0];
	v9 =	vadd.f32 v14, v9  }
0x2b5: {  	v50 =	vld [tilespmem:s20+$0xFFFFFFF0]  }
0x2b6: {  	v44 =	vld [tilespmem:s23+$0xFFFFFFF0];
	v14 =	vadd.f32 v42, v9  }
0x2b7: {  	v27 =	vld.idx.msk [tilespmem:v12+s9+$0x0], $0xffff  }
0x2b8: {  	v19 =	vshll.u32 v23, $0x2;
	v28 =	vadd.f32 v29, v28;
	v29 =	vld.idx.msk [tilespmem:v57+s8+$0x0], $0xffff;
	v12 =	vsub.f32 $0.0e+00, v14  }
0x2b9: {  	v16 =	vor.u32 $0x1, v43;
	v17 =	vor.u32 $0x3, v19;
	v9 =	vld [tilespmem:s20+$0xFFFFFFC0]  }
0x2ba: {  	[tilespmem:$0x1FCD0] =	vst v16;
	v16 =	vor.u32 $0x2, v19;
	v42 =	vshll.u32 v48, $0x2;
	v48 =	vld.idx.msk [tilespmem:v48+s9+$0x0], $0xffff;
	v13 =	vmul.f32 $1.442695020e+00, v12  }
0x2bb: {  	v26 =	vld [tilespmem:s23+$0x20]  }
0x2bc: {  	[tilespmem:$0x1FC30] =	vst v17;
	v17 =	vmov v31;
	v31 =	vld.idx.msk [tilespmem:v15+s9+$0x0], $0xffff;
	(erf) = vpow2.f32 v13  }
0x2bd: {  	[tilespmem:$0x1FC20] =	vst v16;
	v16 =	vmov v30;
	v30 =	vld.idx.msk [tilespmem:v62+s8+$0x0], $0xffff;
	_ =	sdelay $0x1  }
0x2be: {  	v29 =	vadd.f32 v48, v29;
	v48 =	vld [tilespmem:s26+$0xFFFFFFE0]  }
0x2bf: {  	v53 =	vld [tilespmem:s20+$0x10];
	v18 =	vor.u32 $0x1, v19;
	v14 =	vshll.u32 v26, $0x2  }
0x2c0: {  	[tilespmem:$0x1FC10] =	vst v18;
	v18 =	vor.u32 $0x1, v14;
	v13 =	vld.idx.msk [tilespmem:v9+s8+$0x0], $0xffff  }
0x2c1: {  	v49 =	vld [tilespmem:s20+$0x20];
	v30 =	vadd.f32 v31, v30;
	[tilespmem:$0x1FC50] =	vst v18;
	v18 =	vor.u32 $0x2, v14  }
0x2c2: {  	v22 =	vshll.u32 v44, $0x2;
	v44 =	vld.idx.msk [tilespmem:v44+s9+$0x0], $0xffff  }
0x2c3: {  	v30 =	vadd.f32 v48, v30;
	v48 =	vld [tilespmem:$0x1FD10]  }
0x2c4: {  	v41 =	vshll.u32 v15, $0x2;
	v15 =	vmov v33;
	[tilespmem:$0x1FC70] =	vst v18;
	v18 =	vmov v32;
	v32 =	vld.idx.msk [tilespmem:v50+s8+$0x0], $0xffff;
	v33 =	vpop (erf)  }
0x2c5: {  	v27 =	vadd.f32 v27, v13;
	v13 =	vmov v35;
	v35 =	vld [tilespmem:s26+$0xFFFFFFD0];
	v33 =	vadd.f32 $1.000000000e+00, v33  }
0x2c6: {  	v23 =	vld.idx.msk [tilespmem:v23+s9+$0x0], $0xffff  }
0x2c7: {  	v12 =	vor.u32 $0x3, v14;
	(erf) = vrcp.f32 v33;
	v33 =	vld [tilespmem:s26+$0xFFFFFFF0]  }
0x2c8: {  	v31 =	vld.idx.msk [tilespmem:v53+s8+$0x0], $0xffff  }
0x2c9: {  	v26 =	vld.idx.msk [tilespmem:v26+s9+$0x0], $0xffff  }
0x2ca: {  	v45 =	vor.u32 $0x2, v41;
	[tilespmem:$0x1FC90] =	vst v12;
	v12 =	vmovc v34;
	v34 =	vld [tilespmem:s26+$0xFFFFFFC0];
	v32 =	vadd.f32 v44, v32;
	v28 =	vadd.f32 v35, v28  }
0x2cb: {  	[tilespmem:v48+s10+$0x0] =	vst.idx.add.f32.msk $0xffff, v8;
	v8 =	vmov v45  }
0x2cc: {  	[tilespmem:$0x1FD10] =	vst v8;
	v8 =	vsub.f32 $0.0e+00, v28;
	v28 =	vadd.f32 v33, v32;
	v33 =	vld [tilespmem:$0x1FD30]  }
0x2cd: {  	v44 =	vld.idx.msk [tilespmem:v49+s8+$0x0], $0xffff;
	_ =	sdelay $0x1  }
0x2ce: {  	v27 =	vadd.f32 v34, v27;
	_ =	sdelay $0x1  }
0x2cf: {  	v23 =	vadd.f32 v23, v31;
	v31 =	vld [tilespmem:s26+$0x0];
	v27 =	vsub.f32 $0.0e+00, v27  }
0x2d0: {  	v26 =	vadd.f32 v26, v44;
	v44 =	vld [tilespmem:$0x1FD20]  }
0x2d1: {  	v24 =	vor.u32 $0x1, v22;
	[tilespmem:v36+s10+$0x0] =	vst.idx.add.f32.msk $0xffff, v6;
	v45 =	vmul.f32 $1.442695020e+00, v27;
	v27 =	vsub.f32 $0.0e+00, v30  }
0x2d2: {  	[tilespmem:v33+s10+$0x0] =	vst.idx.add.f32.msk $0xffff, v5;
	v5 =	vmov v24  }
0x2d3: {  	[tilespmem:$0x1FD30] =	vst v5;
	v5 =	vmul.f32 $1.442695020e+00, v27;
	v27 =	vld [tilespmem:$0x1FD40]  }
0x2d4: {  	v34 =	vld [tilespmem:s26+$0x10];
	_ =	sdelay $0x2  }
0x2d5: {  	v46 =	vor.u32 $0x3, v41  }
0x2d6: {  	v29 =	vadd.f32 v31, v29;
	[tilespmem:v44+s10+$0x0] =	vst.idx.add.f32.msk $0xffff, v7;
	v7 =	vmov v46  }
0x2d7: {  	v6 =	vmul.f32 $1.442695020e+00, v8;
	v8 =	vsub.f32 $0.0e+00, v28;
	v46 =	vadd.f32 v34, v23  }
0x2d8: {  	v25 =	vor.u32 $0x2, v22;
	v34 =	vsub.f32 $0.0e+00, v29;
	[tilespmem:$0x1FD20] =	vst v7;
	v36 =	vpop (erf);
	(erf) = vpow2.f32 v45  }
0x2d9: {  	v7 =	vmovc v25;
	(erf) = vpow2.f32 v6;
	[tilespmem:v27+s10+$0x0] =	vst.idx.add.f32.msk $0xffff, v4;
	v4 =	vmul.f32 $1.442695020e+00, v8;
	v8 =	vsub.f32 $0.0e+00, v46  }
0x2da: {  	[tilespmem:$0x1FD40] =	vst v7;
	v7 =	vmul.f32 $1.442695020e+00, v34;
	(erf) = vpow2.f32 v5  }
0x2db: {  	v6 =	vmul.f32 $1.442695020e+00, v8;
	(erf) = vpow2.f32 v4  }
0x2dc: {  	(erf) = vpow2.f32 v7  }
0x2dd: {  	(erf) = vpow2.f32 v6;
	v6 =	vld [tilespmem:$0x1FD50];
	_ =	sdelay $0x4  }
0x2de: {  	v35 =	vld [tilespmem:s26+$0x20];
	_ =	sdelay $0x2  }
0x2df: {  	[tilespmem:v6+s10+$0x0] =	vst.idx.add.f32.msk $0xffff, v2  }
0x2e0: {  	s24 =	sadd.s32 $0x80, s24;
	v6 =	vld [tilespmem:$0x1FD60]  }
0x2e1: {  	v35 =	vadd.f32 v35, v26;
	[tilespmem:s24+$0x30] =	vst v36  }
0x2e2: {  	v45 =	vld.idx.msk [tilespmem:v10+s6+$0x0], $0xffff  }
0x2e3: {  	v39 =	vor.u32 $0x3, v43;
	v44 =	vsub.f32 $0.0e+00, v35;
	v46 =	vld.idx.msk [tilespmem:v10+s19+$0x0], $0xffff  }
0x2e4: {  	v40 =	vor.u32 $0x1, v41;
	[tilespmem:$0x1FCF0] =	vst v39;
	v8 =	vld.idx.msk [tilespmem:v10+s7+$0x0], $0xffff  }
0x2e5: {  	[tilespmem:$0x1FD00] =	vst v40;
	v39 =	vor.u32 $0x3, v22;
	v5 =	vmul.f32 $1.442695020e+00, v44;
	v4 =	vld.idx.msk [tilespmem:v10+s5+$0x0], $0xffff;
	v10 =	vshll.u32 v11, $0x2  }
0x2e6: {  	[tilespmem:v37+s10+$0x0] =	vst.idx.add.f32.msk $0xffff, v3;
	v7 =	vor.u32 $0x1, v10;
	v2 =	vmov v39  }
0x2e7: {  	v40 =	vor.u32 $0x1, v42;
	(erf) = vpow2.f32 v5;
	[tilespmem:$0x1FD50] =	vst v2  }
0x2e8: {  	v11 =	vmul.f32 v36, v45;
	v2 =	vor.u32 $0x2, v10;
	[tilespmem:v6+s10+$0x0] =	vst.idx.add.f32.msk $0xffff, v0;
	v0 =	vmov v40  }
0x2e9: {  	[tilespmem:$0x1FD60] =	vst v0;
	v0 =	vmul.f32 v36, v8  }
0x2ea: {  	v3 =	vpop (erf);
	[tilespmem:v10+s10+$0x0] =	vst.idx.add.f32.msk $0xffff, v11  }
0x2eb: {  	v3 =	vadd.f32 $1.000000000e+00, v3;
	v6 =	vmul.f32 v36, v46;
	[tilespmem:v7+s10+$0x0] =	vst.idx.add.f32.msk $0xffff, v0;
	v7 =	vmul.f32 v36, v4;
	v4 =	vpop (erf)  }
0x2ec: {  	[tilespmem:v38+s10+$0x0] =	vst.idx.add.f32.msk $0xffff, v1;
	v4 =	vadd.f32 $1.000000000e+00, v4;
	v1 =	vpop (erf)  }
0x2ed: {  	[tilespmem:v2+s10+$0x0] =	vst.idx.add.f32.msk $0xffff, v6;
	(erf) = vrcp.f32 v3;
	v6 =	vadd.f32 $1.000000000e+00, v1;
	v0 =	vpop (erf)  }
0x2ee: {  	v3 =	vadd.f32 $1.000000000e+00, v0;
	(erf) = vrcp.f32 v4;
	v2 =	vpop (erf)  }
0x2ef: {  	v2 =	vadd.f32 $1.000000000e+00, v2;
	(erf) = vrcp.f32 v6;
	v1 =	vpop (erf)  }
0x2f0: {  	v1 =	vadd.f32 $1.000000000e+00, v1;
	(erf) = vrcp.f32 v3;
	v0 =	vpop (erf)  }
0x2f1: {  	v0 =	vadd.f32 $1.000000000e+00, v0;
	(erf) = vrcp.f32 v2  }
0x2f2: {  	(erf) = vrcp.f32 v1  }
0x2f3: {  	(erf) = vrcp.f32 v0;
	v0 =	vld [tilespmem:$0x1FC40];
	_ =	sdelay $0x6  }
0x2f4: {  	[tilespmem:v13+s10+$0x0] =	vst.idx.add.f32.msk $0xffff, v55  }
0x2f5: {  	[tilespmem:v0+s10+$0x0] =	vst.idx.add.f32.msk $0xffff, v56  }
0x2f6: {  	v0 =	vld [tilespmem:$0x1FC50];
	_ =	sdelay $0x3  }
0x2f7: {  	v1 =	vld [tilespmem:$0x1FC30]  }
0x2f8: {  	v36 =	vmov v0;
	v0 =	vld [tilespmem:$0x1FC60];
	_ =	sdelay $0x2  }
0x2f9: {  	[tilespmem:v17+s10+$0x0] =	vst.idx.add.f32.msk $0xffff, v58  }
0x2fa: {  	v34 =	vmov v1;
	v1 =	vld [tilespmem:$0x1FC80]  }
0x2fb: {  	[tilespmem:v18+s10+$0x0] =	vst.idx.add.f32.msk $0xffff, v51  }
0x2fc: {  	[tilespmem:v15+s10+$0x0] =	vst.idx.add.f32.msk $0xffff, v54  }
0x2fd: {  	[tilespmem:v12+s10+$0x0] =	vst.idx.add.f32.msk $0xffff, v52  }
0x2fe: {  	[tilespmem:v0+s10+$0x0] =	vst.idx.add.f32.msk $0xffff, v61  }
0x2ff: {  	v5 =	vor.u32 $0x3, v10;
	v0 =	vld [tilespmem:$0x1FC70]  }
0x300: {  	[tilespmem:v16+s10+$0x0] =	vst.idx.add.f32.msk $0xffff, v60  }
0x301: {  	v2 =	vld [tilespmem:$0x1FC20]  }
0x302: {  	[tilespmem:v1+s10+$0x0] =	vst.idx.add.f32.msk $0xffff, v59  }
0x303: {  	v1 =	vld [tilespmem:$0x1FC90]  }
0x304: {  	[tilespmem:v5+s10+$0x0] =	vst.idx.add.f32.msk $0xffff, v7;
	v37 =	vmov v0;
	v0 =	vpop (erf)  }
0x305: {  	v3 =	vld [tilespmem:$0x1FC10];
	[tilespmem:s24+$0xFFFFFFC0] =	vst v0  }
0x306: {  	v33 =	vmov v2;
	v2 =	vld.idx.msk [tilespmem:v9+s6+$0x0], $0xffff  }
0x307: {  	v4 =	vld.idx.msk [tilespmem:v9+s7+$0x0], $0xffff  }
0x308: {  	v38 =	vmov v1;
	v1 =	vpop (erf);
	v5 =	vld.idx.msk [tilespmem:v9+s19+$0x0], $0xffff  }
0x309: {  	[tilespmem:s24+$0xFFFFFFD0] =	vst v1;
	v6 =	vld.idx.msk [tilespmem:v9+s5+$0x0], $0xffff  }
0x30a: {  	v7 =	vld.idx.msk [tilespmem:v63+s6+$0x0], $0xffff  }
0x30b: {  	v8 =	vld.idx.msk [tilespmem:v63+s7+$0x0], $0xffff  }
0x30c: {  	v32 =	vmov v3;
	v3 =	vpop (erf);
	v55 =	vmul.f32 v0, v2;
	v2 =	vld.idx.msk [tilespmem:v63+s19+$0x0], $0xffff  }
0x30d: {  	v35 =	vmov v14;
	[tilespmem:s24+$0xFFFFFFE0] =	vst v3;
	v14 =	vmul.f32 v0, v4;
	v4 =	vld.idx.msk [tilespmem:v63+s5+$0x0], $0xffff  }
0x30e: {  	v10 =	vpop (erf);
	v15 =	vmul.f32 v0, v5;
	v5 =	vld.idx.msk [tilespmem:v62+s6+$0x0], $0xffff  }
0x30f: {  	v11 =	vpop (erf);
	v16 =	vmul.f32 v0, v6;
	v0 =	vld.idx.msk [tilespmem:v62+s7+$0x0], $0xffff  }
0x310: {  	[tilespmem:s24+$0x0] =	vst v11;
	v6 =	vld.idx.msk [tilespmem:v62+s19+$0x0], $0xffff  }
0x311: {  	[tilespmem:s24+$0xFFFFFFF0] =	vst v10;
	v63 =	vld.idx.msk [tilespmem:v57+s6+$0x0], $0xffff  }
0x312: {  	v20 =	vor.u32 $0x3, v42;
	v31 =	vmovc v19;
	v17 =	vmul.f32 v1, v7;
	v19 =	vmul.f32 v1, v2;
	v2 =	vld.idx.msk [tilespmem:v50+s6+$0x0], $0xffff  }
0x313: {  	v30 =	vmov v20;
	v18 =	vmul.f32 v1, v8;
	v20 =	vmul.f32 v1, v4;
	v1 =	vld.idx.msk [tilespmem:v50+s7+$0x0], $0xffff  }
0x314: {  	v9 =	vpop (erf);
	v4 =	vld.idx.msk [tilespmem:v50+s19+$0x0], $0xffff  }
0x315: {  	v48 =	vmov v22;
	[tilespmem:s24+$0x10] =	vst v9;
	v22 =	vmul.f32 v3, v0;
	v0 =	vld.idx.msk [tilespmem:v50+s5+$0x0], $0xffff  }
0x316: {  	v27 =	vld.idx.msk [tilespmem:v53+s6+$0x0], $0xffff  }
0x317: {  	v21 =	vor.u32 $0x2, v42;
	v44 =	vld.idx.msk [tilespmem:v53+s19+$0x0], $0xffff  }
0x318: {  	v29 =	vmov v21;
	v45 =	vld.idx.msk [tilespmem:v53+s5+$0x0], $0xffff;
	v21 =	vmul.f32 v3, v5;
	v8 =	vmul.f32 v3, v6  }
0x319: {  	v7 =	vld.idx.msk [tilespmem:v62+s5+$0x0], $0xffff;
	v6 =	vmul.f32 v10, v2;
	v5 =	vmul.f32 v10, v1  }
0x31a: {  	v4 =	vmul.f32 v10, v4;
	v2 =	vmul.f32 v10, v0;
	v10 =	vld.idx.msk [tilespmem:v53+s7+$0x0], $0xffff;
	_ =	sdelay $0x2  }
0x31b: {  	v58 =	vmul.f32 v9, v27;
	v54 =	vmul.f32 v9, v44  }
0x31c: {  	v7 =	vmul.f32 v3, v7;
	v3 =	vmul.f32 v11, v63;
	v63 =	vld [tilespmem:$0x1FCA0]  }
0x31d: {  	v52 =	vmul.f32 v9, v45;
	v51 =	vmul.f32 v9, v10;
	v9 =	vld [tilespmem:$0x1FCB0];
	_ =	sdelay $0x5  }
0x31e: {  	[tilespmem:v47+s10+$0x0] =	vst.idx.add.f32.msk $0xffff, v55  }
0x31f: {  	[tilespmem:v63+s10+$0x0] =	vst.idx.add.f32.msk $0xffff, v14  }
0x320: {  	[tilespmem:v9+s10+$0x0] =	vst.idx.add.f32.msk $0xffff, v15  }
0x321: {  	v9 =	vld [tilespmem:$0x1FCC0];
	_ =	sdelay $0x7  }
0x322: {  	[tilespmem:v9+s10+$0x0] =	vst.idx.add.f32.msk $0xffff, v16  }
0x323: {  	v9 =	vld [tilespmem:$0x1FCD0];
	_ =	sdelay $0x6  }
0x324: {  	[tilespmem:v43+s10+$0x0] =	vst.idx.add.f32.msk $0xffff, v17  }
0x325: {  	[tilespmem:v9+s10+$0x0] =	vst.idx.add.f32.msk $0xffff, v18  }
0x326: {  	v9 =	vld [tilespmem:$0x1FCE0];
	_ =	sdelay $0x7  }
0x327: {  	[tilespmem:v9+s10+$0x0] =	vst.idx.add.f32.msk $0xffff, v19  }
0x328: {  	v9 =	vld [tilespmem:$0x1FCF0];
	_ =	sdelay $0x3  }
0x329: {  	v39 =	vld.idx.msk [tilespmem:v57+s7+$0x0], $0xffff  }
0x32a: {  	v28 =	vmov v42;
	v12 =	vpop (erf);
	v42 =	vld.idx.msk [tilespmem:v57+s5+$0x0], $0xffff  }
0x32b: {  	v40 =	vld.idx.msk [tilespmem:v57+s19+$0x0], $0xffff;
	[tilespmem:s24+$0x20] =	vst v12  }
0x32c: {  	v46 =	vld.idx.msk [tilespmem:v49+s6+$0x0], $0xffff  }
0x32d: {  	[tilespmem:v9+s10+$0x0] =	vst.idx.add.f32.msk $0xffff, v20  }
0x32e: {  	v9 =	vld [tilespmem:$0x1FD00]  }
0x32f: {  	v62 =	vld.idx.msk [tilespmem:v49+s19+$0x0], $0xffff;
	v60 =	vmul.f32 v11, v42  }
0x330: {  	s29 =	sadd.s32 $0x8, s29;
	v0 =	vmul.f32 v11, v39;
	v1 =	vmul.f32 v11, v40;
	v11 =	vld.idx.msk [tilespmem:v49+s7+$0x0], $0xffff  }
0x331: {  	p3 =	slt.u32 s29, $0x70;
	v10 =	vld.idx.msk [tilespmem:v49+s5+$0x0], $0xffff  }
.Ltmp8:
0x332: {  	_ = 	snop;
	(pc) =	sbr.rel @p3 .LBB2_12-.Ltmp8, $3  }
0x333: {  	_ =	sdelay $0x1  }
0x334: {  	v55 =	vmul.f32 v12, v46;
	v61 =	vmul.f32 v12, v62;
	[tilespmem:v41+s10+$0x0] =	vst.idx.add.f32.msk $0xffff, v21  }
0x335: {  	s20 =	sadd.s32 $0x80, s20;
	v56 =	vmul.f32 v12, v11;
	v59 =	vmul.f32 v12, v10;
	[tilespmem:v9+s10+$0x0] =	vst.idx.add.f32.msk $0xffff, v22  }
0x336: {  	v9 =	vld [tilespmem:$0x1FD10];
	_ =	sdelay $0x7  }
0x337: {  	[tilespmem:v9+s10+$0x0] =	vst.idx.add.f32.msk $0xffff, v8  }
0x338: {  	v8 =	vld [tilespmem:$0x1FD20];
	_ =	sdelay $0x6  }
0x339: {  	[tilespmem:v48+s10+$0x0] =	vst.idx.add.f32.msk $0xffff, v6  }
0x33a: {  	[tilespmem:v8+s10+$0x0] =	vst.idx.add.f32.msk $0xffff, v7  }
0x33b: {  	v6 =	vld [tilespmem:$0x1FD30];
	_ =	sdelay $0x7  }
0x33c: {  	[tilespmem:v6+s10+$0x0] =	vst.idx.add.f32.msk $0xffff, v5  }
0x33d: {  	v5 =	vld [tilespmem:$0x1FD40];
	_ =	sdelay $0x7  }
0x33e: {  	[tilespmem:v5+s10+$0x0] =	vst.idx.add.f32.msk $0xffff, v4  }
0x33f: {  	v4 =	vld [tilespmem:$0x1FD50];
	_ =	sdelay $0x6  }
0x340: {  	[tilespmem:v28+s10+$0x0] =	vst.idx.add.f32.msk $0xffff, v3  }
0x341: {  	[tilespmem:v4+s10+$0x0] =	vst.idx.add.f32.msk $0xffff, v2  }
0x342: {  	v2 =	vld [tilespmem:$0x1FD60]  }
0x343: {  	[tilespmem:v31+s10+$0x0] =	vst.idx.add.f32.msk $0xffff, v58  }
0x344: {  	[tilespmem:v35+s10+$0x0] =	vst.idx.add.f32.msk $0xffff, v55  }
0x345: {  	[tilespmem:v32+s10+$0x0] =	vst.idx.add.f32.msk $0xffff, v51  }
0x346: {  	[tilespmem:v36+s10+$0x0] =	vst.idx.add.f32.msk $0xffff, v56  }
0x347: {  	[tilespmem:v33+s10+$0x0] =	vst.idx.add.f32.msk $0xffff, v54  }
0x348: {  	[tilespmem:v37+s10+$0x0] =	vst.idx.add.f32.msk $0xffff, v61  }
0x349: {  	[tilespmem:v34+s10+$0x0] =	vst.idx.add.f32.msk $0xffff, v52  }
0x34a: {  	[tilespmem:v38+s10+$0x0] =	vst.idx.add.f32.msk $0xffff, v59  }
0x34b: {  	[tilespmem:v2+s10+$0x0] =	vst.idx.add.f32.msk $0xffff, v0  }
0x34c: {  	[tilespmem:v29+s10+$0x0] =	vst.idx.add.f32.msk $0xffff, v1  }
0x34d: {  	[tilespmem:v30+s10+$0x0] =	vst.idx.add.f32.msk $0xffff, v60  }
.LBB2_14:
0x34e: {  	s20 =	sshra.s32 s19, $0x2  }
0x34f: {  	v0 =	vld [tilespmem:s20+$0x1B780]  }
0x350: {  	v1 =	vld [tilespmem:s20+$0x1BF80];
	_ =	sdelay $0x6  }
0x351: {  	v2 =	vld.idx.msk [tilespmem:v0+s8+$0x0], $0xffff  }
0x352: {  	v3 =	vld.idx.msk [tilespmem:v1+s9+$0x0], $0xffff;
	_ =	sdelay $0x1  }
0x353: {  	v4 =	vld [tilespmem:s20+$0x1C780];
	_ =	sdelay $0x2  }
0x354: {  	v2 =	vadd.f32 v3, v2;
	_ =	sdelay $0x1  }
0x355: {  	v2 =	vadd.f32 v4, v2;
	_ =	sdelay $0x1  }
0x356: {  	v2 =	vsub.f32 $0.0e+00, v2;
	_ =	sdelay $0x1  }
0x357: {  	v2 =	vmul.f32 $1.442695020e+00, v2;
	_ =	sdelay $0x1  }
0x358: {  	(erf) = vpow2.f32 v2;
	_ =	sdelay $0x8  }
0x359: {  	v2 =	vpop (erf)  }
0x35a: {  	v2 =	vadd.f32 $1.000000000e+00, v2;
	_ =	sdelay $0x1  }
0x35b: {  	(erf) = vrcp.f32 v2;
	_ =	sdelay $0x8  }
0x35c: {  	v2 =	vpop (erf)  }
0x35d: {  	[tilespmem:s20+$0x1CF80] =	vst v2  }
0x35e: {  	v61 =	vld.idx.msk [tilespmem:v0+s6+$0x0], $0xffff  }
0x35f: {  	v62 =	vld.idx.msk [tilespmem:v0+s7+$0x0], $0xffff  }
0x360: {  	v1 =	vshll.u32 v1, $0x2;
	v5 =	vld.idx.msk [tilespmem:v0+s0+$0x0], $0xffff  }
0x361: {  	v6 =	vor.u32 $0x1, v1;
	v0 =	vld.idx.msk [tilespmem:v0+s5+$0x0], $0xffff  }
0x362: {  	v7 =	vor.u32 $0x2, v1  }
0x363: {  	p3 =	sne.s32 s19, $0x100;
	v8 =	vor.u32 $0x3, v1;
	v3 =	vmul.f32 v2, v61  }
.Ltmp9:
0x364: {  	v4 =	vmul.f32 v2, v62;
	(pc) =	sbr.rel @p3 .LBB2_14-.Ltmp9, $4  }
0x365: {  	v63 =	vmul.f32 v2, v5;
	[tilespmem:v1+s10+$0x0] =	vst.idx.add.f32.msk $0xffff, v3  }
0x366: {  	v0 =	vmul.f32 v2, v0;
	[tilespmem:v6+s10+$0x0] =	vst.idx.add.f32.msk $0xffff, v4  }
0x367: {  	[tilespmem:v7+s10+$0x0] =	vst.idx.add.f32.msk $0xffff, v63  }
0x368: {  	s19 =	sadd.s32 $0x40, s19;
	[tilespmem:v8+s10+$0x0] =	vst.idx.add.f32.msk $0xffff, v0  }
0x369: {  	s19 =	rddreg [dreg:$0x12];
	s20 =	simm.s32 $0x1C800  }
0x36a: {  	[hbm4b:s19+s0] =	stream.linear.scatter [tilespmem:s20], [sflag:$0x2], $0x7D0, $0x38;
	[tilespmem:$0x1F700] =	vst v63  }
0x36b: {  	_ =	swait.ge [sflag:s16], $0x7D0  }
0x36c: {  	[sflag:s16] =	ssyncset.done $0x0  }
0x36d: {  	[sflag:s16] =	ssyncadd.s32 $0xFFFFF830  }
0x36e: {  	_ =	swait.ge [sflag:s16], $0x7D0  }
0x36f: {  	[sflag:s16] =	ssyncset.done $0x0  }
0x370: {  	[sflag:s16] =	ssyncadd.s32 $0xFFFFF830  }
0x371: {  	_ =	swait.ge [sflag:s16], $0x7D0  }
0x372: {  	[sflag:s16] =	ssyncset.done $0x0  }
0x373: {  	s23 =	rddreg [dreg:$0x14];
	[sflag:s16] =	ssyncadd.s32 $0xFFFFF830  }
0x374: {  	[tilespmem:s25], [sflag:$0x3] =	stream.linear.gather [hbm4b:s23+s0], $0x7D0, $0x38;
	[tilespmem:$0x1F700] =	vst v63  }
0x375: {  	s24 =	rddreg [dreg:$0x16]  }
0x376: {  	[tilespmem:s28], [sflag:$0x3] =	stream.linear.gather [hbm4b:s24+s0], $0x7D0, $0x38;
	[tilespmem:$0x1F700] =	vst v63  }
0x377: {  	s26 =	simm.s32 $0x1C000;
	s25 =	rddreg [dreg:$0x18]  }
0x378: {  	[tilespmem:s26], [sflag:$0x3] =	stream.linear.gather [hbm4b:s25+s0], $0x7D0, $0x38;
	[tilespmem:$0x1F700] =	vst v63  }
0x379: {  	_ =	swait.ge [sflag:s21], $0x7D0  }
0x37a: {  	[sflag:s21] =	ssyncset.done $0x0  }
0x37b: {  	s28 =	simm.s32 $0x19040;
	[sflag:s21] =	ssyncadd.s32 $0xFFFFF830  }
0x37c: {  	s23 =	simm.s32 $0x19840;
	v13 =	vld [tilespmem:s28+$0x30]  }
0x37d: {  	v14 =	vld [tilespmem:s23+$0x30]  }
0x37e: {  	v7 =	vld [tilespmem:s23+$0xFFFFFFC0]  }
0x37f: {  	v12 =	vld [tilespmem:s28+$0xFFFFFFD0]  }
0x380: {  	v6 =	vld [tilespmem:s23+$0xFFFFFFD0]  }
0x381: {  	v11 =	vld [tilespmem:s28+$0xFFFFFFE0]  }
0x382: {  	v4 =	vld [tilespmem:s23+$0xFFFFFFE0]  }
0x383: {  	v10 =	vld [tilespmem:s28+$0xFFFFFFF0]  }
0x384: {  	v5 =	vld [tilespmem:s23+$0xFFFFFFF0]  }
0x385: {  	s26 =	simm.s32 $0x1A040;
	v8 =	vld [tilespmem:s28+$0x0]  }
0x386: {  	v17 =	vld [tilespmem:s26+$0x30]  }
0x387: {  	v2 =	vld [tilespmem:s23+$0x0]  }
0x388: {  	v15 =	vld.idx.msk [tilespmem:v13+s8+$0x0], $0xffff  }
0x389: {  	v16 =	vld.idx.msk [tilespmem:v14+s9+$0x0], $0xffff  }
0x38a: {  	v3 =	vld [tilespmem:s28+$0x10]  }
0x38b: {  	v0 =	vld [tilespmem:s23+$0x10]  }
0x38c: {  	v1 =	vld [tilespmem:s28+$0x20]  }
0x38d: {  	v9 =	vld [tilespmem:s23+$0x20]  }
0x38e: {  	v15 =	vadd.f32 v16, v15;
	v16 =	vld [tilespmem:s28+$0xFFFFFFC0]  }
0x38f: {  	v25 =	vld [tilespmem:s26+$0xFFFFFFC0]  }
0x390: {  	v62 =	vld [tilespmem:s26+$0xFFFFFFD0];
	v15 =	vadd.f32 v17, v15  }
0x391: {  	v30 =	vld [tilespmem:s26+$0xFFFFFFE0]  }
0x392: {  	v31 =	vld [tilespmem:s26+$0xFFFFFFF0];
	v15 =	vsub.f32 $0.0e+00, v15  }
0x393: {  	v18 =	vld.idx.msk [tilespmem:v7+s9+$0x0], $0xffff  }
0x394: {  	v60 =	vld.idx.msk [tilespmem:v12+s8+$0x0], $0xffff;
	v15 =	vmul.f32 $1.442695020e+00, v15  }
0x395: {  	v19 =	vld.idx.msk [tilespmem:v6+s9+$0x0], $0xffff  }
0x396: {  	(erf) = vpow2.f32 v15;
	v61 =	vld.idx.msk [tilespmem:v16+s8+$0x0], $0xffff  }
0x397: {  	v20 =	vld.idx.msk [tilespmem:v11+s8+$0x0], $0xffff  }
0x398: {  	v21 =	vld.idx.msk [tilespmem:v4+s9+$0x0], $0xffff  }
0x399: {  	v22 =	vld.idx.msk [tilespmem:v10+s8+$0x0], $0xffff  }
0x39a: {  	v23 =	vld.idx.msk [tilespmem:v5+s9+$0x0], $0xffff  }
0x39b: {  	v24 =	vld.idx.msk [tilespmem:v8+s8+$0x0], $0xffff;
	v15 =	vadd.f32 v18, v61  }
0x39c: {  	v26 =	vld.idx.msk [tilespmem:v2+s9+$0x0], $0xffff  }
0x39d: {  	v27 =	vld.idx.msk [tilespmem:v3+s8+$0x0], $0xffff;
	v15 =	vadd.f32 v25, v15  }
0x39e: {  	v28 =	vld.idx.msk [tilespmem:v0+s9+$0x0], $0xffff  }
0x39f: {  	v29 =	vld.idx.msk [tilespmem:v1+s8+$0x0], $0xffff;
	v17 =	vadd.f32 v19, v60;
	v33 =	vpop (erf);
	v15 =	vsub.f32 $0.0e+00, v15  }
0x3a0: {  	v63 =	vld.idx.msk [tilespmem:v9+s9+$0x0], $0xffff;
	v19 =	vadd.f32 $1.000000000e+00, v33  }
0x3a1: {  	v32 =	vld [tilespmem:s26+$0x0];
	v17 =	vadd.f32 v62, v17;
	v15 =	vmul.f32 $1.442695020e+00, v15  }
0x3a2: {  	v36 =	vld [tilespmem:s26+$0x10];
	v34 =	vadd.f32 v21, v20;
	v35 =	vadd.f32 v23, v22;
	(erf) = vrcp.f32 v19  }
0x3a3: {  	v38 =	vld [tilespmem:s26+$0x20];
	v37 =	vadd.f32 v26, v24;
	v17 =	vsub.f32 $0.0e+00, v17;
	(erf) = vpow2.f32 v15  }
0x3a4: {  	v39 =	vadd.f32 v28, v27;
	v18 =	vadd.f32 v30, v34  }
0x3a5: {  	v40 =	vadd.f32 v63, v29;
	v20 =	vadd.f32 v31, v35;
	v17 =	vmul.f32 $1.442695020e+00, v17  }
0x3a6: {  	v21 =	vadd.f32 v32, v37;
	v18 =	vsub.f32 $0.0e+00, v18  }
0x3a7: {  	v20 =	vsub.f32 $0.0e+00, v20;
	v15 =	vadd.f32 v36, v39;
	(erf) = vpow2.f32 v17  }
0x3a8: {  	v43 =	vadd.f32 v38, v40;
	v42 =	vsub.f32 $0.0e+00, v21;
	v41 =	vmul.f32 $1.442695020e+00, v18  }
0x3a9: {  	v20 =	vmul.f32 $1.442695020e+00, v20;
	v15 =	vsub.f32 $0.0e+00, v15  }
0x3aa: {  	v18 =	vmul.f32 $1.442695020e+00, v42;
	v19 =	vsub.f32 $0.0e+00, v43;
	(erf) = vpow2.f32 v41  }
0x3ab: {  	(erf) = vpow2.f32 v20;
	v15 =	vmul.f32 $1.442695020e+00, v15;
	v44 =	vpop (erf)  }
0x3ac: {  	s24 =	simm.s32 $0x1A840;
	v19 =	vmul.f32 $1.442695020e+00, v19;
	(erf) = vpow2.f32 v18;
	v45 =	vpop (erf)  }
0x3ad: {  	[tilespmem:s24+$0x30] =	vst v44;
	(erf) = vpow2.f32 v15;
	v46 =	vadd.f32 $1.000000000e+00, v45  }
0x3ae: {  	v47 =	vld.idx.msk [tilespmem:v13+s6+$0x0], $0xffff;
	(erf) = vpow2.f32 v19  }
0x3af: {  	s19 =	simm.s32 $0x0;
	v48 =	vld.idx.msk [tilespmem:v13+s7+$0x0], $0xffff;
	(erf) = vrcp.f32 v46  }
0x3b0: {  	v14 =	vshll.u32 v14, $0x2;
	v49 =	vld.idx.msk [tilespmem:v13+s19+$0x0], $0xffff;
	v50 =	vpop (erf)  }
0x3b1: {  	v51 =	vor.u32 $0x1, v14;
	v13 =	vld.idx.msk [tilespmem:v13+s5+$0x0], $0xffff;
	v20 =	vadd.f32 $1.000000000e+00, v50  }
0x3b2: {  	v52 =	vor.u32 $0x2, v14  }
0x3b3: {  	v53 =	vor.u32 $0x3, v14;
	v54 =	vpop (erf);
	(erf) = vrcp.f32 v20;
	v18 =	vmul.f32 v44, v47  }
0x3b4: {  	v55 =	vpop (erf);
	v19 =	vmul.f32 v44, v48  }
0x3b5: {  	v57 =	vadd.f32 $1.000000000e+00, v54;
	v58 =	vpop (erf);
	v56 =	vmul.f32 v44, v49;
	[tilespmem:v14+s10+$0x0] =	vst.idx.add.f32.msk $0xffff, v18  }
0x3b6: {  	v13 =	vmul.f32 v44, v13;
	[tilespmem:v51+s10+$0x0] =	vst.idx.add.f32.msk $0xffff, v19;
	v59 =	vpop (erf)  }
0x3b7: {  	(erf) = vrcp.f32 v57;
	[tilespmem:v52+s10+$0x0] =	vst.idx.add.f32.msk $0xffff, v56;
	v60 =	vpop (erf)  }
0x3b8: {  	[tilespmem:v53+s10+$0x0] =	vst.idx.add.f32.msk $0xffff, v13;
	v61 =	vpop (erf)  }
0x3b9: {  	v62 =	vadd.f32 $1.000000000e+00, v55;
	[tilespmem:s24+$0xFFFFFFC0] =	vst v61  }
0x3ba: {  	v63 =	vld.idx.msk [tilespmem:v16+s6+$0x0], $0xffff  }
0x3bb: {  	(erf) = vrcp.f32 v62;
	v24 =	vld.idx.msk [tilespmem:v16+s7+$0x0], $0xffff  }
0x3bc: {  	v20 =	vpop (erf);
	v25 =	vld.idx.msk [tilespmem:v16+s19+$0x0], $0xffff  }
0x3bd: {  	v18 =	vadd.f32 $1.000000000e+00, v58;
	[tilespmem:s24+$0xFFFFFFD0] =	vst v20;
	v16 =	vld.idx.msk [tilespmem:v16+s5+$0x0], $0xffff  }
0x3be: {  	v28 =	vld.idx.msk [tilespmem:v12+s6+$0x0], $0xffff  }
0x3bf: {  	(erf) = vrcp.f32 v18;
	v26 =	vld.idx.msk [tilespmem:v12+s7+$0x0], $0xffff  }
0x3c0: {  	v31 =	vpop (erf);
	v29 =	vld.idx.msk [tilespmem:v12+s19+$0x0], $0xffff  }
0x3c1: {  	v17 =	vadd.f32 $1.000000000e+00, v59;
	[tilespmem:s24+$0xFFFFFFE0] =	vst v31;
	v12 =	vld.idx.msk [tilespmem:v12+s5+$0x0], $0xffff  }
0x3c2: {  	v30 =	vld.idx.msk [tilespmem:v11+s6+$0x0], $0xffff  }
0x3c3: {  	(erf) = vrcp.f32 v17;
	v17 =	vld.idx.msk [tilespmem:v11+s7+$0x0], $0xffff  }
0x3c4: {  	v32 =	vld.idx.msk [tilespmem:v11+s19+$0x0], $0xffff;
	v33 =	vpop (erf)  }
0x3c5: {  	v14 =	vadd.f32 $1.000000000e+00, v60;
	v11 =	vld.idx.msk [tilespmem:v11+s5+$0x0], $0xffff;
	[tilespmem:s24+$0xFFFFFFF0] =	vst v33  }
0x3c6: {  	v34 =	vld.idx.msk [tilespmem:v10+s6+$0x0], $0xffff  }
0x3c7: {  	(erf) = vrcp.f32 v14;
	v14 =	vld.idx.msk [tilespmem:v10+s7+$0x0], $0xffff  }
0x3c8: {  	v36 =	vld.idx.msk [tilespmem:v10+s19+$0x0], $0xffff;
	v35 =	vpop (erf)  }
0x3c9: {  	v10 =	vld.idx.msk [tilespmem:v10+s5+$0x0], $0xffff;
	[tilespmem:s24+$0x0] =	vst v35  }
0x3ca: {  	v37 =	vld.idx.msk [tilespmem:v8+s6+$0x0], $0xffff  }
0x3cb: {  	v38 =	vld.idx.msk [tilespmem:v8+s7+$0x0], $0xffff  }
0x3cc: {  	v39 =	vpop (erf);
	v40 =	vld.idx.msk [tilespmem:v8+s19+$0x0], $0xffff  }
0x3cd: {  	[tilespmem:s24+$0x10] =	vst v39;
	v42 =	vld.idx.msk [tilespmem:v8+s5+$0x0], $0xffff  }
0x3ce: {  	v50 =	vshll.u32 v4, $0x2;
	v47 =	vld.idx.msk [tilespmem:v3+s6+$0x0], $0xffff  }
0x3cf: {  	v4 =	vor.u32 $0x2, v50;
	v51 =	vld.idx.msk [tilespmem:v3+s7+$0x0], $0xffff  }
0x3d0: {  	v48 =	vshll.u32 v5, $0x2;
	v52 =	vld.idx.msk [tilespmem:v3+s19+$0x0], $0xffff;
	[tilespmem:$0x1FBB0] =	vst v4;
	v4 =	vor.u32 $0x3, v50  }
0x3d1: {  	v7 =	vshll.u32 v7, $0x2;
	[tilespmem:$0x1FBC0] =	vst v4;
	v4 =	vor.u32 $0x1, v48  }
0x3d2: {  	v2 =	vshll.u32 v2, $0x2;
	v43 =	vor.u32 $0x2, v7;
	v59 =	vpop (erf);
	[tilespmem:$0x1FBD0] =	vst v4  }
0x3d3: {  	v41 =	vor.u32 $0x1, v7;
	v45 =	vshll.u32 v6, $0x2;
	[tilespmem:s24+$0x20] =	vst v59;
	v55 =	vld.idx.msk [tilespmem:v3+s5+$0x0], $0xffff;
	v3 =	vor.u32 $0x2, v48  }
0x3d4: {  	v5 =	vor.u32 $0x3, v48;
	v58 =	vmul.f32 v61, v25;
	v13 =	vmul.f32 v61, v16;
	[tilespmem:$0x1FBE0] =	vst v3  }
0x3d5: {  	v46 =	vor.u32 $0x1, v45;
	v25 =	vmul.f32 v20, v28;
	v18 =	vmul.f32 v20, v26;
	v15 =	vld.idx.msk [tilespmem:v1+s6+$0x0], $0xffff;
	[tilespmem:$0x1FBF0] =	vst v5  }
0x3d6: {  	v28 =	vmovc v2;
	v2 =	vor.u32 $0x1, v2;
	v54 =	vmul.f32 v20, v29;
	v4 =	vmul.f32 v61, v24;
	v24 =	vld.idx.msk [tilespmem:v1+s7+$0x0], $0xffff  }
0x3d7: {  	v57 =	vor.u32 $0x1, v50;
	v12 =	vmul.f32 v20, v12;
	v3 =	vmul.f32 v61, v63;
	v61 =	vld.idx.msk [tilespmem:v1+s19+$0x0], $0xffff;
	[tilespmem:$0x1FC00] =	vst v2  }
0x3d8: {  	v44 =	vor.u32 $0x3, v7;
	v62 =	vmul.f32 v31, v30;
	v17 =	vmul.f32 v31, v17;
	v26 =	vld.idx.msk [tilespmem:v1+s5+$0x0], $0xffff  }
0x3d9: {  	v49 =	vor.u32 $0x2, v45;
	v8 =	vmul.f32 v31, v32;
	v6 =	vmul.f32 v33, v34;
	[tilespmem:v7+s10+$0x0] =	vst.idx.add.f32.msk $0xffff, v3  }
0x3da: {  	v53 =	vor.u32 $0x3, v45;
	v60 =	vmul.f32 v35, v42;
	v5 =	vmul.f32 v33, v14;
	[tilespmem:v45+s10+$0x0] =	vst.idx.add.f32.msk $0xffff, v25  }
0x3db: {  	v29 =	vor.u32 $0x2, v28;
	v51 =	vmul.f32 v39, v51;
	v2 =	vmul.f32 v33, v10;
	[tilespmem:v50+s10+$0x0] =	vst.idx.add.f32.msk $0xffff, v62  }
0x3dc: {  	v30 =	vor.u32 $0x3, v28;
	v7 =	vmul.f32 v31, v11;
	v3 =	vmul.f32 v35, v37;
	[tilespmem:v41+s10+$0x0] =	vst.idx.add.f32.msk $0xffff, v4  }
0x3dd: {  	v31 =	vshll.u32 v0, $0x2;
	v0 =	vmul.f32 v35, v38;
	v1 =	vmul.f32 v35, v40;
	[tilespmem:v46+s10+$0x0] =	vst.idx.add.f32.msk $0xffff, v18  }
0x3de: {  	v35 =	vshll.u32 v9, $0x2;
	v32 =	vor.u32 $0x1, v31;
	v4 =	vmul.f32 v33, v36;
	[tilespmem:v57+s10+$0x0] =	vst.idx.add.f32.msk $0xffff, v17  }
0x3df: {  	v33 =	vor.u32 $0x2, v31;
	v34 =	vor.u32 $0x3, v31;
	[tilespmem:v43+s10+$0x0] =	vst.idx.add.f32.msk $0xffff, v58;
	v58 =	vmul.f32 v39, v47  }
0x3e0: {  	v36 =	vor.u32 $0x1, v35;
	[tilespmem:v49+s10+$0x0] =	vst.idx.add.f32.msk $0xffff, v54;
	v54 =	vmul.f32 v39, v52;
	v52 =	vmul.f32 v39, v55  }
0x3e1: {  	v37 =	vor.u32 $0x2, v35;
	[tilespmem:v44+s10+$0x0] =	vst.idx.add.f32.msk $0xffff, v13;
	v55 =	vmul.f32 v59, v15;
	v56 =	vmul.f32 v59, v24  }
0x3e2: {  	s29 =	simm.s32 $0x0;
	s20 =	simm.s32 $0x190C0;
	v38 =	vor.u32 $0x3, v35;
	[tilespmem:v53+s10+$0x0] =	vst.idx.add.f32.msk $0xffff, v12;
	v61 =	vmul.f32 v59, v61;
	v59 =	vmul.f32 v59, v26  }
.LBB2_16:
0x3e3: {  	s23 =	sadd.s32 $0x80, s23  }
0x3e4: {  	v11 =	vld [tilespmem:s23+$0x30]  }
0x3e5: {  	v12 =	vld [tilespmem:s23+$0xFFFFFFC0]  }
0x3e6: {  	v10 =	vld [tilespmem:s20+$0x30];
	_ =	sdelay $0x1  }
0x3e7: {  	v63 =	vld [tilespmem:s20+$0xFFFFFFD0]  }
0x3e8: {  	v13 =	vld [tilespmem:s23+$0xFFFFFFD0]  }
0x3e9: {  	v62 =	vld [tilespmem:s20+$0xFFFFFFE0];
	v47 =	vshll.u32 v12, $0x2  }
0x3ea: {  	[tilespmem:$0x1FB20] =	vst v38;
	v57 =	vld [tilespmem:s20+$0x0];
	s26 =	sadd.s32 $0x80, s26;
	v9 =	vor.u32 $0x1, v47  }
0x3eb: {  	v42 =	vld [tilespmem:s26+$0x30];
	[tilespmem:$0x1FB40] =	vst v9;
	v9 =	vor.u32 $0x2, v47  }
0x3ec: {  	[tilespmem:$0x1FB50] =	vst v9;
	v9 =	vor.u32 $0x3, v47;
	v14 =	vld.idx.msk [tilespmem:v11+s9+$0x0], $0xffff  }
0x3ed: {  	v43 =	vshll.u32 v13, $0x2;
	[tilespmem:$0x1FB60] =	vst v9;
	v9 =	vld.idx.msk [tilespmem:v10+s8+$0x0], $0xffff  }
0x3ee: {  	[tilespmem:$0x1FAE0] =	vst v36;
	v36 =	vmov v48;
	v48 =	vld [tilespmem:s23+$0x0];
	v38 =	vor.u32 $0x2, v43  }
0x3ef: {  	v23 =	vld [tilespmem:s23+$0x10]  }
0x3f0: {  	[tilespmem:$0x1FB00] =	vst v37;
	v37 =	vmov v28;
	v28 =	vld.idx.msk [tilespmem:v63+s8+$0x0], $0xffff  }
0x3f1: {  	[tilespmem:$0x1FB80] =	vst v38;
	v38 =	vmov v29;
	v29 =	vld.idx.msk [tilespmem:v13+s9+$0x0], $0xffff  }
0x3f2: {  	v15 =	vld [tilespmem:s23+$0xFFFFFFE0];
	v9 =	vadd.f32 v14, v9  }
0x3f3: {  	v50 =	vld [tilespmem:s20+$0xFFFFFFF0]  }
0x3f4: {  	v44 =	vld [tilespmem:s23+$0xFFFFFFF0];
	v14 =	vadd.f32 v42, v9  }
0x3f5: {  	v27 =	vld.idx.msk [tilespmem:v12+s9+$0x0], $0xffff  }
0x3f6: {  	v19 =	vshll.u32 v23, $0x2;
	v28 =	vadd.f32 v29, v28;
	v29 =	vld.idx.msk [tilespmem:v57+s8+$0x0], $0xffff;
	v12 =	vsub.f32 $0.0e+00, v14  }
0x3f7: {  	v16 =	vor.u32 $0x1, v43;
	v17 =	vor.u32 $0x3, v19;
	v9 =	vld [tilespmem:s20+$0xFFFFFFC0]  }
0x3f8: {  	[tilespmem:$0x1FB70] =	vst v16;
	v16 =	vor.u32 $0x2, v19;
	v42 =	vshll.u32 v48, $0x2;
	v48 =	vld.idx.msk [tilespmem:v48+s9+$0x0], $0xffff;
	v13 =	vmul.f32 $1.442695020e+00, v12  }
0x3f9: {  	v26 =	vld [tilespmem:s23+$0x20]  }
0x3fa: {  	[tilespmem:$0x1FAD0] =	vst v17;
	v17 =	vmov v31;
	v31 =	vld.idx.msk [tilespmem:v15+s9+$0x0], $0xffff;
	(erf) = vpow2.f32 v13  }
0x3fb: {  	[tilespmem:$0x1FAC0] =	vst v16;
	v16 =	vmov v30;
	v30 =	vld.idx.msk [tilespmem:v62+s8+$0x0], $0xffff;
	_ =	sdelay $0x1  }
0x3fc: {  	v29 =	vadd.f32 v48, v29;
	v48 =	vld [tilespmem:s26+$0xFFFFFFE0]  }
0x3fd: {  	v53 =	vld [tilespmem:s20+$0x10];
	v18 =	vor.u32 $0x1, v19;
	v14 =	vshll.u32 v26, $0x2  }
0x3fe: {  	[tilespmem:$0x1FAB0] =	vst v18;
	v18 =	vor.u32 $0x1, v14;
	v13 =	vld.idx.msk [tilespmem:v9+s8+$0x0], $0xffff  }
0x3ff: {  	v49 =	vld [tilespmem:s20+$0x20];
	v30 =	vadd.f32 v31, v30;
	[tilespmem:$0x1FAF0] =	vst v18;
	v18 =	vor.u32 $0x2, v14  }
0x400: {  	v22 =	vshll.u32 v44, $0x2;
	v44 =	vld.idx.msk [tilespmem:v44+s9+$0x0], $0xffff  }
0x401: {  	v30 =	vadd.f32 v48, v30;
	v48 =	vld [tilespmem:$0x1FBB0]  }
0x402: {  	v41 =	vshll.u32 v15, $0x2;
	v15 =	vmov v33;
	[tilespmem:$0x1FB10] =	vst v18;
	v18 =	vmov v32;
	v32 =	vld.idx.msk [tilespmem:v50+s8+$0x0], $0xffff;
	v33 =	vpop (erf)  }
0x403: {  	v27 =	vadd.f32 v27, v13;
	v13 =	vmov v35;
	v35 =	vld [tilespmem:s26+$0xFFFFFFD0];
	v33 =	vadd.f32 $1.000000000e+00, v33  }
0x404: {  	v23 =	vld.idx.msk [tilespmem:v23+s9+$0x0], $0xffff  }
0x405: {  	v12 =	vor.u32 $0x3, v14;
	(erf) = vrcp.f32 v33;
	v33 =	vld [tilespmem:s26+$0xFFFFFFF0]  }
0x406: {  	v31 =	vld.idx.msk [tilespmem:v53+s8+$0x0], $0xffff  }
0x407: {  	v26 =	vld.idx.msk [tilespmem:v26+s9+$0x0], $0xffff  }
0x408: {  	v45 =	vor.u32 $0x2, v41;
	[tilespmem:$0x1FB30] =	vst v12;
	v12 =	vmovc v34;
	v34 =	vld [tilespmem:s26+$0xFFFFFFC0];
	v32 =	vadd.f32 v44, v32;
	v28 =	vadd.f32 v35, v28  }
0x409: {  	[tilespmem:v48+s10+$0x0] =	vst.idx.add.f32.msk $0xffff, v8;
	v8 =	vmov v45  }
0x40a: {  	[tilespmem:$0x1FBB0] =	vst v8;
	v8 =	vsub.f32 $0.0e+00, v28;
	v28 =	vadd.f32 v33, v32;
	v33 =	vld [tilespmem:$0x1FBD0]  }
0x40b: {  	v44 =	vld.idx.msk [tilespmem:v49+s8+$0x0], $0xffff;
	_ =	sdelay $0x1  }
0x40c: {  	v27 =	vadd.f32 v34, v27;
	_ =	sdelay $0x1  }
0x40d: {  	v23 =	vadd.f32 v23, v31;
	v31 =	vld [tilespmem:s26+$0x0];
	v27 =	vsub.f32 $0.0e+00, v27  }
0x40e: {  	v26 =	vadd.f32 v26, v44;
	v44 =	vld [tilespmem:$0x1FBC0]  }
0x40f: {  	v24 =	vor.u32 $0x1, v22;
	[tilespmem:v36+s10+$0x0] =	vst.idx.add.f32.msk $0xffff, v6;
	v45 =	vmul.f32 $1.442695020e+00, v27;
	v27 =	vsub.f32 $0.0e+00, v30  }
0x410: {  	[tilespmem:v33+s10+$0x0] =	vst.idx.add.f32.msk $0xffff, v5;
	v5 =	vmov v24  }
0x411: {  	[tilespmem:$0x1FBD0] =	vst v5;
	v5 =	vmul.f32 $1.442695020e+00, v27;
	v27 =	vld [tilespmem:$0x1FBE0]  }
0x412: {  	v34 =	vld [tilespmem:s26+$0x10];
	_ =	sdelay $0x2  }
0x413: {  	v46 =	vor.u32 $0x3, v41  }
0x414: {  	v29 =	vadd.f32 v31, v29;
	[tilespmem:v44+s10+$0x0] =	vst.idx.add.f32.msk $0xffff, v7;
	v7 =	vmov v46  }
0x415: {  	v6 =	vmul.f32 $1.442695020e+00, v8;
	v8 =	vsub.f32 $0.0e+00, v28;
	v46 =	vadd.f32 v34, v23  }
0x416: {  	v25 =	vor.u32 $0x2, v22;
	v34 =	vsub.f32 $0.0e+00, v29;
	[tilespmem:$0x1FBC0] =	vst v7;
	v36 =	vpop (erf);
	(erf) = vpow2.f32 v45  }
0x417: {  	v7 =	vmovc v25;
	(erf) = vpow2.f32 v6;
	[tilespmem:v27+s10+$0x0] =	vst.idx.add.f32.msk $0xffff, v4;
	v4 =	vmul.f32 $1.442695020e+00, v8;
	v8 =	vsub.f32 $0.0e+00, v46  }
0x418: {  	[tilespmem:$0x1FBE0] =	vst v7;
	v7 =	vmul.f32 $1.442695020e+00, v34;
	(erf) = vpow2.f32 v5  }
0x419: {  	v6 =	vmul.f32 $1.442695020e+00, v8;
	(erf) = vpow2.f32 v4  }
0x41a: {  	(erf) = vpow2.f32 v7  }
0x41b: {  	(erf) = vpow2.f32 v6;
	v6 =	vld [tilespmem:$0x1FBF0];
	_ =	sdelay $0x4  }
0x41c: {  	v35 =	vld [tilespmem:s26+$0x20];
	_ =	sdelay $0x2  }
0x41d: {  	[tilespmem:v6+s10+$0x0] =	vst.idx.add.f32.msk $0xffff, v2  }
0x41e: {  	s24 =	sadd.s32 $0x80, s24;
	v6 =	vld [tilespmem:$0x1FC00]  }
0x41f: {  	v35 =	vadd.f32 v35, v26;
	[tilespmem:s24+$0x30] =	vst v36  }
0x420: {  	v45 =	vld.idx.msk [tilespmem:v10+s6+$0x0], $0xffff  }
0x421: {  	v39 =	vor.u32 $0x3, v43;
	v44 =	vsub.f32 $0.0e+00, v35;
	v46 =	vld.idx.msk [tilespmem:v10+s19+$0x0], $0xffff  }
0x422: {  	v40 =	vor.u32 $0x1, v41;
	[tilespmem:$0x1FB90] =	vst v39;
	v8 =	vld.idx.msk [tilespmem:v10+s7+$0x0], $0xffff  }
0x423: {  	[tilespmem:$0x1FBA0] =	vst v40;
	v39 =	vor.u32 $0x3, v22;
	v5 =	vmul.f32 $1.442695020e+00, v44;
	v4 =	vld.idx.msk [tilespmem:v10+s5+$0x0], $0xffff;
	v10 =	vshll.u32 v11, $0x2  }
0x424: {  	[tilespmem:v37+s10+$0x0] =	vst.idx.add.f32.msk $0xffff, v3;
	v7 =	vor.u32 $0x1, v10;
	v2 =	vmov v39  }
0x425: {  	v40 =	vor.u32 $0x1, v42;
	(erf) = vpow2.f32 v5;
	[tilespmem:$0x1FBF0] =	vst v2  }
0x426: {  	v11 =	vmul.f32 v36, v45;
	v2 =	vor.u32 $0x2, v10;
	[tilespmem:v6+s10+$0x0] =	vst.idx.add.f32.msk $0xffff, v0;
	v0 =	vmov v40  }
0x427: {  	[tilespmem:$0x1FC00] =	vst v0;
	v0 =	vmul.f32 v36, v8  }
0x428: {  	v3 =	vpop (erf);
	[tilespmem:v10+s10+$0x0] =	vst.idx.add.f32.msk $0xffff, v11  }
0x429: {  	v3 =	vadd.f32 $1.000000000e+00, v3;
	v6 =	vmul.f32 v36, v46;
	[tilespmem:v7+s10+$0x0] =	vst.idx.add.f32.msk $0xffff, v0;
	v7 =	vmul.f32 v36, v4;
	v4 =	vpop (erf)  }
0x42a: {  	[tilespmem:v38+s10+$0x0] =	vst.idx.add.f32.msk $0xffff, v1;
	v4 =	vadd.f32 $1.000000000e+00, v4;
	v1 =	vpop (erf)  }
0x42b: {  	[tilespmem:v2+s10+$0x0] =	vst.idx.add.f32.msk $0xffff, v6;
	(erf) = vrcp.f32 v3;
	v6 =	vadd.f32 $1.000000000e+00, v1;
	v0 =	vpop (erf)  }
0x42c: {  	v3 =	vadd.f32 $1.000000000e+00, v0;
	(erf) = vrcp.f32 v4;
	v2 =	vpop (erf)  }
0x42d: {  	v2 =	vadd.f32 $1.000000000e+00, v2;
	(erf) = vrcp.f32 v6;
	v1 =	vpop (erf)  }
0x42e: {  	v1 =	vadd.f32 $1.000000000e+00, v1;
	(erf) = vrcp.f32 v3;
	v0 =	vpop (erf)  }
0x42f: {  	v0 =	vadd.f32 $1.000000000e+00, v0;
	(erf) = vrcp.f32 v2  }
0x430: {  	(erf) = vrcp.f32 v1  }
0x431: {  	(erf) = vrcp.f32 v0;
	v0 =	vld [tilespmem:$0x1FAE0];
	_ =	sdelay $0x6  }
0x432: {  	[tilespmem:v13+s10+$0x0] =	vst.idx.add.f32.msk $0xffff, v55  }
0x433: {  	[tilespmem:v0+s10+$0x0] =	vst.idx.add.f32.msk $0xffff, v56  }
0x434: {  	v0 =	vld [tilespmem:$0x1FAF0];
	_ =	sdelay $0x3  }
0x435: {  	v1 =	vld [tilespmem:$0x1FAD0]  }
0x436: {  	v36 =	vmov v0;
	v0 =	vld [tilespmem:$0x1FB00];
	_ =	sdelay $0x2  }
0x437: {  	[tilespmem:v17+s10+$0x0] =	vst.idx.add.f32.msk $0xffff, v58  }
0x438: {  	v34 =	vmov v1;
	v1 =	vld [tilespmem:$0x1FB20]  }
0x439: {  	[tilespmem:v18+s10+$0x0] =	vst.idx.add.f32.msk $0xffff, v51  }
0x43a: {  	[tilespmem:v15+s10+$0x0] =	vst.idx.add.f32.msk $0xffff, v54  }
0x43b: {  	[tilespmem:v12+s10+$0x0] =	vst.idx.add.f32.msk $0xffff, v52  }
0x43c: {  	[tilespmem:v0+s10+$0x0] =	vst.idx.add.f32.msk $0xffff, v61  }
0x43d: {  	v5 =	vor.u32 $0x3, v10;
	v0 =	vld [tilespmem:$0x1FB10]  }
0x43e: {  	[tilespmem:v16+s10+$0x0] =	vst.idx.add.f32.msk $0xffff, v60  }
0x43f: {  	v2 =	vld [tilespmem:$0x1FAC0]  }
0x440: {  	[tilespmem:v1+s10+$0x0] =	vst.idx.add.f32.msk $0xffff, v59  }
0x441: {  	v1 =	vld [tilespmem:$0x1FB30]  }
0x442: {  	[tilespmem:v5+s10+$0x0] =	vst.idx.add.f32.msk $0xffff, v7;
	v37 =	vmov v0;
	v0 =	vpop (erf)  }
0x443: {  	v3 =	vld [tilespmem:$0x1FAB0];
	[tilespmem:s24+$0xFFFFFFC0] =	vst v0  }
0x444: {  	v33 =	vmov v2;
	v2 =	vld.idx.msk [tilespmem:v9+s6+$0x0], $0xffff  }
0x445: {  	v4 =	vld.idx.msk [tilespmem:v9+s7+$0x0], $0xffff  }
0x446: {  	v38 =	vmov v1;
	v1 =	vpop (erf);
	v5 =	vld.idx.msk [tilespmem:v9+s19+$0x0], $0xffff  }
0x447: {  	[tilespmem:s24+$0xFFFFFFD0] =	vst v1;
	v6 =	vld.idx.msk [tilespmem:v9+s5+$0x0], $0xffff  }
0x448: {  	v7 =	vld.idx.msk [tilespmem:v63+s6+$0x0], $0xffff  }
0x449: {  	v8 =	vld.idx.msk [tilespmem:v63+s7+$0x0], $0xffff  }
0x44a: {  	v32 =	vmov v3;
	v3 =	vpop (erf);
	v55 =	vmul.f32 v0, v2;
	v2 =	vld.idx.msk [tilespmem:v63+s19+$0x0], $0xffff  }
0x44b: {  	v35 =	vmov v14;
	[tilespmem:s24+$0xFFFFFFE0] =	vst v3;
	v14 =	vmul.f32 v0, v4;
	v4 =	vld.idx.msk [tilespmem:v63+s5+$0x0], $0xffff  }
0x44c: {  	v10 =	vpop (erf);
	v15 =	vmul.f32 v0, v5;
	v5 =	vld.idx.msk [tilespmem:v62+s6+$0x0], $0xffff  }
0x44d: {  	v11 =	vpop (erf);
	v16 =	vmul.f32 v0, v6;
	v0 =	vld.idx.msk [tilespmem:v62+s7+$0x0], $0xffff  }
0x44e: {  	[tilespmem:s24+$0x0] =	vst v11;
	v6 =	vld.idx.msk [tilespmem:v62+s19+$0x0], $0xffff  }
0x44f: {  	[tilespmem:s24+$0xFFFFFFF0] =	vst v10;
	v63 =	vld.idx.msk [tilespmem:v57+s6+$0x0], $0xffff  }
0x450: {  	v20 =	vor.u32 $0x3, v42;
	v31 =	vmovc v19;
	v17 =	vmul.f32 v1, v7;
	v19 =	vmul.f32 v1, v2;
	v2 =	vld.idx.msk [tilespmem:v50+s6+$0x0], $0xffff  }
0x451: {  	v30 =	vmov v20;
	v18 =	vmul.f32 v1, v8;
	v20 =	vmul.f32 v1, v4;
	v1 =	vld.idx.msk [tilespmem:v50+s7+$0x0], $0xffff  }
0x452: {  	v9 =	vpop (erf);
	v4 =	vld.idx.msk [tilespmem:v50+s19+$0x0], $0xffff  }
0x453: {  	v48 =	vmov v22;
	[tilespmem:s24+$0x10] =	vst v9;
	v22 =	vmul.f32 v3, v0;
	v0 =	vld.idx.msk [tilespmem:v50+s5+$0x0], $0xffff  }
0x454: {  	v27 =	vld.idx.msk [tilespmem:v53+s6+$0x0], $0xffff  }
0x455: {  	v21 =	vor.u32 $0x2, v42;
	v44 =	vld.idx.msk [tilespmem:v53+s19+$0x0], $0xffff  }
0x456: {  	v29 =	vmov v21;
	v45 =	vld.idx.msk [tilespmem:v53+s5+$0x0], $0xffff;
	v21 =	vmul.f32 v3, v5;
	v8 =	vmul.f32 v3, v6  }
0x457: {  	v7 =	vld.idx.msk [tilespmem:v62+s5+$0x0], $0xffff;
	v6 =	vmul.f32 v10, v2;
	v5 =	vmul.f32 v10, v1  }
0x458: {  	v4 =	vmul.f32 v10, v4;
	v2 =	vmul.f32 v10, v0;
	v10 =	vld.idx.msk [tilespmem:v53+s7+$0x0], $0xffff;
	_ =	sdelay $0x2  }
0x459: {  	v58 =	vmul.f32 v9, v27;
	v54 =	vmul.f32 v9, v44  }
0x45a: {  	v7 =	vmul.f32 v3, v7;
	v3 =	vmul.f32 v11, v63;
	v63 =	vld [tilespmem:$0x1FB40]  }
0x45b: {  	v52 =	vmul.f32 v9, v45;
	v51 =	vmul.f32 v9, v10;
	v9 =	vld [tilespmem:$0x1FB50];
	_ =	sdelay $0x5  }
0x45c: {  	[tilespmem:v47+s10+$0x0] =	vst.idx.add.f32.msk $0xffff, v55  }
0x45d: {  	[tilespmem:v63+s10+$0x0] =	vst.idx.add.f32.msk $0xffff, v14  }
0x45e: {  	[tilespmem:v9+s10+$0x0] =	vst.idx.add.f32.msk $0xffff, v15  }
0x45f: {  	v9 =	vld [tilespmem:$0x1FB60];
	_ =	sdelay $0x7  }
0x460: {  	[tilespmem:v9+s10+$0x0] =	vst.idx.add.f32.msk $0xffff, v16  }
0x461: {  	v9 =	vld [tilespmem:$0x1FB70];
	_ =	sdelay $0x6  }
0x462: {  	[tilespmem:v43+s10+$0x0] =	vst.idx.add.f32.msk $0xffff, v17  }
0x463: {  	[tilespmem:v9+s10+$0x0] =	vst.idx.add.f32.msk $0xffff, v18  }
0x464: {  	v9 =	vld [tilespmem:$0x1FB80];
	_ =	sdelay $0x7  }
0x465: {  	[tilespmem:v9+s10+$0x0] =	vst.idx.add.f32.msk $0xffff, v19  }
0x466: {  	v9 =	vld [tilespmem:$0x1FB90];
	_ =	sdelay $0x3  }
0x467: {  	v39 =	vld.idx.msk [tilespmem:v57+s7+$0x0], $0xffff  }
0x468: {  	v28 =	vmov v42;
	v12 =	vpop (erf);
	v42 =	vld.idx.msk [tilespmem:v57+s5+$0x0], $0xffff  }
0x469: {  	v40 =	vld.idx.msk [tilespmem:v57+s19+$0x0], $0xffff;
	[tilespmem:s24+$0x20] =	vst v12  }
0x46a: {  	v46 =	vld.idx.msk [tilespmem:v49+s6+$0x0], $0xffff  }
0x46b: {  	[tilespmem:v9+s10+$0x0] =	vst.idx.add.f32.msk $0xffff, v20  }
0x46c: {  	v9 =	vld [tilespmem:$0x1FBA0]  }
0x46d: {  	v62 =	vld.idx.msk [tilespmem:v49+s19+$0x0], $0xffff;
	v60 =	vmul.f32 v11, v42  }
0x46e: {  	s29 =	sadd.s32 $0x8, s29;
	v0 =	vmul.f32 v11, v39;
	v1 =	vmul.f32 v11, v40;
	v11 =	vld.idx.msk [tilespmem:v49+s7+$0x0], $0xffff  }
0x46f: {  	p3 =	slt.u32 s29, $0x70;
	v10 =	vld.idx.msk [tilespmem:v49+s5+$0x0], $0xffff  }
.Ltmp10:
0x470: {  	_ = 	snop;
	(pc) =	sbr.rel @p3 .LBB2_16-.Ltmp10, $3  }
0x471: {  	_ =	sdelay $0x1  }
0x472: {  	v55 =	vmul.f32 v12, v46;
	v61 =	vmul.f32 v12, v62;
	[tilespmem:v41+s10+$0x0] =	vst.idx.add.f32.msk $0xffff, v21  }
0x473: {  	s20 =	sadd.s32 $0x80, s20;
	v56 =	vmul.f32 v12, v11;
	v59 =	vmul.f32 v12, v10;
	[tilespmem:v9+s10+$0x0] =	vst.idx.add.f32.msk $0xffff, v22  }
0x474: {  	v9 =	vld [tilespmem:$0x1FBB0];
	_ =	sdelay $0x7  }
0x475: {  	[tilespmem:v9+s10+$0x0] =	vst.idx.add.f32.msk $0xffff, v8  }
0x476: {  	v8 =	vld [tilespmem:$0x1FBC0];
	_ =	sdelay $0x6  }
0x477: {  	[tilespmem:v48+s10+$0x0] =	vst.idx.add.f32.msk $0xffff, v6  }
0x478: {  	[tilespmem:v8+s10+$0x0] =	vst.idx.add.f32.msk $0xffff, v7  }
0x479: {  	v6 =	vld [tilespmem:$0x1FBD0];
	_ =	sdelay $0x7  }
0x47a: {  	[tilespmem:v6+s10+$0x0] =	vst.idx.add.f32.msk $0xffff, v5  }
0x47b: {  	v5 =	vld [tilespmem:$0x1FBE0];
	_ =	sdelay $0x7  }
0x47c: {  	[tilespmem:v5+s10+$0x0] =	vst.idx.add.f32.msk $0xffff, v4  }
0x47d: {  	v4 =	vld [tilespmem:$0x1FBF0];
	_ =	sdelay $0x6  }
0x47e: {  	[tilespmem:v28+s10+$0x0] =	vst.idx.add.f32.msk $0xffff, v3  }
0x47f: {  	[tilespmem:v4+s10+$0x0] =	vst.idx.add.f32.msk $0xffff, v2  }
0x480: {  	v2 =	vld [tilespmem:$0x1FC00]  }
0x481: {  	[tilespmem:v31+s10+$0x0] =	vst.idx.add.f32.msk $0xffff, v58  }
0x482: {  	[tilespmem:v35+s10+$0x0] =	vst.idx.add.f32.msk $0xffff, v55  }
0x483: {  	[tilespmem:v32+s10+$0x0] =	vst.idx.add.f32.msk $0xffff, v51  }
0x484: {  	[tilespmem:v36+s10+$0x0] =	vst.idx.add.f32.msk $0xffff, v56  }
0x485: {  	[tilespmem:v33+s10+$0x0] =	vst.idx.add.f32.msk $0xffff, v54  }
0x486: {  	[tilespmem:v37+s10+$0x0] =	vst.idx.add.f32.msk $0xffff, v61  }
0x487: {  	[tilespmem:v34+s10+$0x0] =	vst.idx.add.f32.msk $0xffff, v52  }
0x488: {  	[tilespmem:v38+s10+$0x0] =	vst.idx.add.f32.msk $0xffff, v59  }
0x489: {  	[tilespmem:v2+s10+$0x0] =	vst.idx.add.f32.msk $0xffff, v0  }
0x48a: {  	[tilespmem:v29+s10+$0x0] =	vst.idx.add.f32.msk $0xffff, v1  }
0x48b: {  	[tilespmem:v30+s10+$0x0] =	vst.idx.add.f32.msk $0xffff, v60  }
.LBB2_18:
0x48c: {  	s20 =	sshra.s32 s19, $0x2  }
0x48d: {  	v0 =	vld [tilespmem:s20+$0x19780]  }
0x48e: {  	v1 =	vld [tilespmem:s20+$0x19F80];
	_ =	sdelay $0x6  }
0x48f: {  	v2 =	vld.idx.msk [tilespmem:v0+s8+$0x0], $0xffff  }
0x490: {  	v3 =	vld.idx.msk [tilespmem:v1+s9+$0x0], $0xffff;
	_ =	sdelay $0x1  }
0x491: {  	v4 =	vld [tilespmem:s20+$0x1A780];
	_ =	sdelay $0x2  }
0x492: {  	v2 =	vadd.f32 v3, v2;
	_ =	sdelay $0x1  }
0x493: {  	v2 =	vadd.f32 v4, v2;
	_ =	sdelay $0x1  }
0x494: {  	v2 =	vsub.f32 $0.0e+00, v2;
	_ =	sdelay $0x1  }
0x495: {  	v2 =	vmul.f32 $1.442695020e+00, v2;
	_ =	sdelay $0x1  }
0x496: {  	(erf) = vpow2.f32 v2;
	_ =	sdelay $0x8  }
0x497: {  	v2 =	vpop (erf)  }
0x498: {  	v2 =	vadd.f32 $1.000000000e+00, v2;
	_ =	sdelay $0x1  }
0x499: {  	(erf) = vrcp.f32 v2;
	_ =	sdelay $0x8  }
0x49a: {  	v2 =	vpop (erf)  }
0x49b: {  	[tilespmem:s20+$0x1AF80] =	vst v2  }
0x49c: {  	v61 =	vld.idx.msk [tilespmem:v0+s6+$0x0], $0xffff  }
0x49d: {  	v62 =	vld.idx.msk [tilespmem:v0+s7+$0x0], $0xffff  }
0x49e: {  	v1 =	vshll.u32 v1, $0x2;
	v5 =	vld.idx.msk [tilespmem:v0+s0+$0x0], $0xffff  }
0x49f: {  	v6 =	vor.u32 $0x1, v1;
	v0 =	vld.idx.msk [tilespmem:v0+s5+$0x0], $0xffff  }
0x4a0: {  	v7 =	vor.u32 $0x2, v1  }
0x4a1: {  	p3 =	sne.s32 s19, $0x100;
	v8 =	vor.u32 $0x3, v1;
	v3 =	vmul.f32 v2, v61  }
.Ltmp11:
0x4a2: {  	v4 =	vmul.f32 v2, v62;
	(pc) =	sbr.rel @p3 .LBB2_18-.Ltmp11, $4  }
0x4a3: {  	v63 =	vmul.f32 v2, v5;
	[tilespmem:v1+s10+$0x0] =	vst.idx.add.f32.msk $0xffff, v3  }
0x4a4: {  	v0 =	vmul.f32 v2, v0;
	[tilespmem:v6+s10+$0x0] =	vst.idx.add.f32.msk $0xffff, v4  }
0x4a5: {  	[tilespmem:v7+s10+$0x0] =	vst.idx.add.f32.msk $0xffff, v63  }
0x4a6: {  	s19 =	sadd.s32 $0x40, s19;
	[tilespmem:v8+s10+$0x0] =	vst.idx.add.f32.msk $0xffff, v0  }
0x4a7: {  	s19 =	rddreg [dreg:$0x13]  }
0x4a8: {  	[hbm4b:s19+s0] =	stream.linear.scatter [tilespmem:s18], [sflag:$0x2], $0x7D0, $0x38;
	[tilespmem:$0x1F700] =	vst v63  }
0x4a9: {  	_ =	swait.ge [sflag:s16], $0x7D0  }
0x4aa: {  	[sflag:s16] =	ssyncset.done $0x0  }
0x4ab: {  	[sflag:s16] =	ssyncadd.s32 $0xFFFFF830  }
0x4ac: {  	_ =	swait.ge [sflag:s16], $0x7D0  }
0x4ad: {  	[sflag:s16] =	ssyncset.done $0x0  }
0x4ae: {  	[sflag:s16] =	ssyncadd.s32 $0xFFFFF830  }
0x4af: {  	_ =	swait.ge [sflag:s16], $0x7D0  }
0x4b0: {  	[sflag:s16] =	ssyncset.done $0x0  }
0x4b1: {  	s24 =	rddreg [dreg:$0x15];
	[sflag:s16] =	ssyncadd.s32 $0xFFFFF830  }
0x4b2: {  	[tilespmem:s13], [sflag:$0x3] =	stream.linear.gather [hbm4b:s24+s0], $0x7D0, $0x38;
	[tilespmem:$0x1F700] =	vst v63  }
0x4b3: {  	s25 =	rddreg [dreg:$0x17]  }
0x4b4: {  	[tilespmem:s14], [sflag:$0x3] =	stream.linear.gather [hbm4b:s25+s0], $0x7D0, $0x38;
	[tilespmem:$0x1F700] =	vst v63  }
0x4b5: {  	s26 =	rddreg [dreg:$0x19]  }
0x4b6: {  	[tilespmem:s15], [sflag:$0x3] =	stream.linear.gather [hbm4b:s26+s0], $0x7D0, $0x38;
	[tilespmem:$0x1F700] =	vst v63  }
0x4b7: {  	_ =	swait.ge [sflag:s21], $0x7D0  }
0x4b8: {  	[sflag:s21] =	ssyncset.done $0x0  }
0x4b9: {  	s28 =	simm.s32 $0x1B040;
	[sflag:s21] =	ssyncadd.s32 $0xFFFFF830  }
0x4ba: {  	s23 =	simm.s32 $0x1B840;
	v13 =	vld [tilespmem:s28+$0x30]  }
0x4bb: {  	v14 =	vld [tilespmem:s23+$0x30]  }
0x4bc: {  	v7 =	vld [tilespmem:s23+$0xFFFFFFC0]  }
0x4bd: {  	v12 =	vld [tilespmem:s28+$0xFFFFFFD0]  }
0x4be: {  	v6 =	vld [tilespmem:s23+$0xFFFFFFD0]  }
0x4bf: {  	v11 =	vld [tilespmem:s28+$0xFFFFFFE0]  }
0x4c0: {  	v4 =	vld [tilespmem:s23+$0xFFFFFFE0]  }
0x4c1: {  	v10 =	vld [tilespmem:s28+$0xFFFFFFF0]  }
0x4c2: {  	v5 =	vld [tilespmem:s23+$0xFFFFFFF0]  }
0x4c3: {  	s26 =	simm.s32 $0x1C040;
	v8 =	vld [tilespmem:s28+$0x0]  }
0x4c4: {  	v17 =	vld [tilespmem:s26+$0x30]  }
0x4c5: {  	v2 =	vld [tilespmem:s23+$0x0]  }
0x4c6: {  	v15 =	vld.idx.msk [tilespmem:v13+s8+$0x0], $0xffff  }
0x4c7: {  	v16 =	vld.idx.msk [tilespmem:v14+s9+$0x0], $0xffff  }
0x4c8: {  	v3 =	vld [tilespmem:s28+$0x10]  }
0x4c9: {  	v0 =	vld [tilespmem:s23+$0x10]  }
0x4ca: {  	v1 =	vld [tilespmem:s28+$0x20]  }
0x4cb: {  	v9 =	vld [tilespmem:s23+$0x20]  }
0x4cc: {  	v15 =	vadd.f32 v16, v15;
	v16 =	vld [tilespmem:s28+$0xFFFFFFC0]  }
0x4cd: {  	v25 =	vld [tilespmem:s26+$0xFFFFFFC0]  }
0x4ce: {  	v62 =	vld [tilespmem:s26+$0xFFFFFFD0];
	v15 =	vadd.f32 v17, v15  }
0x4cf: {  	v30 =	vld [tilespmem:s26+$0xFFFFFFE0]  }
0x4d0: {  	v31 =	vld [tilespmem:s26+$0xFFFFFFF0];
	v15 =	vsub.f32 $0.0e+00, v15  }
0x4d1: {  	v18 =	vld.idx.msk [tilespmem:v7+s9+$0x0], $0xffff  }
0x4d2: {  	v60 =	vld.idx.msk [tilespmem:v12+s8+$0x0], $0xffff;
	v15 =	vmul.f32 $1.442695020e+00, v15  }
0x4d3: {  	v19 =	vld.idx.msk [tilespmem:v6+s9+$0x0], $0xffff  }
0x4d4: {  	(erf) = vpow2.f32 v15;
	v61 =	vld.idx.msk [tilespmem:v16+s8+$0x0], $0xffff  }
0x4d5: {  	v20 =	vld.idx.msk [tilespmem:v11+s8+$0x0], $0xffff  }
0x4d6: {  	v21 =	vld.idx.msk [tilespmem:v4+s9+$0x0], $0xffff  }
0x4d7: {  	v22 =	vld.idx.msk [tilespmem:v10+s8+$0x0], $0xffff  }
0x4d8: {  	v23 =	vld.idx.msk [tilespmem:v5+s9+$0x0], $0xffff  }
0x4d9: {  	v24 =	vld.idx.msk [tilespmem:v8+s8+$0x0], $0xffff;
	v15 =	vadd.f32 v18, v61  }
0x4da: {  	v26 =	vld.idx.msk [tilespmem:v2+s9+$0x0], $0xffff  }
0x4db: {  	v27 =	vld.idx.msk [tilespmem:v3+s8+$0x0], $0xffff;
	v15 =	vadd.f32 v25, v15  }
0x4dc: {  	v28 =	vld.idx.msk [tilespmem:v0+s9+$0x0], $0xffff  }
0x4dd: {  	v29 =	vld.idx.msk [tilespmem:v1+s8+$0x0], $0xffff;
	v17 =	vadd.f32 v19, v60;
	v33 =	vpop (erf);
	v15 =	vsub.f32 $0.0e+00, v15  }
0x4de: {  	v63 =	vld.idx.msk [tilespmem:v9+s9+$0x0], $0xffff;
	v19 =	vadd.f32 $1.000000000e+00, v33  }
0x4df: {  	v32 =	vld [tilespmem:s26+$0x0];
	v17 =	vadd.f32 v62, v17;
	v15 =	vmul.f32 $1.442695020e+00, v15  }
0x4e0: {  	v36 =	vld [tilespmem:s26+$0x10];
	v34 =	vadd.f32 v21, v20;
	v35 =	vadd.f32 v23, v22;
	(erf) = vrcp.f32 v19  }
0x4e1: {  	v38 =	vld [tilespmem:s26+$0x20];
	v37 =	vadd.f32 v26, v24;
	v17 =	vsub.f32 $0.0e+00, v17;
	(erf) = vpow2.f32 v15  }
0x4e2: {  	v39 =	vadd.f32 v28, v27;
	v18 =	vadd.f32 v30, v34  }
0x4e3: {  	v40 =	vadd.f32 v63, v29;
	v20 =	vadd.f32 v31, v35;
	v17 =	vmul.f32 $1.442695020e+00, v17  }
0x4e4: {  	v21 =	vadd.f32 v32, v37;
	v18 =	vsub.f32 $0.0e+00, v18  }
0x4e5: {  	v20 =	vsub.f32 $0.0e+00, v20;
	v15 =	vadd.f32 v36, v39;
	(erf) = vpow2.f32 v17  }
0x4e6: {  	v43 =	vadd.f32 v38, v40;
	v42 =	vsub.f32 $0.0e+00, v21;
	v41 =	vmul.f32 $1.442695020e+00, v18  }
0x4e7: {  	v20 =	vmul.f32 $1.442695020e+00, v20;
	v15 =	vsub.f32 $0.0e+00, v15  }
0x4e8: {  	v18 =	vmul.f32 $1.442695020e+00, v42;
	v19 =	vsub.f32 $0.0e+00, v43;
	(erf) = vpow2.f32 v41  }
0x4e9: {  	(erf) = vpow2.f32 v20;
	v15 =	vmul.f32 $1.442695020e+00, v15;
	v44 =	vpop (erf)  }
0x4ea: {  	s24 =	simm.s32 $0x1C840;
	v19 =	vmul.f32 $1.442695020e+00, v19;
	(erf) = vpow2.f32 v18;
	v45 =	vpop (erf)  }
0x4eb: {  	[tilespmem:s24+$0x30] =	vst v44;
	(erf) = vpow2.f32 v15;
	v46 =	vadd.f32 $1.000000000e+00, v45  }
0x4ec: {  	v47 =	vld.idx.msk [tilespmem:v13+s6+$0x0], $0xffff;
	(erf) = vpow2.f32 v19  }
0x4ed: {  	s19 =	simm.s32 $0x0;
	v48 =	vld.idx.msk [tilespmem:v13+s7+$0x0], $0xffff;
	(erf) = vrcp.f32 v46  }
0x4ee: {  	v14 =	vshll.u32 v14, $0x2;
	v49 =	vld.idx.msk [tilespmem:v13+s19+$0x0], $0xffff;
	v50 =	vpop (erf)  }
0x4ef: {  	v51 =	vor.u32 $0x1, v14;
	v13 =	vld.idx.msk [tilespmem:v13+s5+$0x0], $0xffff;
	v20 =	vadd.f32 $1.000000000e+00, v50  }
0x4f0: {  	v52 =	vor.u32 $0x2, v14  }
0x4f1: {  	v53 =	vor.u32 $0x3, v14;
	v54 =	vpop (erf);
	(erf) = vrcp.f32 v20;
	v18 =	vmul.f32 v44, v47  }
0x4f2: {  	v55 =	vpop (erf);
	v19 =	vmul.f32 v44, v48  }
0x4f3: {  	v57 =	vadd.f32 $1.000000000e+00, v54;
	v58 =	vpop (erf);
	v56 =	vmul.f32 v44, v49;
	[tilespmem:v14+s10+$0x0] =	vst.idx.add.f32.msk $0xffff, v18  }
0x4f4: {  	v13 =	vmul.f32 v44, v13;
	[tilespmem:v51+s10+$0x0] =	vst.idx.add.f32.msk $0xffff, v19;
	v59 =	vpop (erf)  }
0x4f5: {  	(erf) = vrcp.f32 v57;
	[tilespmem:v52+s10+$0x0] =	vst.idx.add.f32.msk $0xffff, v56;
	v60 =	vpop (erf)  }
0x4f6: {  	[tilespmem:v53+s10+$0x0] =	vst.idx.add.f32.msk $0xffff, v13;
	v61 =	vpop (erf)  }
0x4f7: {  	v62 =	vadd.f32 $1.000000000e+00, v55;
	[tilespmem:s24+$0xFFFFFFC0] =	vst v61  }
0x4f8: {  	v63 =	vld.idx.msk [tilespmem:v16+s6+$0x0], $0xffff  }
0x4f9: {  	(erf) = vrcp.f32 v62;
	v24 =	vld.idx.msk [tilespmem:v16+s7+$0x0], $0xffff  }
0x4fa: {  	v20 =	vpop (erf);
	v25 =	vld.idx.msk [tilespmem:v16+s19+$0x0], $0xffff  }
0x4fb: {  	v18 =	vadd.f32 $1.000000000e+00, v58;
	[tilespmem:s24+$0xFFFFFFD0] =	vst v20;
	v16 =	vld.idx.msk [tilespmem:v16+s5+$0x0], $0xffff  }
0x4fc: {  	v28 =	vld.idx.msk [tilespmem:v12+s6+$0x0], $0xffff  }
0x4fd: {  	(erf) = vrcp.f32 v18;
	v26 =	vld.idx.msk [tilespmem:v12+s7+$0x0], $0xffff  }
0x4fe: {  	v31 =	vpop (erf);
	v29 =	vld.idx.msk [tilespmem:v12+s19+$0x0], $0xffff  }
0x4ff: {  	v17 =	vadd.f32 $1.000000000e+00, v59;
	[tilespmem:s24+$0xFFFFFFE0] =	vst v31;
	v12 =	vld.idx.msk [tilespmem:v12+s5+$0x0], $0xffff  }
0x500: {  	v30 =	vld.idx.msk [tilespmem:v11+s6+$0x0], $0xffff  }
0x501: {  	(erf) = vrcp.f32 v17;
	v17 =	vld.idx.msk [tilespmem:v11+s7+$0x0], $0xffff  }
0x502: {  	v32 =	vld.idx.msk [tilespmem:v11+s19+$0x0], $0xffff;
	v33 =	vpop (erf)  }
0x503: {  	v14 =	vadd.f32 $1.000000000e+00, v60;
	v11 =	vld.idx.msk [tilespmem:v11+s5+$0x0], $0xffff;
	[tilespmem:s24+$0xFFFFFFF0] =	vst v33  }
0x504: {  	v34 =	vld.idx.msk [tilespmem:v10+s6+$0x0], $0xffff  }
0x505: {  	(erf) = vrcp.f32 v14;
	v14 =	vld.idx.msk [tilespmem:v10+s7+$0x0], $0xffff  }
0x506: {  	v36 =	vld.idx.msk [tilespmem:v10+s19+$0x0], $0xffff;
	v35 =	vpop (erf)  }
0x507: {  	v10 =	vld.idx.msk [tilespmem:v10+s5+$0x0], $0xffff;
	[tilespmem:s24+$0x0] =	vst v35  }
0x508: {  	v37 =	vld.idx.msk [tilespmem:v8+s6+$0x0], $0xffff  }
0x509: {  	v38 =	vld.idx.msk [tilespmem:v8+s7+$0x0], $0xffff  }
0x50a: {  	v39 =	vpop (erf);
	v40 =	vld.idx.msk [tilespmem:v8+s19+$0x0], $0xffff  }
0x50b: {  	[tilespmem:s24+$0x10] =	vst v39;
	v42 =	vld.idx.msk [tilespmem:v8+s5+$0x0], $0xffff  }
0x50c: {  	v50 =	vshll.u32 v4, $0x2;
	v47 =	vld.idx.msk [tilespmem:v3+s6+$0x0], $0xffff  }
0x50d: {  	v4 =	vor.u32 $0x2, v50;
	v51 =	vld.idx.msk [tilespmem:v3+s7+$0x0], $0xffff  }
0x50e: {  	v48 =	vshll.u32 v5, $0x2;
	v52 =	vld.idx.msk [tilespmem:v3+s19+$0x0], $0xffff;
	[tilespmem:$0x1FA50] =	vst v4;
	v4 =	vor.u32 $0x3, v50  }
0x50f: {  	v7 =	vshll.u32 v7, $0x2;
	[tilespmem:$0x1FA60] =	vst v4;
	v4 =	vor.u32 $0x1, v48  }
0x510: {  	v2 =	vshll.u32 v2, $0x2;
	v43 =	vor.u32 $0x2, v7;
	v59 =	vpop (erf);
	[tilespmem:$0x1FA70] =	vst v4  }
0x511: {  	v41 =	vor.u32 $0x1, v7;
	v45 =	vshll.u32 v6, $0x2;
	[tilespmem:s24+$0x20] =	vst v59;
	v55 =	vld.idx.msk [tilespmem:v3+s5+$0x0], $0xffff;
	v3 =	vor.u32 $0x2, v48  }
0x512: {  	v5 =	vor.u32 $0x3, v48;
	v58 =	vmul.f32 v61, v25;
	v13 =	vmul.f32 v61, v16;
	[tilespmem:$0x1FA80] =	vst v3  }
0x513: {  	v46 =	vor.u32 $0x1, v45;
	v25 =	vmul.f32 v20, v28;
	v18 =	vmul.f32 v20, v26;
	v15 =	vld.idx.msk [tilespmem:v1+s6+$0x0], $0xffff;
	[tilespmem:$0x1FA90] =	vst v5  }
0x514: {  	v28 =	vmovc v2;
	v2 =	vor.u32 $0x1, v2;
	v54 =	vmul.f32 v20, v29;
	v4 =	vmul.f32 v61, v24;
	v24 =	vld.idx.msk [tilespmem:v1+s7+$0x0], $0xffff  }
0x515: {  	v57 =	vor.u32 $0x1, v50;
	v12 =	vmul.f32 v20, v12;
	v3 =	vmul.f32 v61, v63;
	v61 =	vld.idx.msk [tilespmem:v1+s19+$0x0], $0xffff;
	[tilespmem:$0x1FAA0] =	vst v2  }
0x516: {  	v44 =	vor.u32 $0x3, v7;
	v62 =	vmul.f32 v31, v30;
	v17 =	vmul.f32 v31, v17;
	v26 =	vld.idx.msk [tilespmem:v1+s5+$0x0], $0xffff  }
0x517: {  	v49 =	vor.u32 $0x2, v45;
	v8 =	vmul.f32 v31, v32;
	v6 =	vmul.f32 v33, v34;
	[tilespmem:v7+s10+$0x0] =	vst.idx.add.f32.msk $0xffff, v3  }
0x518: {  	v53 =	vor.u32 $0x3, v45;
	v60 =	vmul.f32 v35, v42;
	v5 =	vmul.f32 v33, v14;
	[tilespmem:v45+s10+$0x0] =	vst.idx.add.f32.msk $0xffff, v25  }
0x519: {  	v29 =	vor.u32 $0x2, v28;
	v51 =	vmul.f32 v39, v51;
	v2 =	vmul.f32 v33, v10;
	[tilespmem:v50+s10+$0x0] =	vst.idx.add.f32.msk $0xffff, v62  }
0x51a: {  	v30 =	vor.u32 $0x3, v28;
	v7 =	vmul.f32 v31, v11;
	v3 =	vmul.f32 v35, v37;
	[tilespmem:v41+s10+$0x0] =	vst.idx.add.f32.msk $0xffff, v4  }
0x51b: {  	v31 =	vshll.u32 v0, $0x2;
	v0 =	vmul.f32 v35, v38;
	v1 =	vmul.f32 v35, v40;
	[tilespmem:v46+s10+$0x0] =	vst.idx.add.f32.msk $0xffff, v18  }
0x51c: {  	v35 =	vshll.u32 v9, $0x2;
	v32 =	vor.u32 $0x1, v31;
	v4 =	vmul.f32 v33, v36;
	[tilespmem:v57+s10+$0x0] =	vst.idx.add.f32.msk $0xffff, v17  }
0x51d: {  	v33 =	vor.u32 $0x2, v31;
	v34 =	vor.u32 $0x3, v31;
	[tilespmem:v43+s10+$0x0] =	vst.idx.add.f32.msk $0xffff, v58;
	v58 =	vmul.f32 v39, v47  }
0x51e: {  	v36 =	vor.u32 $0x1, v35;
	[tilespmem:v49+s10+$0x0] =	vst.idx.add.f32.msk $0xffff, v54;
	v54 =	vmul.f32 v39, v52;
	v52 =	vmul.f32 v39, v55  }
0x51f: {  	v37 =	vor.u32 $0x2, v35;
	[tilespmem:v44+s10+$0x0] =	vst.idx.add.f32.msk $0xffff, v13;
	v55 =	vmul.f32 v59, v15;
	v56 =	vmul.f32 v59, v24  }
0x520: {  	s29 =	simm.s32 $0x0;
	s20 =	simm.s32 $0x1B0C0;
	v38 =	vor.u32 $0x3, v35;
	[tilespmem:v53+s10+$0x0] =	vst.idx.add.f32.msk $0xffff, v12;
	v61 =	vmul.f32 v59, v61;
	v59 =	vmul.f32 v59, v26  }
.LBB2_20:
0x521: {  	s23 =	sadd.s32 $0x80, s23  }
0x522: {  	v11 =	vld [tilespmem:s23+$0x30]  }
0x523: {  	v12 =	vld [tilespmem:s23+$0xFFFFFFC0]  }
0x524: {  	v10 =	vld [tilespmem:s20+$0x30];
	_ =	sdelay $0x1  }
0x525: {  	v63 =	vld [tilespmem:s20+$0xFFFFFFD0]  }
0x526: {  	v13 =	vld [tilespmem:s23+$0xFFFFFFD0]  }
0x527: {  	v62 =	vld [tilespmem:s20+$0xFFFFFFE0];
	v47 =	vshll.u32 v12, $0x2  }
0x528: {  	[tilespmem:$0x1F9C0] =	vst v38;
	v57 =	vld [tilespmem:s20+$0x0];
	s26 =	sadd.s32 $0x80, s26;
	v9 =	vor.u32 $0x1, v47  }
0x529: {  	v42 =	vld [tilespmem:s26+$0x30];
	[tilespmem:$0x1F9E0] =	vst v9;
	v9 =	vor.u32 $0x2, v47  }
0x52a: {  	[tilespmem:$0x1F9F0] =	vst v9;
	v9 =	vor.u32 $0x3, v47;
	v14 =	vld.idx.msk [tilespmem:v11+s9+$0x0], $0xffff  }
0x52b: {  	v43 =	vshll.u32 v13, $0x2;
	[tilespmem:$0x1FA00] =	vst v9;
	v9 =	vld.idx.msk [tilespmem:v10+s8+$0x0], $0xffff  }
0x52c: {  	[tilespmem:$0x1F980] =	vst v36;
	v36 =	vmov v48;
	v48 =	vld [tilespmem:s23+$0x0];
	v38 =	vor.u32 $0x2, v43  }
0x52d: {  	v23 =	vld [tilespmem:s23+$0x10]  }
0x52e: {  	[tilespmem:$0x1F9A0] =	vst v37;
	v37 =	vmov v28;
	v28 =	vld.idx.msk [tilespmem:v63+s8+$0x0], $0xffff  }
0x52f: {  	[tilespmem:$0x1FA20] =	vst v38;
	v38 =	vmov v29;
	v29 =	vld.idx.msk [tilespmem:v13+s9+$0x0], $0xffff  }
0x530: {  	v15 =	vld [tilespmem:s23+$0xFFFFFFE0];
	v9 =	vadd.f32 v14, v9  }
0x531: {  	v50 =	vld [tilespmem:s20+$0xFFFFFFF0]  }
0x532: {  	v44 =	vld [tilespmem:s23+$0xFFFFFFF0];
	v14 =	vadd.f32 v42, v9  }
0x533: {  	v27 =	vld.idx.msk [tilespmem:v12+s9+$0x0], $0xffff  }
0x534: {  	v19 =	vshll.u32 v23, $0x2;
	v28 =	vadd.f32 v29, v28;
	v29 =	vld.idx.msk [tilespmem:v57+s8+$0x0], $0xffff;
	v12 =	vsub.f32 $0.0e+00, v14  }
0x535: {  	v16 =	vor.u32 $0x1, v43;
	v17 =	vor.u32 $0x3, v19;
	v9 =	vld [tilespmem:s20+$0xFFFFFFC0]  }
0x536: {  	[tilespmem:$0x1FA10] =	vst v16;
	v16 =	vor.u32 $0x2, v19;
	v42 =	vshll.u32 v48, $0x2;
	v48 =	vld.idx.msk [tilespmem:v48+s9+$0x0], $0xffff;
	v13 =	vmul.f32 $1.442695020e+00, v12  }
0x537: {  	v26 =	vld [tilespmem:s23+$0x20]  }
0x538: {  	[tilespmem:$0x1F970] =	vst v17;
	v17 =	vmov v31;
	v31 =	vld.idx.msk [tilespmem:v15+s9+$0x0], $0xffff;
	(erf) = vpow2.f32 v13  }
0x539: {  	[tilespmem:$0x1F960] =	vst v16;
	v16 =	vmov v30;
	v30 =	vld.idx.msk [tilespmem:v62+s8+$0x0], $0xffff;
	_ =	sdelay $0x1  }
0x53a: {  	v29 =	vadd.f32 v48, v29;
	v48 =	vld [tilespmem:s26+$0xFFFFFFE0]  }
0x53b: {  	v53 =	vld [tilespmem:s20+$0x10];
	v18 =	vor.u32 $0x1, v19;
	v14 =	vshll.u32 v26, $0x2  }
0x53c: {  	[tilespmem:$0x1F950] =	vst v18;
	v18 =	vor.u32 $0x1, v14;
	v13 =	vld.idx.msk [tilespmem:v9+s8+$0x0], $0xffff  }
0x53d: {  	v49 =	vld [tilespmem:s20+$0x20];
	v30 =	vadd.f32 v31, v30;
	[tilespmem:$0x1F990] =	vst v18;
	v18 =	vor.u32 $0x2, v14  }
0x53e: {  	v22 =	vshll.u32 v44, $0x2;
	v44 =	vld.idx.msk [tilespmem:v44+s9+$0x0], $0xffff  }
0x53f: {  	v30 =	vadd.f32 v48, v30;
	v48 =	vld [tilespmem:$0x1FA50]  }
0x540: {  	v41 =	vshll.u32 v15, $0x2;
	v15 =	vmov v33;
	[tilespmem:$0x1F9B0] =	vst v18;
	v18 =	vmov v32;
	v32 =	vld.idx.msk [tilespmem:v50+s8+$0x0], $0xffff;
	v33 =	vpop (erf)  }
0x541: {  	v27 =	vadd.f32 v27, v13;
	v13 =	vmov v35;
	v35 =	vld [tilespmem:s26+$0xFFFFFFD0];
	v33 =	vadd.f32 $1.000000000e+00, v33  }
0x542: {  	v23 =	vld.idx.msk [tilespmem:v23+s9+$0x0], $0xffff  }
0x543: {  	v12 =	vor.u32 $0x3, v14;
	(erf) = vrcp.f32 v33;
	v33 =	vld [tilespmem:s26+$0xFFFFFFF0]  }
0x544: {  	v31 =	vld.idx.msk [tilespmem:v53+s8+$0x0], $0xffff  }
0x545: {  	v26 =	vld.idx.msk [tilespmem:v26+s9+$0x0], $0xffff  }
0x546: {  	v45 =	vor.u32 $0x2, v41;
	[tilespmem:$0x1F9D0] =	vst v12;
	v12 =	vmovc v34;
	v34 =	vld [tilespmem:s26+$0xFFFFFFC0];
	v32 =	vadd.f32 v44, v32;
	v28 =	vadd.f32 v35, v28  }
0x547: {  	[tilespmem:v48+s10+$0x0] =	vst.idx.add.f32.msk $0xffff, v8;
	v8 =	vmov v45  }
0x548: {  	[tilespmem:$0x1FA50] =	vst v8;
	v8 =	vsub.f32 $0.0e+00, v28;
	v28 =	vadd.f32 v33, v32;
	v33 =	vld [tilespmem:$0x1FA70]  }
0x549: {  	v44 =	vld.idx.msk [tilespmem:v49+s8+$0x0], $0xffff;
	_ =	sdelay $0x1  }
0x54a: {  	v27 =	vadd.f32 v34, v27;
	_ =	sdelay $0x1  }
0x54b: {  	v23 =	vadd.f32 v23, v31;
	v31 =	vld [tilespmem:s26+$0x0];
	v27 =	vsub.f32 $0.0e+00, v27  }
0x54c: {  	v26 =	vadd.f32 v26, v44;
	v44 =	vld [tilespmem:$0x1FA60]  }
0x54d: {  	v24 =	vor.u32 $0x1, v22;
	[tilespmem:v36+s10+$0x0] =	vst.idx.add.f32.msk $0xffff, v6;
	v45 =	vmul.f32 $1.442695020e+00, v27;
	v27 =	vsub.f32 $0.0e+00, v30  }
0x54e: {  	[tilespmem:v33+s10+$0x0] =	vst.idx.add.f32.msk $0xffff, v5;
	v5 =	vmov v24  }
0x54f: {  	[tilespmem:$0x1FA70] =	vst v5;
	v5 =	vmul.f32 $1.442695020e+00, v27;
	v27 =	vld [tilespmem:$0x1FA80]  }
0x550: {  	v34 =	vld [tilespmem:s26+$0x10];
	_ =	sdelay $0x2  }
0x551: {  	v46 =	vor.u32 $0x3, v41  }
0x552: {  	v29 =	vadd.f32 v31, v29;
	[tilespmem:v44+s10+$0x0] =	vst.idx.add.f32.msk $0xffff, v7;
	v7 =	vmov v46  }
0x553: {  	v6 =	vmul.f32 $1.442695020e+00, v8;
	v8 =	vsub.f32 $0.0e+00, v28;
	v46 =	vadd.f32 v34, v23  }
0x554: {  	v25 =	vor.u32 $0x2, v22;
	v34 =	vsub.f32 $0.0e+00, v29;
	[tilespmem:$0x1FA60] =	vst v7;
	v36 =	vpop (erf);
	(erf) = vpow2.f32 v45  }
0x555: {  	v7 =	vmovc v25;
	(erf) = vpow2.f32 v6;
	[tilespmem:v27+s10+$0x0] =	vst.idx.add.f32.msk $0xffff, v4;
	v4 =	vmul.f32 $1.442695020e+00, v8;
	v8 =	vsub.f32 $0.0e+00, v46  }
0x556: {  	[tilespmem:$0x1FA80] =	vst v7;
	v7 =	vmul.f32 $1.442695020e+00, v34;
	(erf) = vpow2.f32 v5  }
0x557: {  	v6 =	vmul.f32 $1.442695020e+00, v8;
	(erf) = vpow2.f32 v4  }
0x558: {  	(erf) = vpow2.f32 v7  }
0x559: {  	(erf) = vpow2.f32 v6;
	v6 =	vld [tilespmem:$0x1FA90];
	_ =	sdelay $0x4  }
0x55a: {  	v35 =	vld [tilespmem:s26+$0x20];
	_ =	sdelay $0x2  }
0x55b: {  	[tilespmem:v6+s10+$0x0] =	vst.idx.add.f32.msk $0xffff, v2  }
0x55c: {  	s24 =	sadd.s32 $0x80, s24;
	v6 =	vld [tilespmem:$0x1FAA0]  }
0x55d: {  	v35 =	vadd.f32 v35, v26;
	[tilespmem:s24+$0x30] =	vst v36  }
0x55e: {  	v45 =	vld.idx.msk [tilespmem:v10+s6+$0x0], $0xffff  }
0x55f: {  	v39 =	vor.u32 $0x3, v43;
	v44 =	vsub.f32 $0.0e+00, v35;
	v46 =	vld.idx.msk [tilespmem:v10+s19+$0x0], $0xffff  }
0x560: {  	v40 =	vor.u32 $0x1, v41;
	[tilespmem:$0x1FA30] =	vst v39;
	v8 =	vld.idx.msk [tilespmem:v10+s7+$0x0], $0xffff  }
0x561: {  	[tilespmem:$0x1FA40] =	vst v40;
	v39 =	vor.u32 $0x3, v22;
	v5 =	vmul.f32 $1.442695020e+00, v44;
	v4 =	vld.idx.msk [tilespmem:v10+s5+$0x0], $0xffff;
	v10 =	vshll.u32 v11, $0x2  }
0x562: {  	[tilespmem:v37+s10+$0x0] =	vst.idx.add.f32.msk $0xffff, v3;
	v7 =	vor.u32 $0x1, v10;
	v2 =	vmov v39  }
0x563: {  	v40 =	vor.u32 $0x1, v42;
	(erf) = vpow2.f32 v5;
	[tilespmem:$0x1FA90] =	vst v2  }
0x564: {  	v11 =	vmul.f32 v36, v45;
	v2 =	vor.u32 $0x2, v10;
	[tilespmem:v6+s10+$0x0] =	vst.idx.add.f32.msk $0xffff, v0;
	v0 =	vmov v40  }
0x565: {  	[tilespmem:$0x1FAA0] =	vst v0;
	v0 =	vmul.f32 v36, v8  }
0x566: {  	v3 =	vpop (erf);
	[tilespmem:v10+s10+$0x0] =	vst.idx.add.f32.msk $0xffff, v11  }
0x567: {  	v3 =	vadd.f32 $1.000000000e+00, v3;
	v6 =	vmul.f32 v36, v46;
	[tilespmem:v7+s10+$0x0] =	vst.idx.add.f32.msk $0xffff, v0;
	v7 =	vmul.f32 v36, v4;
	v4 =	vpop (erf)  }
0x568: {  	[tilespmem:v38+s10+$0x0] =	vst.idx.add.f32.msk $0xffff, v1;
	v4 =	vadd.f32 $1.000000000e+00, v4;
	v1 =	vpop (erf)  }
0x569: {  	[tilespmem:v2+s10+$0x0] =	vst.idx.add.f32.msk $0xffff, v6;
	(erf) = vrcp.f32 v3;
	v6 =	vadd.f32 $1.000000000e+00, v1;
	v0 =	vpop (erf)  }
0x56a: {  	v3 =	vadd.f32 $1.000000000e+00, v0;
	(erf) = vrcp.f32 v4;
	v2 =	vpop (erf)  }
0x56b: {  	v2 =	vadd.f32 $1.000000000e+00, v2;
	(erf) = vrcp.f32 v6;
	v1 =	vpop (erf)  }
0x56c: {  	v1 =	vadd.f32 $1.000000000e+00, v1;
	(erf) = vrcp.f32 v3;
	v0 =	vpop (erf)  }
0x56d: {  	v0 =	vadd.f32 $1.000000000e+00, v0;
	(erf) = vrcp.f32 v2  }
0x56e: {  	(erf) = vrcp.f32 v1  }
0x56f: {  	(erf) = vrcp.f32 v0;
	v0 =	vld [tilespmem:$0x1F980];
	_ =	sdelay $0x6  }
0x570: {  	[tilespmem:v13+s10+$0x0] =	vst.idx.add.f32.msk $0xffff, v55  }
0x571: {  	[tilespmem:v0+s10+$0x0] =	vst.idx.add.f32.msk $0xffff, v56  }
0x572: {  	v0 =	vld [tilespmem:$0x1F990];
	_ =	sdelay $0x3  }
0x573: {  	v1 =	vld [tilespmem:$0x1F970]  }
0x574: {  	v36 =	vmov v0;
	v0 =	vld [tilespmem:$0x1F9A0];
	_ =	sdelay $0x2  }
0x575: {  	[tilespmem:v17+s10+$0x0] =	vst.idx.add.f32.msk $0xffff, v58  }
0x576: {  	v34 =	vmov v1;
	v1 =	vld [tilespmem:$0x1F9C0]  }
0x577: {  	[tilespmem:v18+s10+$0x0] =	vst.idx.add.f32.msk $0xffff, v51  }
0x578: {  	[tilespmem:v15+s10+$0x0] =	vst.idx.add.f32.msk $0xffff, v54  }
0x579: {  	[tilespmem:v12+s10+$0x0] =	vst.idx.add.f32.msk $0xffff, v52  }
0x57a: {  	[tilespmem:v0+s10+$0x0] =	vst.idx.add.f32.msk $0xffff, v61  }
0x57b: {  	v5 =	vor.u32 $0x3, v10;
	v0 =	vld [tilespmem:$0x1F9B0]  }
0x57c: {  	[tilespmem:v16+s10+$0x0] =	vst.idx.add.f32.msk $0xffff, v60  }
0x57d: {  	v2 =	vld [tilespmem:$0x1F960]  }
0x57e: {  	[tilespmem:v1+s10+$0x0] =	vst.idx.add.f32.msk $0xffff, v59  }
0x57f: {  	v1 =	vld [tilespmem:$0x1F9D0]  }
0x580: {  	[tilespmem:v5+s10+$0x0] =	vst.idx.add.f32.msk $0xffff, v7;
	v37 =	vmov v0;
	v0 =	vpop (erf)  }
0x581: {  	v3 =	vld [tilespmem:$0x1F950];
	[tilespmem:s24+$0xFFFFFFC0] =	vst v0  }
0x582: {  	v33 =	vmov v2;
	v2 =	vld.idx.msk [tilespmem:v9+s6+$0x0], $0xffff  }
0x583: {  	v4 =	vld.idx.msk [tilespmem:v9+s7+$0x0], $0xffff  }
0x584: {  	v38 =	vmov v1;
	v1 =	vpop (erf);
	v5 =	vld.idx.msk [tilespmem:v9+s19+$0x0], $0xffff  }
0x585: {  	[tilespmem:s24+$0xFFFFFFD0] =	vst v1;
	v6 =	vld.idx.msk [tilespmem:v9+s5+$0x0], $0xffff  }
0x586: {  	v7 =	vld.idx.msk [tilespmem:v63+s6+$0x0], $0xffff  }
0x587: {  	v8 =	vld.idx.msk [tilespmem:v63+s7+$0x0], $0xffff  }
0x588: {  	v32 =	vmov v3;
	v3 =	vpop (erf);
	v55 =	vmul.f32 v0, v2;
	v2 =	vld.idx.msk [tilespmem:v63+s19+$0x0], $0xffff  }
0x589: {  	v35 =	vmov v14;
	[tilespmem:s24+$0xFFFFFFE0] =	vst v3;
	v14 =	vmul.f32 v0, v4;
	v4 =	vld.idx.msk [tilespmem:v63+s5+$0x0], $0xffff  }
0x58a: {  	v10 =	vpop (erf);
	v15 =	vmul.f32 v0, v5;
	v5 =	vld.idx.msk [tilespmem:v62+s6+$0x0], $0xffff  }
0x58b: {  	v11 =	vpop (erf);
	v16 =	vmul.f32 v0, v6;
	v0 =	vld.idx.msk [tilespmem:v62+s7+$0x0], $0xffff  }
0x58c: {  	[tilespmem:s24+$0x0] =	vst v11;
	v6 =	vld.idx.msk [tilespmem:v62+s19+$0x0], $0xffff  }
0x58d: {  	[tilespmem:s24+$0xFFFFFFF0] =	vst v10;
	v63 =	vld.idx.msk [tilespmem:v57+s6+$0x0], $0xffff  }
0x58e: {  	v20 =	vor.u32 $0x3, v42;
	v31 =	vmovc v19;
	v17 =	vmul.f32 v1, v7;
	v19 =	vmul.f32 v1, v2;
	v2 =	vld.idx.msk [tilespmem:v50+s6+$0x0], $0xffff  }
0x58f: {  	v30 =	vmov v20;
	v18 =	vmul.f32 v1, v8;
	v20 =	vmul.f32 v1, v4;
	v1 =	vld.idx.msk [tilespmem:v50+s7+$0x0], $0xffff  }
0x590: {  	v9 =	vpop (erf);
	v4 =	vld.idx.msk [tilespmem:v50+s19+$0x0], $0xffff  }
0x591: {  	v48 =	vmov v22;
	[tilespmem:s24+$0x10] =	vst v9;
	v22 =	vmul.f32 v3, v0;
	v0 =	vld.idx.msk [tilespmem:v50+s5+$0x0], $0xffff  }
0x592: {  	v27 =	vld.idx.msk [tilespmem:v53+s6+$0x0], $0xffff  }
0x593: {  	v21 =	vor.u32 $0x2, v42;
	v44 =	vld.idx.msk [tilespmem:v53+s19+$0x0], $0xffff  }
0x594: {  	v29 =	vmov v21;
	v45 =	vld.idx.msk [tilespmem:v53+s5+$0x0], $0xffff;
	v21 =	vmul.f32 v3, v5;
	v8 =	vmul.f32 v3, v6  }
0x595: {  	v7 =	vld.idx.msk [tilespmem:v62+s5+$0x0], $0xffff;
	v6 =	vmul.f32 v10, v2;
	v5 =	vmul.f32 v10, v1  }
0x596: {  	v4 =	vmul.f32 v10, v4;
	v2 =	vmul.f32 v10, v0;
	v10 =	vld.idx.msk [tilespmem:v53+s7+$0x0], $0xffff;
	_ =	sdelay $0x2  }
0x597: {  	v58 =	vmul.f32 v9, v27;
	v54 =	vmul.f32 v9, v44  }
0x598: {  	v7 =	vmul.f32 v3, v7;
	v3 =	vmul.f32 v11, v63;
	v63 =	vld [tilespmem:$0x1F9E0]  }
0x599: {  	v52 =	vmul.f32 v9, v45;
	v51 =	vmul.f32 v9, v10;
	v9 =	vld [tilespmem:$0x1F9F0];
	_ =	sdelay $0x5  }
0x59a: {  	[tilespmem:v47+s10+$0x0] =	vst.idx.add.f32.msk $0xffff, v55  }
0x59b: {  	[tilespmem:v63+s10+$0x0] =	vst.idx.add.f32.msk $0xffff, v14  }
0x59c: {  	[tilespmem:v9+s10+$0x0] =	vst.idx.add.f32.msk $0xffff, v15  }
0x59d: {  	v9 =	vld [tilespmem:$0x1FA00];
	_ =	sdelay $0x7  }
0x59e: {  	[tilespmem:v9+s10+$0x0] =	vst.idx.add.f32.msk $0xffff, v16  }
0x59f: {  	v9 =	vld [tilespmem:$0x1FA10];
	_ =	sdelay $0x6  }
0x5a0: {  	[tilespmem:v43+s10+$0x0] =	vst.idx.add.f32.msk $0xffff, v17  }
0x5a1: {  	[tilespmem:v9+s10+$0x0] =	vst.idx.add.f32.msk $0xffff, v18  }
0x5a2: {  	v9 =	vld [tilespmem:$0x1FA20];
	_ =	sdelay $0x7  }
0x5a3: {  	[tilespmem:v9+s10+$0x0] =	vst.idx.add.f32.msk $0xffff, v19  }
0x5a4: {  	v9 =	vld [tilespmem:$0x1FA30];
	_ =	sdelay $0x3  }
0x5a5: {  	v39 =	vld.idx.msk [tilespmem:v57+s7+$0x0], $0xffff  }
0x5a6: {  	v28 =	vmov v42;
	v12 =	vpop (erf);
	v42 =	vld.idx.msk [tilespmem:v57+s5+$0x0], $0xffff  }
0x5a7: {  	v40 =	vld.idx.msk [tilespmem:v57+s19+$0x0], $0xffff;
	[tilespmem:s24+$0x20] =	vst v12  }
0x5a8: {  	v46 =	vld.idx.msk [tilespmem:v49+s6+$0x0], $0xffff  }
0x5a9: {  	[tilespmem:v9+s10+$0x0] =	vst.idx.add.f32.msk $0xffff, v20  }
0x5aa: {  	v9 =	vld [tilespmem:$0x1FA40]  }
0x5ab: {  	v62 =	vld.idx.msk [tilespmem:v49+s19+$0x0], $0xffff;
	v60 =	vmul.f32 v11, v42  }
0x5ac: {  	s29 =	sadd.s32 $0x8, s29;
	v0 =	vmul.f32 v11, v39;
	v1 =	vmul.f32 v11, v40;
	v11 =	vld.idx.msk [tilespmem:v49+s7+$0x0], $0xffff  }
0x5ad: {  	p3 =	slt.u32 s29, $0x70;
	v10 =	vld.idx.msk [tilespmem:v49+s5+$0x0], $0xffff  }
.Ltmp12:
0x5ae: {  	_ = 	snop;
	(pc) =	sbr.rel @p3 .LBB2_20-.Ltmp12, $3  }
0x5af: {  	_ =	sdelay $0x1  }
0x5b0: {  	v55 =	vmul.f32 v12, v46;
	v61 =	vmul.f32 v12, v62;
	[tilespmem:v41+s10+$0x0] =	vst.idx.add.f32.msk $0xffff, v21  }
0x5b1: {  	s20 =	sadd.s32 $0x80, s20;
	v56 =	vmul.f32 v12, v11;
	v59 =	vmul.f32 v12, v10;
	[tilespmem:v9+s10+$0x0] =	vst.idx.add.f32.msk $0xffff, v22  }
0x5b2: {  	v9 =	vld [tilespmem:$0x1FA50];
	_ =	sdelay $0x7  }
0x5b3: {  	[tilespmem:v9+s10+$0x0] =	vst.idx.add.f32.msk $0xffff, v8  }
0x5b4: {  	v8 =	vld [tilespmem:$0x1FA60];
	_ =	sdelay $0x6  }
0x5b5: {  	[tilespmem:v48+s10+$0x0] =	vst.idx.add.f32.msk $0xffff, v6  }
0x5b6: {  	[tilespmem:v8+s10+$0x0] =	vst.idx.add.f32.msk $0xffff, v7  }
0x5b7: {  	v6 =	vld [tilespmem:$0x1FA70];
	_ =	sdelay $0x7  }
0x5b8: {  	[tilespmem:v6+s10+$0x0] =	vst.idx.add.f32.msk $0xffff, v5  }
0x5b9: {  	v5 =	vld [tilespmem:$0x1FA80];
	_ =	sdelay $0x7  }
0x5ba: {  	[tilespmem:v5+s10+$0x0] =	vst.idx.add.f32.msk $0xffff, v4  }
0x5bb: {  	v4 =	vld [tilespmem:$0x1FA90];
	_ =	sdelay $0x6  }
0x5bc: {  	[tilespmem:v28+s10+$0x0] =	vst.idx.add.f32.msk $0xffff, v3  }
0x5bd: {  	[tilespmem:v4+s10+$0x0] =	vst.idx.add.f32.msk $0xffff, v2  }
0x5be: {  	v2 =	vld [tilespmem:$0x1FAA0]  }
0x5bf: {  	[tilespmem:v31+s10+$0x0] =	vst.idx.add.f32.msk $0xffff, v58  }
0x5c0: {  	[tilespmem:v35+s10+$0x0] =	vst.idx.add.f32.msk $0xffff, v55  }
0x5c1: {  	[tilespmem:v32+s10+$0x0] =	vst.idx.add.f32.msk $0xffff, v51  }
0x5c2: {  	[tilespmem:v36+s10+$0x0] =	vst.idx.add.f32.msk $0xffff, v56  }
0x5c3: {  	[tilespmem:v33+s10+$0x0] =	vst.idx.add.f32.msk $0xffff, v54  }
0x5c4: {  	[tilespmem:v37+s10+$0x0] =	vst.idx.add.f32.msk $0xffff, v61  }
0x5c5: {  	[tilespmem:v34+s10+$0x0] =	vst.idx.add.f32.msk $0xffff, v52  }
0x5c6: {  	[tilespmem:v38+s10+$0x0] =	vst.idx.add.f32.msk $0xffff, v59  }
0x5c7: {  	[tilespmem:v2+s10+$0x0] =	vst.idx.add.f32.msk $0xffff, v0  }
0x5c8: {  	[tilespmem:v29+s10+$0x0] =	vst.idx.add.f32.msk $0xffff, v1  }
0x5c9: {  	[tilespmem:v30+s10+$0x0] =	vst.idx.add.f32.msk $0xffff, v60  }
.LBB2_22:
0x5ca: {  	s20 =	sshra.s32 s19, $0x2  }
0x5cb: {  	v0 =	vld [tilespmem:s20+$0x1B780]  }
0x5cc: {  	v1 =	vld [tilespmem:s20+$0x1BF80];
	_ =	sdelay $0x6  }
0x5cd: {  	v2 =	vld.idx.msk [tilespmem:v0+s8+$0x0], $0xffff  }
0x5ce: {  	v3 =	vld.idx.msk [tilespmem:v1+s9+$0x0], $0xffff;
	_ =	sdelay $0x1  }
0x5cf: {  	v4 =	vld [tilespmem:s20+$0x1C780];
	_ =	sdelay $0x2  }
0x5d0: {  	v2 =	vadd.f32 v3, v2;
	_ =	sdelay $0x1  }
0x5d1: {  	v2 =	vadd.f32 v4, v2;
	_ =	sdelay $0x1  }
0x5d2: {  	v2 =	vsub.f32 $0.0e+00, v2;
	_ =	sdelay $0x1  }
0x5d3: {  	v2 =	vmul.f32 $1.442695020e+00, v2;
	_ =	sdelay $0x1  }
0x5d4: {  	(erf) = vpow2.f32 v2;
	_ =	sdelay $0x8  }
0x5d5: {  	v2 =	vpop (erf)  }
0x5d6: {  	v2 =	vadd.f32 $1.000000000e+00, v2;
	_ =	sdelay $0x1  }
0x5d7: {  	(erf) = vrcp.f32 v2;
	_ =	sdelay $0x8  }
0x5d8: {  	v2 =	vpop (erf)  }
0x5d9: {  	[tilespmem:s20+$0x1CF80] =	vst v2  }
0x5da: {  	v61 =	vld.idx.msk [tilespmem:v0+s6+$0x0], $0xffff  }
0x5db: {  	v62 =	vld.idx.msk [tilespmem:v0+s7+$0x0], $0xffff  }
0x5dc: {  	v1 =	vshll.u32 v1, $0x2;
	v5 =	vld.idx.msk [tilespmem:v0+s0+$0x0], $0xffff  }
0x5dd: {  	v6 =	vor.u32 $0x1, v1;
	v0 =	vld.idx.msk [tilespmem:v0+s5+$0x0], $0xffff  }
0x5de: {  	v7 =	vor.u32 $0x2, v1  }
0x5df: {  	p3 =	sne.s32 s19, $0x100;
	v8 =	vor.u32 $0x3, v1;
	v3 =	vmul.f32 v2, v61  }
.Ltmp13:
0x5e0: {  	v4 =	vmul.f32 v2, v62;
	(pc) =	sbr.rel @p3 .LBB2_22-.Ltmp13, $4  }
0x5e1: {  	v63 =	vmul.f32 v2, v5;
	[tilespmem:v1+s10+$0x0] =	vst.idx.add.f32.msk $0xffff, v3  }
0x5e2: {  	v0 =	vmul.f32 v2, v0;
	[tilespmem:v6+s10+$0x0] =	vst.idx.add.f32.msk $0xffff, v4  }
0x5e3: {  	[tilespmem:v7+s10+$0x0] =	vst.idx.add.f32.msk $0xffff, v63  }
0x5e4: {  	s19 =	sadd.s32 $0x40, s19;
	[tilespmem:v8+s10+$0x0] =	vst.idx.add.f32.msk $0xffff, v0  }
0x5e5: {  	s19 =	rddreg [dreg:$0x1a];
	s20 =	simm.s32 $0x1C800  }
0x5e6: {  	[hbm4b:s19+s0] =	stream.linear.scatter [tilespmem:s20], [sflag:$0x2], $0x7D0, $0x38;
	[tilespmem:$0x1F700] =	vst v63  }
0x5e7: {  	_ =	swait.ge [sflag:s16], $0x7D0  }
0x5e8: {  	[sflag:s16] =	ssyncset.done $0x0  }
0x5e9: {  	[sflag:s16] =	ssyncadd.s32 $0xFFFFF830  }
0x5ea: {  	_ =	swait.ge [sflag:s16], $0x7D0  }
0x5eb: {  	[sflag:s16] =	ssyncset.done $0x0  }
0x5ec: {  	[sflag:s16] =	ssyncadd.s32 $0xFFFFF830  }
0x5ed: {  	_ =	swait.ge [sflag:s16], $0x7D0  }
0x5ee: {  	[sflag:s16] =	ssyncset.done $0x0  }
0x5ef: {  	[sflag:s16] =	ssyncadd.s32 $0xFFFFF830  }
0x5f0: {  	_ =	swait.ge [sflag:s21], $0x7D0  }
0x5f1: {  	[sflag:s21] =	ssyncset.done $0x0  }
0x5f2: {  	s28 =	simm.s32 $0x19040;
	[sflag:s21] =	ssyncadd.s32 $0xFFFFF830  }
0x5f3: {  	s23 =	simm.s32 $0x19840;
	v13 =	vld [tilespmem:s28+$0x30]  }
0x5f4: {  	v14 =	vld [tilespmem:s23+$0x30]  }
0x5f5: {  	v7 =	vld [tilespmem:s23+$0xFFFFFFC0]  }
0x5f6: {  	v12 =	vld [tilespmem:s28+$0xFFFFFFD0]  }
0x5f7: {  	v6 =	vld [tilespmem:s23+$0xFFFFFFD0]  }
0x5f8: {  	v11 =	vld [tilespmem:s28+$0xFFFFFFE0]  }
0x5f9: {  	v4 =	vld [tilespmem:s23+$0xFFFFFFE0]  }
0x5fa: {  	v10 =	vld [tilespmem:s28+$0xFFFFFFF0]  }
0x5fb: {  	v5 =	vld [tilespmem:s23+$0xFFFFFFF0]  }
0x5fc: {  	s26 =	simm.s32 $0x1A040;
	v8 =	vld [tilespmem:s28+$0x0]  }
0x5fd: {  	v17 =	vld [tilespmem:s26+$0x30]  }
0x5fe: {  	v2 =	vld [tilespmem:s23+$0x0]  }
0x5ff: {  	v15 =	vld.idx.msk [tilespmem:v13+s8+$0x0], $0xffff  }
0x600: {  	v16 =	vld.idx.msk [tilespmem:v14+s9+$0x0], $0xffff  }
0x601: {  	v3 =	vld [tilespmem:s28+$0x10]  }
0x602: {  	v0 =	vld [tilespmem:s23+$0x10]  }
0x603: {  	v1 =	vld [tilespmem:s28+$0x20]  }
0x604: {  	v9 =	vld [tilespmem:s23+$0x20]  }
0x605: {  	v15 =	vadd.f32 v16, v15;
	v16 =	vld [tilespmem:s28+$0xFFFFFFC0]  }
0x606: {  	v25 =	vld [tilespmem:s26+$0xFFFFFFC0]  }
0x607: {  	v62 =	vld [tilespmem:s26+$0xFFFFFFD0];
	v15 =	vadd.f32 v17, v15  }
0x608: {  	v30 =	vld [tilespmem:s26+$0xFFFFFFE0]  }
0x609: {  	v31 =	vld [tilespmem:s26+$0xFFFFFFF0];
	v15 =	vsub.f32 $0.0e+00, v15  }
0x60a: {  	v18 =	vld.idx.msk [tilespmem:v7+s9+$0x0], $0xffff  }
0x60b: {  	v60 =	vld.idx.msk [tilespmem:v12+s8+$0x0], $0xffff;
	v15 =	vmul.f32 $1.442695020e+00, v15  }
0x60c: {  	v19 =	vld.idx.msk [tilespmem:v6+s9+$0x0], $0xffff  }
0x60d: {  	(erf) = vpow2.f32 v15;
	v61 =	vld.idx.msk [tilespmem:v16+s8+$0x0], $0xffff  }
0x60e: {  	v20 =	vld.idx.msk [tilespmem:v11+s8+$0x0], $0xffff  }
0x60f: {  	v21 =	vld.idx.msk [tilespmem:v4+s9+$0x0], $0xffff  }
0x610: {  	v22 =	vld.idx.msk [tilespmem:v10+s8+$0x0], $0xffff  }
0x611: {  	v23 =	vld.idx.msk [tilespmem:v5+s9+$0x0], $0xffff  }
0x612: {  	v24 =	vld.idx.msk [tilespmem:v8+s8+$0x0], $0xffff;
	v15 =	vadd.f32 v18, v61  }
0x613: {  	v26 =	vld.idx.msk [tilespmem:v2+s9+$0x0], $0xffff  }
0x614: {  	v27 =	vld.idx.msk [tilespmem:v3+s8+$0x0], $0xffff;
	v15 =	vadd.f32 v25, v15  }
0x615: {  	v28 =	vld.idx.msk [tilespmem:v0+s9+$0x0], $0xffff  }
0x616: {  	v29 =	vld.idx.msk [tilespmem:v1+s8+$0x0], $0xffff;
	v17 =	vadd.f32 v19, v60;
	v33 =	vpop (erf);
	v15 =	vsub.f32 $0.0e+00, v15  }
0x617: {  	v63 =	vld.idx.msk [tilespmem:v9+s9+$0x0], $0xffff;
	v19 =	vadd.f32 $1.000000000e+00, v33  }
0x618: {  	v32 =	vld [tilespmem:s26+$0x0];
	v17 =	vadd.f32 v62, v17;
	v15 =	vmul.f32 $1.442695020e+00, v15  }
0x619: {  	v36 =	vld [tilespmem:s26+$0x10];
	v34 =	vadd.f32 v21, v20;
	v35 =	vadd.f32 v23, v22;
	(erf) = vrcp.f32 v19  }
0x61a: {  	v38 =	vld [tilespmem:s26+$0x20];
	v37 =	vadd.f32 v26, v24;
	v17 =	vsub.f32 $0.0e+00, v17;
	(erf) = vpow2.f32 v15  }
0x61b: {  	v39 =	vadd.f32 v28, v27;
	v18 =	vadd.f32 v30, v34  }
0x61c: {  	v40 =	vadd.f32 v63, v29;
	v20 =	vadd.f32 v31, v35;
	v17 =	vmul.f32 $1.442695020e+00, v17  }
0x61d: {  	v21 =	vadd.f32 v32, v37;
	v18 =	vsub.f32 $0.0e+00, v18  }
0x61e: {  	v20 =	vsub.f32 $0.0e+00, v20;
	v15 =	vadd.f32 v36, v39;
	(erf) = vpow2.f32 v17  }
0x61f: {  	v43 =	vadd.f32 v38, v40;
	v42 =	vsub.f32 $0.0e+00, v21;
	v41 =	vmul.f32 $1.442695020e+00, v18  }
0x620: {  	v20 =	vmul.f32 $1.442695020e+00, v20;
	v15 =	vsub.f32 $0.0e+00, v15  }
0x621: {  	v18 =	vmul.f32 $1.442695020e+00, v42;
	v19 =	vsub.f32 $0.0e+00, v43;
	(erf) = vpow2.f32 v41  }
0x622: {  	(erf) = vpow2.f32 v20;
	v15 =	vmul.f32 $1.442695020e+00, v15;
	v44 =	vpop (erf)  }
0x623: {  	s24 =	simm.s32 $0x1A840;
	v19 =	vmul.f32 $1.442695020e+00, v19;
	(erf) = vpow2.f32 v18;
	v45 =	vpop (erf)  }
0x624: {  	[tilespmem:s24+$0x30] =	vst v44;
	(erf) = vpow2.f32 v15;
	v46 =	vadd.f32 $1.000000000e+00, v45  }
0x625: {  	v47 =	vld.idx.msk [tilespmem:v13+s6+$0x0], $0xffff;
	(erf) = vpow2.f32 v19  }
0x626: {  	s19 =	simm.s32 $0x0;
	v48 =	vld.idx.msk [tilespmem:v13+s7+$0x0], $0xffff;
	(erf) = vrcp.f32 v46  }
0x627: {  	v14 =	vshll.u32 v14, $0x2;
	v49 =	vld.idx.msk [tilespmem:v13+s19+$0x0], $0xffff;
	v50 =	vpop (erf)  }
0x628: {  	v51 =	vor.u32 $0x1, v14;
	v13 =	vld.idx.msk [tilespmem:v13+s5+$0x0], $0xffff;
	v20 =	vadd.f32 $1.000000000e+00, v50  }
0x629: {  	v52 =	vor.u32 $0x2, v14  }
0x62a: {  	v53 =	vor.u32 $0x3, v14;
	v54 =	vpop (erf);
	(erf) = vrcp.f32 v20;
	v18 =	vmul.f32 v44, v47  }
0x62b: {  	v55 =	vpop (erf);
	v19 =	vmul.f32 v44, v48  }
0x62c: {  	v57 =	vadd.f32 $1.000000000e+00, v54;
	v58 =	vpop (erf);
	v56 =	vmul.f32 v44, v49;
	[tilespmem:v14+s10+$0x0] =	vst.idx.add.f32.msk $0xffff, v18  }
0x62d: {  	v13 =	vmul.f32 v44, v13;
	[tilespmem:v51+s10+$0x0] =	vst.idx.add.f32.msk $0xffff, v19;
	v59 =	vpop (erf)  }
0x62e: {  	(erf) = vrcp.f32 v57;
	[tilespmem:v52+s10+$0x0] =	vst.idx.add.f32.msk $0xffff, v56;
	v60 =	vpop (erf)  }
0x62f: {  	[tilespmem:v53+s10+$0x0] =	vst.idx.add.f32.msk $0xffff, v13;
	v61 =	vpop (erf)  }
0x630: {  	v62 =	vadd.f32 $1.000000000e+00, v55;
	[tilespmem:s24+$0xFFFFFFC0] =	vst v61  }
0x631: {  	v63 =	vld.idx.msk [tilespmem:v16+s6+$0x0], $0xffff  }
0x632: {  	(erf) = vrcp.f32 v62;
	v24 =	vld.idx.msk [tilespmem:v16+s7+$0x0], $0xffff  }
0x633: {  	v20 =	vpop (erf);
	v25 =	vld.idx.msk [tilespmem:v16+s19+$0x0], $0xffff  }
0x634: {  	v18 =	vadd.f32 $1.000000000e+00, v58;
	[tilespmem:s24+$0xFFFFFFD0] =	vst v20;
	v16 =	vld.idx.msk [tilespmem:v16+s5+$0x0], $0xffff  }
0x635: {  	v28 =	vld.idx.msk [tilespmem:v12+s6+$0x0], $0xffff  }
0x636: {  	(erf) = vrcp.f32 v18;
	v26 =	vld.idx.msk [tilespmem:v12+s7+$0x0], $0xffff  }
0x637: {  	v31 =	vpop (erf);
	v29 =	vld.idx.msk [tilespmem:v12+s19+$0x0], $0xffff  }
0x638: {  	v17 =	vadd.f32 $1.000000000e+00, v59;
	[tilespmem:s24+$0xFFFFFFE0] =	vst v31;
	v12 =	vld.idx.msk [tilespmem:v12+s5+$0x0], $0xffff  }
0x639: {  	v30 =	vld.idx.msk [tilespmem:v11+s6+$0x0], $0xffff  }
0x63a: {  	(erf) = vrcp.f32 v17;
	v17 =	vld.idx.msk [tilespmem:v11+s7+$0x0], $0xffff  }
0x63b: {  	v32 =	vld.idx.msk [tilespmem:v11+s19+$0x0], $0xffff;
	v33 =	vpop (erf)  }
0x63c: {  	v14 =	vadd.f32 $1.000000000e+00, v60;
	v11 =	vld.idx.msk [tilespmem:v11+s5+$0x0], $0xffff;
	[tilespmem:s24+$0xFFFFFFF0] =	vst v33  }
0x63d: {  	v34 =	vld.idx.msk [tilespmem:v10+s6+$0x0], $0xffff  }
0x63e: {  	(erf) = vrcp.f32 v14;
	v14 =	vld.idx.msk [tilespmem:v10+s7+$0x0], $0xffff  }
0x63f: {  	v36 =	vld.idx.msk [tilespmem:v10+s19+$0x0], $0xffff;
	v35 =	vpop (erf)  }
0x640: {  	v10 =	vld.idx.msk [tilespmem:v10+s5+$0x0], $0xffff;
	[tilespmem:s24+$0x0] =	vst v35  }
0x641: {  	v37 =	vld.idx.msk [tilespmem:v8+s6+$0x0], $0xffff  }
0x642: {  	v38 =	vld.idx.msk [tilespmem:v8+s7+$0x0], $0xffff  }
0x643: {  	v39 =	vpop (erf);
	v40 =	vld.idx.msk [tilespmem:v8+s19+$0x0], $0xffff  }
0x644: {  	[tilespmem:s24+$0x10] =	vst v39;
	v42 =	vld.idx.msk [tilespmem:v8+s5+$0x0], $0xffff  }
0x645: {  	v50 =	vshll.u32 v4, $0x2;
	v47 =	vld.idx.msk [tilespmem:v3+s6+$0x0], $0xffff  }
0x646: {  	v4 =	vor.u32 $0x2, v50;
	v51 =	vld.idx.msk [tilespmem:v3+s7+$0x0], $0xffff  }
0x647: {  	v48 =	vshll.u32 v5, $0x2;
	v52 =	vld.idx.msk [tilespmem:v3+s19+$0x0], $0xffff;
	[tilespmem:$0x1F8F0] =	vst v4;
	v4 =	vor.u32 $0x3, v50  }
0x648: {  	v7 =	vshll.u32 v7, $0x2;
	[tilespmem:$0x1F900] =	vst v4;
	v4 =	vor.u32 $0x1, v48  }
0x649: {  	v2 =	vshll.u32 v2, $0x2;
	v43 =	vor.u32 $0x2, v7;
	v59 =	vpop (erf);
	[tilespmem:$0x1F910] =	vst v4  }
0x64a: {  	v41 =	vor.u32 $0x1, v7;
	v45 =	vshll.u32 v6, $0x2;
	[tilespmem:s24+$0x20] =	vst v59;
	v55 =	vld.idx.msk [tilespmem:v3+s5+$0x0], $0xffff;
	v3 =	vor.u32 $0x2, v48  }
0x64b: {  	v5 =	vor.u32 $0x3, v48;
	v58 =	vmul.f32 v61, v25;
	v13 =	vmul.f32 v61, v16;
	[tilespmem:$0x1F920] =	vst v3  }
0x64c: {  	v46 =	vor.u32 $0x1, v45;
	v25 =	vmul.f32 v20, v28;
	v18 =	vmul.f32 v20, v26;
	v15 =	vld.idx.msk [tilespmem:v1+s6+$0x0], $0xffff;
	[tilespmem:$0x1F930] =	vst v5  }
0x64d: {  	v28 =	vmovc v2;
	v2 =	vor.u32 $0x1, v2;
	v54 =	vmul.f32 v20, v29;
	v4 =	vmul.f32 v61, v24;
	v24 =	vld.idx.msk [tilespmem:v1+s7+$0x0], $0xffff  }
0x64e: {  	v57 =	vor.u32 $0x1, v50;
	v12 =	vmul.f32 v20, v12;
	v3 =	vmul.f32 v61, v63;
	v61 =	vld.idx.msk [tilespmem:v1+s19+$0x0], $0xffff;
	[tilespmem:$0x1F940] =	vst v2  }
0x64f: {  	v44 =	vor.u32 $0x3, v7;
	v62 =	vmul.f32 v31, v30;
	v17 =	vmul.f32 v31, v17;
	v26 =	vld.idx.msk [tilespmem:v1+s5+$0x0], $0xffff  }
0x650: {  	v49 =	vor.u32 $0x2, v45;
	v8 =	vmul.f32 v31, v32;
	v6 =	vmul.f32 v33, v34;
	[tilespmem:v7+s10+$0x0] =	vst.idx.add.f32.msk $0xffff, v3  }
0x651: {  	v53 =	vor.u32 $0x3, v45;
	v60 =	vmul.f32 v35, v42;
	v5 =	vmul.f32 v33, v14;
	[tilespmem:v45+s10+$0x0] =	vst.idx.add.f32.msk $0xffff, v25  }
0x652: {  	v29 =	vor.u32 $0x2, v28;
	v51 =	vmul.f32 v39, v51;
	v2 =	vmul.f32 v33, v10;
	[tilespmem:v50+s10+$0x0] =	vst.idx.add.f32.msk $0xffff, v62  }
0x653: {  	v30 =	vor.u32 $0x3, v28;
	v7 =	vmul.f32 v31, v11;
	v3 =	vmul.f32 v35, v37;
	[tilespmem:v41+s10+$0x0] =	vst.idx.add.f32.msk $0xffff, v4  }
0x654: {  	v31 =	vshll.u32 v0, $0x2;
	v0 =	vmul.f32 v35, v38;
	v1 =	vmul.f32 v35, v40;
	[tilespmem:v46+s10+$0x0] =	vst.idx.add.f32.msk $0xffff, v18  }
0x655: {  	v35 =	vshll.u32 v9, $0x2;
	v32 =	vor.u32 $0x1, v31;
	v4 =	vmul.f32 v33, v36;
	[tilespmem:v57+s10+$0x0] =	vst.idx.add.f32.msk $0xffff, v17  }
0x656: {  	v33 =	vor.u32 $0x2, v31;
	v34 =	vor.u32 $0x3, v31;
	[tilespmem:v43+s10+$0x0] =	vst.idx.add.f32.msk $0xffff, v58;
	v58 =	vmul.f32 v39, v47  }
0x657: {  	v36 =	vor.u32 $0x1, v35;
	[tilespmem:v49+s10+$0x0] =	vst.idx.add.f32.msk $0xffff, v54;
	v54 =	vmul.f32 v39, v52;
	v52 =	vmul.f32 v39, v55  }
0x658: {  	v37 =	vor.u32 $0x2, v35;
	[tilespmem:v44+s10+$0x0] =	vst.idx.add.f32.msk $0xffff, v13;
	v55 =	vmul.f32 v59, v15;
	v56 =	vmul.f32 v59, v24  }
0x659: {  	s29 =	simm.s32 $0x0;
	s20 =	simm.s32 $0x190C0;
	v38 =	vor.u32 $0x3, v35;
	[tilespmem:v53+s10+$0x0] =	vst.idx.add.f32.msk $0xffff, v12;
	v61 =	vmul.f32 v59, v61;
	v59 =	vmul.f32 v59, v26  }
.LBB2_24:
0x65a: {  	s23 =	sadd.s32 $0x80, s23  }
0x65b: {  	v11 =	vld [tilespmem:s23+$0x30]  }
0x65c: {  	v12 =	vld [tilespmem:s23+$0xFFFFFFC0]  }
0x65d: {  	v10 =	vld [tilespmem:s20+$0x30];
	_ =	sdelay $0x1  }
0x65e: {  	v63 =	vld [tilespmem:s20+$0xFFFFFFD0]  }
0x65f: {  	v13 =	vld [tilespmem:s23+$0xFFFFFFD0]  }
0x660: {  	v62 =	vld [tilespmem:s20+$0xFFFFFFE0];
	v47 =	vshll.u32 v12, $0x2  }
0x661: {  	[tilespmem:$0x1F860] =	vst v38;
	v57 =	vld [tilespmem:s20+$0x0];
	s26 =	sadd.s32 $0x80, s26;
	v9 =	vor.u32 $0x1, v47  }
0x662: {  	v42 =	vld [tilespmem:s26+$0x30];
	[tilespmem:$0x1F880] =	vst v9;
	v9 =	vor.u32 $0x2, v47  }
0x663: {  	[tilespmem:$0x1F890] =	vst v9;
	v9 =	vor.u32 $0x3, v47;
	v14 =	vld.idx.msk [tilespmem:v11+s9+$0x0], $0xffff  }
0x664: {  	v43 =	vshll.u32 v13, $0x2;
	[tilespmem:$0x1F8A0] =	vst v9;
	v9 =	vld.idx.msk [tilespmem:v10+s8+$0x0], $0xffff  }
0x665: {  	[tilespmem:$0x1F820] =	vst v36;
	v36 =	vmov v48;
	v48 =	vld [tilespmem:s23+$0x0];
	v38 =	vor.u32 $0x2, v43  }
0x666: {  	v23 =	vld [tilespmem:s23+$0x10]  }
0x667: {  	[tilespmem:$0x1F840] =	vst v37;
	v37 =	vmov v28;
	v28 =	vld.idx.msk [tilespmem:v63+s8+$0x0], $0xffff  }
0x668: {  	[tilespmem:$0x1F8C0] =	vst v38;
	v38 =	vmov v29;
	v29 =	vld.idx.msk [tilespmem:v13+s9+$0x0], $0xffff  }
0x669: {  	v15 =	vld [tilespmem:s23+$0xFFFFFFE0];
	v9 =	vadd.f32 v14, v9  }
0x66a: {  	v50 =	vld [tilespmem:s20+$0xFFFFFFF0]  }
0x66b: {  	v44 =	vld [tilespmem:s23+$0xFFFFFFF0];
	v14 =	vadd.f32 v42, v9  }
0x66c: {  	v27 =	vld.idx.msk [tilespmem:v12+s9+$0x0], $0xffff  }
0x66d: {  	v19 =	vshll.u32 v23, $0x2;
	v28 =	vadd.f32 v29, v28;
	v29 =	vld.idx.msk [tilespmem:v57+s8+$0x0], $0xffff;
	v12 =	vsub.f32 $0.0e+00, v14  }
0x66e: {  	v16 =	vor.u32 $0x1, v43;
	v17 =	vor.u32 $0x3, v19;
	v9 =	vld [tilespmem:s20+$0xFFFFFFC0]  }
0x66f: {  	[tilespmem:$0x1F8B0] =	vst v16;
	v16 =	vor.u32 $0x2, v19;
	v42 =	vshll.u32 v48, $0x2;
	v48 =	vld.idx.msk [tilespmem:v48+s9+$0x0], $0xffff;
	v13 =	vmul.f32 $1.442695020e+00, v12  }
0x670: {  	v26 =	vld [tilespmem:s23+$0x20]  }
0x671: {  	[tilespmem:$0x1F810] =	vst v17;
	v17 =	vmov v31;
	v31 =	vld.idx.msk [tilespmem:v15+s9+$0x0], $0xffff;
	(erf) = vpow2.f32 v13  }
0x672: {  	[tilespmem:$0x1F800] =	vst v16;
	v16 =	vmov v30;
	v30 =	vld.idx.msk [tilespmem:v62+s8+$0x0], $0xffff;
	_ =	sdelay $0x1  }
0x673: {  	v29 =	vadd.f32 v48, v29;
	v48 =	vld [tilespmem:s26+$0xFFFFFFE0]  }
0x674: {  	v53 =	vld [tilespmem:s20+$0x10];
	v18 =	vor.u32 $0x1, v19;
	v14 =	vshll.u32 v26, $0x2  }
0x675: {  	[tilespmem:$0x1F7F0] =	vst v18;
	v18 =	vor.u32 $0x1, v14;
	v13 =	vld.idx.msk [tilespmem:v9+s8+$0x0], $0xffff  }
0x676: {  	v49 =	vld [tilespmem:s20+$0x20];
	v30 =	vadd.f32 v31, v30;
	[tilespmem:$0x1F830] =	vst v18;
	v18 =	vor.u32 $0x2, v14  }
0x677: {  	v22 =	vshll.u32 v44, $0x2;
	v44 =	vld.idx.msk [tilespmem:v44+s9+$0x0], $0xffff  }
0x678: {  	v30 =	vadd.f32 v48, v30;
	v48 =	vld [tilespmem:$0x1F8F0]  }
0x679: {  	v41 =	vshll.u32 v15, $0x2;
	v15 =	vmov v33;
	[tilespmem:$0x1F850] =	vst v18;
	v18 =	vmov v32;
	v32 =	vld.idx.msk [tilespmem:v50+s8+$0x0], $0xffff;
	v33 =	vpop (erf)  }
0x67a: {  	v27 =	vadd.f32 v27, v13;
	v13 =	vmov v35;
	v35 =	vld [tilespmem:s26+$0xFFFFFFD0];
	v33 =	vadd.f32 $1.000000000e+00, v33  }
0x67b: {  	v23 =	vld.idx.msk [tilespmem:v23+s9+$0x0], $0xffff  }
0x67c: {  	v12 =	vor.u32 $0x3, v14;
	(erf) = vrcp.f32 v33;
	v33 =	vld [tilespmem:s26+$0xFFFFFFF0]  }
0x67d: {  	v31 =	vld.idx.msk [tilespmem:v53+s8+$0x0], $0xffff  }
0x67e: {  	v26 =	vld.idx.msk [tilespmem:v26+s9+$0x0], $0xffff  }
0x67f: {  	v45 =	vor.u32 $0x2, v41;
	[tilespmem:$0x1F870] =	vst v12;
	v12 =	vmovc v34;
	v34 =	vld [tilespmem:s26+$0xFFFFFFC0];
	v32 =	vadd.f32 v44, v32;
	v28 =	vadd.f32 v35, v28  }
0x680: {  	[tilespmem:v48+s10+$0x0] =	vst.idx.add.f32.msk $0xffff, v8;
	v8 =	vmov v45  }
0x681: {  	[tilespmem:$0x1F8F0] =	vst v8;
	v8 =	vsub.f32 $0.0e+00, v28;
	v28 =	vadd.f32 v33, v32;
	v33 =	vld [tilespmem:$0x1F910]  }
0x682: {  	v44 =	vld.idx.msk [tilespmem:v49+s8+$0x0], $0xffff;
	_ =	sdelay $0x1  }
0x683: {  	v27 =	vadd.f32 v34, v27;
	_ =	sdelay $0x1  }
0x684: {  	v23 =	vadd.f32 v23, v31;
	v31 =	vld [tilespmem:s26+$0x0];
	v27 =	vsub.f32 $0.0e+00, v27  }
0x685: {  	v26 =	vadd.f32 v26, v44;
	v44 =	vld [tilespmem:$0x1F900]  }
0x686: {  	v24 =	vor.u32 $0x1, v22;
	[tilespmem:v36+s10+$0x0] =	vst.idx.add.f32.msk $0xffff, v6;
	v45 =	vmul.f32 $1.442695020e+00, v27;
	v27 =	vsub.f32 $0.0e+00, v30  }
0x687: {  	[tilespmem:v33+s10+$0x0] =	vst.idx.add.f32.msk $0xffff, v5;
	v5 =	vmov v24  }
0x688: {  	[tilespmem:$0x1F910] =	vst v5;
	v5 =	vmul.f32 $1.442695020e+00, v27;
	v27 =	vld [tilespmem:$0x1F920]  }
0x689: {  	v34 =	vld [tilespmem:s26+$0x10];
	_ =	sdelay $0x2  }
0x68a: {  	v46 =	vor.u32 $0x3, v41  }
0x68b: {  	v29 =	vadd.f32 v31, v29;
	[tilespmem:v44+s10+$0x0] =	vst.idx.add.f32.msk $0xffff, v7;
	v7 =	vmov v46  }
0x68c: {  	v6 =	vmul.f32 $1.442695020e+00, v8;
	v8 =	vsub.f32 $0.0e+00, v28;
	v46 =	vadd.f32 v34, v23  }
0x68d: {  	v25 =	vor.u32 $0x2, v22;
	v34 =	vsub.f32 $0.0e+00, v29;
	[tilespmem:$0x1F900] =	vst v7;
	v36 =	vpop (erf);
	(erf) = vpow2.f32 v45  }
0x68e: {  	v7 =	vmovc v25;
	(erf) = vpow2.f32 v6;
	[tilespmem:v27+s10+$0x0] =	vst.idx.add.f32.msk $0xffff, v4;
	v4 =	vmul.f32 $1.442695020e+00, v8;
	v8 =	vsub.f32 $0.0e+00, v46  }
0x68f: {  	[tilespmem:$0x1F920] =	vst v7;
	v7 =	vmul.f32 $1.442695020e+00, v34;
	(erf) = vpow2.f32 v5  }
0x690: {  	v6 =	vmul.f32 $1.442695020e+00, v8;
	(erf) = vpow2.f32 v4  }
0x691: {  	(erf) = vpow2.f32 v7  }
0x692: {  	(erf) = vpow2.f32 v6;
	v6 =	vld [tilespmem:$0x1F930];
	_ =	sdelay $0x4  }
0x693: {  	v35 =	vld [tilespmem:s26+$0x20];
	_ =	sdelay $0x2  }
0x694: {  	[tilespmem:v6+s10+$0x0] =	vst.idx.add.f32.msk $0xffff, v2  }
0x695: {  	s24 =	sadd.s32 $0x80, s24;
	v6 =	vld [tilespmem:$0x1F940]  }
0x696: {  	v35 =	vadd.f32 v35, v26;
	[tilespmem:s24+$0x30] =	vst v36  }
0x697: {  	v45 =	vld.idx.msk [tilespmem:v10+s6+$0x0], $0xffff  }
0x698: {  	v39 =	vor.u32 $0x3, v43;
	v44 =	vsub.f32 $0.0e+00, v35;
	v46 =	vld.idx.msk [tilespmem:v10+s19+$0x0], $0xffff  }
0x699: {  	v40 =	vor.u32 $0x1, v41;
	[tilespmem:$0x1F8D0] =	vst v39;
	v8 =	vld.idx.msk [tilespmem:v10+s7+$0x0], $0xffff  }
0x69a: {  	[tilespmem:$0x1F8E0] =	vst v40;
	v39 =	vor.u32 $0x3, v22;
	v5 =	vmul.f32 $1.442695020e+00, v44;
	v4 =	vld.idx.msk [tilespmem:v10+s5+$0x0], $0xffff;
	v10 =	vshll.u32 v11, $0x2  }
0x69b: {  	[tilespmem:v37+s10+$0x0] =	vst.idx.add.f32.msk $0xffff, v3;
	v7 =	vor.u32 $0x1, v10;
	v2 =	vmov v39  }
0x69c: {  	v40 =	vor.u32 $0x1, v42;
	(erf) = vpow2.f32 v5;
	[tilespmem:$0x1F930] =	vst v2  }
0x69d: {  	v11 =	vmul.f32 v36, v45;
	v2 =	vor.u32 $0x2, v10;
	[tilespmem:v6+s10+$0x0] =	vst.idx.add.f32.msk $0xffff, v0;
	v0 =	vmov v40  }
0x69e: {  	[tilespmem:$0x1F940] =	vst v0;
	v0 =	vmul.f32 v36, v8  }
0x69f: {  	v3 =	vpop (erf);
	[tilespmem:v10+s10+$0x0] =	vst.idx.add.f32.msk $0xffff, v11  }
0x6a0: {  	v3 =	vadd.f32 $1.000000000e+00, v3;
	v6 =	vmul.f32 v36, v46;
	[tilespmem:v7+s10+$0x0] =	vst.idx.add.f32.msk $0xffff, v0;
	v7 =	vmul.f32 v36, v4;
	v4 =	vpop (erf)  }
0x6a1: {  	[tilespmem:v38+s10+$0x0] =	vst.idx.add.f32.msk $0xffff, v1;
	v4 =	vadd.f32 $1.000000000e+00, v4;
	v1 =	vpop (erf)  }
0x6a2: {  	[tilespmem:v2+s10+$0x0] =	vst.idx.add.f32.msk $0xffff, v6;
	(erf) = vrcp.f32 v3;
	v6 =	vadd.f32 $1.000000000e+00, v1;
	v0 =	vpop (erf)  }
0x6a3: {  	v3 =	vadd.f32 $1.000000000e+00, v0;
	(erf) = vrcp.f32 v4;
	v2 =	vpop (erf)  }
0x6a4: {  	v2 =	vadd.f32 $1.000000000e+00, v2;
	(erf) = vrcp.f32 v6;
	v1 =	vpop (erf)  }
0x6a5: {  	v1 =	vadd.f32 $1.000000000e+00, v1;
	(erf) = vrcp.f32 v3;
	v0 =	vpop (erf)  }
0x6a6: {  	v0 =	vadd.f32 $1.000000000e+00, v0;
	(erf) = vrcp.f32 v2  }
0x6a7: {  	(erf) = vrcp.f32 v1  }
0x6a8: {  	(erf) = vrcp.f32 v0;
	v0 =	vld [tilespmem:$0x1F820];
	_ =	sdelay $0x6  }
0x6a9: {  	[tilespmem:v13+s10+$0x0] =	vst.idx.add.f32.msk $0xffff, v55  }
0x6aa: {  	[tilespmem:v0+s10+$0x0] =	vst.idx.add.f32.msk $0xffff, v56  }
0x6ab: {  	v0 =	vld [tilespmem:$0x1F830];
	_ =	sdelay $0x3  }
0x6ac: {  	v1 =	vld [tilespmem:$0x1F810]  }
0x6ad: {  	v36 =	vmov v0;
	v0 =	vld [tilespmem:$0x1F840];
	_ =	sdelay $0x2  }
0x6ae: {  	[tilespmem:v17+s10+$0x0] =	vst.idx.add.f32.msk $0xffff, v58  }
0x6af: {  	v34 =	vmov v1;
	v1 =	vld [tilespmem:$0x1F860]  }
0x6b0: {  	[tilespmem:v18+s10+$0x0] =	vst.idx.add.f32.msk $0xffff, v51  }
0x6b1: {  	[tilespmem:v15+s10+$0x0] =	vst.idx.add.f32.msk $0xffff, v54  }
0x6b2: {  	[tilespmem:v12+s10+$0x0] =	vst.idx.add.f32.msk $0xffff, v52  }
0x6b3: {  	[tilespmem:v0+s10+$0x0] =	vst.idx.add.f32.msk $0xffff, v61  }
0x6b4: {  	v5 =	vor.u32 $0x3, v10;
	v0 =	vld [tilespmem:$0x1F850]  }
0x6b5: {  	[tilespmem:v16+s10+$0x0] =	vst.idx.add.f32.msk $0xffff, v60  }
0x6b6: {  	v2 =	vld [tilespmem:$0x1F800]  }
0x6b7: {  	[tilespmem:v1+s10+$0x0] =	vst.idx.add.f32.msk $0xffff, v59  }
0x6b8: {  	v1 =	vld [tilespmem:$0x1F870]  }
0x6b9: {  	[tilespmem:v5+s10+$0x0] =	vst.idx.add.f32.msk $0xffff, v7;
	v37 =	vmov v0;
	v0 =	vpop (erf)  }
0x6ba: {  	v3 =	vld [tilespmem:$0x1F7F0];
	[tilespmem:s24+$0xFFFFFFC0] =	vst v0  }
0x6bb: {  	v33 =	vmov v2;
	v2 =	vld.idx.msk [tilespmem:v9+s6+$0x0], $0xffff  }
0x6bc: {  	v4 =	vld.idx.msk [tilespmem:v9+s7+$0x0], $0xffff  }
0x6bd: {  	v38 =	vmov v1;
	v1 =	vpop (erf);
	v5 =	vld.idx.msk [tilespmem:v9+s19+$0x0], $0xffff  }
0x6be: {  	[tilespmem:s24+$0xFFFFFFD0] =	vst v1;
	v6 =	vld.idx.msk [tilespmem:v9+s5+$0x0], $0xffff  }
0x6bf: {  	v7 =	vld.idx.msk [tilespmem:v63+s6+$0x0], $0xffff  }
0x6c0: {  	v8 =	vld.idx.msk [tilespmem:v63+s7+$0x0], $0xffff  }
0x6c1: {  	v32 =	vmov v3;
	v3 =	vpop (erf);
	v55 =	vmul.f32 v0, v2;
	v2 =	vld.idx.msk [tilespmem:v63+s19+$0x0], $0xffff  }
0x6c2: {  	v35 =	vmov v14;
	[tilespmem:s24+$0xFFFFFFE0] =	vst v3;
	v14 =	vmul.f32 v0, v4;
	v4 =	vld.idx.msk [tilespmem:v63+s5+$0x0], $0xffff  }
0x6c3: {  	v10 =	vpop (erf);
	v15 =	vmul.f32 v0, v5;
	v5 =	vld.idx.msk [tilespmem:v62+s6+$0x0], $0xffff  }
0x6c4: {  	v11 =	vpop (erf);
	v16 =	vmul.f32 v0, v6;
	v0 =	vld.idx.msk [tilespmem:v62+s7+$0x0], $0xffff  }
0x6c5: {  	[tilespmem:s24+$0x0] =	vst v11;
	v6 =	vld.idx.msk [tilespmem:v62+s19+$0x0], $0xffff  }
0x6c6: {  	[tilespmem:s24+$0xFFFFFFF0] =	vst v10;
	v63 =	vld.idx.msk [tilespmem:v57+s6+$0x0], $0xffff  }
0x6c7: {  	v20 =	vor.u32 $0x3, v42;
	v31 =	vmovc v19;
	v17 =	vmul.f32 v1, v7;
	v19 =	vmul.f32 v1, v2;
	v2 =	vld.idx.msk [tilespmem:v50+s6+$0x0], $0xffff  }
0x6c8: {  	v30 =	vmov v20;
	v18 =	vmul.f32 v1, v8;
	v20 =	vmul.f32 v1, v4;
	v1 =	vld.idx.msk [tilespmem:v50+s7+$0x0], $0xffff  }
0x6c9: {  	v9 =	vpop (erf);
	v4 =	vld.idx.msk [tilespmem:v50+s19+$0x0], $0xffff  }
0x6ca: {  	v48 =	vmov v22;
	[tilespmem:s24+$0x10] =	vst v9;
	v22 =	vmul.f32 v3, v0;
	v0 =	vld.idx.msk [tilespmem:v50+s5+$0x0], $0xffff  }
0x6cb: {  	v27 =	vld.idx.msk [tilespmem:v53+s6+$0x0], $0xffff  }
0x6cc: {  	v21 =	vor.u32 $0x2, v42;
	v44 =	vld.idx.msk [tilespmem:v53+s19+$0x0], $0xffff  }
0x6cd: {  	v29 =	vmov v21;
	v45 =	vld.idx.msk [tilespmem:v53+s5+$0x0], $0xffff;
	v21 =	vmul.f32 v3, v5;
	v8 =	vmul.f32 v3, v6  }
0x6ce: {  	v7 =	vld.idx.msk [tilespmem:v62+s5+$0x0], $0xffff;
	v6 =	vmul.f32 v10, v2;
	v5 =	vmul.f32 v10, v1  }
0x6cf: {  	v4 =	vmul.f32 v10, v4;
	v2 =	vmul.f32 v10, v0;
	v10 =	vld.idx.msk [tilespmem:v53+s7+$0x0], $0xffff;
	_ =	sdelay $0x2  }
0x6d0: {  	v58 =	vmul.f32 v9, v27;
	v54 =	vmul.f32 v9, v44  }
0x6d1: {  	v7 =	vmul.f32 v3, v7;
	v3 =	vmul.f32 v11, v63;
	v63 =	vld [tilespmem:$0x1F880]  }
0x6d2: {  	v52 =	vmul.f32 v9, v45;
	v51 =	vmul.f32 v9, v10;
	v9 =	vld [tilespmem:$0x1F890];
	_ =	sdelay $0x5  }
0x6d3: {  	[tilespmem:v47+s10+$0x0] =	vst.idx.add.f32.msk $0xffff, v55  }
0x6d4: {  	[tilespmem:v63+s10+$0x0] =	vst.idx.add.f32.msk $0xffff, v14  }
0x6d5: {  	[tilespmem:v9+s10+$0x0] =	vst.idx.add.f32.msk $0xffff, v15  }
0x6d6: {  	v9 =	vld [tilespmem:$0x1F8A0];
	_ =	sdelay $0x7  }
0x6d7: {  	[tilespmem:v9+s10+$0x0] =	vst.idx.add.f32.msk $0xffff, v16  }
0x6d8: {  	v9 =	vld [tilespmem:$0x1F8B0];
	_ =	sdelay $0x6  }
0x6d9: {  	[tilespmem:v43+s10+$0x0] =	vst.idx.add.f32.msk $0xffff, v17  }
0x6da: {  	[tilespmem:v9+s10+$0x0] =	vst.idx.add.f32.msk $0xffff, v18  }
0x6db: {  	v9 =	vld [tilespmem:$0x1F8C0];
	_ =	sdelay $0x7  }
0x6dc: {  	[tilespmem:v9+s10+$0x0] =	vst.idx.add.f32.msk $0xffff, v19  }
0x6dd: {  	v9 =	vld [tilespmem:$0x1F8D0];
	_ =	sdelay $0x3  }
0x6de: {  	v39 =	vld.idx.msk [tilespmem:v57+s7+$0x0], $0xffff  }
0x6df: {  	v28 =	vmov v42;
	v12 =	vpop (erf);
	v42 =	vld.idx.msk [tilespmem:v57+s5+$0x0], $0xffff  }
0x6e0: {  	v40 =	vld.idx.msk [tilespmem:v57+s19+$0x0], $0xffff;
	[tilespmem:s24+$0x20] =	vst v12  }
0x6e1: {  	v46 =	vld.idx.msk [tilespmem:v49+s6+$0x0], $0xffff  }
0x6e2: {  	[tilespmem:v9+s10+$0x0] =	vst.idx.add.f32.msk $0xffff, v20  }
0x6e3: {  	v9 =	vld [tilespmem:$0x1F8E0]  }
0x6e4: {  	v62 =	vld.idx.msk [tilespmem:v49+s19+$0x0], $0xffff;
	v60 =	vmul.f32 v11, v42  }
0x6e5: {  	s29 =	sadd.s32 $0x8, s29;
	v0 =	vmul.f32 v11, v39;
	v1 =	vmul.f32 v11, v40;
	v11 =	vld.idx.msk [tilespmem:v49+s7+$0x0], $0xffff  }
0x6e6: {  	p3 =	slt.u32 s29, $0x70;
	v10 =	vld.idx.msk [tilespmem:v49+s5+$0x0], $0xffff  }
.Ltmp14:
0x6e7: {  	_ = 	snop;
	(pc) =	sbr.rel @p3 .LBB2_24-.Ltmp14, $3  }
0x6e8: {  	_ =	sdelay $0x1  }
0x6e9: {  	v55 =	vmul.f32 v12, v46;
	v61 =	vmul.f32 v12, v62;
	[tilespmem:v41+s10+$0x0] =	vst.idx.add.f32.msk $0xffff, v21  }
0x6ea: {  	s20 =	sadd.s32 $0x80, s20;
	v56 =	vmul.f32 v12, v11;
	v59 =	vmul.f32 v12, v10;
	[tilespmem:v9+s10+$0x0] =	vst.idx.add.f32.msk $0xffff, v22  }
0x6eb: {  	v9 =	vld [tilespmem:$0x1F8F0];
	_ =	sdelay $0x7  }
0x6ec: {  	[tilespmem:v9+s10+$0x0] =	vst.idx.add.f32.msk $0xffff, v8  }
0x6ed: {  	v8 =	vld [tilespmem:$0x1F900];
	_ =	sdelay $0x6  }
0x6ee: {  	[tilespmem:v48+s10+$0x0] =	vst.idx.add.f32.msk $0xffff, v6  }
0x6ef: {  	[tilespmem:v8+s10+$0x0] =	vst.idx.add.f32.msk $0xffff, v7  }
0x6f0: {  	v6 =	vld [tilespmem:$0x1F910];
	_ =	sdelay $0x7  }
0x6f1: {  	[tilespmem:v6+s10+$0x0] =	vst.idx.add.f32.msk $0xffff, v5  }
0x6f2: {  	v5 =	vld [tilespmem:$0x1F920];
	_ =	sdelay $0x7  }
0x6f3: {  	[tilespmem:v5+s10+$0x0] =	vst.idx.add.f32.msk $0xffff, v4  }
0x6f4: {  	v4 =	vld [tilespmem:$0x1F930];
	_ =	sdelay $0x6  }
0x6f5: {  	[tilespmem:v28+s10+$0x0] =	vst.idx.add.f32.msk $0xffff, v3  }
0x6f6: {  	[tilespmem:v4+s10+$0x0] =	vst.idx.add.f32.msk $0xffff, v2  }
0x6f7: {  	v2 =	vld [tilespmem:$0x1F940]  }
0x6f8: {  	[tilespmem:v31+s10+$0x0] =	vst.idx.add.f32.msk $0xffff, v58  }
0x6f9: {  	[tilespmem:v35+s10+$0x0] =	vst.idx.add.f32.msk $0xffff, v55  }
0x6fa: {  	[tilespmem:v32+s10+$0x0] =	vst.idx.add.f32.msk $0xffff, v51  }
0x6fb: {  	[tilespmem:v36+s10+$0x0] =	vst.idx.add.f32.msk $0xffff, v56  }
0x6fc: {  	[tilespmem:v33+s10+$0x0] =	vst.idx.add.f32.msk $0xffff, v54  }
0x6fd: {  	[tilespmem:v37+s10+$0x0] =	vst.idx.add.f32.msk $0xffff, v61  }
0x6fe: {  	[tilespmem:v34+s10+$0x0] =	vst.idx.add.f32.msk $0xffff, v52  }
0x6ff: {  	[tilespmem:v38+s10+$0x0] =	vst.idx.add.f32.msk $0xffff, v59  }
0x700: {  	[tilespmem:v2+s10+$0x0] =	vst.idx.add.f32.msk $0xffff, v0  }
0x701: {  	[tilespmem:v29+s10+$0x0] =	vst.idx.add.f32.msk $0xffff, v1  }
0x702: {  	[tilespmem:v30+s10+$0x0] =	vst.idx.add.f32.msk $0xffff, v60  }
.LBB2_26:
0x703: {  	s20 =	sshra.s32 s19, $0x2  }
0x704: {  	v0 =	vld [tilespmem:s20+$0x19780]  }
0x705: {  	v1 =	vld [tilespmem:s20+$0x19F80];
	_ =	sdelay $0x6  }
0x706: {  	v2 =	vld.idx.msk [tilespmem:v0+s8+$0x0], $0xffff  }
0x707: {  	v3 =	vld.idx.msk [tilespmem:v1+s9+$0x0], $0xffff;
	_ =	sdelay $0x1  }
0x708: {  	v4 =	vld [tilespmem:s20+$0x1A780];
	_ =	sdelay $0x2  }
0x709: {  	v2 =	vadd.f32 v3, v2;
	_ =	sdelay $0x1  }
0x70a: {  	v2 =	vadd.f32 v4, v2;
	_ =	sdelay $0x1  }
0x70b: {  	v2 =	vsub.f32 $0.0e+00, v2;
	_ =	sdelay $0x1  }
0x70c: {  	v2 =	vmul.f32 $1.442695020e+00, v2;
	_ =	sdelay $0x1  }
0x70d: {  	(erf) = vpow2.f32 v2;
	_ =	sdelay $0x8  }
0x70e: {  	v2 =	vpop (erf)  }
0x70f: {  	v2 =	vadd.f32 $1.000000000e+00, v2;
	_ =	sdelay $0x1  }
0x710: {  	(erf) = vrcp.f32 v2;
	_ =	sdelay $0x8  }
0x711: {  	v2 =	vpop (erf)  }
0x712: {  	[tilespmem:s20+$0x1AF80] =	vst v2  }
0x713: {  	v61 =	vld.idx.msk [tilespmem:v0+s6+$0x0], $0xffff  }
0x714: {  	v62 =	vld.idx.msk [tilespmem:v0+s7+$0x0], $0xffff  }
0x715: {  	v1 =	vshll.u32 v1, $0x2;
	v5 =	vld.idx.msk [tilespmem:v0+s0+$0x0], $0xffff  }
0x716: {  	v6 =	vor.u32 $0x1, v1;
	v0 =	vld.idx.msk [tilespmem:v0+s5+$0x0], $0xffff  }
0x717: {  	v7 =	vor.u32 $0x2, v1  }
0x718: {  	p3 =	sne.s32 s19, $0x100;
	v8 =	vor.u32 $0x3, v1;
	v3 =	vmul.f32 v2, v61  }
.Ltmp15:
0x719: {  	v4 =	vmul.f32 v2, v62;
	(pc) =	sbr.rel @p3 .LBB2_26-.Ltmp15, $4  }
0x71a: {  	v63 =	vmul.f32 v2, v5;
	[tilespmem:v1+s10+$0x0] =	vst.idx.add.f32.msk $0xffff, v3  }
0x71b: {  	v0 =	vmul.f32 v2, v0;
	[tilespmem:v6+s10+$0x0] =	vst.idx.add.f32.msk $0xffff, v4  }
0x71c: {  	[tilespmem:v7+s10+$0x0] =	vst.idx.add.f32.msk $0xffff, v63  }
0x71d: {  	s19 =	sadd.s32 $0x40, s19;
	[tilespmem:v8+s10+$0x0] =	vst.idx.add.f32.msk $0xffff, v0  }
.Ltmp16:
0x71e: {  	s19 =	rddreg [dreg:$0x1b];
	(pc) =	sbr.rel @!p0 .LBB2_28-.Ltmp16, $4  }
0x71f: {  	[hbm4b:s19+s0] =	stream.linear.scatter [tilespmem:s18], [sflag:$0x2], $0x7D0, $0x38;
	[tilespmem:$0x1F700] =	vst v63  }
0x720: {  	_ =	swait.ge [sflag:s21], $0x7D0  }
0x721: {  	[sflag:s21] =	ssyncset.done $0x0  }
0x722: {  	[sflag:s21] =	ssyncadd.s32 $0xFFFFF830  }
0x723: {  	[bflag:$0x0] =	sbarrier.arrive $0xFFFF  }
0x724: {  	s20 =	simm.s32 $0x140;
	s23 =	simm.s32 $0x1E680;
	s19 =	rddreg [dreg:$0x3]  }
0x725: {  	[spmem:s19] =	stream.indirect.scatter.add.f32 [tilespmem:s10], [sflag:$0x4], $0x80, s23, s20, $0xb8;
	[tilespmem:$0x1F700] =	vst v63  }
.Ltmp17:
0x726: {  	_ =	swait.ge [sflag:s11], $0xA000;
	(pc) =	sbr.rel @p2 .LBB2_31-.Ltmp17, $4  }
.Ltmp18:
0x727: {  	[sflag:s11] =	ssyncset.done $0x0;
	(pc) =	sbr.rel @!p2 .LBB2_30-.Ltmp18, $4  }
0x728: {  	[sflag:s11] =	ssyncadd.s32 $0xFFFF6000  }
0x729: {  	[bflag:$0x0] =	sbarrier.arrive $0xFFFF  }
0x72a: {  	v0 =	vimm.f32 $0.0e+00  }
0x72b: {  	_ = 	snop  }
.LBB2_32:
0x72c: {  	_ =	sfence.sel $0x180000  }
0x72d: {  	[bflag:$0x0] =	sbarrier.arrive $0xFFFF  }
0x72e: {  	_ =	strace $0x90000047  }
0x72f: {  	[bflag:$0x2] =	sbarrier.arrive $0xFFFF  }
0x730: {  	s0 =	rddreg [dreg:$0x6]  }
0x731: {  	s0 =	sadd.s32 @!p0 $0x100000, s0  }
0x732: {  	[sflag:s0] =	ssyncadd.tile.s32 @!p0 $0x1;
	_ =	shalt  }
.Lfunc_end2:
_tile_overlayer_lowered:
.L_overlay_start_2:
0x733: {  	(tag) =	ssettag $0x2  }
0x734: {  	s0 =	rddreg [dreg:$0x0];
	s2 =	stileid.u32  }
0x735: {  	s1 =	rddreg [dreg:$0x1];
	p0 =	sne.s32 s2, $0x0  }
0x736: {  	s3 =	rddreg [dreg:$0x2];
	[bflag:$0x3] =	sbarrier.arrive $0xFFFF;
	s2 =	simm.s32 @!p0 $0x1C04  }
0x737: {  	[timem:s3], [sflag:s2] =	dma.local @!p0 [hbm:s0], s1  }
0x738: {  	s0 =	simm.s32 @!p0 $0x4  }
0x739: {  	_ =	swait.ge @!p0 [sflag:s0], s1  }
0x73a: {  	s1 =	ssub.s32 @!p0 $0x0, s1;
	[sflag:s0] =	ssyncset.done @!p0 $0x0  }
0x73b: {  	[sflag:s0] =	ssyncadd.s32 @!p0 s1  }
0x73c: {  	[bflag:$0x3] =	sbarrier.arrive $0xFFFF  }
0x73d: {  	_ =	shalt  }

</sc_bundles>
